<compile_context>
chip_gen: v7x
topology: tpu7x:2x2x1
jax: 0.10.2.dev20260603
libtpu: 0.0.44.dev20260713+nightly
codegen_flags: <defaults>
</compile_context>

<pallas_src>
import functools

import jax
import jax.numpy as jnp
import numpy as np
from jax import lax
from jax.experimental import pallas as pl
from jax.experimental.pallas import tpu as pltpu
from jax.experimental.pallas import tpu_sc as plsc

N = 10000
E = 640000
DIN = 128
HID = 512
LAT = 30
NEG = 0.2

LPAD = 32
NPAD = 10112
ROWS_PER_TILE = 160
E_PAD = 32 * ROWS_PER_TILE * 128
OUT_ROWS_PER_TILE = NPAD // 16

CROWS = 2
NCHUNKS = ROWS_PER_TILE // CROWS
NBUF = 4

_QPERM = np.empty(LPAD, dtype=np.int32)
_QPERM[0::2] = np.arange(16)
_QPERM[1::2] = np.arange(16) + 16
_DENOM_POS = int(np.where(_QPERM == 30)[0][0])


def _elu(v):
    return jnp.where(v > 0, v, jnp.exp(jnp.minimum(v, 0.0)) - 1.0)


def _enc_body(x_ref, w1_ref, b1_ref, gw_ref, gwq_ref, atti_ref, attj_ref,
              xw_ref, a_ref, xwq_ref):
    h = jnp.dot(x_ref[...], w1_ref[...], preferred_element_type=jnp.float32)
    h = _elu(h + b1_ref[...])
    xw = jnp.dot(h, gw_ref[...], preferred_element_type=jnp.float32)
    aD = jnp.sum(xw * atti_ref[...], axis=1, keepdims=True)
    aS = jnp.sum(xw * attj_ref[...], axis=1, keepdims=True)
    lane = lax.broadcasted_iota(jnp.int32, xw.shape, 1)
    xw_ref[...] = xw + jnp.where(lane == 30, 1.0, 0.0)
    a_ref[...] = jnp.concatenate([aD, aS], axis=1)
    xwq = jnp.dot(h, gwq_ref[...], preferred_element_type=jnp.float32)
    xwq = xwq + jnp.where(lane == _DENOM_POS, 1.0, 0.0)
    xwq_ref[...] = xwq.astype(jnp.bfloat16)


def _dec_body(p0_ref, p1_ref, xw_ref, a_ref, bias_ref, dw_ref, db1_ref,
              w1_ref, db2_ref, out_ref):
    a = a_ref[...]
    s = a[:, 0:1] + a[:, 1:2]
    s = jnp.where(s >= 0.0, s, NEG * s)
    wself = jnp.exp(s)
    num = p0_ref[0] + p1_ref[0] + wself * xw_ref[...]
    lane = lax.broadcasted_iota(jnp.int32, num.shape, 1)
    m30 = jnp.where(lane == 30, 1.0, 0.0)
    denom = jnp.sum(num * m30, axis=1, keepdims=True) + 1e-16
    z = _elu(num / denom + bias_ref[...])
    hd = jnp.dot(z, dw_ref[...], preferred_element_type=jnp.float32)
    hd = _elu(hd + db1_ref[...])
    out = lax.dot_general(hd, w1_ref[...], (((1,), (1,)), ((), ())),
                          preferred_element_type=jnp.float32)
    out_ref[...] = out + db2_ref[...]


def _vbcast(v, e):
    idx = jnp.full((16, 1), e, dtype=jnp.int32)
    dn = lax.GatherDimensionNumbers(offset_dims=(), collapsed_slice_dims=(0,),
                                    start_index_map=(0,))
    return lax.gather(v, idx, dn, (1,),
                      mode=lax.GatherScatterMode.PROMISE_IN_BOUNDS)


def _edge_body(src_hbm, dst_hbm, ad_hbm, as_hbm, xw_hbm, zero_hbm, out_hbm,
               adv, asv, idx_s, idx_d, rows0, rows1, rows2, rows3,
               fbuf0, fbuf1, acc, g0, g1, g2, g3, s0, s1):
    cid = lax.axis_index("c")
    sid = lax.axis_index("s")
    wid = sid * 2 + cid
    rows = [rows0, rows1, rows2, rows3]
    fbuf = [fbuf0, fbuf1]
    gsem = [g0, g1, g2, g3]
    ssem = [s0, s1]

    pltpu.sync_copy(zero_hbm, acc.at[pl.ds(sid * OUT_ROWS_PER_TILE, OUT_ROWS_PER_TILE)])
    pltpu.sync_copy(ad_hbm, adv)
    pltpu.sync_copy(as_hbm, asv)
    pltpu.sync_copy(src_hbm.at[pl.ds(wid * ROWS_PER_TILE, ROWS_PER_TILE)], idx_s)
    pltpu.sync_copy(dst_hbm.at[pl.ds(wid * ROWS_PER_TILE, ROWS_PER_TILE)], idx_d)
    plsc.subcore_barrier()

    def stage_a(c, b):
        @pl.when(c < NCHUNKS)
        def _():
            for j in range(CROWS):
                pltpu.async_copy(xw_hbm.at[idx_s.at[c * CROWS + j]],
                                 rows[b].at[pl.ds(j * 128, 128)], gsem[b])

    def drain_scatters(p):
        for j in range(CROWS):
            pltpu.make_async_copy(fbuf[p].at[pl.ds(j * 128, 128)],
                                  acc.at[idx_d.at[0]], ssem[p]).wait()

    def stage_b(c, b):
        p = b % 2
        for j in range(CROWS):
            pltpu.make_async_copy(xw_hbm.at[idx_s.at[0]],
                                  rows[b].at[pl.ds(j * 128, 128)], gsem[b]).wait()

        @pl.when(c >= 2)
        def _():
            drain_scatters(p)

        def grp_body(g, carry2):
            row = c * CROWS + g // 8
            lane0 = (g % 8) * 16
            srci = idx_s[row, pl.ds(lane0, 16)]
            dsti = idx_d[row, pl.ds(lane0, 16)]
            av = plsc.load_gather(adv, [dsti])
            bv = plsc.load_gather(asv, [srci])
            s = av + bv
            s = jnp.where(s >= 0.0, s, NEG * s)
            w = jnp.exp(s)
            ebase = g * 16
            for e in range(16):
                bw = _vbcast(w, e)
                vi = plsc.bitcast(rows[b][ebase + e, :], jnp.int32)
                even = plsc.bitcast(vi << 16, jnp.float32)
                odd = plsc.bitcast(vi & jnp.int32(-65536), jnp.float32)
                fbuf[p][ebase + e, pl.ds(0, 16)] = even * bw
                fbuf[p][ebase + e, pl.ds(16, 16)] = odd * bw
            return carry2

        lax.fori_loop(0, CROWS * 8, grp_body, 0)

        for j in range(CROWS):
            pltpu.async_copy(fbuf[p].at[pl.ds(j * 128, 128)],
                             acc.at[idx_d.at[c * CROWS + j]], ssem[p], add=True)

    stage_a(0, 0)
    stage_a(1, 1)

    def super_body(k, carry):
        c = k * 4
        stage_a(c + 2, 2)
        stage_b(c + 0, 0)
        stage_a(c + 3, 3)
        stage_b(c + 1, 1)
        stage_a(c + 4, 0)
        stage_b(c + 2, 2)
        stage_a(c + 5, 1)
        stage_b(c + 3, 3)
        return carry

    lax.fori_loop(0, NCHUNKS // 4, super_body, 0)
    for p in range(2):
        drain_scatters(p)
    plsc.subcore_barrier()
    pltpu.sync_copy(acc.at[pl.ds(sid * OUT_ROWS_PER_TILE, OUT_ROWS_PER_TILE)],
                    out_hbm.at[cid, pl.ds(sid * OUT_ROWS_PER_TILE, OUT_ROWS_PER_TILE)])


@functools.cache
def _edge_call():
    return pl.kernel(
        _edge_body,
        out_type=jax.ShapeDtypeStruct((2, NPAD, LPAD), jnp.float32),
        mesh=plsc.VectorSubcoreMesh(core_axis_name="c", subcore_axis_name="s"),
        scratch_types=(
            [
                pltpu.VMEM((NPAD,), jnp.float32),
                pltpu.VMEM((NPAD,), jnp.float32),
                pltpu.VMEM((ROWS_PER_TILE, 128), jnp.int32),
                pltpu.VMEM((ROWS_PER_TILE, 128), jnp.int32),
            ]
            + [pltpu.VMEM((CROWS * 128, LPAD), jnp.bfloat16) for _ in range(NBUF)]
            + [pltpu.VMEM((CROWS * 128, LPAD), jnp.float32) for _ in range(2)]
            + [pltpu.VMEM_SHARED((NPAD, LPAD), jnp.float32)]
            + [pltpu.SemaphoreType.DMA for _ in range(NBUF + 2)]
        ),
        compiler_params=pltpu.CompilerParams(needs_layout_passes=False,
                                             use_tc_tiling_on_sc=False),
    )


def kernel(x, edge_index, W1, b1, gat_weight, gat_att, gat_bias, dec_W1,
           dec_b1, dec_b2):
    f32 = jnp.float32
    attv = gat_att.reshape(2 * LAT)
    atti = jnp.pad(attv[:LAT], (0, LPAD - LAT)).reshape(1, LPAD)
    attj = jnp.pad(attv[LAT:], (0, LPAD - LAT)).reshape(1, LPAD)
    gw_p = jnp.pad(gat_weight, ((0, 0), (0, LPAD - LAT)))
    gw_q = gw_p[:, _QPERM]

    M = 2000
    grid = (N // M,)
    xwext, aDS, xwq = pl.pallas_call(
        _enc_body,
        grid=grid,
        in_specs=[
            pl.BlockSpec((M, DIN), lambda i: (i, 0)),
            pl.BlockSpec((DIN, HID), lambda i: (0, 0)),
            pl.BlockSpec((1, HID), lambda i: (0, 0)),
            pl.BlockSpec((HID, LPAD), lambda i: (0, 0)),
            pl.BlockSpec((HID, LPAD), lambda i: (0, 0)),
            pl.BlockSpec((1, LPAD), lambda i: (0, 0)),
            pl.BlockSpec((1, LPAD), lambda i: (0, 0)),
        ],
        out_specs=[
            pl.BlockSpec((M, LPAD), lambda i: (i, 0)),
            pl.BlockSpec((M, 2), lambda i: (i, 0)),
            pl.BlockSpec((M, LPAD), lambda i: (i, 0)),
        ],
        out_shape=[
            jax.ShapeDtypeStruct((N, LPAD), f32),
            jax.ShapeDtypeStruct((N, 2), f32),
            jax.ShapeDtypeStruct((N, LPAD), jnp.bfloat16),
        ],
    )(x, W1, b1.reshape(1, HID), gw_p, gw_q, atti, attj)

    pad_e = E_PAD - E
    pad_dst = N + jnp.arange(pad_e, dtype=jnp.int32) % (NPAD - N)
    srcp = jnp.concatenate([edge_index[0], jnp.zeros((pad_e,), jnp.int32)])
    dstp = jnp.concatenate([edge_index[1], pad_dst])
    srcp = srcp.reshape(E_PAD // 128, 128)
    dstp = dstp.reshape(E_PAD // 128, 128)
    adp = jnp.pad(aDS[:, 0], (0, NPAD - N))
    asp = jnp.pad(aDS[:, 1], (0, NPAD - N))
    zeros = jnp.zeros((OUT_ROWS_PER_TILE, LPAD), f32)

    part = _edge_call()(srcp, dstp, adp, asp, xwq, zeros)

    bias_p = jnp.pad(gat_bias, (0, LPAD - LAT)).reshape(1, LPAD)
    dw_p = jnp.pad(dec_W1, ((0, LPAD - LAT), (0, 0)))
    out = pl.pallas_call(
        _dec_body,
        grid=grid,
        in_specs=[
            pl.BlockSpec((1, M, LPAD), lambda i: (0, i, 0)),
            pl.BlockSpec((1, M, LPAD), lambda i: (1, i, 0)),
            pl.BlockSpec((M, LPAD), lambda i: (i, 0)),
            pl.BlockSpec((M, 2), lambda i: (i, 0)),
            pl.BlockSpec((1, LPAD), lambda i: (0, 0)),
            pl.BlockSpec((LPAD, HID), lambda i: (0, 0)),
            pl.BlockSpec((1, HID), lambda i: (0, 0)),
            pl.BlockSpec((DIN, HID), lambda i: (0, 0)),
            pl.BlockSpec((1, DIN), lambda i: (0, 0)),
        ],
        out_specs=pl.BlockSpec((M, DIN), lambda i: (i, 0)),
        out_shape=jax.ShapeDtypeStruct((N, DIN), f32),
    )(part, part, xwext, aDS, bias_p, dw_p,
      dec_b1.reshape(1, HID), W1, dec_b2.reshape(1, DIN))
    return out

# --- scband reference (transcript-rebuilt; emitter-appended) ---
"""Pipeline reference for scband-graph-attention-autoencoder-51951924412525 (READ-ONLY COPY).

The authoritative reference and input builder live on the scoring server;
editing this copy changes nothing except your own understanding.
"""

import jax, jax.numpy as jnp
import numpy as np

N_NODES = 10000
N_EDGES = 640000
INPUT_DIM = 128
HIDDEN = 512
LATENT = 30
HEADS = 1
NEG_SLOPE = 0.2


def setup_inputs(seed: int = 0) -> dict:
    key = jax.random.key(seed)
    ks = jax.random.split(key, 12)
    x = jax.random.normal(ks[0], (N_NODES, INPUT_DIM), dtype=jnp.float32)
    edge_index = jax.random.randint(ks[1], (2, N_EDGES), 0, N_NODES, dtype=jnp.int32)
    W1 = jax.random.normal(ks[2], (INPUT_DIM, HIDDEN), dtype=jnp.float32) * (1.0 / np.sqrt(INPUT_DIM))
    b1 = jnp.zeros((HIDDEN,), dtype=jnp.float32)
    gat_weight = jax.random.normal(ks[3], (HIDDEN, HEADS * LATENT), dtype=jnp.float32) * (1.0 / np.sqrt(HIDDEN))
    gat_att = jax.random.normal(ks[4], (1, HEADS, 2 * LATENT), dtype=jnp.float32) * 0.1
    gat_bias = jnp.zeros((LATENT,), dtype=jnp.float32)
    dec_W1 = jax.random.normal(ks[5], (LATENT, HIDDEN), dtype=jnp.float32) * (1.0 / np.sqrt(LATENT))
    dec_b1 = jnp.zeros((HIDDEN,), dtype=jnp.float32)
    dec_b2 = jnp.zeros((INPUT_DIM,), dtype=jnp.float32)
    return {"x": x, "edge_index": edge_index, "W1": W1, "b1": b1,
            "gat_weight": gat_weight, "gat_att": gat_att, "gat_bias": gat_bias,
            "dec_W1": dec_W1, "dec_b1": dec_b1, "dec_b2": dec_b2}


def reference(x, edge_index, W1, b1, gat_weight, gat_att, gat_bias, dec_W1, dec_b1, dec_b2):
    # Encoder FC1 + ELU
    h = jax.nn.elu(x @ W1 + b1)
    # GAT layer with self-loops, concat=False (mean over heads)
    loops = jnp.arange(N_NODES, dtype=edge_index.dtype)
    ei = jnp.concatenate([edge_index, jnp.stack([loops, loops])], axis=1)
    src = ei[0]
    dst = ei[1]
    xw = (h @ gat_weight).reshape(-1, HEADS, LATENT)
    x_j = xw[src]  # source (message sender) features W h_j
    x_i = xw[dst]  # target features W h_i
    x_cat = jnp.concatenate([x_i, x_j], axis=-1)          # [E, heads, 2*latent]
    alpha = jnp.sum(x_cat * gat_att, axis=-1)             # [E, heads]
    alpha = jax.nn.leaky_relu(alpha, negative_slope=NEG_SLOPE)
    # segment softmax over destination nodes
    mx = jax.ops.segment_max(alpha, dst, num_segments=N_NODES)
    alpha = jnp.exp(alpha - mx[dst])
    denom = jax.ops.segment_sum(alpha, dst, num_segments=N_NODES)
    alpha = alpha / (denom[dst] + 1e-16)
    msg = x_j * alpha[..., None]                          # [E, heads, latent]
    agg = jax.ops.segment_sum(msg, dst, num_segments=N_NODES)  # [N, heads, latent]
    out = agg.mean(axis=1) + gat_bias                     # concat=False -> mean
    z = jax.nn.elu(out)
    # Decoder (fc2 weight tied to encoder fc1: W^b = W^T)
    hdec = jax.nn.elu(z @ dec_W1 + dec_b1)
    x_recon = hdec @ W1.T + dec_b2
    return x_recon

if __name__ == "__main__":
    import jax
    _d = setup_inputs()
    print(jax.jit(kernel)(*tuple(_d.values())))

</pallas_src>

<mosaic_0001>
#map = affine_map<(d0, d1) -> (0, 0)>
#map1 = affine_map<(d0, d1) -> (0)>
#map2 = affine_map<(d0, d1) -> (0, 0, 0)>
module attributes {stable_mosaic.version = 14 : i64} {
  func.func @_edge_body(%arg0: i32, %arg1: i32, %arg2: memref<5120x128xi32, #tpu.memory_space<hbm>>, %arg3: memref<5120x128xi32, #tpu.memory_space<hbm>>, %arg4: memref<10112xf32, #tpu.memory_space<hbm>>, %arg5: memref<10112xf32, #tpu.memory_space<hbm>>, %arg6: memref<10000x32xbf16, #tpu.memory_space<hbm>>, %arg7: memref<632x32xf32, #tpu.memory_space<hbm>>, %arg8: memref<2x10112x32xf32, #tpu.memory_space<hbm>>, %arg9: memref<10112xf32, #tpu.memory_space<vmem>>, %arg10: memref<10112xf32, #tpu.memory_space<vmem>>, %arg11: memref<160x128xi32, #tpu.memory_space<vmem>>, %arg12: memref<160x128xi32, #tpu.memory_space<vmem>>, %arg13: memref<256x32xbf16, #tpu.memory_space<vmem>>, %arg14: memref<256x32xbf16, #tpu.memory_space<vmem>>, %arg15: memref<256x32xbf16, #tpu.memory_space<vmem>>, %arg16: memref<256x32xbf16, #tpu.memory_space<vmem>>, %arg17: memref<256x32xf32, #tpu.memory_space<vmem>>, %arg18: memref<256x32xf32, #tpu.memory_space<vmem>>, %arg19: memref<10112x32xf32, #tpu.memory_space<vmem_shared>>, %arg20: memref<!tpu.dma_semaphore, #tpu.memory_space<semaphore_mem>>, %arg21: memref<!tpu.dma_semaphore, #tpu.memory_space<semaphore_mem>>, %arg22: memref<!tpu.dma_semaphore, #tpu.memory_space<semaphore_mem>>, %arg23: memref<!tpu.dma_semaphore, #tpu.memory_space<semaphore_mem>>, %arg24: memref<!tpu.dma_semaphore, #tpu.memory_space<semaphore_mem>>, %arg25: memref<!tpu.dma_semaphore, #tpu.memory_space<semaphore_mem>>) attributes {dimension_semantics = [#tpu.dimension_semantics<core_parallel>, #tpu.dimension_semantics<subcore_parallel>], iteration_bounds = array<i64: 2, 16>, scalar_prefetch = 0 : i64, scratch_operands = 17 : i64, tpu.core_type = #tpu.core_type<sc_vector_subcore>, window_params = [{transform_indices = #map}, {transform_indices = #map}, {transform_indices = #map1}, {transform_indices = #map1}, {transform_indices = #map}, {transform_indices = #map}, {transform_indices = #map2}]} {
    %mul3A = arith.constant 2 : i32
    %mul3A_0 = arith.muli %arg1, %mul3A : i32
    %add3A = arith.addi %mul3A_0, %arg0 : i32
    %mul3A_1 = arith.constant 632 : i32
    %mul3A_2 = arith.muli %arg1, %mul3A_1 : i32
    "tpu.region"() ({
      %run_scoped3A = tpu.sem_alloc : memref<!tpu.dma_semaphore, #tpu.memory_space<semaphore_mem>>
      %dma_start3A_95 = arith.constant 0 : i32
      %dma_start3A_96 = tpu.memref_slice %arg19[%mul3A_2, %dma_start3A_95] : memref<10112x32xf32, #tpu.memory_space<vmem_shared>> -> memref<632x32xf32, #tpu.memory_space<vmem_shared>>
      tpu.enqueue_dma source(%arg7 : memref<632x32xf32, #tpu.memory_space<hbm>>) target(%dma_start3A_96 : memref<632x32xf32, #tpu.memory_space<vmem_shared>>) target_semaphore(%run_scoped3A : memref<!tpu.dma_semaphore, #tpu.memory_space<semaphore_mem>>)
      %dma_wait3A_97 = arith.constant 0 : i32
      %dma_wait3A_98 = tpu.memref_slice %arg19[%mul3A_2, %dma_wait3A_97] : memref<10112x32xf32, #tpu.memory_space<vmem_shared>> -> memref<632x32xf32, #tpu.memory_space<vmem_shared>>
      tpu.wait_dma2 semaphore(%run_scoped3A : memref<!tpu.dma_semaphore, #tpu.memory_space<semaphore_mem>>) src(%arg7 : memref<632x32xf32, #tpu.memory_space<hbm>>) dst(%dma_wait3A_98 : memref<632x32xf32, #tpu.memory_space<vmem_shared>>)
      tpu.yield
    }) : () -> ()
    "tpu.region"() ({
      %run_scoped3A = tpu.sem_alloc : memref<!tpu.dma_semaphore, #tpu.memory_space<semaphore_mem>>
      tpu.enqueue_dma source(%arg4 : memref<10112xf32, #tpu.memory_space<hbm>>) target(%arg9 : memref<10112xf32, #tpu.memory_space<vmem>>) target_semaphore(%run_scoped3A : memref<!tpu.dma_semaphore, #tpu.memory_space<semaphore_mem>>)
      tpu.wait_dma2 semaphore(%run_scoped3A : memref<!tpu.dma_semaphore, #tpu.memory_space<semaphore_mem>>) src(%arg4 : memref<10112xf32, #tpu.memory_space<hbm>>) dst(%arg9 : memref<10112xf32, #tpu.memory_space<vmem>>)
      tpu.yield
    }) : () -> ()
    "tpu.region"() ({
      %run_scoped3A = tpu.sem_alloc : memref<!tpu.dma_semaphore, #tpu.memory_space<semaphore_mem>>
      tpu.enqueue_dma source(%arg5 : memref<10112xf32, #tpu.memory_space<hbm>>) target(%arg10 : memref<10112xf32, #tpu.memory_space<vmem>>) target_semaphore(%run_scoped3A : memref<!tpu.dma_semaphore, #tpu.memory_space<semaphore_mem>>)
      tpu.wait_dma2 semaphore(%run_scoped3A : memref<!tpu.dma_semaphore, #tpu.memory_space<semaphore_mem>>) src(%arg5 : memref<10112xf32, #tpu.memory_space<hbm>>) dst(%arg10 : memref<10112xf32, #tpu.memory_space<vmem>>)
      tpu.yield
    }) : () -> ()
    %mul3A_3 = arith.constant 160 : i32
    %mul3A_4 = arith.muli %add3A, %mul3A_3 : i32
    "tpu.region"() ({
      %run_scoped3A = tpu.sem_alloc : memref<!tpu.dma_semaphore, #tpu.memory_space<semaphore_mem>>
      %dma_start3A_95 = arith.constant 0 : i32
      %dma_start3A_96 = tpu.memref_slice %arg2[%mul3A_4, %dma_start3A_95] : memref<5120x128xi32, #tpu.memory_space<hbm>> -> memref<160x128xi32, #tpu.memory_space<hbm>>
      %dma_start3A_97 = arith.constant 0 : i32
      %dma_start3A_98 = tpu.memref_slice %arg2[%mul3A_4, %dma_start3A_97] : memref<5120x128xi32, #tpu.memory_space<hbm>> -> memref<160x128xi32, #tpu.memory_space<hbm>>
      tpu.enqueue_dma source(%dma_start3A_98 : memref<160x128xi32, #tpu.memory_space<hbm>>) target(%arg11 : memref<160x128xi32, #tpu.memory_space<vmem>>) target_semaphore(%run_scoped3A : memref<!tpu.dma_semaphore, #tpu.memory_space<semaphore_mem>>)
      %dma_wait3A_99 = arith.constant 0 : i32
      %dma_wait3A_100 = tpu.memref_slice %arg2[%mul3A_4, %dma_wait3A_99] : memref<5120x128xi32, #tpu.memory_space<hbm>> -> memref<160x128xi32, #tpu.memory_space<hbm>>
      %dma_wait3A_101 = arith.constant 0 : i32
      %dma_wait3A_102 = tpu.memref_slice %arg2[%mul3A_4, %dma_wait3A_101] : memref<5120x128xi32, #tpu.memory_space<hbm>> -> memref<160x128xi32, #tpu.memory_space<hbm>>
      tpu.wait_dma2 semaphore(%run_scoped3A : memref<!tpu.dma_semaphore, #tpu.memory_space<semaphore_mem>>) src(%dma_wait3A_102 : memref<160x128xi32, #tpu.memory_space<hbm>>) dst(%arg11 : memref<160x128xi32, #tpu.memory_space<vmem>>)
      tpu.yield
    }) : () -> ()
    %mul3A_5 = arith.constant 160 : i32
    %mul3A_6 = arith.muli %add3A, %mul3A_5 : i32
    "tpu.region"() ({
      %run_scoped3A = tpu.sem_alloc : memref<!tpu.dma_semaphore, #tpu.memory_space<semaphore_mem>>
      %dma_start3A_95 = arith.constant 0 : i32
      %dma_start3A_96 = tpu.memref_slice %arg3[%mul3A_6, %dma_start3A_95] : memref<5120x128xi32, #tpu.memory_space<hbm>> -> memref<160x128xi32, #tpu.memory_space<hbm>>
      %dma_start3A_97 = arith.constant 0 : i32
      %dma_start3A_98 = tpu.memref_slice %arg3[%mul3A_6, %dma_start3A_97] : memref<5120x128xi32, #tpu.memory_space<hbm>> -> memref<160x128xi32, #tpu.memory_space<hbm>>
      tpu.enqueue_dma source(%dma_start3A_98 : memref<160x128xi32, #tpu.memory_space<hbm>>) target(%arg12 : memref<160x128xi32, #tpu.memory_space<vmem>>) target_semaphore(%run_scoped3A : memref<!tpu.dma_semaphore, #tpu.memory_space<semaphore_mem>>)
      %dma_wait3A_99 = arith.constant 0 : i32
      %dma_wait3A_100 = tpu.memref_slice %arg3[%mul3A_6, %dma_wait3A_99] : memref<5120x128xi32, #tpu.memory_space<hbm>> -> memref<160x128xi32, #tpu.memory_space<hbm>>
      %dma_wait3A_101 = arith.constant 0 : i32
      %dma_wait3A_102 = tpu.memref_slice %arg3[%mul3A_6, %dma_wait3A_101] : memref<5120x128xi32, #tpu.memory_space<hbm>> -> memref<160x128xi32, #tpu.memory_space<hbm>>
      tpu.wait_dma2 semaphore(%run_scoped3A : memref<!tpu.dma_semaphore, #tpu.memory_space<semaphore_mem>>) src(%dma_wait3A_102 : memref<160x128xi32, #tpu.memory_space<hbm>>) dst(%arg12 : memref<160x128xi32, #tpu.memory_space<vmem>>)
      tpu.yield
    }) : () -> ()
    %barrier3A = arith.constant 0 : index
    tpu.barrier barrier_id(%barrier3A)
    %dma_start3A = arith.constant 0 : i32
    %dma_start3A_7 = arith.constant 0 : i32
    %dma_start3A_8 = arith.constant 0 : i32
    %dma_start3A_9 = tpu.memref_slice %arg13[%dma_start3A_7, %dma_start3A_8] : memref<256x32xbf16, #tpu.memory_space<vmem>> -> memref<128x32xbf16, #tpu.memory_space<vmem>>
    %dma_start3A_10 = arith.constant 0 : i32
    %dma_start3A_11 = tpu.memref_slice %arg11[%dma_start3A, %dma_start3A_10] : memref<160x128xi32, #tpu.memory_space<vmem>> -> memref<1x128xi32, #tpu.memory_space<vmem>>
    %dma_start3A_12 = tpu.memref_squeeze %dma_start3A_11 : memref<1x128xi32, #tpu.memory_space<vmem>> -> memref<128xi32, #tpu.memory_space<vmem>>
    %dma_start3A_13 = arith.constant 0 : i32
    %dma_start3A_14 = arith.constant 0 : i32
    %dma_start3A_15 = tpu.memref_slice %arg6[%dma_start3A_13, %dma_start3A_14] : memref<10000x32xbf16, #tpu.memory_space<hbm>> -> memref<10000x32xbf16, #tpu.memory_space<hbm>>
    tpu.enqueue_indirect_dma source(%dma_start3A_15 : memref<10000x32xbf16, #tpu.memory_space<hbm>>) target(%dma_start3A_9 : memref<128x32xbf16, #tpu.memory_space<vmem>>) offsets(%dma_start3A_12 : memref<128xi32, #tpu.memory_space<vmem>>) semaphore(%arg20 : memref<!tpu.dma_semaphore, #tpu.memory_space<semaphore_mem>>)
    %dma_start3A_16 = arith.constant 1 : i32
    %dma_start3A_17 = arith.constant 128 : i32
    %dma_start3A_18 = arith.constant 0 : i32
    %dma_start3A_19 = tpu.memref_slice %arg13[%dma_start3A_17, %dma_start3A_18] : memref<256x32xbf16, #tpu.memory_space<vmem>> -> memref<128x32xbf16, #tpu.memory_space<vmem>>
    %dma_start3A_20 = arith.constant 0 : i32
    %dma_start3A_21 = tpu.memref_slice %arg11[%dma_start3A_16, %dma_start3A_20] : memref<160x128xi32, #tpu.memory_space<vmem>> -> memref<1x128xi32, #tpu.memory_space<vmem>>
    %dma_start3A_22 = tpu.memref_squeeze %dma_start3A_21 : memref<1x128xi32, #tpu.memory_space<vmem>> -> memref<128xi32, #tpu.memory_space<vmem>>
    %dma_start3A_23 = arith.constant 0 : i32
    %dma_start3A_24 = arith.constant 0 : i32
    %dma_start3A_25 = tpu.memref_slice %arg6[%dma_start3A_23, %dma_start3A_24] : memref<10000x32xbf16, #tpu.memory_space<hbm>> -> memref<10000x32xbf16, #tpu.memory_space<hbm>>
    tpu.enqueue_indirect_dma source(%dma_start3A_25 : memref<10000x32xbf16, #tpu.memory_space<hbm>>) target(%dma_start3A_19 : memref<128x32xbf16, #tpu.memory_space<vmem>>) offsets(%dma_start3A_22 : memref<128xi32, #tpu.memory_space<vmem>>) semaphore(%arg20 : memref<!tpu.dma_semaphore, #tpu.memory_space<semaphore_mem>>)
    %dma_start3A_26 = arith.constant 2 : i32
    %dma_start3A_27 = arith.constant 0 : i32
    %dma_start3A_28 = arith.constant 0 : i32
    %dma_start3A_29 = tpu.memref_slice %arg14[%dma_start3A_27, %dma_start3A_28] : memref<256x32xbf16, #tpu.memory_space<vmem>> -> memref<128x32xbf16, #tpu.memory_space<vmem>>
    %dma_start3A_30 = arith.constant 0 : i32
    %dma_start3A_31 = tpu.memref_slice %arg11[%dma_start3A_26, %dma_start3A_30] : memref<160x128xi32, #tpu.memory_space<vmem>> -> memref<1x128xi32, #tpu.memory_space<vmem>>
    %dma_start3A_32 = tpu.memref_squeeze %dma_start3A_31 : memref<1x128xi32, #tpu.memory_space<vmem>> -> memref<128xi32, #tpu.memory_space<vmem>>
    %dma_start3A_33 = arith.constant 0 : i32
    %dma_start3A_34 = arith.constant 0 : i32
    %dma_start3A_35 = tpu.memref_slice %arg6[%dma_start3A_33, %dma_start3A_34] : memref<10000x32xbf16, #tpu.memory_space<hbm>> -> memref<10000x32xbf16, #tpu.memory_space<hbm>>
    tpu.enqueue_indirect_dma source(%dma_start3A_35 : memref<10000x32xbf16, #tpu.memory_space<hbm>>) target(%dma_start3A_29 : memref<128x32xbf16, #tpu.memory_space<vmem>>) offsets(%dma_start3A_32 : memref<128xi32, #tpu.memory_space<vmem>>) semaphore(%arg21 : memref<!tpu.dma_semaphore, #tpu.memory_space<semaphore_mem>>)
    %dma_start3A_36 = arith.constant 3 : i32
    %dma_start3A_37 = arith.constant 128 : i32
    %dma_start3A_38 = arith.constant 0 : i32
    %dma_start3A_39 = tpu.memref_slice %arg14[%dma_start3A_37, %dma_start3A_38] : memref<256x32xbf16, #tpu.memory_space<vmem>> -> memref<128x32xbf16, #tpu.memory_space<vmem>>
    %dma_start3A_40 = arith.constant 0 : i32
    %dma_start3A_41 = tpu.memref_slice %arg11[%dma_start3A_36, %dma_start3A_40] : memref<160x128xi32, #tpu.memory_space<vmem>> -> memref<1x128xi32, #tpu.memory_space<vmem>>
    %dma_start3A_42 = tpu.memref_squeeze %dma_start3A_41 : memref<1x128xi32, #tpu.memory_space<vmem>> -> memref<128xi32, #tpu.memory_space<vmem>>
    %dma_start3A_43 = arith.constant 0 : i32
    %dma_start3A_44 = arith.constant 0 : i32
    %dma_start3A_45 = tpu.memref_slice %arg6[%dma_start3A_43, %dma_start3A_44] : memref<10000x32xbf16, #tpu.memory_space<hbm>> -> memref<10000x32xbf16, #tpu.memory_space<hbm>>
    tpu.enqueue_indirect_dma source(%dma_start3A_45 : memref<10000x32xbf16, #tpu.memory_space<hbm>>) target(%dma_start3A_39 : memref<128x32xbf16, #tpu.memory_space<vmem>>) offsets(%dma_start3A_42 : memref<128xi32, #tpu.memory_space<vmem>>) semaphore(%arg21 : memref<!tpu.dma_semaphore, #tpu.memory_space<semaphore_mem>>)
    %scan3A = arith.constant 0 : i32
    %scan3A_46 = arith.constant 0 : i32
    %scan3A_47 = arith.constant 20 : i32
    %scan3A_48 = arith.addi %scan3A_46, %scan3A_47 : i32
    %scan3A_49 = arith.constant 1 : i32
    scf.for %scan3A_95 = %scan3A_46 to %scan3A_48 step %scan3A_49  : i32 {
      %mul3A_96 = arith.constant 4 : i32
      %mul3A_97 = arith.muli %scan3A_95, %mul3A_96 : i32
      %add3A_98 = arith.constant 2 : i32
      %add3A_99 = arith.addi %mul3A_97, %add3A_98 : i32
      %lt3A = arith.constant 80 : i32
      %lt3A_100 = arith.cmpi slt, %add3A_99, %lt3A : i32
      %convert_element_type3A = arith.extui %lt3A_100 : i1 to i32
      %cond3A = arith.constant 0 : i32
      %cond3A_101 = arith.cmpi ne, %convert_element_type3A, %cond3A : i32
      scf.if %cond3A_101 {
        %mul3A_358 = arith.constant 2 : i32
        %mul3A_359 = arith.muli %add3A_99, %mul3A_358 : i32
        %add3A_360 = arith.constant 0 : i32
        %add3A_361 = arith.addi %mul3A_359, %add3A_360 : i32
        %dma_start3A_362 = arith.constant 0 : i32
        %dma_start3A_363 = arith.constant 0 : i32
        %dma_start3A_364 = tpu.memref_slice %arg15[%dma_start3A_362, %dma_start3A_363] : memref<256x32xbf16, #tpu.memory_space<vmem>> -> memref<128x32xbf16, #tpu.memory_space<vmem>>
        %dma_start3A_365 = arith.constant 0 : i32
        %dma_start3A_366 = tpu.memref_slice %arg11[%add3A_361, %dma_start3A_365] : memref<160x128xi32, #tpu.memory_space<vmem>> -> memref<1x128xi32, #tpu.memory_space<vmem>>
        %dma_start3A_367 = tpu.memref_squeeze %dma_start3A_366 : memref<1x128xi32, #tpu.memory_space<vmem>> -> memref<128xi32, #tpu.memory_space<vmem>>
        %dma_start3A_368 = arith.constant 0 : i32
        %dma_start3A_369 = arith.constant 0 : i32
        %dma_start3A_370 = tpu.memref_slice %arg6[%dma_start3A_368, %dma_start3A_369] : memref<10000x32xbf16, #tpu.memory_space<hbm>> -> memref<10000x32xbf16, #tpu.memory_space<hbm>>
        tpu.enqueue_indirect_dma source(%dma_start3A_370 : memref<10000x32xbf16, #tpu.memory_space<hbm>>) target(%dma_start3A_364 : memref<128x32xbf16, #tpu.memory_space<vmem>>) offsets(%dma_start3A_367 : memref<128xi32, #tpu.memory_space<vmem>>) semaphore(%arg22 : memref<!tpu.dma_semaphore, #tpu.memory_space<semaphore_mem>>)
        %mul3A_371 = arith.constant 2 : i32
        %mul3A_372 = arith.muli %add3A_99, %mul3A_371 : i32
        %add3A_373 = arith.constant 1 : i32
        %add3A_374 = arith.addi %mul3A_372, %add3A_373 : i32
        %dma_start3A_375 = arith.constant 128 : i32
        %dma_start3A_376 = arith.constant 0 : i32
        %dma_start3A_377 = tpu.memref_slice %arg15[%dma_start3A_375, %dma_start3A_376] : memref<256x32xbf16, #tpu.memory_space<vmem>> -> memref<128x32xbf16, #tpu.memory_space<vmem>>
        %dma_start3A_378 = arith.constant 0 : i32
        %dma_start3A_379 = tpu.memref_slice %arg11[%add3A_374, %dma_start3A_378] : memref<160x128xi32, #tpu.memory_space<vmem>> -> memref<1x128xi32, #tpu.memory_space<vmem>>
        %dma_start3A_380 = tpu.memref_squeeze %dma_start3A_379 : memref<1x128xi32, #tpu.memory_space<vmem>> -> memref<128xi32, #tpu.memory_space<vmem>>
        %dma_start3A_381 = arith.constant 0 : i32
        %dma_start3A_382 = arith.constant 0 : i32
        %dma_start3A_383 = tpu.memref_slice %arg6[%dma_start3A_381, %dma_start3A_382] : memref<10000x32xbf16, #tpu.memory_space<hbm>> -> memref<10000x32xbf16, #tpu.memory_space<hbm>>
        tpu.enqueue_indirect_dma source(%dma_start3A_383 : memref<10000x32xbf16, #tpu.memory_space<hbm>>) target(%dma_start3A_377 : memref<128x32xbf16, #tpu.memory_space<vmem>>) offsets(%dma_start3A_380 : memref<128xi32, #tpu.memory_space<vmem>>) semaphore(%arg22 : memref<!tpu.dma_semaphore, #tpu.memory_space<semaphore_mem>>)
      } else {
      }
      %add3A_102 = arith.constant 0 : i32
      %add3A_103 = arith.addi %mul3A_97, %add3A_102 : i32
      %dma_wait3A_104 = arith.constant 0 : i32
      %dma_wait3A_105 = arith.constant 0 : i32
      %dma_wait3A_106 = arith.constant 0 : i32
      %dma_wait3A_107 = tpu.memref_slice %arg13[%dma_wait3A_105, %dma_wait3A_106] : memref<256x32xbf16, #tpu.memory_space<vmem>> -> memref<128x32xbf16, #tpu.memory_space<vmem>>
      %dma_wait3A_108 = arith.constant 0 : i32
      %dma_wait3A_109 = tpu.memref_slice %arg11[%dma_wait3A_104, %dma_wait3A_108] : memref<160x128xi32, #tpu.memory_space<vmem>> -> memref<1x128xi32, #tpu.memory_space<vmem>>
      %dma_wait3A_110 = tpu.memref_squeeze %dma_wait3A_109 : memref<1x128xi32, #tpu.memory_space<vmem>> -> memref<128xi32, #tpu.memory_space<vmem>>
      %dma_wait3A_111 = arith.constant 0 : i32
      %dma_wait3A_112 = arith.constant 0 : i32
      %dma_wait3A_113 = tpu.memref_slice %arg6[%dma_wait3A_111, %dma_wait3A_112] : memref<10000x32xbf16, #tpu.memory_space<hbm>> -> memref<10000x32xbf16, #tpu.memory_space<hbm>>
      tpu.wait_indirect_dma semaphore(%arg20 : memref<!tpu.dma_semaphore, #tpu.memory_space<semaphore_mem>>) src(%dma_wait3A_113 : memref<10000x32xbf16, #tpu.memory_space<hbm>>) dst(%dma_wait3A_107 : memref<128x32xbf16, #tpu.memory_space<vmem>>)
      %dma_wait3A_114 = arith.constant 0 : i32
      %dma_wait3A_115 = arith.constant 128 : i32
      %dma_wait3A_116 = arith.constant 0 : i32
      %dma_wait3A_117 = tpu.memref_slice %arg13[%dma_wait3A_115, %dma_wait3A_116] : memref<256x32xbf16, #tpu.memory_space<vmem>> -> memref<128x32xbf16, #tpu.memory_space<vmem>>
      %dma_wait3A_118 = arith.constant 0 : i32
      %dma_wait3A_119 = tpu.memref_slice %arg11[%dma_wait3A_114, %dma_wait3A_118] : memref<160x128xi32, #tpu.memory_space<vmem>> -> memref<1x128xi32, #tpu.memory_space<vmem>>
      %dma_wait3A_120 = tpu.memref_squeeze %dma_wait3A_119 : memref<1x128xi32, #tpu.memory_space<vmem>> -> memref<128xi32, #tpu.memory_space<vmem>>
      %dma_wait3A_121 = arith.constant 0 : i32
      %dma_wait3A_122 = arith.constant 0 : i32
      %dma_wait3A_123 = tpu.memref_slice %arg6[%dma_wait3A_121, %dma_wait3A_122] : memref<10000x32xbf16, #tpu.memory_space<hbm>> -> memref<10000x32xbf16, #tpu.memory_space<hbm>>
      tpu.wait_indirect_dma semaphore(%arg20 : memref<!tpu.dma_semaphore, #tpu.memory_space<semaphore_mem>>) src(%dma_wait3A_123 : memref<10000x32xbf16, #tpu.memory_space<hbm>>) dst(%dma_wait3A_117 : memref<128x32xbf16, #tpu.memory_space<vmem>>)
      %ge3A = arith.constant 2 : i32
      %ge3A_124 = arith.cmpi sge, %add3A_103, %ge3A : i32
      %convert_element_type3A_125 = arith.extui %ge3A_124 : i1 to i32
      %cond3A_126 = arith.constant 0 : i32
      %cond3A_127 = arith.cmpi ne, %convert_element_type3A_125, %cond3A_126 : i32
      scf.if %cond3A_127 {
        %dma_wait3A_358 = arith.constant 0 : i32
        %dma_wait3A_359 = arith.constant 0 : i32
        %dma_wait3A_360 = arith.constant 0 : i32
        %dma_wait3A_361 = tpu.memref_slice %arg17[%dma_wait3A_359, %dma_wait3A_360] : memref<256x32xf32, #tpu.memory_space<vmem>> -> memref<128x32xf32, #tpu.memory_space<vmem>>
        %dma_wait3A_362 = arith.constant 0 : i32
        %dma_wait3A_363 = tpu.memref_slice %arg12[%dma_wait3A_358, %dma_wait3A_362] : memref<160x128xi32, #tpu.memory_space<vmem>> -> memref<1x128xi32, #tpu.memory_space<vmem>>
        %dma_wait3A_364 = tpu.memref_squeeze %dma_wait3A_363 : memref<1x128xi32, #tpu.memory_space<vmem>> -> memref<128xi32, #tpu.memory_space<vmem>>
        %dma_wait3A_365 = arith.constant 0 : i32
        %dma_wait3A_366 = arith.constant 0 : i32
        %dma_wait3A_367 = tpu.memref_slice %arg19[%dma_wait3A_365, %dma_wait3A_366] : memref<10112x32xf32, #tpu.memory_space<vmem_shared>> -> memref<10112x32xf32, #tpu.memory_space<vmem_shared>>
        tpu.wait_indirect_dma semaphore(%arg24 : memref<!tpu.dma_semaphore, #tpu.memory_space<semaphore_mem>>) src(%dma_wait3A_361 : memref<128x32xf32, #tpu.memory_space<vmem>>) dst(%dma_wait3A_367 : memref<10112x32xf32, #tpu.memory_space<vmem_shared>>)
        %dma_wait3A_368 = arith.constant 0 : i32
        %dma_wait3A_369 = arith.constant 128 : i32
        %dma_wait3A_370 = arith.constant 0 : i32
        %dma_wait3A_371 = tpu.memref_slice %arg17[%dma_wait3A_369, %dma_wait3A_370] : memref<256x32xf32, #tpu.memory_space<vmem>> -> memref<128x32xf32, #tpu.memory_space<vmem>>
        %dma_wait3A_372 = arith.constant 0 : i32
        %dma_wait3A_373 = tpu.memref_slice %arg12[%dma_wait3A_368, %dma_wait3A_372] : memref<160x128xi32, #tpu.memory_space<vmem>> -> memref<1x128xi32, #tpu.memory_space<vmem>>
        %dma_wait3A_374 = tpu.memref_squeeze %dma_wait3A_373 : memref<1x128xi32, #tpu.memory_space<vmem>> -> memref<128xi32, #tpu.memory_space<vmem>>
        %dma_wait3A_375 = arith.constant 0 : i32
        %dma_wait3A_376 = arith.constant 0 : i32
        %dma_wait3A_377 = tpu.memref_slice %arg19[%dma_wait3A_375, %dma_wait3A_376] : memref<10112x32xf32, #tpu.memory_space<vmem_shared>> -> memref<10112x32xf32, #tpu.memory_space<vmem_shared>>
        tpu.wait_indirect_dma semaphore(%arg24 : memref<!tpu.dma_semaphore, #tpu.memory_space<semaphore_mem>>) src(%dma_wait3A_371 : memref<128x32xf32, #tpu.memory_space<vmem>>) dst(%dma_wait3A_377 : memref<10112x32xf32, #tpu.memory_space<vmem_shared>>)
      } else {
      }
      %scan3A_128 = arith.constant 0 : i32
      %scan3A_129 = arith.constant 0 : i32
      %scan3A_130 = arith.constant 16 : i32
      %scan3A_131 = arith.addi %scan3A_129, %scan3A_130 : i32
      %scan3A_132 = arith.constant 1 : i32
      scf.for %scan3A_358 = %scan3A_129 to %scan3A_131 step %scan3A_132  : i32 {
        %mul3A_359 = arith.constant 2 : i32
        %mul3A_360 = arith.muli %add3A_103, %mul3A_359 : i32
        %jit3A = arith.constant 8 : i32
        %div3A = arith.divsi %scan3A_358, %jit3A : i32
        %sign3A = arith.constant 0 : i32
        %sign3A_361 = arith.cmpi sgt, %scan3A_358, %sign3A : i32
        %sign3A_362 = arith.extui %sign3A_361 : i1 to i32
        %sign3A_363 = arith.constant 0 : i32
        %sign3A_364 = arith.cmpi slt, %scan3A_358, %sign3A_363 : i32
        %sign3A_365 = arith.extui %sign3A_364 : i1 to i32
        %sign3A_366 = arith.subi %sign3A_362, %sign3A_365 : i32
        %sign3A_367 = arith.constant 0 : i32
        %sign3A_368 = arith.cmpi sgt, %jit3A, %sign3A_367 : i32
        %sign3A_369 = arith.extui %sign3A_368 : i1 to i32
        %sign3A_370 = arith.constant 0 : i32
        %sign3A_371 = arith.cmpi slt, %jit3A, %sign3A_370 : i32
        %sign3A_372 = arith.extui %sign3A_371 : i1 to i32
        %sign3A_373 = arith.subi %sign3A_369, %sign3A_372 : i32
        %ne3A = arith.cmpi ne, %sign3A_366, %sign3A_373 : i32
        %rem3A = arith.remsi %scan3A_358, %jit3A : i32
        %ne3A_374 = arith.constant 0 : i32
        %ne3A_375 = arith.cmpi ne, %rem3A, %ne3A_374 : i32
        %and3A = arith.andi %ne3A, %ne3A_375 : i1
        %sub3A = arith.constant 1 : i32
        %sub3A_376 = arith.subi %div3A, %sub3A : i32
        %select_n3A = arith.select %and3A, %sub3A_376, %div3A : i32
        %add3A_377 = arith.addi %mul3A_360, %select_n3A : i32
        %jit3A_378 = arith.constant 8 : i32
        %eq3A = arith.constant 0 : i32
        %eq3A_379 = arith.cmpi eq, %jit3A_378, %eq3A : i32
        %jit3A_380 = arith.constant 1 : i32
        %select_n3A_381 = arith.select %eq3A_379, %jit3A_380, %jit3A_378 : i32
        %rem3A_382 = arith.remsi %scan3A_358, %select_n3A_381 : i32
        %ne3A_383 = arith.constant 0 : i32
        %ne3A_384 = arith.cmpi ne, %rem3A_382, %ne3A_383 : i32
        %lt3A_385 = arith.constant 0 : i32
        %lt3A_386 = arith.cmpi slt, %rem3A_382, %lt3A_385 : i32
        %lt3A_387 = arith.constant 0 : i32
        %lt3A_388 = arith.cmpi slt, %select_n3A_381, %lt3A_387 : i32
        %ne3A_389 = arith.xori %lt3A_386, %lt3A_388 : i1
        %and3A_390 = arith.andi %ne3A_389, %ne3A_384 : i1
        %add3A_391 = arith.addi %rem3A_382, %select_n3A_381 : i32
        %select_n3A_392 = arith.select %and3A_390, %add3A_391, %rem3A_382 : i32
        %mul3A_393 = arith.constant 16 : i32
        %mul3A_394 = arith.muli %select_n3A_392, %mul3A_393 : i32
        %get3A = arith.index_cast %add3A_377 : i32 to index
        %get3A_395 = arith.index_cast %mul3A_394 : i32 to index
        %get3A_396 = tpu.vector_load %arg11[%get3A, %get3A_395] {strides = array<i32>} : memref<160x128xi32, #tpu.memory_space<vmem>>, vector<16xi32>,
        %get3A_397 = arith.index_cast %add3A_377 : i32 to index
        %get3A_398 = arith.index_cast %mul3A_394 : i32 to index
        %get3A_399 = tpu.vector_load %arg12[%get3A_397, %get3A_398] {strides = array<i32>} : memref<160x128xi32, #tpu.memory_space<vmem>>, vector<16xi32>,
        %gather3A = tpu.vector_load_idx %arg9[%get3A_399] : memref<10112xf32, #tpu.memory_space<vmem>>[vector<16xi32>], vector<16xf32>,
        %gather3A_400 = tpu.vector_load_idx %arg10[%get3A_396] : memref<10112xf32, #tpu.memory_space<vmem>>[vector<16xi32>], vector<16xf32>,
        %add3A_401 = arith.addf %gather3A, %gather3A_400 : vector<16xf32>
        %ge3A_402 = arith.constant 0.000000e+00 : f32
        %ge3A_403 = vector.broadcast %ge3A_402 : f32 to vector<16xf32>
        %ge3A_404 = arith.cmpf oge, %add3A_401, %ge3A_403 : vector<16xf32>
        %mul3A_405 = arith.constant 2.000000e-01 : f32
        %mul3A_406 = vector.broadcast %mul3A_405 : f32 to vector<16xf32>
        %mul3A_407 = arith.mulf %mul3A_406, %add3A_401 : vector<16xf32>
        %select_n3A_408 = arith.select %ge3A_404, %add3A_401, %mul3A_407 : vector<16xi1>, vector<16xf32>
        %exp3A = math.exp %select_n3A_408 : vector<16xf32>
        %mul3A_409 = arith.constant 16 : i32
        %mul3A_410 = arith.muli %scan3A_358, %mul3A_409 : i32
        %broadcast_in_dim3A = arith.constant 0 : i32
        %broadcast_in_dim3A_411 = vector.broadcast %broadcast_in_dim3A : i32 to vector<16x1xi32>
        %gather3A_412 = vector.shape_cast %broadcast_in_dim3A_411 : vector<16x1xi32> to vector<16xi32>
        %gather3A_413 = tpu.dynamic_gather %exp3A[%gather3A_412] in [0] : vector<16xf32>, vector<16xi32> -> vector<16xf32>
        %add3A_414 = arith.constant 0 : i32
        %add3A_415 = arith.addi %mul3A_410, %add3A_414 : i32
        %get3A_416 = arith.index_cast %add3A_415 : i32 to index
        %get3A_417 = arith.constant 0 : index
        %get3A_418 = tpu.vector_load %arg13[%get3A_416, %get3A_417] {strides = array<i32>} : memref<256x32xbf16, #tpu.memory_space<vmem>>, vector<32xbf16>,
        %bitcast3A = vector.bitcast %get3A_418 : vector<32xbf16> to vector<16xi32>
        %shift_left3A = arith.constant 16 : i32
        %shift_left3A_419 = vector.broadcast %shift_left3A : i32 to vector<16xi32>
        %shift_left3A_420 = arith.shli %bitcast3A, %shift_left3A_419 : vector<16xi32>
        %bitcast3A_421 = vector.bitcast %shift_left3A_420 : vector<16xi32> to vector<16xf32>
        %and3A_422 = arith.constant -65536 : i32
        %and3A_423 = vector.broadcast %and3A_422 : i32 to vector<16xi32>
        %and3A_424 = arith.andi %bitcast3A, %and3A_423 : vector<16xi32>
        %bitcast3A_425 = vector.bitcast %and3A_424 : vector<16xi32> to vector<16xf32>
        %mul3A_426 = arith.mulf %bitcast3A_421, %gather3A_413 : vector<16xf32>
        %add3A_427 = arith.constant 0 : i32
        %add3A_428 = arith.addi %mul3A_410, %add3A_427 : i32
        %swap3A = arith.index_cast %add3A_428 : i32 to index
        %swap3A_429 = arith.constant 0 : index
        %swap3A_430 = tpu.vector_load %arg17[%swap3A, %swap3A_429] {strides = array<i32>} : memref<256x32xf32, #tpu.memory_space<vmem>>, vector<16xf32>,
        tpu.vector_store %arg17[%swap3A, %swap3A_429], %mul3A_426 {strides = array<i32>} : memref<256x32xf32, #tpu.memory_space<vmem>>, vector<16xf32>,
        %mul3A_431 = arith.mulf %bitcast3A_425, %gather3A_413 : vector<16xf32>
        %add3A_432 = arith.constant 0 : i32
        %add3A_433 = arith.addi %mul3A_410, %add3A_432 : i32
        %swap3A_434 = arith.index_cast %add3A_433 : i32 to index
        %swap3A_435 = arith.constant 16 : index
        %swap3A_436 = tpu.vector_load %arg17[%swap3A_434, %swap3A_435] {strides = array<i32>} : memref<256x32xf32, #tpu.memory_space<vmem>>, vector<16xf32>,
        tpu.vector_store %arg17[%swap3A_434, %swap3A_435], %mul3A_431 {strides = array<i32>} : memref<256x32xf32, #tpu.memory_space<vmem>>, vector<16xf32>,
        %broadcast_in_dim3A_437 = arith.constant 1 : i32
        %broadcast_in_dim3A_438 = vector.broadcast %broadcast_in_dim3A_437 : i32 to vector<16x1xi32>
        %gather3A_439 = vector.shape_cast %broadcast_in_dim3A_438 : vector<16x1xi32> to vector<16xi32>
        %gather3A_440 = tpu.dynamic_gather %exp3A[%gather3A_439] in [0] : vector<16xf32>, vector<16xi32> -> vector<16xf32>
        %add3A_441 = arith.constant 1 : i32
        %add3A_442 = arith.addi %mul3A_410, %add3A_441 : i32
        %get3A_443 = arith.index_cast %add3A_442 : i32 to index
        %get3A_444 = arith.constant 0 : index
        %get3A_445 = tpu.vector_load %arg13[%get3A_443, %get3A_444] {strides = array<i32>} : memref<256x32xbf16, #tpu.memory_space<vmem>>, vector<32xbf16>,
        %bitcast3A_446 = vector.bitcast %get3A_445 : vector<32xbf16> to vector<16xi32>
        %shift_left3A_447 = arith.constant 16 : i32
        %shift_left3A_448 = vector.broadcast %shift_left3A_447 : i32 to vector<16xi32>
        %shift_left3A_449 = arith.shli %bitcast3A_446, %shift_left3A_448 : vector<16xi32>
        %bitcast3A_450 = vector.bitcast %shift_left3A_449 : vector<16xi32> to vector<16xf32>
        %and3A_451 = arith.constant -65536 : i32
        %and3A_452 = vector.broadcast %and3A_451 : i32 to vector<16xi32>
        %and3A_453 = arith.andi %bitcast3A_446, %and3A_452 : vector<16xi32>
        %bitcast3A_454 = vector.bitcast %and3A_453 : vector<16xi32> to vector<16xf32>
        %mul3A_455 = arith.mulf %bitcast3A_450, %gather3A_440 : vector<16xf32>
        %add3A_456 = arith.constant 1 : i32
        %add3A_457 = arith.addi %mul3A_410, %add3A_456 : i32
        %swap3A_458 = arith.index_cast %add3A_457 : i32 to index
        %swap3A_459 = arith.constant 0 : index
        %swap3A_460 = tpu.vector_load %arg17[%swap3A_458, %swap3A_459] {strides = array<i32>} : memref<256x32xf32, #tpu.memory_space<vmem>>, vector<16xf32>,
        tpu.vector_store %arg17[%swap3A_458, %swap3A_459], %mul3A_455 {strides = array<i32>} : memref<256x32xf32, #tpu.memory_space<vmem>>, vector<16xf32>,
        %mul3A_461 = arith.mulf %bitcast3A_454, %gather3A_440 : vector<16xf32>
        %add3A_462 = arith.constant 1 : i32
        %add3A_463 = arith.addi %mul3A_410, %add3A_462 : i32
        %swap3A_464 = arith.index_cast %add3A_463 : i32 to index
        %swap3A_465 = arith.constant 16 : index
        %swap3A_466 = tpu.vector_load %arg17[%swap3A_464, %swap3A_465] {strides = array<i32>} : memref<256x32xf32, #tpu.memory_space<vmem>>, vector<16xf32>,
        tpu.vector_store %arg17[%swap3A_464, %swap3A_465], %mul3A_461 {strides = array<i32>} : memref<256x32xf32, #tpu.memory_space<vmem>>, vector<16xf32>,
        %broadcast_in_dim3A_467 = arith.constant 2 : i32
        %broadcast_in_dim3A_468 = vector.broadcast %broadcast_in_dim3A_467 : i32 to vector<16x1xi32>
        %gather3A_469 = vector.shape_cast %broadcast_in_dim3A_468 : vector<16x1xi32> to vector<16xi32>
        %gather3A_470 = tpu.dynamic_gather %exp3A[%gather3A_469] in [0] : vector<16xf32>, vector<16xi32> -> vector<16xf32>
        %add3A_471 = arith.constant 2 : i32
        %add3A_472 = arith.addi %mul3A_410, %add3A_471 : i32
        %get3A_473 = arith.index_cast %add3A_472 : i32 to index
        %get3A_474 = arith.constant 0 : index
        %get3A_475 = tpu.vector_load %arg13[%get3A_473, %get3A_474] {strides = array<i32>} : memref<256x32xbf16, #tpu.memory_space<vmem>>, vector<32xbf16>,
        %bitcast3A_476 = vector.bitcast %get3A_475 : vector<32xbf16> to vector<16xi32>
        %shift_left3A_477 = arith.constant 16 : i32
        %shift_left3A_478 = vector.broadcast %shift_left3A_477 : i32 to vector<16xi32>
        %shift_left3A_479 = arith.shli %bitcast3A_476, %shift_left3A_478 : vector<16xi32>
        %bitcast3A_480 = vector.bitcast %shift_left3A_479 : vector<16xi32> to vector<16xf32>
        %and3A_481 = arith.constant -65536 : i32
        %and3A_482 = vector.broadcast %and3A_481 : i32 to vector<16xi32>
        %and3A_483 = arith.andi %bitcast3A_476, %and3A_482 : vector<16xi32>
        %bitcast3A_484 = vector.bitcast %and3A_483 : vector<16xi32> to vector<16xf32>
        %mul3A_485 = arith.mulf %bitcast3A_480, %gather3A_470 : vector<16xf32>
        %add3A_486 = arith.constant 2 : i32
        %add3A_487 = arith.addi %mul3A_410, %add3A_486 : i32
        %swap3A_488 = arith.index_cast %add3A_487 : i32 to index
        %swap3A_489 = arith.constant 0 : index
        %swap3A_490 = tpu.vector_load %arg17[%swap3A_488, %swap3A_489] {strides = array<i32>} : memref<256x32xf32, #tpu.memory_space<vmem>>, vector<16xf32>,
        tpu.vector_store %arg17[%swap3A_488, %swap3A_489], %mul3A_485 {strides = array<i32>} : memref<256x32xf32, #tpu.memory_space<vmem>>, vector<16xf32>,
        %mul3A_491 = arith.mulf %bitcast3A_484, %gather3A_470 : vector<16xf32>
        %add3A_492 = arith.constant 2 : i32
        %add3A_493 = arith.addi %mul3A_410, %add3A_492 : i32
        %swap3A_494 = arith.index_cast %add3A_493 : i32 to index
        %swap3A_495 = arith.constant 16 : index
        %swap3A_496 = tpu.vector_load %arg17[%swap3A_494, %swap3A_495] {strides = array<i32>} : memref<256x32xf32, #tpu.memory_space<vmem>>, vector<16xf32>,
        tpu.vector_store %arg17[%swap3A_494, %swap3A_495], %mul3A_491 {strides = array<i32>} : memref<256x32xf32, #tpu.memory_space<vmem>>, vector<16xf32>,
        %broadcast_in_dim3A_497 = arith.constant 3 : i32
        %broadcast_in_dim3A_498 = vector.broadcast %broadcast_in_dim3A_497 : i32 to vector<16x1xi32>
        %gather3A_499 = vector.shape_cast %broadcast_in_dim3A_498 : vector<16x1xi32> to vector<16xi32>
        %gather3A_500 = tpu.dynamic_gather %exp3A[%gather3A_499] in [0] : vector<16xf32>, vector<16xi32> -> vector<16xf32>
        %add3A_501 = arith.constant 3 : i32
        %add3A_502 = arith.addi %mul3A_410, %add3A_501 : i32
        %get3A_503 = arith.index_cast %add3A_502 : i32 to index
        %get3A_504 = arith.constant 0 : index
        %get3A_505 = tpu.vector_load %arg13[%get3A_503, %get3A_504] {strides = array<i32>} : memref<256x32xbf16, #tpu.memory_space<vmem>>, vector<32xbf16>,
        %bitcast3A_506 = vector.bitcast %get3A_505 : vector<32xbf16> to vector<16xi32>
        %shift_left3A_507 = arith.constant 16 : i32
        %shift_left3A_508 = vector.broadcast %shift_left3A_507 : i32 to vector<16xi32>
        %shift_left3A_509 = arith.shli %bitcast3A_506, %shift_left3A_508 : vector<16xi32>
        %bitcast3A_510 = vector.bitcast %shift_left3A_509 : vector<16xi32> to vector<16xf32>
        %and3A_511 = arith.constant -65536 : i32
        %and3A_512 = vector.broadcast %and3A_511 : i32 to vector<16xi32>
        %and3A_513 = arith.andi %bitcast3A_506, %and3A_512 : vector<16xi32>
        %bitcast3A_514 = vector.bitcast %and3A_513 : vector<16xi32> to vector<16xf32>
        %mul3A_515 = arith.mulf %bitcast3A_510, %gather3A_500 : vector<16xf32>
        %add3A_516 = arith.constant 3 : i32
        %add3A_517 = arith.addi %mul3A_410, %add3A_516 : i32
        %swap3A_518 = arith.index_cast %add3A_517 : i32 to index
        %swap3A_519 = arith.constant 0 : index
        %swap3A_520 = tpu.vector_load %arg17[%swap3A_518, %swap3A_519] {strides = array<i32>} : memref<256x32xf32, #tpu.memory_space<vmem>>, vector<16xf32>,
        tpu.vector_store %arg17[%swap3A_518, %swap3A_519], %mul3A_515 {strides = array<i32>} : memref<256x32xf32, #tpu.memory_space<vmem>>, vector<16xf32>,
        %mul3A_521 = arith.mulf %bitcast3A_514, %gather3A_500 : vector<16xf32>
        %add3A_522 = arith.constant 3 : i32
        %add3A_523 = arith.addi %mul3A_410, %add3A_522 : i32
        %swap3A_524 = arith.index_cast %add3A_523 : i32 to index
        %swap3A_525 = arith.constant 16 : index
        %swap3A_526 = tpu.vector_load %arg17[%swap3A_524, %swap3A_525] {strides = array<i32>} : memref<256x32xf32, #tpu.memory_space<vmem>>, vector<16xf32>,
        tpu.vector_store %arg17[%swap3A_524, %swap3A_525], %mul3A_521 {strides = array<i32>} : memref<256x32xf32, #tpu.memory_space<vmem>>, vector<16xf32>,
        %broadcast_in_dim3A_527 = arith.constant 4 : i32
        %broadcast_in_dim3A_528 = vector.broadcast %broadcast_in_dim3A_527 : i32 to vector<16x1xi32>
        %gather3A_529 = vector.shape_cast %broadcast_in_dim3A_528 : vector<16x1xi32> to vector<16xi32>
        %gather3A_530 = tpu.dynamic_gather %exp3A[%gather3A_529] in [0] : vector<16xf32>, vector<16xi32> -> vector<16xf32>
        %add3A_531 = arith.constant 4 : i32
        %add3A_532 = arith.addi %mul3A_410, %add3A_531 : i32
        %get3A_533 = arith.index_cast %add3A_532 : i32 to index
        %get3A_534 = arith.constant 0 : index
        %get3A_535 = tpu.vector_load %arg13[%get3A_533, %get3A_534] {strides = array<i32>} : memref<256x32xbf16, #tpu.memory_space<vmem>>, vector<32xbf16>,
        %bitcast3A_536 = vector.bitcast %get3A_535 : vector<32xbf16> to vector<16xi32>
        %shift_left3A_537 = arith.constant 16 : i32
        %shift_left3A_538 = vector.broadcast %shift_left3A_537 : i32 to vector<16xi32>
        %shift_left3A_539 = arith.shli %bitcast3A_536, %shift_left3A_538 : vector<16xi32>
        %bitcast3A_540 = vector.bitcast %shift_left3A_539 : vector<16xi32> to vector<16xf32>
        %and3A_541 = arith.constant -65536 : i32
        %and3A_542 = vector.broadcast %and3A_541 : i32 to vector<16xi32>
        %and3A_543 = arith.andi %bitcast3A_536, %and3A_542 : vector<16xi32>
        %bitcast3A_544 = vector.bitcast %and3A_543 : vector<16xi32> to vector<16xf32>
        %mul3A_545 = arith.mulf %bitcast3A_540, %gather3A_530 : vector<16xf32>
        %add3A_546 = arith.constant 4 : i32
        %add3A_547 = arith.addi %mul3A_410, %add3A_546 : i32
        %swap3A_548 = arith.index_cast %add3A_547 : i32 to index
        %swap3A_549 = arith.constant 0 : index
        %swap3A_550 = tpu.vector_load %arg17[%swap3A_548, %swap3A_549] {strides = array<i32>} : memref<256x32xf32, #tpu.memory_space<vmem>>, vector<16xf32>,
        tpu.vector_store %arg17[%swap3A_548, %swap3A_549], %mul3A_545 {strides = array<i32>} : memref<256x32xf32, #tpu.memory_space<vmem>>, vector<16xf32>,
        %mul3A_551 = arith.mulf %bitcast3A_544, %gather3A_530 : vector<16xf32>
        %add3A_552 = arith.constant 4 : i32
        %add3A_553 = arith.addi %mul3A_410, %add3A_552 : i32
        %swap3A_554 = arith.index_cast %add3A_553 : i32 to index
        %swap3A_555 = arith.constant 16 : index
        %swap3A_556 = tpu.vector_load %arg17[%swap3A_554, %swap3A_555] {strides = array<i32>} : memref<256x32xf32, #tpu.memory_space<vmem>>, vector<16xf32>,
        tpu.vector_store %arg17[%swap3A_554, %swap3A_555], %mul3A_551 {strides = array<i32>} : memref<256x32xf32, #tpu.memory_space<vmem>>, vector<16xf32>,
        %broadcast_in_dim3A_557 = arith.constant 5 : i32
        %broadcast_in_dim3A_558 = vector.broadcast %broadcast_in_dim3A_557 : i32 to vector<16x1xi32>
        %gather3A_559 = vector.shape_cast %broadcast_in_dim3A_558 : vector<16x1xi32> to vector<16xi32>
        %gather3A_560 = tpu.dynamic_gather %exp3A[%gather3A_559] in [0] : vector<16xf32>, vector<16xi32> -> vector<16xf32>
        %add3A_561 = arith.constant 5 : i32
        %add3A_562 = arith.addi %mul3A_410, %add3A_561 : i32
        %get3A_563 = arith.index_cast %add3A_562 : i32 to index
        %get3A_564 = arith.constant 0 : index
        %get3A_565 = tpu.vector_load %arg13[%get3A_563, %get3A_564] {strides = array<i32>} : memref<256x32xbf16, #tpu.memory_space<vmem>>, vector<32xbf16>,
        %bitcast3A_566 = vector.bitcast %get3A_565 : vector<32xbf16> to vector<16xi32>
        %shift_left3A_567 = arith.constant 16 : i32
        %shift_left3A_568 = vector.broadcast %shift_left3A_567 : i32 to vector<16xi32>
        %shift_left3A_569 = arith.shli %bitcast3A_566, %shift_left3A_568 : vector<16xi32>
        %bitcast3A_570 = vector.bitcast %shift_left3A_569 : vector<16xi32> to vector<16xf32>
        %and3A_571 = arith.constant -65536 : i32
        %and3A_572 = vector.broadcast %and3A_571 : i32 to vector<16xi32>
        %and3A_573 = arith.andi %bitcast3A_566, %and3A_572 : vector<16xi32>
        %bitcast3A_574 = vector.bitcast %and3A_573 : vector<16xi32> to vector<16xf32>
        %mul3A_575 = arith.mulf %bitcast3A_570, %gather3A_560 : vector<16xf32>
        %add3A_576 = arith.constant 5 : i32
        %add3A_577 = arith.addi %mul3A_410, %add3A_576 : i32
        %swap3A_578 = arith.index_cast %add3A_577 : i32 to index
        %swap3A_579 = arith.constant 0 : index
        %swap3A_580 = tpu.vector_load %arg17[%swap3A_578, %swap3A_579] {strides = array<i32>} : memref<256x32xf32, #tpu.memory_space<vmem>>, vector<16xf32>,
        tpu.vector_store %arg17[%swap3A_578, %swap3A_579], %mul3A_575 {strides = array<i32>} : memref<256x32xf32, #tpu.memory_space<vmem>>, vector<16xf32>,
        %mul3A_581 = arith.mulf %bitcast3A_574, %gather3A_560 : vector<16xf32>
        %add3A_582 = arith.constant 5 : i32
        %add3A_583 = arith.addi %mul3A_410, %add3A_582 : i32
        %swap3A_584 = arith.index_cast %add3A_583 : i32 to index
        %swap3A_585 = arith.constant 16 : index
        %swap3A_586 = tpu.vector_load %arg17[%swap3A_584, %swap3A_585] {strides = array<i32>} : memref<256x32xf32, #tpu.memory_space<vmem>>, vector<16xf32>,
        tpu.vector_store %arg17[%swap3A_584, %swap3A_585], %mul3A_581 {strides = array<i32>} : memref<256x32xf32, #tpu.memory_space<vmem>>, vector<16xf32>,
        %broadcast_in_dim3A_587 = arith.constant 6 : i32
        %broadcast_in_dim3A_588 = vector.broadcast %broadcast_in_dim3A_587 : i32 to vector<16x1xi32>
        %gather3A_589 = vector.shape_cast %broadcast_in_dim3A_588 : vector<16x1xi32> to vector<16xi32>
        %gather3A_590 = tpu.dynamic_gather %exp3A[%gather3A_589] in [0] : vector<16xf32>, vector<16xi32> -> vector<16xf32>
        %add3A_591 = arith.constant 6 : i32
        %add3A_592 = arith.addi %mul3A_410, %add3A_591 : i32
        %get3A_593 = arith.index_cast %add3A_592 : i32 to index
        %get3A_594 = arith.constant 0 : index
        %get3A_595 = tpu.vector_load %arg13[%get3A_593, %get3A_594] {strides = array<i32>} : memref<256x32xbf16, #tpu.memory_space<vmem>>, vector<32xbf16>,
        %bitcast3A_596 = vector.bitcast %get3A_595 : vector<32xbf16> to vector<16xi32>
        %shift_left3A_597 = arith.constant 16 : i32
        %shift_left3A_598 = vector.broadcast %shift_left3A_597 : i32 to vector<16xi32>
        %shift_left3A_599 = arith.shli %bitcast3A_596, %shift_left3A_598 : vector<16xi32>
        %bitcast3A_600 = vector.bitcast %shift_left3A_599 : vector<16xi32> to vector<16xf32>
        %and3A_601 = arith.constant -65536 : i32
        %and3A_602 = vector.broadcast %and3A_601 : i32 to vector<16xi32>
        %and3A_603 = arith.andi %bitcast3A_596, %and3A_602 : vector<16xi32>
        %bitcast3A_604 = vector.bitcast %and3A_603 : vector<16xi32> to vector<16xf32>
        %mul3A_605 = arith.mulf %bitcast3A_600, %gather3A_590 : vector<16xf32>
        %add3A_606 = arith.constant 6 : i32
        %add3A_607 = arith.addi %mul3A_410, %add3A_606 : i32
        %swap3A_608 = arith.index_cast %add3A_607 : i32 to index
        %swap3A_609 = arith.constant 0 : index
        %swap3A_610 = tpu.vector_load %arg17[%swap3A_608, %swap3A_609] {strides = array<i32>} : memref<256x32xf32, #tpu.memory_space<vmem>>, vector<16xf32>,
        tpu.vector_store %arg17[%swap3A_608, %swap3A_609], %mul3A_605 {strides = array<i32>} : memref<256x32xf32, #tpu.memory_space<vmem>>, vector<16xf32>,
        %mul3A_611 = arith.mulf %bitcast3A_604, %gather3A_590 : vector<16xf32>
        %add3A_612 = arith.constant 6 : i32
        %add3A_613 = arith.addi %mul3A_410, %add3A_612 : i32
        %swap3A_614 = arith.index_cast %add3A_613 : i32 to index
        %swap3A_615 = arith.constant 16 : index
        %swap3A_616 = tpu.vector_load %arg17[%swap3A_614, %swap3A_615] {strides = array<i32>} : memref<256x32xf32, #tpu.memory_space<vmem>>, vector<16xf32>,
        tpu.vector_store %arg17[%swap3A_614, %swap3A_615], %mul3A_611 {strides = array<i32>} : memref<256x32xf32, #tpu.memory_space<vmem>>, vector<16xf32>,
        %broadcast_in_dim3A_617 = arith.constant 7 : i32
        %broadcast_in_dim3A_618 = vector.broadcast %broadcast_in_dim3A_617 : i32 to vector<16x1xi32>
        %gather3A_619 = vector.shape_cast %broadcast_in_dim3A_618 : vector<16x1xi32> to vector<16xi32>
        %gather3A_620 = tpu.dynamic_gather %exp3A[%gather3A_619] in [0] : vector<16xf32>, vector<16xi32> -> vector<16xf32>
        %add3A_621 = arith.constant 7 : i32
        %add3A_622 = arith.addi %mul3A_410, %add3A_621 : i32
        %get3A_623 = arith.index_cast %add3A_622 : i32 to index
        %get3A_624 = arith.constant 0 : index
        %get3A_625 = tpu.vector_load %arg13[%get3A_623, %get3A_624] {strides = array<i32>} : memref<256x32xbf16, #tpu.memory_space<vmem>>, vector<32xbf16>,
        %bitcast3A_626 = vector.bitcast %get3A_625 : vector<32xbf16> to vector<16xi32>
        %shift_left3A_627 = arith.constant 16 : i32
        %shift_left3A_628 = vector.broadcast %shift_left3A_627 : i32 to vector<16xi32>
        %shift_left3A_629 = arith.shli %bitcast3A_626, %shift_left3A_628 : vector<16xi32>
        %bitcast3A_630 = vector.bitcast %shift_left3A_629 : vector<16xi32> to vector<16xf32>
        %and3A_631 = arith.constant -65536 : i32
        %and3A_632 = vector.broadcast %and3A_631 : i32 to vector<16xi32>
        %and3A_633 = arith.andi %bitcast3A_626, %and3A_632 : vector<16xi32>
        %bitcast3A_634 = vector.bitcast %and3A_633 : vector<16xi32> to vector<16xf32>
        %mul3A_635 = arith.mulf %bitcast3A_630, %gather3A_620 : vector<16xf32>
        %add3A_636 = arith.constant 7 : i32
        %add3A_637 = arith.addi %mul3A_410, %add3A_636 : i32
        %swap3A_638 = arith.index_cast %add3A_637 : i32 to index
        %swap3A_639 = arith.constant 0 : index
        %swap3A_640 = tpu.vector_load %arg17[%swap3A_638, %swap3A_639] {strides = array<i32>} : memref<256x32xf32, #tpu.memory_space<vmem>>, vector<16xf32>,
        tpu.vector_store %arg17[%swap3A_638, %swap3A_639], %mul3A_635 {strides = array<i32>} : memref<256x32xf32, #tpu.memory_space<vmem>>, vector<16xf32>,
        %mul3A_641 = arith.mulf %bitcast3A_634, %gather3A_620 : vector<16xf32>
        %add3A_642 = arith.constant 7 : i32
        %add3A_643 = arith.addi %mul3A_410, %add3A_642 : i32
        %swap3A_644 = arith.index_cast %add3A_643 : i32 to index
        %swap3A_645 = arith.constant 16 : index
        %swap3A_646 = tpu.vector_load %arg17[%swap3A_644, %swap3A_645] {strides = array<i32>} : memref<256x32xf32, #tpu.memory_space<vmem>>, vector<16xf32>,
        tpu.vector_store %arg17[%swap3A_644, %swap3A_645], %mul3A_641 {strides = array<i32>} : memref<256x32xf32, #tpu.memory_space<vmem>>, vector<16xf32>,
        %broadcast_in_dim3A_647 = arith.constant 8 : i32
        %broadcast_in_dim3A_648 = vector.broadcast %broadcast_in_dim3A_647 : i32 to vector<16x1xi32>
        %gather3A_649 = vector.shape_cast %broadcast_in_dim3A_648 : vector<16x1xi32> to vector<16xi32>
        %gather3A_650 = tpu.dynamic_gather %exp3A[%gather3A_649] in [0] : vector<16xf32>, vector<16xi32> -> vector<16xf32>
        %add3A_651 = arith.constant 8 : i32
        %add3A_652 = arith.addi %mul3A_410, %add3A_651 : i32
        %get3A_653 = arith.index_cast %add3A_652 : i32 to index
        %get3A_654 = arith.constant 0 : index
        %get3A_655 = tpu.vector_load %arg13[%get3A_653, %get3A_654] {strides = array<i32>} : memref<256x32xbf16, #tpu.memory_space<vmem>>, vector<32xbf16>,
        %bitcast3A_656 = vector.bitcast %get3A_655 : vector<32xbf16> to vector<16xi32>
        %shift_left3A_657 = arith.constant 16 : i32
        %shift_left3A_658 = vector.broadcast %shift_left3A_657 : i32 to vector<16xi32>
        %shift_left3A_659 = arith.shli %bitcast3A_656, %shift_left3A_658 : vector<16xi32>
        %bitcast3A_660 = vector.bitcast %shift_left3A_659 : vector<16xi32> to vector<16xf32>
        %and3A_661 = arith.constant -65536 : i32
        %and3A_662 = vector.broadcast %and3A_661 : i32 to vector<16xi32>
        %and3A_663 = arith.andi %bitcast3A_656, %and3A_662 : vector<16xi32>
        %bitcast3A_664 = vector.bitcast %and3A_663 : vector<16xi32> to vector<16xf32>
        %mul3A_665 = arith.mulf %bitcast3A_660, %gather3A_650 : vector<16xf32>
        %add3A_666 = arith.constant 8 : i32
        %add3A_667 = arith.addi %mul3A_410, %add3A_666 : i32
        %swap3A_668 = arith.index_cast %add3A_667 : i32 to index
        %swap3A_669 = arith.constant 0 : index
        %swap3A_670 = tpu.vector_load %arg17[%swap3A_668, %swap3A_669] {strides = array<i32>} : memref<256x32xf32, #tpu.memory_space<vmem>>, vector<16xf32>,
        tpu.vector_store %arg17[%swap3A_668, %swap3A_669], %mul3A_665 {strides = array<i32>} : memref<256x32xf32, #tpu.memory_space<vmem>>, vector<16xf32>,
        %mul3A_671 = arith.mulf %bitcast3A_664, %gather3A_650 : vector<16xf32>
        %add3A_672 = arith.constant 8 : i32
        %add3A_673 = arith.addi %mul3A_410, %add3A_672 : i32
        %swap3A_674 = arith.index_cast %add3A_673 : i32 to index
        %swap3A_675 = arith.constant 16 : index
        %swap3A_676 = tpu.vector_load %arg17[%swap3A_674, %swap3A_675] {strides = array<i32>} : memref<256x32xf32, #tpu.memory_space<vmem>>, vector<16xf32>,
        tpu.vector_store %arg17[%swap3A_674, %swap3A_675], %mul3A_671 {strides = array<i32>} : memref<256x32xf32, #tpu.memory_space<vmem>>, vector<16xf32>,
        %broadcast_in_dim3A_677 = arith.constant 9 : i32
        %broadcast_in_dim3A_678 = vector.broadcast %broadcast_in_dim3A_677 : i32 to vector<16x1xi32>
        %gather3A_679 = vector.shape_cast %broadcast_in_dim3A_678 : vector<16x1xi32> to vector<16xi32>
        %gather3A_680 = tpu.dynamic_gather %exp3A[%gather3A_679] in [0] : vector<16xf32>, vector<16xi32> -> vector<16xf32>
        %add3A_681 = arith.constant 9 : i32
        %add3A_682 = arith.addi %mul3A_410, %add3A_681 : i32
        %get3A_683 = arith.index_cast %add3A_682 : i32 to index
        %get3A_684 = arith.constant 0 : index
        %get3A_685 = tpu.vector_load %arg13[%get3A_683, %get3A_684] {strides = array<i32>} : memref<256x32xbf16, #tpu.memory_space<vmem>>, vector<32xbf16>,
        %bitcast3A_686 = vector.bitcast %get3A_685 : vector<32xbf16> to vector<16xi32>
        %shift_left3A_687 = arith.constant 16 : i32
        %shift_left3A_688 = vector.broadcast %shift_left3A_687 : i32 to vector<16xi32>
        %shift_left3A_689 = arith.shli %bitcast3A_686, %shift_left3A_688 : vector<16xi32>
        %bitcast3A_690 = vector.bitcast %shift_left3A_689 : vector<16xi32> to vector<16xf32>
        %and3A_691 = arith.constant -65536 : i32
        %and3A_692 = vector.broadcast %and3A_691 : i32 to vector<16xi32>
        %and3A_693 = arith.andi %bitcast3A_686, %and3A_692 : vector<16xi32>
        %bitcast3A_694 = vector.bitcast %and3A_693 : vector<16xi32> to vector<16xf32>
        %mul3A_695 = arith.mulf %bitcast3A_690, %gather3A_680 : vector<16xf32>
        %add3A_696 = arith.constant 9 : i32
        %add3A_697 = arith.addi %mul3A_410, %add3A_696 : i32
        %swap3A_698 = arith.index_cast %add3A_697 : i32 to index
        %swap3A_699 = arith.constant 0 : index
        %swap3A_700 = tpu.vector_load %arg17[%swap3A_698, %swap3A_699] {strides = array<i32>} : memref<256x32xf32, #tpu.memory_space<vmem>>, vector<16xf32>,
        tpu.vector_store %arg17[%swap3A_698, %swap3A_699], %mul3A_695 {strides = array<i32>} : memref<256x32xf32, #tpu.memory_space<vmem>>, vector<16xf32>,
        %mul3A_701 = arith.mulf %bitcast3A_694, %gather3A_680 : vector<16xf32>
        %add3A_702 = arith.constant 9 : i32
        %add3A_703 = arith.addi %mul3A_410, %add3A_702 : i32
        %swap3A_704 = arith.index_cast %add3A_703 : i32 to index
        %swap3A_705 = arith.constant 16 : index
        %swap3A_706 = tpu.vector_load %arg17[%swap3A_704, %swap3A_705] {strides = array<i32>} : memref<256x32xf32, #tpu.memory_space<vmem>>, vector<16xf32>,
        tpu.vector_store %arg17[%swap3A_704, %swap3A_705], %mul3A_701 {strides = array<i32>} : memref<256x32xf32, #tpu.memory_space<vmem>>, vector<16xf32>,
        %broadcast_in_dim3A_707 = arith.constant 10 : i32
        %broadcast_in_dim3A_708 = vector.broadcast %broadcast_in_dim3A_707 : i32 to vector<16x1xi32>
        %gather3A_709 = vector.shape_cast %broadcast_in_dim3A_708 : vector<16x1xi32> to vector<16xi32>
        %gather3A_710 = tpu.dynamic_gather %exp3A[%gather3A_709] in [0] : vector<16xf32>, vector<16xi32> -> vector<16xf32>
        %add3A_711 = arith.constant 10 : i32
        %add3A_712 = arith.addi %mul3A_410, %add3A_711 : i32
        %get3A_713 = arith.index_cast %add3A_712 : i32 to index
        %get3A_714 = arith.constant 0 : index
        %get3A_715 = tpu.vector_load %arg13[%get3A_713, %get3A_714] {strides = array<i32>} : memref<256x32xbf16, #tpu.memory_space<vmem>>, vector<32xbf16>,
        %bitcast3A_716 = vector.bitcast %get3A_715 : vector<32xbf16> to vector<16xi32>
        %shift_left3A_717 = arith.constant 16 : i32
        %shift_left3A_718 = vector.broadcast %shift_left3A_717 : i32 to vector<16xi32>
        %shift_left3A_719 = arith.shli %bitcast3A_716, %shift_left3A_718 : vector<16xi32>
        %bitcast3A_720 = vector.bitcast %shift_left3A_719 : vector<16xi32> to vector<16xf32>
        %and3A_721 = arith.constant -65536 : i32
        %and3A_722 = vector.broadcast %and3A_721 : i32 to vector<16xi32>
        %and3A_723 = arith.andi %bitcast3A_716, %and3A_722 : vector<16xi32>
        %bitcast3A_724 = vector.bitcast %and3A_723 : vector<16xi32> to vector<16xf32>
        %mul3A_725 = arith.mulf %bitcast3A_720, %gather3A_710 : vector<16xf32>
        %add3A_726 = arith.constant 10 : i32
        %add3A_727 = arith.addi %mul3A_410, %add3A_726 : i32
        %swap3A_728 = arith.index_cast %add3A_727 : i32 to index
        %swap3A_729 = arith.constant 0 : index
        %swap3A_730 = tpu.vector_load %arg17[%swap3A_728, %swap3A_729] {strides = array<i32>} : memref<256x32xf32, #tpu.memory_space<vmem>>, vector<16xf32>,
        tpu.vector_store %arg17[%swap3A_728, %swap3A_729], %mul3A_725 {strides = array<i32>} : memref<256x32xf32, #tpu.memory_space<vmem>>, vector<16xf32>,
        %mul3A_731 = arith.mulf %bitcast3A_724, %gather3A_710 : vector<16xf32>
        %add3A_732 = arith.constant 10 : i32
        %add3A_733 = arith.addi %mul3A_410, %add3A_732 : i32
        %swap3A_734 = arith.index_cast %add3A_733 : i32 to index
        %swap3A_735 = arith.constant 16 : index
        %swap3A_736 = tpu.vector_load %arg17[%swap3A_734, %swap3A_735] {strides = array<i32>} : memref<256x32xf32, #tpu.memory_space<vmem>>, vector<16xf32>,
        tpu.vector_store %arg17[%swap3A_734, %swap3A_735], %mul3A_731 {strides = array<i32>} : memref<256x32xf32, #tpu.memory_space<vmem>>, vector<16xf32>,
        %broadcast_in_dim3A_737 = arith.constant 11 : i32
        %broadcast_in_dim3A_738 = vector.broadcast %broadcast_in_dim3A_737 : i32 to vector<16x1xi32>
        %gather3A_739 = vector.shape_cast %broadcast_in_dim3A_738 : vector<16x1xi32> to vector<16xi32>
        %gather3A_740 = tpu.dynamic_gather %exp3A[%gather3A_739] in [0] : vector<16xf32>, vector<16xi32> -> vector<16xf32>
        %add3A_741 = arith.constant 11 : i32
        %add3A_742 = arith.addi %mul3A_410, %add3A_741 : i32
        %get3A_743 = arith.index_cast %add3A_742 : i32 to index
        %get3A_744 = arith.constant 0 : index
        %get3A_745 = tpu.vector_load %arg13[%get3A_743, %get3A_744] {strides = array<i32>} : memref<256x32xbf16, #tpu.memory_space<vmem>>, vector<32xbf16>,
        %bitcast3A_746 = vector.bitcast %get3A_745 : vector<32xbf16> to vector<16xi32>
        %shift_left3A_747 = arith.constant 16 : i32
        %shift_left3A_748 = vector.broadcast %shift_left3A_747 : i32 to vector<16xi32>
        %shift_left3A_749 = arith.shli %bitcast3A_746, %shift_left3A_748 : vector<16xi32>
        %bitcast3A_750 = vector.bitcast %shift_left3A_749 : vector<16xi32> to vector<16xf32>
        %and3A_751 = arith.constant -65536 : i32
        %and3A_752 = vector.broadcast %and3A_751 : i32 to vector<16xi32>
        %and3A_753 = arith.andi %bitcast3A_746, %and3A_752 : vector<16xi32>
        %bitcast3A_754 = vector.bitcast %and3A_753 : vector<16xi32> to vector<16xf32>
        %mul3A_755 = arith.mulf %bitcast3A_750, %gather3A_740 : vector<16xf32>
        %add3A_756 = arith.constant 11 : i32
        %add3A_757 = arith.addi %mul3A_410, %add3A_756 : i32
        %swap3A_758 = arith.index_cast %add3A_757 : i32 to index
        %swap3A_759 = arith.constant 0 : index
        %swap3A_760 = tpu.vector_load %arg17[%swap3A_758, %swap3A_759] {strides = array<i32>} : memref<256x32xf32, #tpu.memory_space<vmem>>, vector<16xf32>,
        tpu.vector_store %arg17[%swap3A_758, %swap3A_759], %mul3A_755 {strides = array<i32>} : memref<256x32xf32, #tpu.memory_space<vmem>>, vector<16xf32>,
        %mul3A_761 = arith.mulf %bitcast3A_754, %gather3A_740 : vector<16xf32>
        %add3A_762 = arith.constant 11 : i32
        %add3A_763 = arith.addi %mul3A_410, %add3A_762 : i32
        %swap3A_764 = arith.index_cast %add3A_763 : i32 to index
        %swap3A_765 = arith.constant 16 : index
        %swap3A_766 = tpu.vector_load %arg17[%swap3A_764, %swap3A_765] {strides = array<i32>} : memref<256x32xf32, #tpu.memory_space<vmem>>, vector<16xf32>,
        tpu.vector_store %arg17[%swap3A_764, %swap3A_765], %mul3A_761 {strides = array<i32>} : memref<256x32xf32, #tpu.memory_space<vmem>>, vector<16xf32>,
        %broadcast_in_dim3A_767 = arith.constant 12 : i32
        %broadcast_in_dim3A_768 = vector.broadcast %broadcast_in_dim3A_767 : i32 to vector<16x1xi32>
        %gather3A_769 = vector.shape_cast %broadcast_in_dim3A_768 : vector<16x1xi32> to vector<16xi32>
        %gather3A_770 = tpu.dynamic_gather %exp3A[%gather3A_769] in [0] : vector<16xf32>, vector<16xi32> -> vector<16xf32>
        %add3A_771 = arith.constant 12 : i32
        %add3A_772 = arith.addi %mul3A_410, %add3A_771 : i32
        %get3A_773 = arith.index_cast %add3A_772 : i32 to index
        %get3A_774 = arith.constant 0 : index
        %get3A_775 = tpu.vector_load %arg13[%get3A_773, %get3A_774] {strides = array<i32>} : memref<256x32xbf16, #tpu.memory_space<vmem>>, vector<32xbf16>,
        %bitcast3A_776 = vector.bitcast %get3A_775 : vector<32xbf16> to vector<16xi32>
        %shift_left3A_777 = arith.constant 16 : i32
        %shift_left3A_778 = vector.broadcast %shift_left3A_777 : i32 to vector<16xi32>
        %shift_left3A_779 = arith.shli %bitcast3A_776, %shift_left3A_778 : vector<16xi32>
        %bitcast3A_780 = vector.bitcast %shift_left3A_779 : vector<16xi32> to vector<16xf32>
        %and3A_781 = arith.constant -65536 : i32
        %and3A_782 = vector.broadcast %and3A_781 : i32 to vector<16xi32>
        %and3A_783 = arith.andi %bitcast3A_776, %and3A_782 : vector<16xi32>
        %bitcast3A_784 = vector.bitcast %and3A_783 : vector<16xi32> to vector<16xf32>
        %mul3A_785 = arith.mulf %bitcast3A_780, %gather3A_770 : vector<16xf32>
        %add3A_786 = arith.constant 12 : i32
        %add3A_787 = arith.addi %mul3A_410, %add3A_786 : i32
        %swap3A_788 = arith.index_cast %add3A_787 : i32 to index
        %swap3A_789 = arith.constant 0 : index
        %swap3A_790 = tpu.vector_load %arg17[%swap3A_788, %swap3A_789] {strides = array<i32>} : memref<256x32xf32, #tpu.memory_space<vmem>>, vector<16xf32>,
        tpu.vector_store %arg17[%swap3A_788, %swap3A_789], %mul3A_785 {strides = array<i32>} : memref<256x32xf32, #tpu.memory_space<vmem>>, vector<16xf32>,
        %mul3A_791 = arith.mulf %bitcast3A_784, %gather3A_770 : vector<16xf32>
        %add3A_792 = arith.constant 12 : i32
        %add3A_793 = arith.addi %mul3A_410, %add3A_792 : i32
        %swap3A_794 = arith.index_cast %add3A_793 : i32 to index
        %swap3A_795 = arith.constant 16 : index
        %swap3A_796 = tpu.vector_load %arg17[%swap3A_794, %swap3A_795] {strides = array<i32>} : memref<256x32xf32, #tpu.memory_space<vmem>>, vector<16xf32>,
        tpu.vector_store %arg17[%swap3A_794, %swap3A_795], %mul3A_791 {strides = array<i32>} : memref<256x32xf32, #tpu.memory_space<vmem>>, vector<16xf32>,
        %broadcast_in_dim3A_797 = arith.constant 13 : i32
        %broadcast_in_dim3A_798 = vector.broadcast %broadcast_in_dim3A_797 : i32 to vector<16x1xi32>
        %gather3A_799 = vector.shape_cast %broadcast_in_dim3A_798 : vector<16x1xi32> to vector<16xi32>
        %gather3A_800 = tpu.dynamic_gather %exp3A[%gather3A_799] in [0] : vector<16xf32>, vector<16xi32> -> vector<16xf32>
        %add3A_801 = arith.constant 13 : i32
        %add3A_802 = arith.addi %mul3A_410, %add3A_801 : i32
        %get3A_803 = arith.index_cast %add3A_802 : i32 to index
        %get3A_804 = arith.constant 0 : index
        %get3A_805 = tpu.vector_load %arg13[%get3A_803, %get3A_804] {strides = array<i32>} : memref<256x32xbf16, #tpu.memory_space<vmem>>, vector<32xbf16>,
        %bitcast3A_806 = vector.bitcast %get3A_805 : vector<32xbf16> to vector<16xi32>
        %shift_left3A_807 = arith.constant 16 : i32
        %shift_left3A_808 = vector.broadcast %shift_left3A_807 : i32 to vector<16xi32>
        %shift_left3A_809 = arith.shli %bitcast3A_806, %shift_left3A_808 : vector<16xi32>
        %bitcast3A_810 = vector.bitcast %shift_left3A_809 : vector<16xi32> to vector<16xf32>
        %and3A_811 = arith.constant -65536 : i32
        %and3A_812 = vector.broadcast %and3A_811 : i32 to vector<16xi32>
        %and3A_813 = arith.andi %bitcast3A_806, %and3A_812 : vector<16xi32>
        %bitcast3A_814 = vector.bitcast %and3A_813 : vector<16xi32> to vector<16xf32>
        %mul3A_815 = arith.mulf %bitcast3A_810, %gather3A_800 : vector<16xf32>
        %add3A_816 = arith.constant 13 : i32
        %add3A_817 = arith.addi %mul3A_410, %add3A_816 : i32
        %swap3A_818 = arith.index_cast %add3A_817 : i32 to index
        %swap3A_819 = arith.constant 0 : index
        %swap3A_820 = tpu.vector_load %arg17[%swap3A_818, %swap3A_819] {strides = array<i32>} : memref<256x32xf32, #tpu.memory_space<vmem>>, vector<16xf32>,
        tpu.vector_store %arg17[%swap3A_818, %swap3A_819], %mul3A_815 {strides = array<i32>} : memref<256x32xf32, #tpu.memory_space<vmem>>, vector<16xf32>,
        %mul3A_821 = arith.mulf %bitcast3A_814, %gather3A_800 : vector<16xf32>
        %add3A_822 = arith.constant 13 : i32
        %add3A_823 = arith.addi %mul3A_410, %add3A_822 : i32
        %swap3A_824 = arith.index_cast %add3A_823 : i32 to index
        %swap3A_825 = arith.constant 16 : index
        %swap3A_826 = tpu.vector_load %arg17[%swap3A_824, %swap3A_825] {strides = array<i32>} : memref<256x32xf32, #tpu.memory_space<vmem>>, vector<16xf32>,
        tpu.vector_store %arg17[%swap3A_824, %swap3A_825], %mul3A_821 {strides = array<i32>} : memref<256x32xf32, #tpu.memory_space<vmem>>, vector<16xf32>,
        %broadcast_in_dim3A_827 = arith.constant 14 : i32
        %broadcast_in_dim3A_828 = vector.broadcast %broadcast_in_dim3A_827 : i32 to vector<16x1xi32>
        %gather3A_829 = vector.shape_cast %broadcast_in_dim3A_828 : vector<16x1xi32> to vector<16xi32>
        %gather3A_830 = tpu.dynamic_gather %exp3A[%gather3A_829] in [0] : vector<16xf32>, vector<16xi32> -> vector<16xf32>
        %add3A_831 = arith.constant 14 : i32
        %add3A_832 = arith.addi %mul3A_410, %add3A_831 : i32
        %get3A_833 = arith.index_cast %add3A_832 : i32 to index
        %get3A_834 = arith.constant 0 : index
        %get3A_835 = tpu.vector_load %arg13[%get3A_833, %get3A_834] {strides = array<i32>} : memref<256x32xbf16, #tpu.memory_space<vmem>>, vector<32xbf16>,
        %bitcast3A_836 = vector.bitcast %get3A_835 : vector<32xbf16> to vector<16xi32>
        %shift_left3A_837 = arith.constant 16 : i32
        %shift_left3A_838 = vector.broadcast %shift_left3A_837 : i32 to vector<16xi32>
        %shift_left3A_839 = arith.shli %bitcast3A_836, %shift_left3A_838 : vector<16xi32>
        %bitcast3A_840 = vector.bitcast %shift_left3A_839 : vector<16xi32> to vector<16xf32>
        %and3A_841 = arith.constant -65536 : i32
        %and3A_842 = vector.broadcast %and3A_841 : i32 to vector<16xi32>
        %and3A_843 = arith.andi %bitcast3A_836, %and3A_842 : vector<16xi32>
        %bitcast3A_844 = vector.bitcast %and3A_843 : vector<16xi32> to vector<16xf32>
        %mul3A_845 = arith.mulf %bitcast3A_840, %gather3A_830 : vector<16xf32>
        %add3A_846 = arith.constant 14 : i32
        %add3A_847 = arith.addi %mul3A_410, %add3A_846 : i32
        %swap3A_848 = arith.index_cast %add3A_847 : i32 to index
        %swap3A_849 = arith.constant 0 : index
        %swap3A_850 = tpu.vector_load %arg17[%swap3A_848, %swap3A_849] {strides = array<i32>} : memref<256x32xf32, #tpu.memory_space<vmem>>, vector<16xf32>,
        tpu.vector_store %arg17[%swap3A_848, %swap3A_849], %mul3A_845 {strides = array<i32>} : memref<256x32xf32, #tpu.memory_space<vmem>>, vector<16xf32>,
        %mul3A_851 = arith.mulf %bitcast3A_844, %gather3A_830 : vector<16xf32>
        %add3A_852 = arith.constant 14 : i32
        %add3A_853 = arith.addi %mul3A_410, %add3A_852 : i32
        %swap3A_854 = arith.index_cast %add3A_853 : i32 to index
        %swap3A_855 = arith.constant 16 : index
        %swap3A_856 = tpu.vector_load %arg17[%swap3A_854, %swap3A_855] {strides = array<i32>} : memref<256x32xf32, #tpu.memory_space<vmem>>, vector<16xf32>,
        tpu.vector_store %arg17[%swap3A_854, %swap3A_855], %mul3A_851 {strides = array<i32>} : memref<256x32xf32, #tpu.memory_space<vmem>>, vector<16xf32>,
        %broadcast_in_dim3A_857 = arith.constant 15 : i32
        %broadcast_in_dim3A_858 = vector.broadcast %broadcast_in_dim3A_857 : i32 to vector<16x1xi32>
        %gather3A_859 = vector.shape_cast %broadcast_in_dim3A_858 : vector<16x1xi32> to vector<16xi32>
        %gather3A_860 = tpu.dynamic_gather %exp3A[%gather3A_859] in [0] : vector<16xf32>, vector<16xi32> -> vector<16xf32>
        %add3A_861 = arith.constant 15 : i32
        %add3A_862 = arith.addi %mul3A_410, %add3A_861 : i32
        %get3A_863 = arith.index_cast %add3A_862 : i32 to index
        %get3A_864 = arith.constant 0 : index
        %get3A_865 = tpu.vector_load %arg13[%get3A_863, %get3A_864] {strides = array<i32>} : memref<256x32xbf16, #tpu.memory_space<vmem>>, vector<32xbf16>,
        %bitcast3A_866 = vector.bitcast %get3A_865 : vector<32xbf16> to vector<16xi32>
        %shift_left3A_867 = arith.constant 16 : i32
        %shift_left3A_868 = vector.broadcast %shift_left3A_867 : i32 to vector<16xi32>
        %shift_left3A_869 = arith.shli %bitcast3A_866, %shift_left3A_868 : vector<16xi32>
        %bitcast3A_870 = vector.bitcast %shift_left3A_869 : vector<16xi32> to vector<16xf32>
        %and3A_871 = arith.constant -65536 : i32
        %and3A_872 = vector.broadcast %and3A_871 : i32 to vector<16xi32>
        %and3A_873 = arith.andi %bitcast3A_866, %and3A_872 : vector<16xi32>
        %bitcast3A_874 = vector.bitcast %and3A_873 : vector<16xi32> to vector<16xf32>
        %mul3A_875 = arith.mulf %bitcast3A_870, %gather3A_860 : vector<16xf32>
        %add3A_876 = arith.constant 15 : i32
        %add3A_877 = arith.addi %mul3A_410, %add3A_876 : i32
        %swap3A_878 = arith.index_cast %add3A_877 : i32 to index
        %swap3A_879 = arith.constant 0 : index
        %swap3A_880 = tpu.vector_load %arg17[%swap3A_878, %swap3A_879] {strides = array<i32>} : memref<256x32xf32, #tpu.memory_space<vmem>>, vector<16xf32>,
        tpu.vector_store %arg17[%swap3A_878, %swap3A_879], %mul3A_875 {strides = array<i32>} : memref<256x32xf32, #tpu.memory_space<vmem>>, vector<16xf32>,
        %mul3A_881 = arith.mulf %bitcast3A_874, %gather3A_860 : vector<16xf32>
        %add3A_882 = arith.constant 15 : i32
        %add3A_883 = arith.addi %mul3A_410, %add3A_882 : i32
        %swap3A_884 = arith.index_cast %add3A_883 : i32 to index
        %swap3A_885 = arith.constant 16 : index
        %swap3A_886 = tpu.vector_load %arg17[%swap3A_884, %swap3A_885] {strides = array<i32>} : memref<256x32xf32, #tpu.memory_space<vmem>>, vector<16xf32>,
        tpu.vector_store %arg17[%swap3A_884, %swap3A_885], %mul3A_881 {strides = array<i32>} : memref<256x32xf32, #tpu.memory_space<vmem>>, vector<16xf32>,
      }
      %scan3A_133 = arith.constant 16 : i32
      %mul3A_134 = arith.constant 2 : i32
      %mul3A_135 = arith.muli %add3A_103, %mul3A_134 : i32
      %add3A_136 = arith.constant 0 : i32
      %add3A_137 = arith.addi %mul3A_135, %add3A_136 : i32
      %dma_start3A_138 = arith.constant 0 : i32
      %dma_start3A_139 = arith.constant 0 : i32
      %dma_start3A_140 = tpu.memref_slice %arg17[%dma_start3A_138, %dma_start3A_139] : memref<256x32xf32, #tpu.memory_space<vmem>> -> memref<128x32xf32, #tpu.memory_space<vmem>>
      %dma_start3A_141 = arith.constant 0 : i32
      %dma_start3A_142 = tpu.memref_slice %arg12[%add3A_137, %dma_start3A_141] : memref<160x128xi32, #tpu.memory_space<vmem>> -> memref<1x128xi32, #tpu.memory_space<vmem>>
      %dma_start3A_143 = tpu.memref_squeeze %dma_start3A_142 : memref<1x128xi32, #tpu.memory_space<vmem>> -> memref<128xi32, #tpu.memory_space<vmem>>
      %dma_start3A_144 = arith.constant 0 : i32
      %dma_start3A_145 = arith.constant 0 : i32
      %dma_start3A_146 = tpu.memref_slice %arg19[%dma_start3A_144, %dma_start3A_145] : memref<10112x32xf32, #tpu.memory_space<vmem_shared>> -> memref<10112x32xf32, #tpu.memory_space<vmem_shared>>
      tpu.enqueue_indirect_dma source(%dma_start3A_140 : memref<128x32xf32, #tpu.memory_space<vmem>>) target(%dma_start3A_146 : memref<10112x32xf32, #tpu.memory_space<vmem_shared>>) offsets(%dma_start3A_143 : memref<128xi32, #tpu.memory_space<vmem>>) semaphore(%arg24 : memref<!tpu.dma_semaphore, #tpu.memory_space<semaphore_mem>>) {add = true}
      %mul3A_147 = arith.constant 2 : i32
      %mul3A_148 = arith.muli %add3A_103, %mul3A_147 : i32
      %add3A_149 = arith.constant 1 : i32
      %add3A_150 = arith.addi %mul3A_148, %add3A_149 : i32
      %dma_start3A_151 = arith.constant 128 : i32
      %dma_start3A_152 = arith.constant 0 : i32
      %dma_start3A_153 = tpu.memref_slice %arg17[%dma_start3A_151, %dma_start3A_152] : memref<256x32xf32, #tpu.memory_space<vmem>> -> memref<128x32xf32, #tpu.memory_space<vmem>>
      %dma_start3A_154 = arith.constant 0 : i32
      %dma_start3A_155 = tpu.memref_slice %arg12[%add3A_150, %dma_start3A_154] : memref<160x128xi32, #tpu.memory_space<vmem>> -> memref<1x128xi32, #tpu.memory_space<vmem>>
      %dma_start3A_156 = tpu.memref_squeeze %dma_start3A_155 : memref<1x128xi32, #tpu.memory_space<vmem>> -> memref<128xi32, #tpu.memory_space<vmem>>
      %dma_start3A_157 = arith.constant 0 : i32
      %dma_start3A_158 = arith.constant 0 : i32
      %dma_start3A_159 = tpu.memref_slice %arg19[%dma_start3A_157, %dma_start3A_158] : memref<10112x32xf32, #tpu.memory_space<vmem_shared>> -> memref<10112x32xf32, #tpu.memory_space<vmem_shared>>
      tpu.enqueue_indirect_dma source(%dma_start3A_153 : memref<128x32xf32, #tpu.memory_space<vmem>>) target(%dma_start3A_159 : memref<10112x32xf32, #tpu.memory_space<vmem_shared>>) offsets(%dma_start3A_156 : memref<128xi32, #tpu.memory_space<vmem>>) semaphore(%arg24 : memref<!tpu.dma_semaphore, #tpu.memory_space<semaphore_mem>>) {add = true}
      %add3A_160 = arith.constant 3 : i32
      %add3A_161 = arith.addi %mul3A_97, %add3A_160 : i32
      %lt3A_162 = arith.constant 80 : i32
      %lt3A_163 = arith.cmpi slt, %add3A_161, %lt3A_162 : i32
      %convert_element_type3A_164 = arith.extui %lt3A_163 : i1 to i32
      %cond3A_165 = arith.constant 0 : i32
      %cond3A_166 = arith.cmpi ne, %convert_element_type3A_164, %cond3A_165 : i32
      scf.if %cond3A_166 {
        %mul3A_358 = arith.constant 2 : i32
        %mul3A_359 = arith.muli %add3A_161, %mul3A_358 : i32
        %add3A_360 = arith.constant 0 : i32
        %add3A_361 = arith.addi %mul3A_359, %add3A_360 : i32
        %dma_start3A_362 = arith.constant 0 : i32
        %dma_start3A_363 = arith.constant 0 : i32
        %dma_start3A_364 = tpu.memref_slice %arg16[%dma_start3A_362, %dma_start3A_363] : memref<256x32xbf16, #tpu.memory_space<vmem>> -> memref<128x32xbf16, #tpu.memory_space<vmem>>
        %dma_start3A_365 = arith.constant 0 : i32
        %dma_start3A_366 = tpu.memref_slice %arg11[%add3A_361, %dma_start3A_365] : memref<160x128xi32, #tpu.memory_space<vmem>> -> memref<1x128xi32, #tpu.memory_space<vmem>>
        %dma_start3A_367 = tpu.memref_squeeze %dma_start3A_366 : memref<1x128xi32, #tpu.memory_space<vmem>> -> memref<128xi32, #tpu.memory_space<vmem>>
        %dma_start3A_368 = arith.constant 0 : i32
        %dma_start3A_369 = arith.constant 0 : i32
        %dma_start3A_370 = tpu.memref_slice %arg6[%dma_start3A_368, %dma_start3A_369] : memref<10000x32xbf16, #tpu.memory_space<hbm>> -> memref<10000x32xbf16, #tpu.memory_space<hbm>>
        tpu.enqueue_indirect_dma source(%dma_start3A_370 : memref<10000x32xbf16, #tpu.memory_space<hbm>>) target(%dma_start3A_364 : memref<128x32xbf16, #tpu.memory_space<vmem>>) offsets(%dma_start3A_367 : memref<128xi32, #tpu.memory_space<vmem>>) semaphore(%arg23 : memref<!tpu.dma_semaphore, #tpu.memory_space<semaphore_mem>>)
        %mul3A_371 = arith.constant 2 : i32
        %mul3A_372 = arith.muli %add3A_161, %mul3A_371 : i32
        %add3A_373 = arith.constant 1 : i32
        %add3A_374 = arith.addi %mul3A_372, %add3A_373 : i32
        %dma_start3A_375 = arith.constant 128 : i32
        %dma_start3A_376 = arith.constant 0 : i32
        %dma_start3A_377 = tpu.memref_slice %arg16[%dma_start3A_375, %dma_start3A_376] : memref<256x32xbf16, #tpu.memory_space<vmem>> -> memref<128x32xbf16, #tpu.memory_space<vmem>>
        %dma_start3A_378 = arith.constant 0 : i32
        %dma_start3A_379 = tpu.memref_slice %arg11[%add3A_374, %dma_start3A_378] : memref<160x128xi32, #tpu.memory_space<vmem>> -> memref<1x128xi32, #tpu.memory_space<vmem>>
        %dma_start3A_380 = tpu.memref_squeeze %dma_start3A_379 : memref<1x128xi32, #tpu.memory_space<vmem>> -> memref<128xi32, #tpu.memory_space<vmem>>
        %dma_start3A_381 = arith.constant 0 : i32
        %dma_start3A_382 = arith.constant 0 : i32
        %dma_start3A_383 = tpu.memref_slice %arg6[%dma_start3A_381, %dma_start3A_382] : memref<10000x32xbf16, #tpu.memory_space<hbm>> -> memref<10000x32xbf16, #tpu.memory_space<hbm>>
        tpu.enqueue_indirect_dma source(%dma_start3A_383 : memref<10000x32xbf16, #tpu.memory_space<hbm>>) target(%dma_start3A_377 : memref<128x32xbf16, #tpu.memory_space<vmem>>) offsets(%dma_start3A_380 : memref<128xi32, #tpu.memory_space<vmem>>) semaphore(%arg23 : memref<!tpu.dma_semaphore, #tpu.memory_space<semaphore_mem>>)
      } else {
      }
      %add3A_167 = arith.constant 1 : i32
      %add3A_168 = arith.addi %mul3A_97, %add3A_167 : i32
      %dma_wait3A_169 = arith.constant 0 : i32
      %dma_wait3A_170 = arith.constant 0 : i32
      %dma_wait3A_171 = arith.constant 0 : i32
      %dma_wait3A_172 = tpu.memref_slice %arg14[%dma_wait3A_170, %dma_wait3A_171] : memref<256x32xbf16, #tpu.memory_space<vmem>> -> memref<128x32xbf16, #tpu.memory_space<vmem>>
      %dma_wait3A_173 = arith.constant 0 : i32
      %dma_wait3A_174 = tpu.memref_slice %arg11[%dma_wait3A_169, %dma_wait3A_173] : memref<160x128xi32, #tpu.memory_space<vmem>> -> memref<1x128xi32, #tpu.memory_space<vmem>>
      %dma_wait3A_175 = tpu.memref_squeeze %dma_wait3A_174 : memref<1x128xi32, #tpu.memory_space<vmem>> -> memref<128xi32, #tpu.memory_space<vmem>>
      %dma_wait3A_176 = arith.constant 0 : i32
      %dma_wait3A_177 = arith.constant 0 : i32
      %dma_wait3A_178 = tpu.memref_slice %arg6[%dma_wait3A_176, %dma_wait3A_177] : memref<10000x32xbf16, #tpu.memory_space<hbm>> -> memref<10000x32xbf16, #tpu.memory_space<hbm>>
      tpu.wait_indirect_dma semaphore(%arg21 : memref<!tpu.dma_semaphore, #tpu.memory_space<semaphore_mem>>) src(%dma_wait3A_178 : memref<10000x32xbf16, #tpu.memory_space<hbm>>) dst(%dma_wait3A_172 : memref<128x32xbf16, #tpu.memory_space<vmem>>)
      %dma_wait3A_179 = arith.constant 0 : i32
      %dma_wait3A_180 = arith.constant 128 : i32
      %dma_wait3A_181 = arith.constant 0 : i32
      %dma_wait3A_182 = tpu.memref_slice %arg14[%dma_wait3A_180, %dma_wait3A_181] : memref<256x32xbf16, #tpu.memory_space<vmem>> -> memref<128x32xbf16, #tpu.memory_space<vmem>>
      %dma_wait3A_183 = arith.constant 0 : i32
      %dma_wait3A_184 = tpu.memref_slice %arg11[%dma_wait3A_179, %dma_wait3A_183] : memref<160x128xi32, #tpu.memory_space<vmem>> -> memref<1x128xi32, #tpu.memory_space<vmem>>
      %dma_wait3A_185 = tpu.memref_squeeze %dma_wait3A_184 : memref<1x128xi32, #tpu.memory_space<vmem>> -> memref<128xi32, #tpu.memory_space<vmem>>
      %dma_wait3A_186 = arith.constant 0 : i32
      %dma_wait3A_187 = arith.constant 0 : i32
      %dma_wait3A_188 = tpu.memref_slice %arg6[%dma_wait3A_186, %dma_wait3A_187] : memref<10000x32xbf16, #tpu.memory_space<hbm>> -> memref<10000x32xbf16, #tpu.memory_space<hbm>>
      tpu.wait_indirect_dma semaphore(%arg21 : memref<!tpu.dma_semaphore, #tpu.memory_space<semaphore_mem>>) src(%dma_wait3A_188 : memref<10000x32xbf16, #tpu.memory_space<hbm>>) dst(%dma_wait3A_182 : memref<128x32xbf16, #tpu.memory_space<vmem>>)
      %ge3A_189 = arith.constant 2 : i32
      %ge3A_190 = arith.cmpi sge, %add3A_168, %ge3A_189 : i32
      %convert_element_type3A_191 = arith.extui %ge3A_190 : i1 to i32
      %cond3A_192 = arith.constant 0 : i32
      %cond3A_193 = arith.cmpi ne, %convert_element_type3A_191, %cond3A_192 : i32
      scf.if %cond3A_193 {
        %dma_wait3A_358 = arith.constant 0 : i32
        %dma_wait3A_359 = arith.constant 0 : i32
        %dma_wait3A_360 = arith.constant 0 : i32
        %dma_wait3A_361 = tpu.memref_slice %arg18[%dma_wait3A_359, %dma_wait3A_360] : memref<256x32xf32, #tpu.memory_space<vmem>> -> memref<128x32xf32, #tpu.memory_space<vmem>>
        %dma_wait3A_362 = arith.constant 0 : i32
        %dma_wait3A_363 = tpu.memref_slice %arg12[%dma_wait3A_358, %dma_wait3A_362] : memref<160x128xi32, #tpu.memory_space<vmem>> -> memref<1x128xi32, #tpu.memory_space<vmem>>
        %dma_wait3A_364 = tpu.memref_squeeze %dma_wait3A_363 : memref<1x128xi32, #tpu.memory_space<vmem>> -> memref<128xi32, #tpu.memory_space<vmem>>
        %dma_wait3A_365 = arith.constant 0 : i32
        %dma_wait3A_366 = arith.constant 0 : i32
        %dma_wait3A_367 = tpu.memref_slice %arg19[%dma_wait3A_365, %dma_wait3A_366] : memref<10112x32xf32, #tpu.memory_space<vmem_shared>> -> memref<10112x32xf32, #tpu.memory_space<vmem_shared>>
        tpu.wait_indirect_dma semaphore(%arg25 : memref<!tpu.dma_semaphore, #tpu.memory_space<semaphore_mem>>) src(%dma_wait3A_361 : memref<128x32xf32, #tpu.memory_space<vmem>>) dst(%dma_wait3A_367 : memref<10112x32xf32, #tpu.memory_space<vmem_shared>>)
        %dma_wait3A_368 = arith.constant 0 : i32
        %dma_wait3A_369 = arith.constant 128 : i32
        %dma_wait3A_370 = arith.constant 0 : i32
        %dma_wait3A_371 = tpu.memref_slice %arg18[%dma_wait3A_369, %dma_wait3A_370] : memref<256x32xf32, #tpu.memory_space<vmem>> -> memref<128x32xf32, #tpu.memory_space<vmem>>
        %dma_wait3A_372 = arith.constant 0 : i32
        %dma_wait3A_373 = tpu.memref_slice %arg12[%dma_wait3A_368, %dma_wait3A_372] : memref<160x128xi32, #tpu.memory_space<vmem>> -> memref<1x128xi32, #tpu.memory_space<vmem>>
        %dma_wait3A_374 = tpu.memref_squeeze %dma_wait3A_373 : memref<1x128xi32, #tpu.memory_space<vmem>> -> memref<128xi32, #tpu.memory_space<vmem>>
        %dma_wait3A_375 = arith.constant 0 : i32
        %dma_wait3A_376 = arith.constant 0 : i32
        %dma_wait3A_377 = tpu.memref_slice %arg19[%dma_wait3A_375, %dma_wait3A_376] : memref<10112x32xf32, #tpu.memory_space<vmem_shared>> -> memref<10112x32xf32, #tpu.memory_space<vmem_shared>>
        tpu.wait_indirect_dma semaphore(%arg25 : memref<!tpu.dma_semaphore, #tpu.memory_space<semaphore_mem>>) src(%dma_wait3A_371 : memref<128x32xf32, #tpu.memory_space<vmem>>) dst(%dma_wait3A_377 : memref<10112x32xf32, #tpu.memory_space<vmem_shared>>)
      } else {
      }
      %scan3A_194 = arith.constant 0 : i32
      %scan3A_195 = arith.constant 0 : i32
      %scan3A_196 = arith.constant 16 : i32
      %scan3A_197 = arith.addi %scan3A_195, %scan3A_196 : i32
      %scan3A_198 = arith.constant 1 : i32
      scf.for %scan3A_358 = %scan3A_195 to %scan3A_197 step %scan3A_198  : i32 {
        %mul3A_359 = arith.constant 2 : i32
        %mul3A_360 = arith.muli %add3A_168, %mul3A_359 : i32
        %jit3A = arith.constant 8 : i32
        %div3A = arith.divsi %scan3A_358, %jit3A : i32
        %sign3A = arith.constant 0 : i32
        %sign3A_361 = arith.cmpi sgt, %scan3A_358, %sign3A : i32
        %sign3A_362 = arith.extui %sign3A_361 : i1 to i32
        %sign3A_363 = arith.constant 0 : i32
        %sign3A_364 = arith.cmpi slt, %scan3A_358, %sign3A_363 : i32
        %sign3A_365 = arith.extui %sign3A_364 : i1 to i32
        %sign3A_366 = arith.subi %sign3A_362, %sign3A_365 : i32
        %sign3A_367 = arith.constant 0 : i32
        %sign3A_368 = arith.cmpi sgt, %jit3A, %sign3A_367 : i32
        %sign3A_369 = arith.extui %sign3A_368 : i1 to i32
        %sign3A_370 = arith.constant 0 : i32
        %sign3A_371 = arith.cmpi slt, %jit3A, %sign3A_370 : i32
        %sign3A_372 = arith.extui %sign3A_371 : i1 to i32
        %sign3A_373 = arith.subi %sign3A_369, %sign3A_372 : i32
        %ne3A = arith.cmpi ne, %sign3A_366, %sign3A_373 : i32
        %rem3A = arith.remsi %scan3A_358, %jit3A : i32
        %ne3A_374 = arith.constant 0 : i32
        %ne3A_375 = arith.cmpi ne, %rem3A, %ne3A_374 : i32
        %and3A = arith.andi %ne3A, %ne3A_375 : i1
        %sub3A = arith.constant 1 : i32
        %sub3A_376 = arith.subi %div3A, %sub3A : i32
        %select_n3A = arith.select %and3A, %sub3A_376, %div3A : i32
        %add3A_377 = arith.addi %mul3A_360, %select_n3A : i32
        %jit3A_378 = arith.constant 8 : i32
        %eq3A = arith.constant 0 : i32
        %eq3A_379 = arith.cmpi eq, %jit3A_378, %eq3A : i32
        %jit3A_380 = arith.constant 1 : i32
        %select_n3A_381 = arith.select %eq3A_379, %jit3A_380, %jit3A_378 : i32
        %rem3A_382 = arith.remsi %scan3A_358, %select_n3A_381 : i32
        %ne3A_383 = arith.constant 0 : i32
        %ne3A_384 = arith.cmpi ne, %rem3A_382, %ne3A_383 : i32
        %lt3A_385 = arith.constant 0 : i32
        %lt3A_386 = arith.cmpi slt, %rem3A_382, %lt3A_385 : i32
        %lt3A_387 = arith.constant 0 : i32
        %lt3A_388 = arith.cmpi slt, %select_n3A_381, %lt3A_387 : i32
        %ne3A_389 = arith.xori %lt3A_386, %lt3A_388 : i1
        %and3A_390 = arith.andi %ne3A_389, %ne3A_384 : i1
        %add3A_391 = arith.addi %rem3A_382, %select_n3A_381 : i32
        %select_n3A_392 = arith.select %and3A_390, %add3A_391, %rem3A_382 : i32
        %mul3A_393 = arith.constant 16 : i32
        %mul3A_394 = arith.muli %select_n3A_392, %mul3A_393 : i32
        %get3A = arith.index_cast %add3A_377 : i32 to index
        %get3A_395 = arith.index_cast %mul3A_394 : i32 to index
        %get3A_396 = tpu.vector_load %arg11[%get3A, %get3A_395] {strides = array<i32>} : memref<160x128xi32, #tpu.memory_space<vmem>>, vector<16xi32>,
        %get3A_397 = arith.index_cast %add3A_377 : i32 to index
        %get3A_398 = arith.index_cast %mul3A_394 : i32 to index
        %get3A_399 = tpu.vector_load %arg12[%get3A_397, %get3A_398] {strides = array<i32>} : memref<160x128xi32, #tpu.memory_space<vmem>>, vector<16xi32>,
        %gather3A = tpu.vector_load_idx %arg9[%get3A_399] : memref<10112xf32, #tpu.memory_space<vmem>>[vector<16xi32>], vector<16xf32>,
        %gather3A_400 = tpu.vector_load_idx %arg10[%get3A_396] : memref<10112xf32, #tpu.memory_space<vmem>>[vector<16xi32>], vector<16xf32>,
        %add3A_401 = arith.addf %gather3A, %gather3A_400 : vector<16xf32>
        %ge3A_402 = arith.constant 0.000000e+00 : f32
        %ge3A_403 = vector.broadcast %ge3A_402 : f32 to vector<16xf32>
        %ge3A_404 = arith.cmpf oge, %add3A_401, %ge3A_403 : vector<16xf32>
        %mul3A_405 = arith.constant 2.000000e-01 : f32
        %mul3A_406 = vector.broadcast %mul3A_405 : f32 to vector<16xf32>
        %mul3A_407 = arith.mulf %mul3A_406, %add3A_401 : vector<16xf32>
        %select_n3A_408 = arith.select %ge3A_404, %add3A_401, %mul3A_407 : vector<16xi1>, vector<16xf32>
        %exp3A = math.exp %select_n3A_408 : vector<16xf32>
        %mul3A_409 = arith.constant 16 : i32
        %mul3A_410 = arith.muli %scan3A_358, %mul3A_409 : i32
        %broadcast_in_dim3A = arith.constant 0 : i32
        %broadcast_in_dim3A_411 = vector.broadcast %broadcast_in_dim3A : i32 to vector<16x1xi32>
        %gather3A_412 = vector.shape_cast %broadcast_in_dim3A_411 : vector<16x1xi32> to vector<16xi32>
        %gather3A_413 = tpu.dynamic_gather %exp3A[%gather3A_412] in [0] : vector<16xf32>, vector<16xi32> -> vector<16xf32>
        %add3A_414 = arith.constant 0 : i32
        %add3A_415 = arith.addi %mul3A_410, %add3A_414 : i32
        %get3A_416 = arith.index_cast %add3A_415 : i32 to index
        %get3A_417 = arith.constant 0 : index
        %get3A_418 = tpu.vector_load %arg14[%get3A_416, %get3A_417] {strides = array<i32>} : memref<256x32xbf16, #tpu.memory_space<vmem>>, vector<32xbf16>,
        %bitcast3A = vector.bitcast %get3A_418 : vector<32xbf16> to vector<16xi32>
        %shift_left3A = arith.constant 16 : i32
        %shift_left3A_419 = vector.broadcast %shift_left3A : i32 to vector<16xi32>
        %shift_left3A_420 = arith.shli %bitcast3A, %shift_left3A_419 : vector<16xi32>
        %bitcast3A_421 = vector.bitcast %shift_left3A_420 : vector<16xi32> to vector<16xf32>
        %and3A_422 = arith.constant -65536 : i32
        %and3A_423 = vector.broadcast %and3A_422 : i32 to vector<16xi32>
        %and3A_424 = arith.andi %bitcast3A, %and3A_423 : vector<16xi32>
        %bitcast3A_425 = vector.bitcast %and3A_424 : vector<16xi32> to vector<16xf32>
        %mul3A_426 = arith.mulf %bitcast3A_421, %gather3A_413 : vector<16xf32>
        %add3A_427 = arith.constant 0 : i32
        %add3A_428 = arith.addi %mul3A_410, %add3A_427 : i32
        %swap3A = arith.index_cast %add3A_428 : i32 to index
        %swap3A_429 = arith.constant 0 : index
        %swap3A_430 = tpu.vector_load %arg18[%swap3A, %swap3A_429] {strides = array<i32>} : memref<256x32xf32, #tpu.memory_space<vmem>>, vector<16xf32>,
        tpu.vector_store %arg18[%swap3A, %swap3A_429], %mul3A_426 {strides = array<i32>} : memref<256x32xf32, #tpu.memory_space<vmem>>, vector<16xf32>,
        %mul3A_431 = arith.mulf %bitcast3A_425, %gather3A_413 : vector<16xf32>
        %add3A_432 = arith.constant 0 : i32
        %add3A_433 = arith.addi %mul3A_410, %add3A_432 : i32
        %swap3A_434 = arith.index_cast %add3A_433 : i32 to index
        %swap3A_435 = arith.constant 16 : index
        %swap3A_436 = tpu.vector_load %arg18[%swap3A_434, %swap3A_435] {strides = array<i32>} : memref<256x32xf32, #tpu.memory_space<vmem>>, vector<16xf32>,
        tpu.vector_store %arg18[%swap3A_434, %swap3A_435], %mul3A_431 {strides = array<i32>} : memref<256x32xf32, #tpu.memory_space<vmem>>, vector<16xf32>,
        %broadcast_in_dim3A_437 = arith.constant 1 : i32
        %broadcast_in_dim3A_438 = vector.broadcast %broadcast_in_dim3A_437 : i32 to vector<16x1xi32>
        %gather3A_439 = vector.shape_cast %broadcast_in_dim3A_438 : vector<16x1xi32> to vector<16xi32>
        %gather3A_440 = tpu.dynamic_gather %exp3A[%gather3A_439] in [0] : vector<16xf32>, vector<16xi32> -> vector<16xf32>
        %add3A_441 = arith.constant 1 : i32
        %add3A_442 = arith.addi %mul3A_410, %add3A_441 : i32
        %get3A_443 = arith.index_cast %add3A_442 : i32 to index
        %get3A_444 = arith.constant 0 : index
        %get3A_445 = tpu.vector_load %arg14[%get3A_443, %get3A_444] {strides = array<i32>} : memref<256x32xbf16, #tpu.memory_space<vmem>>, vector<32xbf16>,
        %bitcast3A_446 = vector.bitcast %get3A_445 : vector<32xbf16> to vector<16xi32>
        %shift_left3A_447 = arith.constant 16 : i32
        %shift_left3A_448 = vector.broadcast %shift_left3A_447 : i32 to vector<16xi32>
        %shift_left3A_449 = arith.shli %bitcast3A_446, %shift_left3A_448 : vector<16xi32>
        %bitcast3A_450 = vector.bitcast %shift_left3A_449 : vector<16xi32> to vector<16xf32>
        %and3A_451 = arith.constant -65536 : i32
        %and3A_452 = vector.broadcast %and3A_451 : i32 to vector<16xi32>
        %and3A_453 = arith.andi %bitcast3A_446, %and3A_452 : vector<16xi32>
        %bitcast3A_454 = vector.bitcast %and3A_453 : vector<16xi32> to vector<16xf32>
        %mul3A_455 = arith.mulf %bitcast3A_450, %gather3A_440 : vector<16xf32>
        %add3A_456 = arith.constant 1 : i32
        %add3A_457 = arith.addi %mul3A_410, %add3A_456 : i32
        %swap3A_458 = arith.index_cast %add3A_457 : i32 to index
        %swap3A_459 = arith.constant 0 : index
        %swap3A_460 = tpu.vector_load %arg18[%swap3A_458, %swap3A_459] {strides = array<i32>} : memref<256x32xf32, #tpu.memory_space<vmem>>, vector<16xf32>,
        tpu.vector_store %arg18[%swap3A_458, %swap3A_459], %mul3A_455 {strides = array<i32>} : memref<256x32xf32, #tpu.memory_space<vmem>>, vector<16xf32>,
        %mul3A_461 = arith.mulf %bitcast3A_454, %gather3A_440 : vector<16xf32>
        %add3A_462 = arith.constant 1 : i32
        %add3A_463 = arith.addi %mul3A_410, %add3A_462 : i32
        %swap3A_464 = arith.index_cast %add3A_463 : i32 to index
        %swap3A_465 = arith.constant 16 : index
        %swap3A_466 = tpu.vector_load %arg18[%swap3A_464, %swap3A_465] {strides = array<i32>} : memref<256x32xf32, #tpu.memory_space<vmem>>, vector<16xf32>,
        tpu.vector_store %arg18[%swap3A_464, %swap3A_465], %mul3A_461 {strides = array<i32>} : memref<256x32xf32, #tpu.memory_space<vmem>>, vector<16xf32>,
        %broadcast_in_dim3A_467 = arith.constant 2 : i32
        %broadcast_in_dim3A_468 = vector.broadcast %broadcast_in_dim3A_467 : i32 to vector<16x1xi32>
        %gather3A_469 = vector.shape_cast %broadcast_in_dim3A_468 : vector<16x1xi32> to vector<16xi32>
        %gather3A_470 = tpu.dynamic_gather %exp3A[%gather3A_469] in [0] : vector<16xf32>, vector<16xi32> -> vector<16xf32>
        %add3A_471 = arith.constant 2 : i32
        %add3A_472 = arith.addi %mul3A_410, %add3A_471 : i32
        %get3A_473 = arith.index_cast %add3A_472 : i32 to index
        %get3A_474 = arith.constant 0 : index
        %get3A_475 = tpu.vector_load %arg14[%get3A_473, %get3A_474] {strides = array<i32>} : memref<256x32xbf16, #tpu.memory_space<vmem>>, vector<32xbf16>,
        %bitcast3A_476 = vector.bitcast %get3A_475 : vector<32xbf16> to vector<16xi32>
        %shift_left3A_477 = arith.constant 16 : i32
        %shift_left3A_478 = vector.broadcast %shift_left3A_477 : i32 to vector<16xi32>
        %shift_left3A_479 = arith.shli %bitcast3A_476, %shift_left3A_478 : vector<16xi32>
        %bitcast3A_480 = vector.bitcast %shift_left3A_479 : vector<16xi32> to vector<16xf32>
        %and3A_481 = arith.constant -65536 : i32
        %and3A_482 = vector.broadcast %and3A_481 : i32 to vector<16xi32>
        %and3A_483 = arith.andi %bitcast3A_476, %and3A_482 : vector<16xi32>
        %bitcast3A_484 = vector.bitcast %and3A_483 : vector<16xi32> to vector<16xf32>
        %mul3A_485 = arith.mulf %bitcast3A_480, %gather3A_470 : vector<16xf32>
        %add3A_486 = arith.constant 2 : i32
        %add3A_487 = arith.addi %mul3A_410, %add3A_486 : i32
        %swap3A_488 = arith.index_cast %add3A_487 : i32 to index
        %swap3A_489 = arith.constant 0 : index
        %swap3A_490 = tpu.vector_load %arg18[%swap3A_488, %swap3A_489] {strides = array<i32>} : memref<256x32xf32, #tpu.memory_space<vmem>>, vector<16xf32>,
        tpu.vector_store %arg18[%swap3A_488, %swap3A_489], %mul3A_485 {strides = array<i32>} : memref<256x32xf32, #tpu.memory_space<vmem>>, vector<16xf32>,
        %mul3A_491 = arith.mulf %bitcast3A_484, %gather3A_470 : vector<16xf32>
        %add3A_492 = arith.constant 2 : i32
        %add3A_493 = arith.addi %mul3A_410, %add3A_492 : i32
        %swap3A_494 = arith.index_cast %add3A_493 : i32 to index
        %swap3A_495 = arith.constant 16 : index
        %swap3A_496 = tpu.vector_load %arg18[%swap3A_494, %swap3A_495] {strides = array<i32>} : memref<256x32xf32, #tpu.memory_space<vmem>>, vector<16xf32>,
        tpu.vector_store %arg18[%swap3A_494, %swap3A_495], %mul3A_491 {strides = array<i32>} : memref<256x32xf32, #tpu.memory_space<vmem>>, vector<16xf32>,
        %broadcast_in_dim3A_497 = arith.constant 3 : i32
        %broadcast_in_dim3A_498 = vector.broadcast %broadcast_in_dim3A_497 : i32 to vector<16x1xi32>
        %gather3A_499 = vector.shape_cast %broadcast_in_dim3A_498 : vector<16x1xi32> to vector<16xi32>
        %gather3A_500 = tpu.dynamic_gather %exp3A[%gather3A_499] in [0] : vector<16xf32>, vector<16xi32> -> vector<16xf32>
        %add3A_501 = arith.constant 3 : i32
        %add3A_502 = arith.addi %mul3A_410, %add3A_501 : i32
        %get3A_503 = arith.index_cast %add3A_502 : i32 to index
        %get3A_504 = arith.constant 0 : index
        %get3A_505 = tpu.vector_load %arg14[%get3A_503, %get3A_504] {strides = array<i32>} : memref<256x32xbf16, #tpu.memory_space<vmem>>, vector<32xbf16>,
        %bitcast3A_506 = vector.bitcast %get3A_505 : vector<32xbf16> to vector<16xi32>
        %shift_left3A_507 = arith.constant 16 : i32
        %shift_left3A_508 = vector.broadcast %shift_left3A_507 : i32 to vector<16xi32>
        %shift_left3A_509 = arith.shli %bitcast3A_506, %shift_left3A_508 : vector<16xi32>
        %bitcast3A_510 = vector.bitcast %shift_left3A_509 : vector<16xi32> to vector<16xf32>
        %and3A_511 = arith.constant -65536 : i32
        %and3A_512 = vector.broadcast %and3A_511 : i32 to vector<16xi32>
        %and3A_513 = arith.andi %bitcast3A_506, %and3A_512 : vector<16xi32>
        %bitcast3A_514 = vector.bitcast %and3A_513 : vector<16xi32> to vector<16xf32>
        %mul3A_515 = arith.mulf %bitcast3A_510, %gather3A_500 : vector<16xf32>
        %add3A_516 = arith.constant 3 : i32
        %add3A_517 = arith.addi %mul3A_410, %add3A_516 : i32
        %swap3A_518 = arith.index_cast %add3A_517 : i32 to index
        %swap3A_519 = arith.constant 0 : index
        %swap3A_520 = tpu.vector_load %arg18[%swap3A_518, %swap3A_519] {strides = array<i32>} : memref<256x32xf32, #tpu.memory_space<vmem>>, vector<16xf32>,
        tpu.vector_store %arg18[%swap3A_518, %swap3A_519], %mul3A_515 {strides = array<i32>} : memref<256x32xf32, #tpu.memory_space<vmem>>, vector<16xf32>,
        %mul3A_521 = arith.mulf %bitcast3A_514, %gather3A_500 : vector<16xf32>
        %add3A_522 = arith.constant 3 : i32
        %add3A_523 = arith.addi %mul3A_410, %add3A_522 : i32
        %swap3A_524 = arith.index_cast %add3A_523 : i32 to index
        %swap3A_525 = arith.constant 16 : index
        %swap3A_526 = tpu.vector_load %arg18[%swap3A_524, %swap3A_525] {strides = array<i32>} : memref<256x32xf32, #tpu.memory_space<vmem>>, vector<16xf32>,
        tpu.vector_store %arg18[%swap3A_524, %swap3A_525], %mul3A_521 {strides = array<i32>} : memref<256x32xf32, #tpu.memory_space<vmem>>, vector<16xf32>,
        %broadcast_in_dim3A_527 = arith.constant 4 : i32
        %broadcast_in_dim3A_528 = vector.broadcast %broadcast_in_dim3A_527 : i32 to vector<16x1xi32>
        %gather3A_529 = vector.shape_cast %broadcast_in_dim3A_528 : vector<16x1xi32> to vector<16xi32>
        %gather3A_530 = tpu.dynamic_gather %exp3A[%gather3A_529] in [0] : vector<16xf32>, vector<16xi32> -> vector<16xf32>
        %add3A_531 = arith.constant 4 : i32
        %add3A_532 = arith.addi %mul3A_410, %add3A_531 : i32
        %get3A_533 = arith.index_cast %add3A_532 : i32 to index
        %get3A_534 = arith.constant 0 : index
        %get3A_535 = tpu.vector_load %arg14[%get3A_533, %get3A_534] {strides = array<i32>} : memref<256x32xbf16, #tpu.memory_space<vmem>>, vector<32xbf16>,
        %bitcast3A_536 = vector.bitcast %get3A_535 : vector<32xbf16> to vector<16xi32>
        %shift_left3A_537 = arith.constant 16 : i32
        %shift_left3A_538 = vector.broadcast %shift_left3A_537 : i32 to vector<16xi32>
        %shift_left3A_539 = arith.shli %bitcast3A_536, %shift_left3A_538 : vector<16xi32>
        %bitcast3A_540 = vector.bitcast %shift_left3A_539 : vector<16xi32> to vector<16xf32>
        %and3A_541 = arith.constant -65536 : i32
        %and3A_542 = vector.broadcast %and3A_541 : i32 to vector<16xi32>
        %and3A_543 = arith.andi %bitcast3A_536, %and3A_542 : vector<16xi32>
        %bitcast3A_544 = vector.bitcast %and3A_543 : vector<16xi32> to vector<16xf32>
        %mul3A_545 = arith.mulf %bitcast3A_540, %gather3A_530 : vector<16xf32>
        %add3A_546 = arith.constant 4 : i32
        %add3A_547 = arith.addi %mul3A_410, %add3A_546 : i32
        %swap3A_548 = arith.index_cast %add3A_547 : i32 to index
        %swap3A_549 = arith.constant 0 : index
        %swap3A_550 = tpu.vector_load %arg18[%swap3A_548, %swap3A_549] {strides = array<i32>} : memref<256x32xf32, #tpu.memory_space<vmem>>, vector<16xf32>,
        tpu.vector_store %arg18[%swap3A_548, %swap3A_549], %mul3A_545 {strides = array<i32>} : memref<256x32xf32, #tpu.memory_space<vmem>>, vector<16xf32>,
        %mul3A_551 = arith.mulf %bitcast3A_544, %gather3A_530 : vector<16xf32>
        %add3A_552 = arith.constant 4 : i32
        %add3A_553 = arith.addi %mul3A_410, %add3A_552 : i32
        %swap3A_554 = arith.index_cast %add3A_553 : i32 to index
        %swap3A_555 = arith.constant 16 : index
        %swap3A_556 = tpu.vector_load %arg18[%swap3A_554, %swap3A_555] {strides = array<i32>} : memref<256x32xf32, #tpu.memory_space<vmem>>, vector<16xf32>,
        tpu.vector_store %arg18[%swap3A_554, %swap3A_555], %mul3A_551 {strides = array<i32>} : memref<256x32xf32, #tpu.memory_space<vmem>>, vector<16xf32>,
        %broadcast_in_dim3A_557 = arith.constant 5 : i32
        %broadcast_in_dim3A_558 = vector.broadcast %broadcast_in_dim3A_557 : i32 to vector<16x1xi32>
        %gather3A_559 = vector.shape_cast %broadcast_in_dim3A_558 : vector<16x1xi32> to vector<16xi32>
        %gather3A_560 = tpu.dynamic_gather %exp3A[%gather3A_559] in [0] : vector<16xf32>, vector<16xi32> -> vector<16xf32>
        %add3A_561 = arith.constant 5 : i32
        %add3A_562 = arith.addi %mul3A_410, %add3A_561 : i32
        %get3A_563 = arith.index_cast %add3A_562 : i32 to index
        %get3A_564 = arith.constant 0 : index
        %get3A_565 = tpu.vector_load %arg14[%get3A_563, %get3A_564] {strides = array<i32>} : memref<256x32xbf16, #tpu.memory_space<vmem>>, vector<32xbf16>,
        %bitcast3A_566 = vector.bitcast %get3A_565 : vector<32xbf16> to vector<16xi32>
        %shift_left3A_567 = arith.constant 16 : i32
        %shift_left3A_568 = vector.broadcast %shift_left3A_567 : i32 to vector<16xi32>
        %shift_left3A_569 = arith.shli %bitcast3A_566, %shift_left3A_568 : vector<16xi32>
        %bitcast3A_570 = vector.bitcast %shift_left3A_569 : vector<16xi32> to vector<16xf32>
        %and3A_571 = arith.constant -65536 : i32
        %and3A_572 = vector.broadcast %and3A_571 : i32 to vector<16xi32>
        %and3A_573 = arith.andi %bitcast3A_566, %and3A_572 : vector<16xi32>
        %bitcast3A_574 = vector.bitcast %and3A_573 : vector<16xi32> to vector<16xf32>
        %mul3A_575 = arith.mulf %bitcast3A_570, %gather3A_560 : vector<16xf32>
        %add3A_576 = arith.constant 5 : i32
        %add3A_577 = arith.addi %mul3A_410, %add3A_576 : i32
        %swap3A_578 = arith.index_cast %add3A_577 : i32 to index
        %swap3A_579 = arith.constant 0 : index
        %swap3A_580 = tpu.vector_load %arg18[%swap3A_578, %swap3A_579] {strides = array<i32>} : memref<256x32xf32, #tpu.memory_space<vmem>>, vector<16xf32>,
        tpu.vector_store %arg18[%swap3A_578, %swap3A_579], %mul3A_575 {strides = array<i32>} : memref<256x32xf32, #tpu.memory_space<vmem>>, vector<16xf32>,
        %mul3A_581 = arith.mulf %bitcast3A_574, %gather3A_560 : vector<16xf32>
        %add3A_582 = arith.constant 5 : i32
        %add3A_583 = arith.addi %mul3A_410, %add3A_582 : i32
        %swap3A_584 = arith.index_cast %add3A_583 : i32 to index
        %swap3A_585 = arith.constant 16 : index
        %swap3A_586 = tpu.vector_load %arg18[%swap3A_584, %swap3A_585] {strides = array<i32>} : memref<256x32xf32, #tpu.memory_space<vmem>>, vector<16xf32>,
        tpu.vector_store %arg18[%swap3A_584, %swap3A_585], %mul3A_581 {strides = array<i32>} : memref<256x32xf32, #tpu.memory_space<vmem>>, vector<16xf32>,
        %broadcast_in_dim3A_587 = arith.constant 6 : i32
        %broadcast_in_dim3A_588 = vector.broadcast %broadcast_in_dim3A_587 : i32 to vector<16x1xi32>
        %gather3A_589 = vector.shape_cast %broadcast_in_dim3A_588 : vector<16x1xi32> to vector<16xi32>
        %gather3A_590 = tpu.dynamic_gather %exp3A[%gather3A_589] in [0] : vector<16xf32>, vector<16xi32> -> vector<16xf32>
        %add3A_591 = arith.constant 6 : i32
        %add3A_592 = arith.addi %mul3A_410, %add3A_591 : i32
        %get3A_593 = arith.index_cast %add3A_592 : i32 to index
        %get3A_594 = arith.constant 0 : index
        %get3A_595 = tpu.vector_load %arg14[%get3A_593, %get3A_594] {strides = array<i32>} : memref<256x32xbf16, #tpu.memory_space<vmem>>, vector<32xbf16>,
        %bitcast3A_596 = vector.bitcast %get3A_595 : vector<32xbf16> to vector<16xi32>
        %shift_left3A_597 = arith.constant 16 : i32
        %shift_left3A_598 = vector.broadcast %shift_left3A_597 : i32 to vector<16xi32>
        %shift_left3A_599 = arith.shli %bitcast3A_596, %shift_left3A_598 : vector<16xi32>
        %bitcast3A_600 = vector.bitcast %shift_left3A_599 : vector<16xi32> to vector<16xf32>
        %and3A_601 = arith.constant -65536 : i32
        %and3A_602 = vector.broadcast %and3A_601 : i32 to vector<16xi32>
        %and3A_603 = arith.andi %bitcast3A_596, %and3A_602 : vector<16xi32>
        %bitcast3A_604 = vector.bitcast %and3A_603 : vector<16xi32> to vector<16xf32>
        %mul3A_605 = arith.mulf %bitcast3A_600, %gather3A_590 : vector<16xf32>
        %add3A_606 = arith.constant 6 : i32
        %add3A_607 = arith.addi %mul3A_410, %add3A_606 : i32
        %swap3A_608 = arith.index_cast %add3A_607 : i32 to index
        %swap3A_609 = arith.constant 0 : index
        %swap3A_610 = tpu.vector_load %arg18[%swap3A_608, %swap3A_609] {strides = array<i32>} : memref<256x32xf32, #tpu.memory_space<vmem>>, vector<16xf32>,
        tpu.vector_store %arg18[%swap3A_608, %swap3A_609], %mul3A_605 {strides = array<i32>} : memref<256x32xf32, #tpu.memory_space<vmem>>, vector<16xf32>,
        %mul3A_611 = arith.mulf %bitcast3A_604, %gather3A_590 : vector<16xf32>
        %add3A_612 = arith.constant 6 : i32
        %add3A_613 = arith.addi %mul3A_410, %add3A_612 : i32
        %swap3A_614 = arith.index_cast %add3A_613 : i32 to index
        %swap3A_615 = arith.constant 16 : index
        %swap3A_616 = tpu.vector_load %arg18[%swap3A_614, %swap3A_615] {strides = array<i32>} : memref<256x32xf32, #tpu.memory_space<vmem>>, vector<16xf32>,
        tpu.vector_store %arg18[%swap3A_614, %swap3A_615], %mul3A_611 {strides = array<i32>} : memref<256x32xf32, #tpu.memory_space<vmem>>, vector<16xf32>,
        %broadcast_in_dim3A_617 = arith.constant 7 : i32
        %broadcast_in_dim3A_618 = vector.broadcast %broadcast_in_dim3A_617 : i32 to vector<16x1xi32>
        %gather3A_619 = vector.shape_cast %broadcast_in_dim3A_618 : vector<16x1xi32> to vector<16xi32>
        %gather3A_620 = tpu.dynamic_gather %exp3A[%gather3A_619] in [0] : vector<16xf32>, vector<16xi32> -> vector<16xf32>
        %add3A_621 = arith.constant 7 : i32
        %add3A_622 = arith.addi %mul3A_410, %add3A_621 : i32
        %get3A_623 = arith.index_cast %add3A_622 : i32 to index
        %get3A_624 = arith.constant 0 : index
        %get3A_625 = tpu.vector_load %arg14[%get3A_623, %get3A_624] {strides = array<i32>} : memref<256x32xbf16, #tpu.memory_space<vmem>>, vector<32xbf16>,
        %bitcast3A_626 = vector.bitcast %get3A_625 : vector<32xbf16> to vector<16xi32>
        %shift_left3A_627 = arith.constant 16 : i32
        %shift_left3A_628 = vector.broadcast %shift_left3A_627 : i32 to vector<16xi32>
        %shift_left3A_629 = arith.shli %bitcast3A_626, %shift_left3A_628 : vector<16xi32>
        %bitcast3A_630 = vector.bitcast %shift_left3A_629 : vector<16xi32> to vector<16xf32>
        %and3A_631 = arith.constant -65536 : i32
        %and3A_632 = vector.broadcast %and3A_631 : i32 to vector<16xi32>
        %and3A_633 = arith.andi %bitcast3A_626, %and3A_632 : vector<16xi32>
        %bitcast3A_634 = vector.bitcast %and3A_633 : vector<16xi32> to vector<16xf32>
        %mul3A_635 = arith.mulf %bitcast3A_630, %gather3A_620 : vector<16xf32>
        %add3A_636 = arith.constant 7 : i32
        %add3A_637 = arith.addi %mul3A_410, %add3A_636 : i32
        %swap3A_638 = arith.index_cast %add3A_637 : i32 to index
        %swap3A_639 = arith.constant 0 : index
        %swap3A_640 = tpu.vector_load %arg18[%swap3A_638, %swap3A_639] {strides = array<i32>} : memref<256x32xf32, #tpu.memory_space<vmem>>, vector<16xf32>,
        tpu.vector_store %arg18[%swap3A_638, %swap3A_639], %mul3A_635 {strides = array<i32>} : memref<256x32xf32, #tpu.memory_space<vmem>>, vector<16xf32>,
        %mul3A_641 = arith.mulf %bitcast3A_634, %gather3A_620 : vector<16xf32>
        %add3A_642 = arith.constant 7 : i32
        %add3A_643 = arith.addi %mul3A_410, %add3A_642 : i32
        %swap3A_644 = arith.index_cast %add3A_643 : i32 to index
        %swap3A_645 = arith.constant 16 : index
        %swap3A_646 = tpu.vector_load %arg18[%swap3A_644, %swap3A_645] {strides = array<i32>} : memref<256x32xf32, #tpu.memory_space<vmem>>, vector<16xf32>,
        tpu.vector_store %arg18[%swap3A_644, %swap3A_645], %mul3A_641 {strides = array<i32>} : memref<256x32xf32, #tpu.memory_space<vmem>>, vector<16xf32>,
        %broadcast_in_dim3A_647 = arith.constant 8 : i32
        %broadcast_in_dim3A_648 = vector.broadcast %broadcast_in_dim3A_647 : i32 to vector<16x1xi32>
        %gather3A_649 = vector.shape_cast %broadcast_in_dim3A_648 : vector<16x1xi32> to vector<16xi32>
        %gather3A_650 = tpu.dynamic_gather %exp3A[%gather3A_649] in [0] : vector<16xf32>, vector<16xi32> -> vector<16xf32>
        %add3A_651 = arith.constant 8 : i32
        %add3A_652 = arith.addi %mul3A_410, %add3A_651 : i32
        %get3A_653 = arith.index_cast %add3A_652 : i32 to index
        %get3A_654 = arith.constant 0 : index
        %get3A_655 = tpu.vector_load %arg14[%get3A_653, %get3A_654] {strides = array<i32>} : memref<256x32xbf16, #tpu.memory_space<vmem>>, vector<32xbf16>,
        %bitcast3A_656 = vector.bitcast %get3A_655 : vector<32xbf16> to vector<16xi32>
        %shift_left3A_657 = arith.constant 16 : i32
        %shift_left3A_658 = vector.broadcast %shift_left3A_657 : i32 to vector<16xi32>
        %shift_left3A_659 = arith.shli %bitcast3A_656, %shift_left3A_658 : vector<16xi32>
        %bitcast3A_660 = vector.bitcast %shift_left3A_659 : vector<16xi32> to vector<16xf32>
        %and3A_661 = arith.constant -65536 : i32
        %and3A_662 = vector.broadcast %and3A_661 : i32 to vector<16xi32>
        %and3A_663 = arith.andi %bitcast3A_656, %and3A_662 : vector<16xi32>
        %bitcast3A_664 = vector.bitcast %and3A_663 : vector<16xi32> to vector<16xf32>
        %mul3A_665 = arith.mulf %bitcast3A_660, %gather3A_650 : vector<16xf32>
        %add3A_666 = arith.constant 8 : i32
        %add3A_667 = arith.addi %mul3A_410, %add3A_666 : i32
        %swap3A_668 = arith.index_cast %add3A_667 : i32 to index
        %swap3A_669 = arith.constant 0 : index
        %swap3A_670 = tpu.vector_load %arg18[%swap3A_668, %swap3A_669] {strides = array<i32>} : memref<256x32xf32, #tpu.memory_space<vmem>>, vector<16xf32>,
        tpu.vector_store %arg18[%swap3A_668, %swap3A_669], %mul3A_665 {strides = array<i32>} : memref<256x32xf32, #tpu.memory_space<vmem>>, vector<16xf32>,
        %mul3A_671 = arith.mulf %bitcast3A_664, %gather3A_650 : vector<16xf32>
        %add3A_672 = arith.constant 8 : i32
        %add3A_673 = arith.addi %mul3A_410, %add3A_672 : i32
        %swap3A_674 = arith.index_cast %add3A_673 : i32 to index
        %swap3A_675 = arith.constant 16 : index
        %swap3A_676 = tpu.vector_load %arg18[%swap3A_674, %swap3A_675] {strides = array<i32>} : memref<256x32xf32, #tpu.memory_space<vmem>>, vector<16xf32>,
        tpu.vector_store %arg18[%swap3A_674, %swap3A_675], %mul3A_671 {strides = array<i32>} : memref<256x32xf32, #tpu.memory_space<vmem>>, vector<16xf32>,
        %broadcast_in_dim3A_677 = arith.constant 9 : i32
        %broadcast_in_dim3A_678 = vector.broadcast %broadcast_in_dim3A_677 : i32 to vector<16x1xi32>
        %gather3A_679 = vector.shape_cast %broadcast_in_dim3A_678 : vector<16x1xi32> to vector<16xi32>
        %gather3A_680 = tpu.dynamic_gather %exp3A[%gather3A_679] in [0] : vector<16xf32>, vector<16xi32> -> vector<16xf32>
        %add3A_681 = arith.constant 9 : i32
        %add3A_682 = arith.addi %mul3A_410, %add3A_681 : i32
        %get3A_683 = arith.index_cast %add3A_682 : i32 to index
        %get3A_684 = arith.constant 0 : index
        %get3A_685 = tpu.vector_load %arg14[%get3A_683, %get3A_684] {strides = array<i32>} : memref<256x32xbf16, #tpu.memory_space<vmem>>, vector<32xbf16>,
        %bitcast3A_686 = vector.bitcast %get3A_685 : vector<32xbf16> to vector<16xi32>
        %shift_left3A_687 = arith.constant 16 : i32
        %shift_left3A_688 = vector.broadcast %shift_left3A_687 : i32 to vector<16xi32>
        %shift_left3A_689 = arith.shli %bitcast3A_686, %shift_left3A_688 : vector<16xi32>
        %bitcast3A_690 = vector.bitcast %shift_left3A_689 : vector<16xi32> to vector<16xf32>
        %and3A_691 = arith.constant -65536 : i32
        %and3A_692 = vector.broadcast %and3A_691 : i32 to vector<16xi32>
        %and3A_693 = arith.andi %bitcast3A_686, %and3A_692 : vector<16xi32>
        %bitcast3A_694 = vector.bitcast %and3A_693 : vector<16xi32> to vector<16xf32>
        %mul3A_695 = arith.mulf %bitcast3A_690, %gather3A_680 : vector<16xf32>
        %add3A_696 = arith.constant 9 : i32
        %add3A_697 = arith.addi %mul3A_410, %add3A_696 : i32
        %swap3A_698 = arith.index_cast %add3A_697 : i32 to index
        %swap3A_699 = arith.constant 0 : index
        %swap3A_700 = tpu.vector_load %arg18[%swap3A_698, %swap3A_699] {strides = array<i32>} : memref<256x32xf32, #tpu.memory_space<vmem>>, vector<16xf32>,
        tpu.vector_store %arg18[%swap3A_698, %swap3A_699], %mul3A_695 {strides = array<i32>} : memref<256x32xf32, #tpu.memory_space<vmem>>, vector<16xf32>,
        %mul3A_701 = arith.mulf %bitcast3A_694, %gather3A_680 : vector<16xf32>
        %add3A_702 = arith.constant 9 : i32
        %add3A_703 = arith.addi %mul3A_410, %add3A_702 : i32
        %swap3A_704 = arith.index_cast %add3A_703 : i32 to index
        %swap3A_705 = arith.constant 16 : index
        %swap3A_706 = tpu.vector_load %arg18[%swap3A_704, %swap3A_705] {strides = array<i32>} : memref<256x32xf32, #tpu.memory_space<vmem>>, vector<16xf32>,
        tpu.vector_store %arg18[%swap3A_704, %swap3A_705], %mul3A_701 {strides = array<i32>} : memref<256x32xf32, #tpu.memory_space<vmem>>, vector<16xf32>,
        %broadcast_in_dim3A_707 = arith.constant 10 : i32
        %broadcast_in_dim3A_708 = vector.broadcast %broadcast_in_dim3A_707 : i32 to vector<16x1xi32>
        %gather3A_709 = vector.shape_cast %broadcast_in_dim3A_708 : vector<16x1xi32> to vector<16xi32>
        %gather3A_710 = tpu.dynamic_gather %exp3A[%gather3A_709] in [0] : vector<16xf32>, vector<16xi32> -> vector<16xf32>
        %add3A_711 = arith.constant 10 : i32
        %add3A_712 = arith.addi %mul3A_410, %add3A_711 : i32
        %get3A_713 = arith.index_cast %add3A_712 : i32 to index
        %get3A_714 = arith.constant 0 : index
        %get3A_715 = tpu.vector_load %arg14[%get3A_713, %get3A_714] {strides = array<i32>} : memref<256x32xbf16, #tpu.memory_space<vmem>>, vector<32xbf16>,
        %bitcast3A_716 = vector.bitcast %get3A_715 : vector<32xbf16> to vector<16xi32>
        %shift_left3A_717 = arith.constant 16 : i32
        %shift_left3A_718 = vector.broadcast %shift_left3A_717 : i32 to vector<16xi32>
        %shift_left3A_719 = arith.shli %bitcast3A_716, %shift_left3A_718 : vector<16xi32>
        %bitcast3A_720 = vector.bitcast %shift_left3A_719 : vector<16xi32> to vector<16xf32>
        %and3A_721 = arith.constant -65536 : i32
        %and3A_722 = vector.broadcast %and3A_721 : i32 to vector<16xi32>
        %and3A_723 = arith.andi %bitcast3A_716, %and3A_722 : vector<16xi32>
        %bitcast3A_724 = vector.bitcast %and3A_723 : vector<16xi32> to vector<16xf32>
        %mul3A_725 = arith.mulf %bitcast3A_720, %gather3A_710 : vector<16xf32>
        %add3A_726 = arith.constant 10 : i32
        %add3A_727 = arith.addi %mul3A_410, %add3A_726 : i32
        %swap3A_728 = arith.index_cast %add3A_727 : i32 to index
        %swap3A_729 = arith.constant 0 : index
        %swap3A_730 = tpu.vector_load %arg18[%swap3A_728, %swap3A_729] {strides = array<i32>} : memref<256x32xf32, #tpu.memory_space<vmem>>, vector<16xf32>,
        tpu.vector_store %arg18[%swap3A_728, %swap3A_729], %mul3A_725 {strides = array<i32>} : memref<256x32xf32, #tpu.memory_space<vmem>>, vector<16xf32>,
        %mul3A_731 = arith.mulf %bitcast3A_724, %gather3A_710 : vector<16xf32>
        %add3A_732 = arith.constant 10 : i32
        %add3A_733 = arith.addi %mul3A_410, %add3A_732 : i32
        %swap3A_734 = arith.index_cast %add3A_733 : i32 to index
        %swap3A_735 = arith.constant 16 : index
        %swap3A_736 = tpu.vector_load %arg18[%swap3A_734, %swap3A_735] {strides = array<i32>} : memref<256x32xf32, #tpu.memory_space<vmem>>, vector<16xf32>,
        tpu.vector_store %arg18[%swap3A_734, %swap3A_735], %mul3A_731 {strides = array<i32>} : memref<256x32xf32, #tpu.memory_space<vmem>>, vector<16xf32>,
        %broadcast_in_dim3A_737 = arith.constant 11 : i32
        %broadcast_in_dim3A_738 = vector.broadcast %broadcast_in_dim3A_737 : i32 to vector<16x1xi32>
        %gather3A_739 = vector.shape_cast %broadcast_in_dim3A_738 : vector<16x1xi32> to vector<16xi32>
        %gather3A_740 = tpu.dynamic_gather %exp3A[%gather3A_739] in [0] : vector<16xf32>, vector<16xi32> -> vector<16xf32>
        %add3A_741 = arith.constant 11 : i32
        %add3A_742 = arith.addi %mul3A_410, %add3A_741 : i32
        %get3A_743 = arith.index_cast %add3A_742 : i32 to index
        %get3A_744 = arith.constant 0 : index
        %get3A_745 = tpu.vector_load %arg14[%get3A_743, %get3A_744] {strides = array<i32>} : memref<256x32xbf16, #tpu.memory_space<vmem>>, vector<32xbf16>,
        %bitcast3A_746 = vector.bitcast %get3A_745 : vector<32xbf16> to vector<16xi32>
        %shift_left3A_747 = arith.constant 16 : i32
        %shift_left3A_748 = vector.broadcast %shift_left3A_747 : i32 to vector<16xi32>
        %shift_left3A_749 = arith.shli %bitcast3A_746, %shift_left3A_748 : vector<16xi32>
        %bitcast3A_750 = vector.bitcast %shift_left3A_749 : vector<16xi32> to vector<16xf32>
        %and3A_751 = arith.constant -65536 : i32
        %and3A_752 = vector.broadcast %and3A_751 : i32 to vector<16xi32>
        %and3A_753 = arith.andi %bitcast3A_746, %and3A_752 : vector<16xi32>
        %bitcast3A_754 = vector.bitcast %and3A_753 : vector<16xi32> to vector<16xf32>
        %mul3A_755 = arith.mulf %bitcast3A_750, %gather3A_740 : vector<16xf32>
        %add3A_756 = arith.constant 11 : i32
        %add3A_757 = arith.addi %mul3A_410, %add3A_756 : i32
        %swap3A_758 = arith.index_cast %add3A_757 : i32 to index
        %swap3A_759 = arith.constant 0 : index
        %swap3A_760 = tpu.vector_load %arg18[%swap3A_758, %swap3A_759] {strides = array<i32>} : memref<256x32xf32, #tpu.memory_space<vmem>>, vector<16xf32>,
        tpu.vector_store %arg18[%swap3A_758, %swap3A_759], %mul3A_755 {strides = array<i32>} : memref<256x32xf32, #tpu.memory_space<vmem>>, vector<16xf32>,
        %mul3A_761 = arith.mulf %bitcast3A_754, %gather3A_740 : vector<16xf32>
        %add3A_762 = arith.constant 11 : i32
        %add3A_763 = arith.addi %mul3A_410, %add3A_762 : i32
        %swap3A_764 = arith.index_cast %add3A_763 : i32 to index
        %swap3A_765 = arith.constant 16 : index
        %swap3A_766 = tpu.vector_load %arg18[%swap3A_764, %swap3A_765] {strides = array<i32>} : memref<256x32xf32, #tpu.memory_space<vmem>>, vector<16xf32>,
        tpu.vector_store %arg18[%swap3A_764, %swap3A_765], %mul3A_761 {strides = array<i32>} : memref<256x32xf32, #tpu.memory_space<vmem>>, vector<16xf32>,
        %broadcast_in_dim3A_767 = arith.constant 12 : i32
        %broadcast_in_dim3A_768 = vector.broadcast %broadcast_in_dim3A_767 : i32 to vector<16x1xi32>
        %gather3A_769 = vector.shape_cast %broadcast_in_dim3A_768 : vector<16x1xi32> to vector<16xi32>
        %gather3A_770 = tpu.dynamic_gather %exp3A[%gather3A_769] in [0] : vector<16xf32>, vector<16xi32> -> vector<16xf32>
        %add3A_771 = arith.constant 12 : i32
        %add3A_772 = arith.addi %mul3A_410, %add3A_771 : i32
        %get3A_773 = arith.index_cast %add3A_772 : i32 to index
        %get3A_774 = arith.constant 0 : index
        %get3A_775 = tpu.vector_load %arg14[%get3A_773, %get3A_774] {strides = array<i32>} : memref<256x32xbf16, #tpu.memory_space<vmem>>, vector<32xbf16>,
        %bitcast3A_776 = vector.bitcast %get3A_775 : vector<32xbf16> to vector<16xi32>
        %shift_left3A_777 = arith.constant 16 : i32
        %shift_left3A_778 = vector.broadcast %shift_left3A_777 : i32 to vector<16xi32>
        %shift_left3A_779 = arith.shli %bitcast3A_776, %shift_left3A_778 : vector<16xi32>
        %bitcast3A_780 = vector.bitcast %shift_left3A_779 : vector<16xi32> to vector<16xf32>
        %and3A_781 = arith.constant -65536 : i32
        %and3A_782 = vector.broadcast %and3A_781 : i32 to vector<16xi32>
        %and3A_783 = arith.andi %bitcast3A_776, %and3A_782 : vector<16xi32>
        %bitcast3A_784 = vector.bitcast %and3A_783 : vector<16xi32> to vector<16xf32>
        %mul3A_785 = arith.mulf %bitcast3A_780, %gather3A_770 : vector<16xf32>
        %add3A_786 = arith.constant 12 : i32
        %add3A_787 = arith.addi %mul3A_410, %add3A_786 : i32
        %swap3A_788 = arith.index_cast %add3A_787 : i32 to index
        %swap3A_789 = arith.constant 0 : index
        %swap3A_790 = tpu.vector_load %arg18[%swap3A_788, %swap3A_789] {strides = array<i32>} : memref<256x32xf32, #tpu.memory_space<vmem>>, vector<16xf32>,
        tpu.vector_store %arg18[%swap3A_788, %swap3A_789], %mul3A_785 {strides = array<i32>} : memref<256x32xf32, #tpu.memory_space<vmem>>, vector<16xf32>,
        %mul3A_791 = arith.mulf %bitcast3A_784, %gather3A_770 : vector<16xf32>
        %add3A_792 = arith.constant 12 : i32
        %add3A_793 = arith.addi %mul3A_410, %add3A_792 : i32
        %swap3A_794 = arith.index_cast %add3A_793 : i32 to index
        %swap3A_795 = arith.constant 16 : index
        %swap3A_796 = tpu.vector_load %arg18[%swap3A_794, %swap3A_795] {strides = array<i32>} : memref<256x32xf32, #tpu.memory_space<vmem>>, vector<16xf32>,
        tpu.vector_store %arg18[%swap3A_794, %swap3A_795], %mul3A_791 {strides = array<i32>} : memref<256x32xf32, #tpu.memory_space<vmem>>, vector<16xf32>,
        %broadcast_in_dim3A_797 = arith.constant 13 : i32
        %broadcast_in_dim3A_798 = vector.broadcast %broadcast_in_dim3A_797 : i32 to vector<16x1xi32>
        %gather3A_799 = vector.shape_cast %broadcast_in_dim3A_798 : vector<16x1xi32> to vector<16xi32>
        %gather3A_800 = tpu.dynamic_gather %exp3A[%gather3A_799] in [0] : vector<16xf32>, vector<16xi32> -> vector<16xf32>
        %add3A_801 = arith.constant 13 : i32
        %add3A_802 = arith.addi %mul3A_410, %add3A_801 : i32
        %get3A_803 = arith.index_cast %add3A_802 : i32 to index
        %get3A_804 = arith.constant 0 : index
        %get3A_805 = tpu.vector_load %arg14[%get3A_803, %get3A_804] {strides = array<i32>} : memref<256x32xbf16, #tpu.memory_space<vmem>>, vector<32xbf16>,
        %bitcast3A_806 = vector.bitcast %get3A_805 : vector<32xbf16> to vector<16xi32>
        %shift_left3A_807 = arith.constant 16 : i32
        %shift_left3A_808 = vector.broadcast %shift_left3A_807 : i32 to vector<16xi32>
        %shift_left3A_809 = arith.shli %bitcast3A_806, %shift_left3A_808 : vector<16xi32>
        %bitcast3A_810 = vector.bitcast %shift_left3A_809 : vector<16xi32> to vector<16xf32>
        %and3A_811 = arith.constant -65536 : i32
        %and3A_812 = vector.broadcast %and3A_811 : i32 to vector<16xi32>
        %and3A_813 = arith.andi %bitcast3A_806, %and3A_812 : vector<16xi32>
        %bitcast3A_814 = vector.bitcast %and3A_813 : vector<16xi32> to vector<16xf32>
        %mul3A_815 = arith.mulf %bitcast3A_810, %gather3A_800 : vector<16xf32>
        %add3A_816 = arith.constant 13 : i32
        %add3A_817 = arith.addi %mul3A_410, %add3A_816 : i32
        %swap3A_818 = arith.index_cast %add3A_817 : i32 to index
        %swap3A_819 = arith.constant 0 : index
        %swap3A_820 = tpu.vector_load %arg18[%swap3A_818, %swap3A_819] {strides = array<i32>} : memref<256x32xf32, #tpu.memory_space<vmem>>, vector<16xf32>,
        tpu.vector_store %arg18[%swap3A_818, %swap3A_819], %mul3A_815 {strides = array<i32>} : memref<256x32xf32, #tpu.memory_space<vmem>>, vector<16xf32>,
        %mul3A_821 = arith.mulf %bitcast3A_814, %gather3A_800 : vector<16xf32>
        %add3A_822 = arith.constant 13 : i32
        %add3A_823 = arith.addi %mul3A_410, %add3A_822 : i32
        %swap3A_824 = arith.index_cast %add3A_823 : i32 to index
        %swap3A_825 = arith.constant 16 : index
        %swap3A_826 = tpu.vector_load %arg18[%swap3A_824, %swap3A_825] {strides = array<i32>} : memref<256x32xf32, #tpu.memory_space<vmem>>, vector<16xf32>,
        tpu.vector_store %arg18[%swap3A_824, %swap3A_825], %mul3A_821 {strides = array<i32>} : memref<256x32xf32, #tpu.memory_space<vmem>>, vector<16xf32>,
        %broadcast_in_dim3A_827 = arith.constant 14 : i32
        %broadcast_in_dim3A_828 = vector.broadcast %broadcast_in_dim3A_827 : i32 to vector<16x1xi32>
        %gather3A_829 = vector.shape_cast %broadcast_in_dim3A_828 : vector<16x1xi32> to vector<16xi32>
        %gather3A_830 = tpu.dynamic_gather %exp3A[%gather3A_829] in [0] : vector<16xf32>, vector<16xi32> -> vector<16xf32>
        %add3A_831 = arith.constant 14 : i32
        %add3A_832 = arith.addi %mul3A_410, %add3A_831 : i32
        %get3A_833 = arith.index_cast %add3A_832 : i32 to index
        %get3A_834 = arith.constant 0 : index
        %get3A_835 = tpu.vector_load %arg14[%get3A_833, %get3A_834] {strides = array<i32>} : memref<256x32xbf16, #tpu.memory_space<vmem>>, vector<32xbf16>,
        %bitcast3A_836 = vector.bitcast %get3A_835 : vector<32xbf16> to vector<16xi32>
        %shift_left3A_837 = arith.constant 16 : i32
        %shift_left3A_838 = vector.broadcast %shift_left3A_837 : i32 to vector<16xi32>
        %shift_left3A_839 = arith.shli %bitcast3A_836, %shift_left3A_838 : vector<16xi32>
        %bitcast3A_840 = vector.bitcast %shift_left3A_839 : vector<16xi32> to vector<16xf32>
        %and3A_841 = arith.constant -65536 : i32
        %and3A_842 = vector.broadcast %and3A_841 : i32 to vector<16xi32>
        %and3A_843 = arith.andi %bitcast3A_836, %and3A_842 : vector<16xi32>
        %bitcast3A_844 = vector.bitcast %and3A_843 : vector<16xi32> to vector<16xf32>
        %mul3A_845 = arith.mulf %bitcast3A_840, %gather3A_830 : vector<16xf32>
        %add3A_846 = arith.constant 14 : i32
        %add3A_847 = arith.addi %mul3A_410, %add3A_846 : i32
        %swap3A_848 = arith.index_cast %add3A_847 : i32 to index
        %swap3A_849 = arith.constant 0 : index
        %swap3A_850 = tpu.vector_load %arg18[%swap3A_848, %swap3A_849] {strides = array<i32>} : memref<256x32xf32, #tpu.memory_space<vmem>>, vector<16xf32>,
        tpu.vector_store %arg18[%swap3A_848, %swap3A_849], %mul3A_845 {strides = array<i32>} : memref<256x32xf32, #tpu.memory_space<vmem>>, vector<16xf32>,
        %mul3A_851 = arith.mulf %bitcast3A_844, %gather3A_830 : vector<16xf32>
        %add3A_852 = arith.constant 14 : i32
        %add3A_853 = arith.addi %mul3A_410, %add3A_852 : i32
        %swap3A_854 = arith.index_cast %add3A_853 : i32 to index
        %swap3A_855 = arith.constant 16 : index
        %swap3A_856 = tpu.vector_load %arg18[%swap3A_854, %swap3A_855] {strides = array<i32>} : memref<256x32xf32, #tpu.memory_space<vmem>>, vector<16xf32>,
        tpu.vector_store %arg18[%swap3A_854, %swap3A_855], %mul3A_851 {strides = array<i32>} : memref<256x32xf32, #tpu.memory_space<vmem>>, vector<16xf32>,
        %broadcast_in_dim3A_857 = arith.constant 15 : i32
        %broadcast_in_dim3A_858 = vector.broadcast %broadcast_in_dim3A_857 : i32 to vector<16x1xi32>
        %gather3A_859 = vector.shape_cast %broadcast_in_dim3A_858 : vector<16x1xi32> to vector<16xi32>
        %gather3A_860 = tpu.dynamic_gather %exp3A[%gather3A_859] in [0] : vector<16xf32>, vector<16xi32> -> vector<16xf32>
        %add3A_861 = arith.constant 15 : i32
        %add3A_862 = arith.addi %mul3A_410, %add3A_861 : i32
        %get3A_863 = arith.index_cast %add3A_862 : i32 to index
        %get3A_864 = arith.constant 0 : index
        %get3A_865 = tpu.vector_load %arg14[%get3A_863, %get3A_864] {strides = array<i32>} : memref<256x32xbf16, #tpu.memory_space<vmem>>, vector<32xbf16>,
        %bitcast3A_866 = vector.bitcast %get3A_865 : vector<32xbf16> to vector<16xi32>
        %shift_left3A_867 = arith.constant 16 : i32
        %shift_left3A_868 = vector.broadcast %shift_left3A_867 : i32 to vector<16xi32>
        %shift_left3A_869 = arith.shli %bitcast3A_866, %shift_left3A_868 : vector<16xi32>
        %bitcast3A_870 = vector.bitcast %shift_left3A_869 : vector<16xi32> to vector<16xf32>
        %and3A_871 = arith.constant -65536 : i32
        %and3A_872 = vector.broadcast %and3A_871 : i32 to vector<16xi32>
        %and3A_873 = arith.andi %bitcast3A_866, %and3A_872 : vector<16xi32>
        %bitcast3A_874 = vector.bitcast %and3A_873 : vector<16xi32> to vector<16xf32>
        %mul3A_875 = arith.mulf %bitcast3A_870, %gather3A_860 : vector<16xf32>
        %add3A_876 = arith.constant 15 : i32
        %add3A_877 = arith.addi %mul3A_410, %add3A_876 : i32
        %swap3A_878 = arith.index_cast %add3A_877 : i32 to index
        %swap3A_879 = arith.constant 0 : index
        %swap3A_880 = tpu.vector_load %arg18[%swap3A_878, %swap3A_879] {strides = array<i32>} : memref<256x32xf32, #tpu.memory_space<vmem>>, vector<16xf32>,
        tpu.vector_store %arg18[%swap3A_878, %swap3A_879], %mul3A_875 {strides = array<i32>} : memref<256x32xf32, #tpu.memory_space<vmem>>, vector<16xf32>,
        %mul3A_881 = arith.mulf %bitcast3A_874, %gather3A_860 : vector<16xf32>
        %add3A_882 = arith.constant 15 : i32
        %add3A_883 = arith.addi %mul3A_410, %add3A_882 : i32
        %swap3A_884 = arith.index_cast %add3A_883 : i32 to index
        %swap3A_885 = arith.constant 16 : index
        %swap3A_886 = tpu.vector_load %arg18[%swap3A_884, %swap3A_885] {strides = array<i32>} : memref<256x32xf32, #tpu.memory_space<vmem>>, vector<16xf32>,
        tpu.vector_store %arg18[%swap3A_884, %swap3A_885], %mul3A_881 {strides = array<i32>} : memref<256x32xf32, #tpu.memory_space<vmem>>, vector<16xf32>,
      }
      %scan3A_199 = arith.constant 16 : i32
      %mul3A_200 = arith.constant 2 : i32
      %mul3A_201 = arith.muli %add3A_168, %mul3A_200 : i32
      %add3A_202 = arith.constant 0 : i32
      %add3A_203 = arith.addi %mul3A_201, %add3A_202 : i32
      %dma_start3A_204 = arith.constant 0 : i32
      %dma_start3A_205 = arith.constant 0 : i32
      %dma_start3A_206 = tpu.memref_slice %arg18[%dma_start3A_204, %dma_start3A_205] : memref<256x32xf32, #tpu.memory_space<vmem>> -> memref<128x32xf32, #tpu.memory_space<vmem>>
      %dma_start3A_207 = arith.constant 0 : i32
      %dma_start3A_208 = tpu.memref_slice %arg12[%add3A_203, %dma_start3A_207] : memref<160x128xi32, #tpu.memory_space<vmem>> -> memref<1x128xi32, #tpu.memory_space<vmem>>
      %dma_start3A_209 = tpu.memref_squeeze %dma_start3A_208 : memref<1x128xi32, #tpu.memory_space<vmem>> -> memref<128xi32, #tpu.memory_space<vmem>>
      %dma_start3A_210 = arith.constant 0 : i32
      %dma_start3A_211 = arith.constant 0 : i32
      %dma_start3A_212 = tpu.memref_slice %arg19[%dma_start3A_210, %dma_start3A_211] : memref<10112x32xf32, #tpu.memory_space<vmem_shared>> -> memref<10112x32xf32, #tpu.memory_space<vmem_shared>>
      tpu.enqueue_indirect_dma source(%dma_start3A_206 : memref<128x32xf32, #tpu.memory_space<vmem>>) target(%dma_start3A_212 : memref<10112x32xf32, #tpu.memory_space<vmem_shared>>) offsets(%dma_start3A_209 : memref<128xi32, #tpu.memory_space<vmem>>) semaphore(%arg25 : memref<!tpu.dma_semaphore, #tpu.memory_space<semaphore_mem>>) {add = true}
      %mul3A_213 = arith.constant 2 : i32
      %mul3A_214 = arith.muli %add3A_168, %mul3A_213 : i32
      %add3A_215 = arith.constant 1 : i32
      %add3A_216 = arith.addi %mul3A_214, %add3A_215 : i32
      %dma_start3A_217 = arith.constant 128 : i32
      %dma_start3A_218 = arith.constant 0 : i32
      %dma_start3A_219 = tpu.memref_slice %arg18[%dma_start3A_217, %dma_start3A_218] : memref<256x32xf32, #tpu.memory_space<vmem>> -> memref<128x32xf32, #tpu.memory_space<vmem>>
      %dma_start3A_220 = arith.constant 0 : i32
      %dma_start3A_221 = tpu.memref_slice %arg12[%add3A_216, %dma_start3A_220] : memref<160x128xi32, #tpu.memory_space<vmem>> -> memref<1x128xi32, #tpu.memory_space<vmem>>
      %dma_start3A_222 = tpu.memref_squeeze %dma_start3A_221 : memref<1x128xi32, #tpu.memory_space<vmem>> -> memref<128xi32, #tpu.memory_space<vmem>>
      %dma_start3A_223 = arith.constant 0 : i32
      %dma_start3A_224 = arith.constant 0 : i32
      %dma_start3A_225 = tpu.memref_slice %arg19[%dma_start3A_223, %dma_start3A_224] : memref<10112x32xf32, #tpu.memory_space<vmem_shared>> -> memref<10112x32xf32, #tpu.memory_space<vmem_shared>>
      tpu.enqueue_indirect_dma source(%dma_start3A_219 : memref<128x32xf32, #tpu.memory_space<vmem>>) target(%dma_start3A_225 : memref<10112x32xf32, #tpu.memory_space<vmem_shared>>) offsets(%dma_start3A_222 : memref<128xi32, #tpu.memory_space<vmem>>) semaphore(%arg25 : memref<!tpu.dma_semaphore, #tpu.memory_space<semaphore_mem>>) {add = true}
      %add3A_226 = arith.constant 4 : i32
      %add3A_227 = arith.addi %mul3A_97, %add3A_226 : i32
      %lt3A_228 = arith.constant 80 : i32
      %lt3A_229 = arith.cmpi slt, %add3A_227, %lt3A_228 : i32
      %convert_element_type3A_230 = arith.extui %lt3A_229 : i1 to i32
      %cond3A_231 = arith.constant 0 : i32
      %cond3A_232 = arith.cmpi ne, %convert_element_type3A_230, %cond3A_231 : i32
      scf.if %cond3A_232 {
        %mul3A_358 = arith.constant 2 : i32
        %mul3A_359 = arith.muli %add3A_227, %mul3A_358 : i32
        %add3A_360 = arith.constant 0 : i32
        %add3A_361 = arith.addi %mul3A_359, %add3A_360 : i32
        %dma_start3A_362 = arith.constant 0 : i32
        %dma_start3A_363 = arith.constant 0 : i32
        %dma_start3A_364 = tpu.memref_slice %arg13[%dma_start3A_362, %dma_start3A_363] : memref<256x32xbf16, #tpu.memory_space<vmem>> -> memref<128x32xbf16, #tpu.memory_space<vmem>>
        %dma_start3A_365 = arith.constant 0 : i32
        %dma_start3A_366 = tpu.memref_slice %arg11[%add3A_361, %dma_start3A_365] : memref<160x128xi32, #tpu.memory_space<vmem>> -> memref<1x128xi32, #tpu.memory_space<vmem>>
        %dma_start3A_367 = tpu.memref_squeeze %dma_start3A_366 : memref<1x128xi32, #tpu.memory_space<vmem>> -> memref<128xi32, #tpu.memory_space<vmem>>
        %dma_start3A_368 = arith.constant 0 : i32
        %dma_start3A_369 = arith.constant 0 : i32
        %dma_start3A_370 = tpu.memref_slice %arg6[%dma_start3A_368, %dma_start3A_369] : memref<10000x32xbf16, #tpu.memory_space<hbm>> -> memref<10000x32xbf16, #tpu.memory_space<hbm>>
        tpu.enqueue_indirect_dma source(%dma_start3A_370 : memref<10000x32xbf16, #tpu.memory_space<hbm>>) target(%dma_start3A_364 : memref<128x32xbf16, #tpu.memory_space<vmem>>) offsets(%dma_start3A_367 : memref<128xi32, #tpu.memory_space<vmem>>) semaphore(%arg20 : memref<!tpu.dma_semaphore, #tpu.memory_space<semaphore_mem>>)
        %mul3A_371 = arith.constant 2 : i32
        %mul3A_372 = arith.muli %add3A_227, %mul3A_371 : i32
        %add3A_373 = arith.constant 1 : i32
        %add3A_374 = arith.addi %mul3A_372, %add3A_373 : i32
        %dma_start3A_375 = arith.constant 128 : i32
        %dma_start3A_376 = arith.constant 0 : i32
        %dma_start3A_377 = tpu.memref_slice %arg13[%dma_start3A_375, %dma_start3A_376] : memref<256x32xbf16, #tpu.memory_space<vmem>> -> memref<128x32xbf16, #tpu.memory_space<vmem>>
        %dma_start3A_378 = arith.constant 0 : i32
        %dma_start3A_379 = tpu.memref_slice %arg11[%add3A_374, %dma_start3A_378] : memref<160x128xi32, #tpu.memory_space<vmem>> -> memref<1x128xi32, #tpu.memory_space<vmem>>
        %dma_start3A_380 = tpu.memref_squeeze %dma_start3A_379 : memref<1x128xi32, #tpu.memory_space<vmem>> -> memref<128xi32, #tpu.memory_space<vmem>>
        %dma_start3A_381 = arith.constant 0 : i32
        %dma_start3A_382 = arith.constant 0 : i32
        %dma_start3A_383 = tpu.memref_slice %arg6[%dma_start3A_381, %dma_start3A_382] : memref<10000x32xbf16, #tpu.memory_space<hbm>> -> memref<10000x32xbf16, #tpu.memory_space<hbm>>
        tpu.enqueue_indirect_dma source(%dma_start3A_383 : memref<10000x32xbf16, #tpu.memory_space<hbm>>) target(%dma_start3A_377 : memref<128x32xbf16, #tpu.memory_space<vmem>>) offsets(%dma_start3A_380 : memref<128xi32, #tpu.memory_space<vmem>>) semaphore(%arg20 : memref<!tpu.dma_semaphore, #tpu.memory_space<semaphore_mem>>)
      } else {
      }
      %add3A_233 = arith.constant 2 : i32
      %add3A_234 = arith.addi %mul3A_97, %add3A_233 : i32
      %dma_wait3A_235 = arith.constant 0 : i32
      %dma_wait3A_236 = arith.constant 0 : i32
      %dma_wait3A_237 = arith.constant 0 : i32
      %dma_wait3A_238 = tpu.memref_slice %arg15[%dma_wait3A_236, %dma_wait3A_237] : memref<256x32xbf16, #tpu.memory_space<vmem>> -> memref<128x32xbf16, #tpu.memory_space<vmem>>
      %dma_wait3A_239 = arith.constant 0 : i32
      %dma_wait3A_240 = tpu.memref_slice %arg11[%dma_wait3A_235, %dma_wait3A_239] : memref<160x128xi32, #tpu.memory_space<vmem>> -> memref<1x128xi32, #tpu.memory_space<vmem>>
      %dma_wait3A_241 = tpu.memref_squeeze %dma_wait3A_240 : memref<1x128xi32, #tpu.memory_space<vmem>> -> memref<128xi32, #tpu.memory_space<vmem>>
      %dma_wait3A_242 = arith.constant 0 : i32
      %dma_wait3A_243 = arith.constant 0 : i32
      %dma_wait3A_244 = tpu.memref_slice %arg6[%dma_wait3A_242, %dma_wait3A_243] : memref<10000x32xbf16, #tpu.memory_space<hbm>> -> memref<10000x32xbf16, #tpu.memory_space<hbm>>
      tpu.wait_indirect_dma semaphore(%arg22 : memref<!tpu.dma_semaphore, #tpu.memory_space<semaphore_mem>>) src(%dma_wait3A_244 : memref<10000x32xbf16, #tpu.memory_space<hbm>>) dst(%dma_wait3A_238 : memref<128x32xbf16, #tpu.memory_space<vmem>>)
      %dma_wait3A_245 = arith.constant 0 : i32
      %dma_wait3A_246 = arith.constant 128 : i32
      %dma_wait3A_247 = arith.constant 0 : i32
      %dma_wait3A_248 = tpu.memref_slice %arg15[%dma_wait3A_246, %dma_wait3A_247] : memref<256x32xbf16, #tpu.memory_space<vmem>> -> memref<128x32xbf16, #tpu.memory_space<vmem>>
      %dma_wait3A_249 = arith.constant 0 : i32
      %dma_wait3A_250 = tpu.memref_slice %arg11[%dma_wait3A_245, %dma_wait3A_249] : memref<160x128xi32, #tpu.memory_space<vmem>> -> memref<1x128xi32, #tpu.memory_space<vmem>>
      %dma_wait3A_251 = tpu.memref_squeeze %dma_wait3A_250 : memref<1x128xi32, #tpu.memory_space<vmem>> -> memref<128xi32, #tpu.memory_space<vmem>>
      %dma_wait3A_252 = arith.constant 0 : i32
      %dma_wait3A_253 = arith.constant 0 : i32
      %dma_wait3A_254 = tpu.memref_slice %arg6[%dma_wait3A_252, %dma_wait3A_253] : memref<10000x32xbf16, #tpu.memory_space<hbm>> -> memref<10000x32xbf16, #tpu.memory_space<hbm>>
      tpu.wait_indirect_dma semaphore(%arg22 : memref<!tpu.dma_semaphore, #tpu.memory_space<semaphore_mem>>) src(%dma_wait3A_254 : memref<10000x32xbf16, #tpu.memory_space<hbm>>) dst(%dma_wait3A_248 : memref<128x32xbf16, #tpu.memory_space<vmem>>)
      %ge3A_255 = arith.constant 2 : i32
      %ge3A_256 = arith.cmpi sge, %add3A_234, %ge3A_255 : i32
      %convert_element_type3A_257 = arith.extui %ge3A_256 : i1 to i32
      %cond3A_258 = arith.constant 0 : i32
      %cond3A_259 = arith.cmpi ne, %convert_element_type3A_257, %cond3A_258 : i32
      scf.if %cond3A_259 {
        %dma_wait3A_358 = arith.constant 0 : i32
        %dma_wait3A_359 = arith.constant 0 : i32
        %dma_wait3A_360 = arith.constant 0 : i32
        %dma_wait3A_361 = tpu.memref_slice %arg17[%dma_wait3A_359, %dma_wait3A_360] : memref<256x32xf32, #tpu.memory_space<vmem>> -> memref<128x32xf32, #tpu.memory_space<vmem>>
        %dma_wait3A_362 = arith.constant 0 : i32
        %dma_wait3A_363 = tpu.memref_slice %arg12[%dma_wait3A_358, %dma_wait3A_362] : memref<160x128xi32, #tpu.memory_space<vmem>> -> memref<1x128xi32, #tpu.memory_space<vmem>>
        %dma_wait3A_364 = tpu.memref_squeeze %dma_wait3A_363 : memref<1x128xi32, #tpu.memory_space<vmem>> -> memref<128xi32, #tpu.memory_space<vmem>>
        %dma_wait3A_365 = arith.constant 0 : i32
        %dma_wait3A_366 = arith.constant 0 : i32
        %dma_wait3A_367 = tpu.memref_slice %arg19[%dma_wait3A_365, %dma_wait3A_366] : memref<10112x32xf32, #tpu.memory_space<vmem_shared>> -> memref<10112x32xf32, #tpu.memory_space<vmem_shared>>
        tpu.wait_indirect_dma semaphore(%arg24 : memref<!tpu.dma_semaphore, #tpu.memory_space<semaphore_mem>>) src(%dma_wait3A_361 : memref<128x32xf32, #tpu.memory_space<vmem>>) dst(%dma_wait3A_367 : memref<10112x32xf32, #tpu.memory_space<vmem_shared>>)
        %dma_wait3A_368 = arith.constant 0 : i32
        %dma_wait3A_369 = arith.constant 128 : i32
        %dma_wait3A_370 = arith.constant 0 : i32
        %dma_wait3A_371 = tpu.memref_slice %arg17[%dma_wait3A_369, %dma_wait3A_370] : memref<256x32xf32, #tpu.memory_space<vmem>> -> memref<128x32xf32, #tpu.memory_space<vmem>>
        %dma_wait3A_372 = arith.constant 0 : i32
        %dma_wait3A_373 = tpu.memref_slice %arg12[%dma_wait3A_368, %dma_wait3A_372] : memref<160x128xi32, #tpu.memory_space<vmem>> -> memref<1x128xi32, #tpu.memory_space<vmem>>
        %dma_wait3A_374 = tpu.memref_squeeze %dma_wait3A_373 : memref<1x128xi32, #tpu.memory_space<vmem>> -> memref<128xi32, #tpu.memory_space<vmem>>
        %dma_wait3A_375 = arith.constant 0 : i32
        %dma_wait3A_376 = arith.constant 0 : i32
        %dma_wait3A_377 = tpu.memref_slice %arg19[%dma_wait3A_375, %dma_wait3A_376] : memref<10112x32xf32, #tpu.memory_space<vmem_shared>> -> memref<10112x32xf32, #tpu.memory_space<vmem_shared>>
        tpu.wait_indirect_dma semaphore(%arg24 : memref<!tpu.dma_semaphore, #tpu.memory_space<semaphore_mem>>) src(%dma_wait3A_371 : memref<128x32xf32, #tpu.memory_space<vmem>>) dst(%dma_wait3A_377 : memref<10112x32xf32, #tpu.memory_space<vmem_shared>>)
      } else {
      }
      %scan3A_260 = arith.constant 0 : i32
      %scan3A_261 = arith.constant 0 : i32
      %scan3A_262 = arith.constant 16 : i32
      %scan3A_263 = arith.addi %scan3A_261, %scan3A_262 : i32
      %scan3A_264 = arith.constant 1 : i32
      scf.for %scan3A_358 = %scan3A_261 to %scan3A_263 step %scan3A_264  : i32 {
        %mul3A_359 = arith.constant 2 : i32
        %mul3A_360 = arith.muli %add3A_234, %mul3A_359 : i32
        %jit3A = arith.constant 8 : i32
        %div3A = arith.divsi %scan3A_358, %jit3A : i32
        %sign3A = arith.constant 0 : i32
        %sign3A_361 = arith.cmpi sgt, %scan3A_358, %sign3A : i32
        %sign3A_362 = arith.extui %sign3A_361 : i1 to i32
        %sign3A_363 = arith.constant 0 : i32
        %sign3A_364 = arith.cmpi slt, %scan3A_358, %sign3A_363 : i32
        %sign3A_365 = arith.extui %sign3A_364 : i1 to i32
        %sign3A_366 = arith.subi %sign3A_362, %sign3A_365 : i32
        %sign3A_367 = arith.constant 0 : i32
        %sign3A_368 = arith.cmpi sgt, %jit3A, %sign3A_367 : i32
        %sign3A_369 = arith.extui %sign3A_368 : i1 to i32
        %sign3A_370 = arith.constant 0 : i32
        %sign3A_371 = arith.cmpi slt, %jit3A, %sign3A_370 : i32
        %sign3A_372 = arith.extui %sign3A_371 : i1 to i32
        %sign3A_373 = arith.subi %sign3A_369, %sign3A_372 : i32
        %ne3A = arith.cmpi ne, %sign3A_366, %sign3A_373 : i32
        %rem3A = arith.remsi %scan3A_358, %jit3A : i32
        %ne3A_374 = arith.constant 0 : i32
        %ne3A_375 = arith.cmpi ne, %rem3A, %ne3A_374 : i32
        %and3A = arith.andi %ne3A, %ne3A_375 : i1
        %sub3A = arith.constant 1 : i32
        %sub3A_376 = arith.subi %div3A, %sub3A : i32
        %select_n3A = arith.select %and3A, %sub3A_376, %div3A : i32
        %add3A_377 = arith.addi %mul3A_360, %select_n3A : i32
        %jit3A_378 = arith.constant 8 : i32
        %eq3A = arith.constant 0 : i32
        %eq3A_379 = arith.cmpi eq, %jit3A_378, %eq3A : i32
        %jit3A_380 = arith.constant 1 : i32
        %select_n3A_381 = arith.select %eq3A_379, %jit3A_380, %jit3A_378 : i32
        %rem3A_382 = arith.remsi %scan3A_358, %select_n3A_381 : i32
        %ne3A_383 = arith.constant 0 : i32
        %ne3A_384 = arith.cmpi ne, %rem3A_382, %ne3A_383 : i32
        %lt3A_385 = arith.constant 0 : i32
        %lt3A_386 = arith.cmpi slt, %rem3A_382, %lt3A_385 : i32
        %lt3A_387 = arith.constant 0 : i32
        %lt3A_388 = arith.cmpi slt, %select_n3A_381, %lt3A_387 : i32
        %ne3A_389 = arith.xori %lt3A_386, %lt3A_388 : i1
        %and3A_390 = arith.andi %ne3A_389, %ne3A_384 : i1
        %add3A_391 = arith.addi %rem3A_382, %select_n3A_381 : i32
        %select_n3A_392 = arith.select %and3A_390, %add3A_391, %rem3A_382 : i32
        %mul3A_393 = arith.constant 16 : i32
        %mul3A_394 = arith.muli %select_n3A_392, %mul3A_393 : i32
        %get3A = arith.index_cast %add3A_377 : i32 to index
        %get3A_395 = arith.index_cast %mul3A_394 : i32 to index
        %get3A_396 = tpu.vector_load %arg11[%get3A, %get3A_395] {strides = array<i32>} : memref<160x128xi32, #tpu.memory_space<vmem>>, vector<16xi32>,
        %get3A_397 = arith.index_cast %add3A_377 : i32 to index
        %get3A_398 = arith.index_cast %mul3A_394 : i32 to index
        %get3A_399 = tpu.vector_load %arg12[%get3A_397, %get3A_398] {strides = array<i32>} : memref<160x128xi32, #tpu.memory_space<vmem>>, vector<16xi32>,
        %gather3A = tpu.vector_load_idx %arg9[%get3A_399] : memref<10112xf32, #tpu.memory_space<vmem>>[vector<16xi32>], vector<16xf32>,
        %gather3A_400 = tpu.vector_load_idx %arg10[%get3A_396] : memref<10112xf32, #tpu.memory_space<vmem>>[vector<16xi32>], vector<16xf32>,
        %add3A_401 = arith.addf %gather3A, %gather3A_400 : vector<16xf32>
        %ge3A_402 = arith.constant 0.000000e+00 : f32
        %ge3A_403 = vector.broadcast %ge3A_402 : f32 to vector<16xf32>
        %ge3A_404 = arith.cmpf oge, %add3A_401, %ge3A_403 : vector<16xf32>
        %mul3A_405 = arith.constant 2.000000e-01 : f32
        %mul3A_406 = vector.broadcast %mul3A_405 : f32 to vector<16xf32>
        %mul3A_407 = arith.mulf %mul3A_406, %add3A_401 : vector<16xf32>
        %select_n3A_408 = arith.select %ge3A_404, %add3A_401, %mul3A_407 : vector<16xi1>, vector<16xf32>
        %exp3A = math.exp %select_n3A_408 : vector<16xf32>
        %mul3A_409 = arith.constant 16 : i32
        %mul3A_410 = arith.muli %scan3A_358, %mul3A_409 : i32
        %broadcast_in_dim3A = arith.constant 0 : i32
        %broadcast_in_dim3A_411 = vector.broadcast %broadcast_in_dim3A : i32 to vector<16x1xi32>
        %gather3A_412 = vector.shape_cast %broadcast_in_dim3A_411 : vector<16x1xi32> to vector<16xi32>
        %gather3A_413 = tpu.dynamic_gather %exp3A[%gather3A_412] in [0] : vector<16xf32>, vector<16xi32> -> vector<16xf32>
        %add3A_414 = arith.constant 0 : i32
        %add3A_415 = arith.addi %mul3A_410, %add3A_414 : i32
        %get3A_416 = arith.index_cast %add3A_415 : i32 to index
        %get3A_417 = arith.constant 0 : index
        %get3A_418 = tpu.vector_load %arg15[%get3A_416, %get3A_417] {strides = array<i32>} : memref<256x32xbf16, #tpu.memory_space<vmem>>, vector<32xbf16>,
        %bitcast3A = vector.bitcast %get3A_418 : vector<32xbf16> to vector<16xi32>
        %shift_left3A = arith.constant 16 : i32
        %shift_left3A_419 = vector.broadcast %shift_left3A : i32 to vector<16xi32>
        %shift_left3A_420 = arith.shli %bitcast3A, %shift_left3A_419 : vector<16xi32>
        %bitcast3A_421 = vector.bitcast %shift_left3A_420 : vector<16xi32> to vector<16xf32>
        %and3A_422 = arith.constant -65536 : i32
        %and3A_423 = vector.broadcast %and3A_422 : i32 to vector<16xi32>
        %and3A_424 = arith.andi %bitcast3A, %and3A_423 : vector<16xi32>
        %bitcast3A_425 = vector.bitcast %and3A_424 : vector<16xi32> to vector<16xf32>
        %mul3A_426 = arith.mulf %bitcast3A_421, %gather3A_413 : vector<16xf32>
        %add3A_427 = arith.constant 0 : i32
        %add3A_428 = arith.addi %mul3A_410, %add3A_427 : i32
        %swap3A = arith.index_cast %add3A_428 : i32 to index
        %swap3A_429 = arith.constant 0 : index
        %swap3A_430 = tpu.vector_load %arg17[%swap3A, %swap3A_429] {strides = array<i32>} : memref<256x32xf32, #tpu.memory_space<vmem>>, vector<16xf32>,
        tpu.vector_store %arg17[%swap3A, %swap3A_429], %mul3A_426 {strides = array<i32>} : memref<256x32xf32, #tpu.memory_space<vmem>>, vector<16xf32>,
        %mul3A_431 = arith.mulf %bitcast3A_425, %gather3A_413 : vector<16xf32>
        %add3A_432 = arith.constant 0 : i32
        %add3A_433 = arith.addi %mul3A_410, %add3A_432 : i32
        %swap3A_434 = arith.index_cast %add3A_433 : i32 to index
        %swap3A_435 = arith.constant 16 : index
        %swap3A_436 = tpu.vector_load %arg17[%swap3A_434, %swap3A_435] {strides = array<i32>} : memref<256x32xf32, #tpu.memory_space<vmem>>, vector<16xf32>,
        tpu.vector_store %arg17[%swap3A_434, %swap3A_435], %mul3A_431 {strides = array<i32>} : memref<256x32xf32, #tpu.memory_space<vmem>>, vector<16xf32>,
        %broadcast_in_dim3A_437 = arith.constant 1 : i32
        %broadcast_in_dim3A_438 = vector.broadcast %broadcast_in_dim3A_437 : i32 to vector<16x1xi32>
        %gather3A_439 = vector.shape_cast %broadcast_in_dim3A_438 : vector<16x1xi32> to vector<16xi32>
        %gather3A_440 = tpu.dynamic_gather %exp3A[%gather3A_439] in [0] : vector<16xf32>, vector<16xi32> -> vector<16xf32>
        %add3A_441 = arith.constant 1 : i32
        %add3A_442 = arith.addi %mul3A_410, %add3A_441 : i32
        %get3A_443 = arith.index_cast %add3A_442 : i32 to index
        %get3A_444 = arith.constant 0 : index
        %get3A_445 = tpu.vector_load %arg15[%get3A_443, %get3A_444] {strides = array<i32>} : memref<256x32xbf16, #tpu.memory_space<vmem>>, vector<32xbf16>,
        %bitcast3A_446 = vector.bitcast %get3A_445 : vector<32xbf16> to vector<16xi32>
        %shift_left3A_447 = arith.constant 16 : i32
        %shift_left3A_448 = vector.broadcast %shift_left3A_447 : i32 to vector<16xi32>
        %shift_left3A_449 = arith.shli %bitcast3A_446, %shift_left3A_448 : vector<16xi32>
        %bitcast3A_450 = vector.bitcast %shift_left3A_449 : vector<16xi32> to vector<16xf32>
        %and3A_451 = arith.constant -65536 : i32
        %and3A_452 = vector.broadcast %and3A_451 : i32 to vector<16xi32>
        %and3A_453 = arith.andi %bitcast3A_446, %and3A_452 : vector<16xi32>
        %bitcast3A_454 = vector.bitcast %and3A_453 : vector<16xi32> to vector<16xf32>
        %mul3A_455 = arith.mulf %bitcast3A_450, %gather3A_440 : vector<16xf32>
        %add3A_456 = arith.constant 1 : i32
        %add3A_457 = arith.addi %mul3A_410, %add3A_456 : i32
        %swap3A_458 = arith.index_cast %add3A_457 : i32 to index
        %swap3A_459 = arith.constant 0 : index
        %swap3A_460 = tpu.vector_load %arg17[%swap3A_458, %swap3A_459] {strides = array<i32>} : memref<256x32xf32, #tpu.memory_space<vmem>>, vector<16xf32>,
        tpu.vector_store %arg17[%swap3A_458, %swap3A_459], %mul3A_455 {strides = array<i32>} : memref<256x32xf32, #tpu.memory_space<vmem>>, vector<16xf32>,
        %mul3A_461 = arith.mulf %bitcast3A_454, %gather3A_440 : vector<16xf32>
        %add3A_462 = arith.constant 1 : i32
        %add3A_463 = arith.addi %mul3A_410, %add3A_462 : i32
        %swap3A_464 = arith.index_cast %add3A_463 : i32 to index
        %swap3A_465 = arith.constant 16 : index
        %swap3A_466 = tpu.vector_load %arg17[%swap3A_464, %swap3A_465] {strides = array<i32>} : memref<256x32xf32, #tpu.memory_space<vmem>>, vector<16xf32>,
        tpu.vector_store %arg17[%swap3A_464, %swap3A_465], %mul3A_461 {strides = array<i32>} : memref<256x32xf32, #tpu.memory_space<vmem>>, vector<16xf32>,
        %broadcast_in_dim3A_467 = arith.constant 2 : i32
        %broadcast_in_dim3A_468 = vector.broadcast %broadcast_in_dim3A_467 : i32 to vector<16x1xi32>
        %gather3A_469 = vector.shape_cast %broadcast_in_dim3A_468 : vector<16x1xi32> to vector<16xi32>
        %gather3A_470 = tpu.dynamic_gather %exp3A[%gather3A_469] in [0] : vector<16xf32>, vector<16xi32> -> vector<16xf32>
        %add3A_471 = arith.constant 2 : i32
        %add3A_472 = arith.addi %mul3A_410, %add3A_471 : i32
        %get3A_473 = arith.index_cast %add3A_472 : i32 to index
        %get3A_474 = arith.constant 0 : index
        %get3A_475 = tpu.vector_load %arg15[%get3A_473, %get3A_474] {strides = array<i32>} : memref<256x32xbf16, #tpu.memory_space<vmem>>, vector<32xbf16>,
        %bitcast3A_476 = vector.bitcast %get3A_475 : vector<32xbf16> to vector<16xi32>
        %shift_left3A_477 = arith.constant 16 : i32
        %shift_left3A_478 = vector.broadcast %shift_left3A_477 : i32 to vector<16xi32>
        %shift_left3A_479 = arith.shli %bitcast3A_476, %shift_left3A_478 : vector<16xi32>
        %bitcast3A_480 = vector.bitcast %shift_left3A_479 : vector<16xi32> to vector<16xf32>
        %and3A_481 = arith.constant -65536 : i32
        %and3A_482 = vector.broadcast %and3A_481 : i32 to vector<16xi32>
        %and3A_483 = arith.andi %bitcast3A_476, %and3A_482 : vector<16xi32>
        %bitcast3A_484 = vector.bitcast %and3A_483 : vector<16xi32> to vector<16xf32>
        %mul3A_485 = arith.mulf %bitcast3A_480, %gather3A_470 : vector<16xf32>
        %add3A_486 = arith.constant 2 : i32
        %add3A_487 = arith.addi %mul3A_410, %add3A_486 : i32
        %swap3A_488 = arith.index_cast %add3A_487 : i32 to index
        %swap3A_489 = arith.constant 0 : index
        %swap3A_490 = tpu.vector_load %arg17[%swap3A_488, %swap3A_489] {strides = array<i32>} : memref<256x32xf32, #tpu.memory_space<vmem>>, vector<16xf32>,
        tpu.vector_store %arg17[%swap3A_488, %swap3A_489], %mul3A_485 {strides = array<i32>} : memref<256x32xf32, #tpu.memory_space<vmem>>, vector<16xf32>,
        %mul3A_491 = arith.mulf %bitcast3A_484, %gather3A_470 : vector<16xf32>
        %add3A_492 = arith.constant 2 : i32
        %add3A_493 = arith.addi %mul3A_410, %add3A_492 : i32
        %swap3A_494 = arith.index_cast %add3A_493 : i32 to index
        %swap3A_495 = arith.constant 16 : index
        %swap3A_496 = tpu.vector_load %arg17[%swap3A_494, %swap3A_495] {strides = array<i32>} : memref<256x32xf32, #tpu.memory_space<vmem>>, vector<16xf32>,
        tpu.vector_store %arg17[%swap3A_494, %swap3A_495], %mul3A_491 {strides = array<i32>} : memref<256x32xf32, #tpu.memory_space<vmem>>, vector<16xf32>,
        %broadcast_in_dim3A_497 = arith.constant 3 : i32
        %broadcast_in_dim3A_498 = vector.broadcast %broadcast_in_dim3A_497 : i32 to vector<16x1xi32>
        %gather3A_499 = vector.shape_cast %broadcast_in_dim3A_498 : vector<16x1xi32> to vector<16xi32>
        %gather3A_500 = tpu.dynamic_gather %exp3A[%gather3A_499] in [0] : vector<16xf32>, vector<16xi32> -> vector<16xf32>
        %add3A_501 = arith.constant 3 : i32
        %add3A_502 = arith.addi %mul3A_410, %add3A_501 : i32
        %get3A_503 = arith.index_cast %add3A_502 : i32 to index
        %get3A_504 = arith.constant 0 : index
        %get3A_505 = tpu.vector_load %arg15[%get3A_503, %get3A_504] {strides = array<i32>} : memref<256x32xbf16, #tpu.memory_space<vmem>>, vector<32xbf16>,
        %bitcast3A_506 = vector.bitcast %get3A_505 : vector<32xbf16> to vector<16xi32>
        %shift_left3A_507 = arith.constant 16 : i32
        %shift_left3A_508 = vector.broadcast %shift_left3A_507 : i32 to vector<16xi32>
        %shift_left3A_509 = arith.shli %bitcast3A_506, %shift_left3A_508 : vector<16xi32>
        %bitcast3A_510 = vector.bitcast %shift_left3A_509 : vector<16xi32> to vector<16xf32>
        %and3A_511 = arith.constant -65536 : i32
        %and3A_512 = vector.broadcast %and3A_511 : i32 to vector<16xi32>
        %and3A_513 = arith.andi %bitcast3A_506, %and3A_512 : vector<16xi32>
        %bitcast3A_514 = vector.bitcast %and3A_513 : vector<16xi32> to vector<16xf32>
        %mul3A_515 = arith.mulf %bitcast3A_510, %gather3A_500 : vector<16xf32>
        %add3A_516 = arith.constant 3 : i32
        %add3A_517 = arith.addi %mul3A_410, %add3A_516 : i32
        %swap3A_518 = arith.index_cast %add3A_517 : i32 to index
        %swap3A_519 = arith.constant 0 : index
        %swap3A_520 = tpu.vector_load %arg17[%swap3A_518, %swap3A_519] {strides = array<i32>} : memref<256x32xf32, #tpu.memory_space<vmem>>, vector<16xf32>,
        tpu.vector_store %arg17[%swap3A_518, %swap3A_519], %mul3A_515 {strides = array<i32>} : memref<256x32xf32, #tpu.memory_space<vmem>>, vector<16xf32>,
        %mul3A_521 = arith.mulf %bitcast3A_514, %gather3A_500 : vector<16xf32>
        %add3A_522 = arith.constant 3 : i32
        %add3A_523 = arith.addi %mul3A_410, %add3A_522 : i32
        %swap3A_524 = arith.index_cast %add3A_523 : i32 to index
        %swap3A_525 = arith.constant 16 : index
        %swap3A_526 = tpu.vector_load %arg17[%swap3A_524, %swap3A_525] {strides = array<i32>} : memref<256x32xf32, #tpu.memory_space<vmem>>, vector<16xf32>,
        tpu.vector_store %arg17[%swap3A_524, %swap3A_525], %mul3A_521 {strides = array<i32>} : memref<256x32xf32, #tpu.memory_space<vmem>>, vector<16xf32>,
        %broadcast_in_dim3A_527 = arith.constant 4 : i32
        %broadcast_in_dim3A_528 = vector.broadcast %broadcast_in_dim3A_527 : i32 to vector<16x1xi32>
        %gather3A_529 = vector.shape_cast %broadcast_in_dim3A_528 : vector<16x1xi32> to vector<16xi32>
        %gather3A_530 = tpu.dynamic_gather %exp3A[%gather3A_529] in [0] : vector<16xf32>, vector<16xi32> -> vector<16xf32>
        %add3A_531 = arith.constant 4 : i32
        %add3A_532 = arith.addi %mul3A_410, %add3A_531 : i32
        %get3A_533 = arith.index_cast %add3A_532 : i32 to index
        %get3A_534 = arith.constant 0 : index
        %get3A_535 = tpu.vector_load %arg15[%get3A_533, %get3A_534] {strides = array<i32>} : memref<256x32xbf16, #tpu.memory_space<vmem>>, vector<32xbf16>,
        %bitcast3A_536 = vector.bitcast %get3A_535 : vector<32xbf16> to vector<16xi32>
        %shift_left3A_537 = arith.constant 16 : i32
        %shift_left3A_538 = vector.broadcast %shift_left3A_537 : i32 to vector<16xi32>
        %shift_left3A_539 = arith.shli %bitcast3A_536, %shift_left3A_538 : vector<16xi32>
        %bitcast3A_540 = vector.bitcast %shift_left3A_539 : vector<16xi32> to vector<16xf32>
        %and3A_541 = arith.constant -65536 : i32
        %and3A_542 = vector.broadcast %and3A_541 : i32 to vector<16xi32>
        %and3A_543 = arith.andi %bitcast3A_536, %and3A_542 : vector<16xi32>
        %bitcast3A_544 = vector.bitcast %and3A_543 : vector<16xi32> to vector<16xf32>
        %mul3A_545 = arith.mulf %bitcast3A_540, %gather3A_530 : vector<16xf32>
        %add3A_546 = arith.constant 4 : i32
        %add3A_547 = arith.addi %mul3A_410, %add3A_546 : i32
        %swap3A_548 = arith.index_cast %add3A_547 : i32 to index
        %swap3A_549 = arith.constant 0 : index
        %swap3A_550 = tpu.vector_load %arg17[%swap3A_548, %swap3A_549] {strides = array<i32>} : memref<256x32xf32, #tpu.memory_space<vmem>>, vector<16xf32>,
        tpu.vector_store %arg17[%swap3A_548, %swap3A_549], %mul3A_545 {strides = array<i32>} : memref<256x32xf32, #tpu.memory_space<vmem>>, vector<16xf32>,
        %mul3A_551 = arith.mulf %bitcast3A_544, %gather3A_530 : vector<16xf32>
        %add3A_552 = arith.constant 4 : i32
        %add3A_553 = arith.addi %mul3A_410, %add3A_552 : i32
        %swap3A_554 = arith.index_cast %add3A_553 : i32 to index
        %swap3A_555 = arith.constant 16 : index
        %swap3A_556 = tpu.vector_load %arg17[%swap3A_554, %swap3A_555] {strides = array<i32>} : memref<256x32xf32, #tpu.memory_space<vmem>>, vector<16xf32>,
        tpu.vector_store %arg17[%swap3A_554, %swap3A_555], %mul3A_551 {strides = array<i32>} : memref<256x32xf32, #tpu.memory_space<vmem>>, vector<16xf32>,
        %broadcast_in_dim3A_557 = arith.constant 5 : i32
        %broadcast_in_dim3A_558 = vector.broadcast %broadcast_in_dim3A_557 : i32 to vector<16x1xi32>
        %gather3A_559 = vector.shape_cast %broadcast_in_dim3A_558 : vector<16x1xi32> to vector<16xi32>
        %gather3A_560 = tpu.dynamic_gather %exp3A[%gather3A_559] in [0] : vector<16xf32>, vector<16xi32> -> vector<16xf32>
        %add3A_561 = arith.constant 5 : i32
        %add3A_562 = arith.addi %mul3A_410, %add3A_561 : i32
        %get3A_563 = arith.index_cast %add3A_562 : i32 to index
        %get3A_564 = arith.constant 0 : index
        %get3A_565 = tpu.vector_load %arg15[%get3A_563, %get3A_564] {strides = array<i32>} : memref<256x32xbf16, #tpu.memory_space<vmem>>, vector<32xbf16>,
        %bitcast3A_566 = vector.bitcast %get3A_565 : vector<32xbf16> to vector<16xi32>
        %shift_left3A_567 = arith.constant 16 : i32
        %shift_left3A_568 = vector.broadcast %shift_left3A_567 : i32 to vector<16xi32>
        %shift_left3A_569 = arith.shli %bitcast3A_566, %shift_left3A_568 : vector<16xi32>
        %bitcast3A_570 = vector.bitcast %shift_left3A_569 : vector<16xi32> to vector<16xf32>
        %and3A_571 = arith.constant -65536 : i32
        %and3A_572 = vector.broadcast %and3A_571 : i32 to vector<16xi32>
        %and3A_573 = arith.andi %bitcast3A_566, %and3A_572 : vector<16xi32>
        %bitcast3A_574 = vector.bitcast %and3A_573 : vector<16xi32> to vector<16xf32>
        %mul3A_575 = arith.mulf %bitcast3A_570, %gather3A_560 : vector<16xf32>
        %add3A_576 = arith.constant 5 : i32
        %add3A_577 = arith.addi %mul3A_410, %add3A_576 : i32
        %swap3A_578 = arith.index_cast %add3A_577 : i32 to index
        %swap3A_579 = arith.constant 0 : index
        %swap3A_580 = tpu.vector_load %arg17[%swap3A_578, %swap3A_579] {strides = array<i32>} : memref<256x32xf32, #tpu.memory_space<vmem>>, vector<16xf32>,
        tpu.vector_store %arg17[%swap3A_578, %swap3A_579], %mul3A_575 {strides = array<i32>} : memref<256x32xf32, #tpu.memory_space<vmem>>, vector<16xf32>,
        %mul3A_581 = arith.mulf %bitcast3A_574, %gather3A_560 : vector<16xf32>
        %add3A_582 = arith.constant 5 : i32
        %add3A_583 = arith.addi %mul3A_410, %add3A_582 : i32
        %swap3A_584 = arith.index_cast %add3A_583 : i32 to index
        %swap3A_585 = arith.constant 16 : index
        %swap3A_586 = tpu.vector_load %arg17[%swap3A_584, %swap3A_585] {strides = array<i32>} : memref<256x32xf32, #tpu.memory_space<vmem>>, vector<16xf32>,
        tpu.vector_store %arg17[%swap3A_584, %swap3A_585], %mul3A_581 {strides = array<i32>} : memref<256x32xf32, #tpu.memory_space<vmem>>, vector<16xf32>,
        %broadcast_in_dim3A_587 = arith.constant 6 : i32
        %broadcast_in_dim3A_588 = vector.broadcast %broadcast_in_dim3A_587 : i32 to vector<16x1xi32>
        %gather3A_589 = vector.shape_cast %broadcast_in_dim3A_588 : vector<16x1xi32> to vector<16xi32>
        %gather3A_590 = tpu.dynamic_gather %exp3A[%gather3A_589] in [0] : vector<16xf32>, vector<16xi32> -> vector<16xf32>
        %add3A_591 = arith.constant 6 : i32
        %add3A_592 = arith.addi %mul3A_410, %add3A_591 : i32
        %get3A_593 = arith.index_cast %add3A_592 : i32 to index
        %get3A_594 = arith.constant 0 : index
        %get3A_595 = tpu.vector_load %arg15[%get3A_593, %get3A_594] {strides = array<i32>} : memref<256x32xbf16, #tpu.memory_space<vmem>>, vector<32xbf16>,
        %bitcast3A_596 = vector.bitcast %get3A_595 : vector<32xbf16> to vector<16xi32>
        %shift_left3A_597 = arith.constant 16 : i32
        %shift_left3A_598 = vector.broadcast %shift_left3A_597 : i32 to vector<16xi32>
        %shift_left3A_599 = arith.shli %bitcast3A_596, %shift_left3A_598 : vector<16xi32>
        %bitcast3A_600 = vector.bitcast %shift_left3A_599 : vector<16xi32> to vector<16xf32>
        %and3A_601 = arith.constant -65536 : i32
        %and3A_602 = vector.broadcast %and3A_601 : i32 to vector<16xi32>
        %and3A_603 = arith.andi %bitcast3A_596, %and3A_602 : vector<16xi32>
        %bitcast3A_604 = vector.bitcast %and3A_603 : vector<16xi32> to vector<16xf32>
        %mul3A_605 = arith.mulf %bitcast3A_600, %gather3A_590 : vector<16xf32>
        %add3A_606 = arith.constant 6 : i32
        %add3A_607 = arith.addi %mul3A_410, %add3A_606 : i32
        %swap3A_608 = arith.index_cast %add3A_607 : i32 to index
        %swap3A_609 = arith.constant 0 : index
        %swap3A_610 = tpu.vector_load %arg17[%swap3A_608, %swap3A_609] {strides = array<i32>} : memref<256x32xf32, #tpu.memory_space<vmem>>, vector<16xf32>,
        tpu.vector_store %arg17[%swap3A_608, %swap3A_609], %mul3A_605 {strides = array<i32>} : memref<256x32xf32, #tpu.memory_space<vmem>>, vector<16xf32>,
        %mul3A_611 = arith.mulf %bitcast3A_604, %gather3A_590 : vector<16xf32>
        %add3A_612 = arith.constant 6 : i32
        %add3A_613 = arith.addi %mul3A_410, %add3A_612 : i32
        %swap3A_614 = arith.index_cast %add3A_613 : i32 to index
        %swap3A_615 = arith.constant 16 : index
        %swap3A_616 = tpu.vector_load %arg17[%swap3A_614, %swap3A_615] {strides = array<i32>} : memref<256x32xf32, #tpu.memory_space<vmem>>, vector<16xf32>,
        tpu.vector_store %arg17[%swap3A_614, %swap3A_615], %mul3A_611 {strides = array<i32>} : memref<256x32xf32, #tpu.memory_space<vmem>>, vector<16xf32>,
        %broadcast_in_dim3A_617 = arith.constant 7 : i32
        %broadcast_in_dim3A_618 = vector.broadcast %broadcast_in_dim3A_617 : i32 to vector<16x1xi32>
        %gather3A_619 = vector.shape_cast %broadcast_in_dim3A_618 : vector<16x1xi32> to vector<16xi32>
        %gather3A_620 = tpu.dynamic_gather %exp3A[%gather3A_619] in [0] : vector<16xf32>, vector<16xi32> -> vector<16xf32>
        %add3A_621 = arith.constant 7 : i32
        %add3A_622 = arith.addi %mul3A_410, %add3A_621 : i32
        %get3A_623 = arith.index_cast %add3A_622 : i32 to index
        %get3A_624 = arith.constant 0 : index
        %get3A_625 = tpu.vector_load %arg15[%get3A_623, %get3A_624] {strides = array<i32>} : memref<256x32xbf16, #tpu.memory_space<vmem>>, vector<32xbf16>,
        %bitcast3A_626 = vector.bitcast %get3A_625 : vector<32xbf16> to vector<16xi32>
        %shift_left3A_627 = arith.constant 16 : i32
        %shift_left3A_628 = vector.broadcast %shift_left3A_627 : i32 to vector<16xi32>
        %shift_left3A_629 = arith.shli %bitcast3A_626, %shift_left3A_628 : vector<16xi32>
        %bitcast3A_630 = vector.bitcast %shift_left3A_629 : vector<16xi32> to vector<16xf32>
        %and3A_631 = arith.constant -65536 : i32
        %and3A_632 = vector.broadcast %and3A_631 : i32 to vector<16xi32>
        %and3A_633 = arith.andi %bitcast3A_626, %and3A_632 : vector<16xi32>
        %bitcast3A_634 = vector.bitcast %and3A_633 : vector<16xi32> to vector<16xf32>
        %mul3A_635 = arith.mulf %bitcast3A_630, %gather3A_620 : vector<16xf32>
        %add3A_636 = arith.constant 7 : i32
        %add3A_637 = arith.addi %mul3A_410, %add3A_636 : i32
        %swap3A_638 = arith.index_cast %add3A_637 : i32 to index
        %swap3A_639 = arith.constant 0 : index
        %swap3A_640 = tpu.vector_load %arg17[%swap3A_638, %swap3A_639] {strides = array<i32>} : memref<256x32xf32, #tpu.memory_space<vmem>>, vector<16xf32>,
        tpu.vector_store %arg17[%swap3A_638, %swap3A_639], %mul3A_635 {strides = array<i32>} : memref<256x32xf32, #tpu.memory_space<vmem>>, vector<16xf32>,
        %mul3A_641 = arith.mulf %bitcast3A_634, %gather3A_620 : vector<16xf32>
        %add3A_642 = arith.constant 7 : i32
        %add3A_643 = arith.addi %mul3A_410, %add3A_642 : i32
        %swap3A_644 = arith.index_cast %add3A_643 : i32 to index
        %swap3A_645 = arith.constant 16 : index
        %swap3A_646 = tpu.vector_load %arg17[%swap3A_644, %swap3A_645] {strides = array<i32>} : memref<256x32xf32, #tpu.memory_space<vmem>>, vector<16xf32>,
        tpu.vector_store %arg17[%swap3A_644, %swap3A_645], %mul3A_641 {strides = array<i32>} : memref<256x32xf32, #tpu.memory_space<vmem>>, vector<16xf32>,
        %broadcast_in_dim3A_647 = arith.constant 8 : i32
        %broadcast_in_dim3A_648 = vector.broadcast %broadcast_in_dim3A_647 : i32 to vector<16x1xi32>
        %gather3A_649 = vector.shape_cast %broadcast_in_dim3A_648 : vector<16x1xi32> to vector<16xi32>
        %gather3A_650 = tpu.dynamic_gather %exp3A[%gather3A_649] in [0] : vector<16xf32>, vector<16xi32> -> vector<16xf32>
        %add3A_651 = arith.constant 8 : i32
        %add3A_652 = arith.addi %mul3A_410, %add3A_651 : i32
        %get3A_653 = arith.index_cast %add3A_652 : i32 to index
        %get3A_654 = arith.constant 0 : index
        %get3A_655 = tpu.vector_load %arg15[%get3A_653, %get3A_654] {strides = array<i32>} : memref<256x32xbf16, #tpu.memory_space<vmem>>, vector<32xbf16>,
        %bitcast3A_656 = vector.bitcast %get3A_655 : vector<32xbf16> to vector<16xi32>
        %shift_left3A_657 = arith.constant 16 : i32
        %shift_left3A_658 = vector.broadcast %shift_left3A_657 : i32 to vector<16xi32>
        %shift_left3A_659 = arith.shli %bitcast3A_656, %shift_left3A_658 : vector<16xi32>
        %bitcast3A_660 = vector.bitcast %shift_left3A_659 : vector<16xi32> to vector<16xf32>
        %and3A_661 = arith.constant -65536 : i32
        %and3A_662 = vector.broadcast %and3A_661 : i32 to vector<16xi32>
        %and3A_663 = arith.andi %bitcast3A_656, %and3A_662 : vector<16xi32>
        %bitcast3A_664 = vector.bitcast %and3A_663 : vector<16xi32> to vector<16xf32>
        %mul3A_665 = arith.mulf %bitcast3A_660, %gather3A_650 : vector<16xf32>
        %add3A_666 = arith.constant 8 : i32
        %add3A_667 = arith.addi %mul3A_410, %add3A_666 : i32
        %swap3A_668 = arith.index_cast %add3A_667 : i32 to index
        %swap3A_669 = arith.constant 0 : index
        %swap3A_670 = tpu.vector_load %arg17[%swap3A_668, %swap3A_669] {strides = array<i32>} : memref<256x32xf32, #tpu.memory_space<vmem>>, vector<16xf32>,
        tpu.vector_store %arg17[%swap3A_668, %swap3A_669], %mul3A_665 {strides = array<i32>} : memref<256x32xf32, #tpu.memory_space<vmem>>, vector<16xf32>,
        %mul3A_671 = arith.mulf %bitcast3A_664, %gather3A_650 : vector<16xf32>
        %add3A_672 = arith.constant 8 : i32
        %add3A_673 = arith.addi %mul3A_410, %add3A_672 : i32
        %swap3A_674 = arith.index_cast %add3A_673 : i32 to index
        %swap3A_675 = arith.constant 16 : index
        %swap3A_676 = tpu.vector_load %arg17[%swap3A_674, %swap3A_675] {strides = array<i32>} : memref<256x32xf32, #tpu.memory_space<vmem>>, vector<16xf32>,
        tpu.vector_store %arg17[%swap3A_674, %swap3A_675], %mul3A_671 {strides = array<i32>} : memref<256x32xf32, #tpu.memory_space<vmem>>, vector<16xf32>,
        %broadcast_in_dim3A_677 = arith.constant 9 : i32
        %broadcast_in_dim3A_678 = vector.broadcast %broadcast_in_dim3A_677 : i32 to vector<16x1xi32>
        %gather3A_679 = vector.shape_cast %broadcast_in_dim3A_678 : vector<16x1xi32> to vector<16xi32>
        %gather3A_680 = tpu.dynamic_gather %exp3A[%gather3A_679] in [0] : vector<16xf32>, vector<16xi32> -> vector<16xf32>
        %add3A_681 = arith.constant 9 : i32
        %add3A_682 = arith.addi %mul3A_410, %add3A_681 : i32
        %get3A_683 = arith.index_cast %add3A_682 : i32 to index
        %get3A_684 = arith.constant 0 : index
        %get3A_685 = tpu.vector_load %arg15[%get3A_683, %get3A_684] {strides = array<i32>} : memref<256x32xbf16, #tpu.memory_space<vmem>>, vector<32xbf16>,
        %bitcast3A_686 = vector.bitcast %get3A_685 : vector<32xbf16> to vector<16xi32>
        %shift_left3A_687 = arith.constant 16 : i32
        %shift_left3A_688 = vector.broadcast %shift_left3A_687 : i32 to vector<16xi32>
        %shift_left3A_689 = arith.shli %bitcast3A_686, %shift_left3A_688 : vector<16xi32>
        %bitcast3A_690 = vector.bitcast %shift_left3A_689 : vector<16xi32> to vector<16xf32>
        %and3A_691 = arith.constant -65536 : i32
        %and3A_692 = vector.broadcast %and3A_691 : i32 to vector<16xi32>
        %and3A_693 = arith.andi %bitcast3A_686, %and3A_692 : vector<16xi32>
        %bitcast3A_694 = vector.bitcast %and3A_693 : vector<16xi32> to vector<16xf32>
        %mul3A_695 = arith.mulf %bitcast3A_690, %gather3A_680 : vector<16xf32>
        %add3A_696 = arith.constant 9 : i32
        %add3A_697 = arith.addi %mul3A_410, %add3A_696 : i32
        %swap3A_698 = arith.index_cast %add3A_697 : i32 to index
        %swap3A_699 = arith.constant 0 : index
        %swap3A_700 = tpu.vector_load %arg17[%swap3A_698, %swap3A_699] {strides = array<i32>} : memref<256x32xf32, #tpu.memory_space<vmem>>, vector<16xf32>,
        tpu.vector_store %arg17[%swap3A_698, %swap3A_699], %mul3A_695 {strides = array<i32>} : memref<256x32xf32, #tpu.memory_space<vmem>>, vector<16xf32>,
        %mul3A_701 = arith.mulf %bitcast3A_694, %gather3A_680 : vector<16xf32>
        %add3A_702 = arith.constant 9 : i32
        %add3A_703 = arith.addi %mul3A_410, %add3A_702 : i32
        %swap3A_704 = arith.index_cast %add3A_703 : i32 to index
        %swap3A_705 = arith.constant 16 : index
        %swap3A_706 = tpu.vector_load %arg17[%swap3A_704, %swap3A_705] {strides = array<i32>} : memref<256x32xf32, #tpu.memory_space<vmem>>, vector<16xf32>,
        tpu.vector_store %arg17[%swap3A_704, %swap3A_705], %mul3A_701 {strides = array<i32>} : memref<256x32xf32, #tpu.memory_space<vmem>>, vector<16xf32>,
        %broadcast_in_dim3A_707 = arith.constant 10 : i32
        %broadcast_in_dim3A_708 = vector.broadcast %broadcast_in_dim3A_707 : i32 to vector<16x1xi32>
        %gather3A_709 = vector.shape_cast %broadcast_in_dim3A_708 : vector<16x1xi32> to vector<16xi32>
        %gather3A_710 = tpu.dynamic_gather %exp3A[%gather3A_709] in [0] : vector<16xf32>, vector<16xi32> -> vector<16xf32>
        %add3A_711 = arith.constant 10 : i32
        %add3A_712 = arith.addi %mul3A_410, %add3A_711 : i32
        %get3A_713 = arith.index_cast %add3A_712 : i32 to index
        %get3A_714 = arith.constant 0 : index
        %get3A_715 = tpu.vector_load %arg15[%get3A_713, %get3A_714] {strides = array<i32>} : memref<256x32xbf16, #tpu.memory_space<vmem>>, vector<32xbf16>,
        %bitcast3A_716 = vector.bitcast %get3A_715 : vector<32xbf16> to vector<16xi32>
        %shift_left3A_717 = arith.constant 16 : i32
        %shift_left3A_718 = vector.broadcast %shift_left3A_717 : i32 to vector<16xi32>
        %shift_left3A_719 = arith.shli %bitcast3A_716, %shift_left3A_718 : vector<16xi32>
        %bitcast3A_720 = vector.bitcast %shift_left3A_719 : vector<16xi32> to vector<16xf32>
        %and3A_721 = arith.constant -65536 : i32
        %and3A_722 = vector.broadcast %and3A_721 : i32 to vector<16xi32>
        %and3A_723 = arith.andi %bitcast3A_716, %and3A_722 : vector<16xi32>
        %bitcast3A_724 = vector.bitcast %and3A_723 : vector<16xi32> to vector<16xf32>
        %mul3A_725 = arith.mulf %bitcast3A_720, %gather3A_710 : vector<16xf32>
        %add3A_726 = arith.constant 10 : i32
        %add3A_727 = arith.addi %mul3A_410, %add3A_726 : i32
        %swap3A_728 = arith.index_cast %add3A_727 : i32 to index
        %swap3A_729 = arith.constant 0 : index
        %swap3A_730 = tpu.vector_load %arg17[%swap3A_728, %swap3A_729] {strides = array<i32>} : memref<256x32xf32, #tpu.memory_space<vmem>>, vector<16xf32>,
        tpu.vector_store %arg17[%swap3A_728, %swap3A_729], %mul3A_725 {strides = array<i32>} : memref<256x32xf32, #tpu.memory_space<vmem>>, vector<16xf32>,
        %mul3A_731 = arith.mulf %bitcast3A_724, %gather3A_710 : vector<16xf32>
        %add3A_732 = arith.constant 10 : i32
        %add3A_733 = arith.addi %mul3A_410, %add3A_732 : i32
        %swap3A_734 = arith.index_cast %add3A_733 : i32 to index
        %swap3A_735 = arith.constant 16 : index
        %swap3A_736 = tpu.vector_load %arg17[%swap3A_734, %swap3A_735] {strides = array<i32>} : memref<256x32xf32, #tpu.memory_space<vmem>>, vector<16xf32>,
        tpu.vector_store %arg17[%swap3A_734, %swap3A_735], %mul3A_731 {strides = array<i32>} : memref<256x32xf32, #tpu.memory_space<vmem>>, vector<16xf32>,
        %broadcast_in_dim3A_737 = arith.constant 11 : i32
        %broadcast_in_dim3A_738 = vector.broadcast %broadcast_in_dim3A_737 : i32 to vector<16x1xi32>
        %gather3A_739 = vector.shape_cast %broadcast_in_dim3A_738 : vector<16x1xi32> to vector<16xi32>
        %gather3A_740 = tpu.dynamic_gather %exp3A[%gather3A_739] in [0] : vector<16xf32>, vector<16xi32> -> vector<16xf32>
        %add3A_741 = arith.constant 11 : i32
        %add3A_742 = arith.addi %mul3A_410, %add3A_741 : i32
        %get3A_743 = arith.index_cast %add3A_742 : i32 to index
        %get3A_744 = arith.constant 0 : index
        %get3A_745 = tpu.vector_load %arg15[%get3A_743, %get3A_744] {strides = array<i32>} : memref<256x32xbf16, #tpu.memory_space<vmem>>, vector<32xbf16>,
        %bitcast3A_746 = vector.bitcast %get3A_745 : vector<32xbf16> to vector<16xi32>
        %shift_left3A_747 = arith.constant 16 : i32
        %shift_left3A_748 = vector.broadcast %shift_left3A_747 : i32 to vector<16xi32>
        %shift_left3A_749 = arith.shli %bitcast3A_746, %shift_left3A_748 : vector<16xi32>
        %bitcast3A_750 = vector.bitcast %shift_left3A_749 : vector<16xi32> to vector<16xf32>
        %and3A_751 = arith.constant -65536 : i32
        %and3A_752 = vector.broadcast %and3A_751 : i32 to vector<16xi32>
        %and3A_753 = arith.andi %bitcast3A_746, %and3A_752 : vector<16xi32>
        %bitcast3A_754 = vector.bitcast %and3A_753 : vector<16xi32> to vector<16xf32>
        %mul3A_755 = arith.mulf %bitcast3A_750, %gather3A_740 : vector<16xf32>
        %add3A_756 = arith.constant 11 : i32
        %add3A_757 = arith.addi %mul3A_410, %add3A_756 : i32
        %swap3A_758 = arith.index_cast %add3A_757 : i32 to index
        %swap3A_759 = arith.constant 0 : index
        %swap3A_760 = tpu.vector_load %arg17[%swap3A_758, %swap3A_759] {strides = array<i32>} : memref<256x32xf32, #tpu.memory_space<vmem>>, vector<16xf32>,
        tpu.vector_store %arg17[%swap3A_758, %swap3A_759], %mul3A_755 {strides = array<i32>} : memref<256x32xf32, #tpu.memory_space<vmem>>, vector<16xf32>,
        %mul3A_761 = arith.mulf %bitcast3A_754, %gather3A_740 : vector<16xf32>
        %add3A_762 = arith.constant 11 : i32
        %add3A_763 = arith.addi %mul3A_410, %add3A_762 : i32
        %swap3A_764 = arith.index_cast %add3A_763 : i32 to index
        %swap3A_765 = arith.constant 16 : index
        %swap3A_766 = tpu.vector_load %arg17[%swap3A_764, %swap3A_765] {strides = array<i32>} : memref<256x32xf32, #tpu.memory_space<vmem>>, vector<16xf32>,
        tpu.vector_store %arg17[%swap3A_764, %swap3A_765], %mul3A_761 {strides = array<i32>} : memref<256x32xf32, #tpu.memory_space<vmem>>, vector<16xf32>,
        %broadcast_in_dim3A_767 = arith.constant 12 : i32
        %broadcast_in_dim3A_768 = vector.broadcast %broadcast_in_dim3A_767 : i32 to vector<16x1xi32>
        %gather3A_769 = vector.shape_cast %broadcast_in_dim3A_768 : vector<16x1xi32> to vector<16xi32>
        %gather3A_770 = tpu.dynamic_gather %exp3A[%gather3A_769] in [0] : vector<16xf32>, vector<16xi32> -> vector<16xf32>
        %add3A_771 = arith.constant 12 : i32
        %add3A_772 = arith.addi %mul3A_410, %add3A_771 : i32
        %get3A_773 = arith.index_cast %add3A_772 : i32 to index
        %get3A_774 = arith.constant 0 : index
        %get3A_775 = tpu.vector_load %arg15[%get3A_773, %get3A_774] {strides = array<i32>} : memref<256x32xbf16, #tpu.memory_space<vmem>>, vector<32xbf16>,
        %bitcast3A_776 = vector.bitcast %get3A_775 : vector<32xbf16> to vector<16xi32>
        %shift_left3A_777 = arith.constant 16 : i32
        %shift_left3A_778 = vector.broadcast %shift_left3A_777 : i32 to vector<16xi32>
        %shift_left3A_779 = arith.shli %bitcast3A_776, %shift_left3A_778 : vector<16xi32>
        %bitcast3A_780 = vector.bitcast %shift_left3A_779 : vector<16xi32> to vector<16xf32>
        %and3A_781 = arith.constant -65536 : i32
        %and3A_782 = vector.broadcast %and3A_781 : i32 to vector<16xi32>
        %and3A_783 = arith.andi %bitcast3A_776, %and3A_782 : vector<16xi32>
        %bitcast3A_784 = vector.bitcast %and3A_783 : vector<16xi32> to vector<16xf32>
        %mul3A_785 = arith.mulf %bitcast3A_780, %gather3A_770 : vector<16xf32>
        %add3A_786 = arith.constant 12 : i32
        %add3A_787 = arith.addi %mul3A_410, %add3A_786 : i32
        %swap3A_788 = arith.index_cast %add3A_787 : i32 to index
        %swap3A_789 = arith.constant 0 : index
        %swap3A_790 = tpu.vector_load %arg17[%swap3A_788, %swap3A_789] {strides = array<i32>} : memref<256x32xf32, #tpu.memory_space<vmem>>, vector<16xf32>,
        tpu.vector_store %arg17[%swap3A_788, %swap3A_789], %mul3A_785 {strides = array<i32>} : memref<256x32xf32, #tpu.memory_space<vmem>>, vector<16xf32>,
        %mul3A_791 = arith.mulf %bitcast3A_784, %gather3A_770 : vector<16xf32>
        %add3A_792 = arith.constant 12 : i32
        %add3A_793 = arith.addi %mul3A_410, %add3A_792 : i32
        %swap3A_794 = arith.index_cast %add3A_793 : i32 to index
        %swap3A_795 = arith.constant 16 : index
        %swap3A_796 = tpu.vector_load %arg17[%swap3A_794, %swap3A_795] {strides = array<i32>} : memref<256x32xf32, #tpu.memory_space<vmem>>, vector<16xf32>,
        tpu.vector_store %arg17[%swap3A_794, %swap3A_795], %mul3A_791 {strides = array<i32>} : memref<256x32xf32, #tpu.memory_space<vmem>>, vector<16xf32>,
        %broadcast_in_dim3A_797 = arith.constant 13 : i32
        %broadcast_in_dim3A_798 = vector.broadcast %broadcast_in_dim3A_797 : i32 to vector<16x1xi32>
        %gather3A_799 = vector.shape_cast %broadcast_in_dim3A_798 : vector<16x1xi32> to vector<16xi32>
        %gather3A_800 = tpu.dynamic_gather %exp3A[%gather3A_799] in [0] : vector<16xf32>, vector<16xi32> -> vector<16xf32>
        %add3A_801 = arith.constant 13 : i32
        %add3A_802 = arith.addi %mul3A_410, %add3A_801 : i32
        %get3A_803 = arith.index_cast %add3A_802 : i32 to index
        %get3A_804 = arith.constant 0 : index
        %get3A_805 = tpu.vector_load %arg15[%get3A_803, %get3A_804] {strides = array<i32>} : memref<256x32xbf16, #tpu.memory_space<vmem>>, vector<32xbf16>,
        %bitcast3A_806 = vector.bitcast %get3A_805 : vector<32xbf16> to vector<16xi32>
        %shift_left3A_807 = arith.constant 16 : i32
        %shift_left3A_808 = vector.broadcast %shift_left3A_807 : i32 to vector<16xi32>
        %shift_left3A_809 = arith.shli %bitcast3A_806, %shift_left3A_808 : vector<16xi32>
        %bitcast3A_810 = vector.bitcast %shift_left3A_809 : vector<16xi32> to vector<16xf32>
        %and3A_811 = arith.constant -65536 : i32
        %and3A_812 = vector.broadcast %and3A_811 : i32 to vector<16xi32>
        %and3A_813 = arith.andi %bitcast3A_806, %and3A_812 : vector<16xi32>
        %bitcast3A_814 = vector.bitcast %and3A_813 : vector<16xi32> to vector<16xf32>
        %mul3A_815 = arith.mulf %bitcast3A_810, %gather3A_800 : vector<16xf32>
        %add3A_816 = arith.constant 13 : i32
        %add3A_817 = arith.addi %mul3A_410, %add3A_816 : i32
        %swap3A_818 = arith.index_cast %add3A_817 : i32 to index
        %swap3A_819 = arith.constant 0 : index
        %swap3A_820 = tpu.vector_load %arg17[%swap3A_818, %swap3A_819] {strides = array<i32>} : memref<256x32xf32, #tpu.memory_space<vmem>>, vector<16xf32>,
        tpu.vector_store %arg17[%swap3A_818, %swap3A_819], %mul3A_815 {strides = array<i32>} : memref<256x32xf32, #tpu.memory_space<vmem>>, vector<16xf32>,
        %mul3A_821 = arith.mulf %bitcast3A_814, %gather3A_800 : vector<16xf32>
        %add3A_822 = arith.constant 13 : i32
        %add3A_823 = arith.addi %mul3A_410, %add3A_822 : i32
        %swap3A_824 = arith.index_cast %add3A_823 : i32 to index
        %swap3A_825 = arith.constant 16 : index
        %swap3A_826 = tpu.vector_load %arg17[%swap3A_824, %swap3A_825] {strides = array<i32>} : memref<256x32xf32, #tpu.memory_space<vmem>>, vector<16xf32>,
        tpu.vector_store %arg17[%swap3A_824, %swap3A_825], %mul3A_821 {strides = array<i32>} : memref<256x32xf32, #tpu.memory_space<vmem>>, vector<16xf32>,
        %broadcast_in_dim3A_827 = arith.constant 14 : i32
        %broadcast_in_dim3A_828 = vector.broadcast %broadcast_in_dim3A_827 : i32 to vector<16x1xi32>
        %gather3A_829 = vector.shape_cast %broadcast_in_dim3A_828 : vector<16x1xi32> to vector<16xi32>
        %gather3A_830 = tpu.dynamic_gather %exp3A[%gather3A_829] in [0] : vector<16xf32>, vector<16xi32> -> vector<16xf32>
        %add3A_831 = arith.constant 14 : i32
        %add3A_832 = arith.addi %mul3A_410, %add3A_831 : i32
        %get3A_833 = arith.index_cast %add3A_832 : i32 to index
        %get3A_834 = arith.constant 0 : index
        %get3A_835 = tpu.vector_load %arg15[%get3A_833, %get3A_834] {strides = array<i32>} : memref<256x32xbf16, #tpu.memory_space<vmem>>, vector<32xbf16>,
        %bitcast3A_836 = vector.bitcast %get3A_835 : vector<32xbf16> to vector<16xi32>
        %shift_left3A_837 = arith.constant 16 : i32
        %shift_left3A_838 = vector.broadcast %shift_left3A_837 : i32 to vector<16xi32>
        %shift_left3A_839 = arith.shli %bitcast3A_836, %shift_left3A_838 : vector<16xi32>
        %bitcast3A_840 = vector.bitcast %shift_left3A_839 : vector<16xi32> to vector<16xf32>
        %and3A_841 = arith.constant -65536 : i32
        %and3A_842 = vector.broadcast %and3A_841 : i32 to vector<16xi32>
        %and3A_843 = arith.andi %bitcast3A_836, %and3A_842 : vector<16xi32>
        %bitcast3A_844 = vector.bitcast %and3A_843 : vector<16xi32> to vector<16xf32>
        %mul3A_845 = arith.mulf %bitcast3A_840, %gather3A_830 : vector<16xf32>
        %add3A_846 = arith.constant 14 : i32
        %add3A_847 = arith.addi %mul3A_410, %add3A_846 : i32
        %swap3A_848 = arith.index_cast %add3A_847 : i32 to index
        %swap3A_849 = arith.constant 0 : index
        %swap3A_850 = tpu.vector_load %arg17[%swap3A_848, %swap3A_849] {strides = array<i32>} : memref<256x32xf32, #tpu.memory_space<vmem>>, vector<16xf32>,
        tpu.vector_store %arg17[%swap3A_848, %swap3A_849], %mul3A_845 {strides = array<i32>} : memref<256x32xf32, #tpu.memory_space<vmem>>, vector<16xf32>,
        %mul3A_851 = arith.mulf %bitcast3A_844, %gather3A_830 : vector<16xf32>
        %add3A_852 = arith.constant 14 : i32
        %add3A_853 = arith.addi %mul3A_410, %add3A_852 : i32
        %swap3A_854 = arith.index_cast %add3A_853 : i32 to index
        %swap3A_855 = arith.constant 16 : index
        %swap3A_856 = tpu.vector_load %arg17[%swap3A_854, %swap3A_855] {strides = array<i32>} : memref<256x32xf32, #tpu.memory_space<vmem>>, vector<16xf32>,
        tpu.vector_store %arg17[%swap3A_854, %swap3A_855], %mul3A_851 {strides = array<i32>} : memref<256x32xf32, #tpu.memory_space<vmem>>, vector<16xf32>,
        %broadcast_in_dim3A_857 = arith.constant 15 : i32
        %broadcast_in_dim3A_858 = vector.broadcast %broadcast_in_dim3A_857 : i32 to vector<16x1xi32>
        %gather3A_859 = vector.shape_cast %broadcast_in_dim3A_858 : vector<16x1xi32> to vector<16xi32>
        %gather3A_860 = tpu.dynamic_gather %exp3A[%gather3A_859] in [0] : vector<16xf32>, vector<16xi32> -> vector<16xf32>
        %add3A_861 = arith.constant 15 : i32
        %add3A_862 = arith.addi %mul3A_410, %add3A_861 : i32
        %get3A_863 = arith.index_cast %add3A_862 : i32 to index
        %get3A_864 = arith.constant 0 : index
        %get3A_865 = tpu.vector_load %arg15[%get3A_863, %get3A_864] {strides = array<i32>} : memref<256x32xbf16, #tpu.memory_space<vmem>>, vector<32xbf16>,
        %bitcast3A_866 = vector.bitcast %get3A_865 : vector<32xbf16> to vector<16xi32>
        %shift_left3A_867 = arith.constant 16 : i32
        %shift_left3A_868 = vector.broadcast %shift_left3A_867 : i32 to vector<16xi32>
        %shift_left3A_869 = arith.shli %bitcast3A_866, %shift_left3A_868 : vector<16xi32>
        %bitcast3A_870 = vector.bitcast %shift_left3A_869 : vector<16xi32> to vector<16xf32>
        %and3A_871 = arith.constant -65536 : i32
        %and3A_872 = vector.broadcast %and3A_871 : i32 to vector<16xi32>
        %and3A_873 = arith.andi %bitcast3A_866, %and3A_872 : vector<16xi32>
        %bitcast3A_874 = vector.bitcast %and3A_873 : vector<16xi32> to vector<16xf32>
        %mul3A_875 = arith.mulf %bitcast3A_870, %gather3A_860 : vector<16xf32>
        %add3A_876 = arith.constant 15 : i32
        %add3A_877 = arith.addi %mul3A_410, %add3A_876 : i32
        %swap3A_878 = arith.index_cast %add3A_877 : i32 to index
        %swap3A_879 = arith.constant 0 : index
        %swap3A_880 = tpu.vector_load %arg17[%swap3A_878, %swap3A_879] {strides = array<i32>} : memref<256x32xf32, #tpu.memory_space<vmem>>, vector<16xf32>,
        tpu.vector_store %arg17[%swap3A_878, %swap3A_879], %mul3A_875 {strides = array<i32>} : memref<256x32xf32, #tpu.memory_space<vmem>>, vector<16xf32>,
        %mul3A_881 = arith.mulf %bitcast3A_874, %gather3A_860 : vector<16xf32>
        %add3A_882 = arith.constant 15 : i32
        %add3A_883 = arith.addi %mul3A_410, %add3A_882 : i32
        %swap3A_884 = arith.index_cast %add3A_883 : i32 to index
        %swap3A_885 = arith.constant 16 : index
        %swap3A_886 = tpu.vector_load %arg17[%swap3A_884, %swap3A_885] {strides = array<i32>} : memref<256x32xf32, #tpu.memory_space<vmem>>, vector<16xf32>,
        tpu.vector_store %arg17[%swap3A_884, %swap3A_885], %mul3A_881 {strides = array<i32>} : memref<256x32xf32, #tpu.memory_space<vmem>>, vector<16xf32>,
      }
      %scan3A_265 = arith.constant 16 : i32
      %mul3A_266 = arith.constant 2 : i32
      %mul3A_267 = arith.muli %add3A_234, %mul3A_266 : i32
      %add3A_268 = arith.constant 0 : i32
      %add3A_269 = arith.addi %mul3A_267, %add3A_268 : i32
      %dma_start3A_270 = arith.constant 0 : i32
      %dma_start3A_271 = arith.constant 0 : i32
      %dma_start3A_272 = tpu.memref_slice %arg17[%dma_start3A_270, %dma_start3A_271] : memref<256x32xf32, #tpu.memory_space<vmem>> -> memref<128x32xf32, #tpu.memory_space<vmem>>
      %dma_start3A_273 = arith.constant 0 : i32
      %dma_start3A_274 = tpu.memref_slice %arg12[%add3A_269, %dma_start3A_273] : memref<160x128xi32, #tpu.memory_space<vmem>> -> memref<1x128xi32, #tpu.memory_space<vmem>>
      %dma_start3A_275 = tpu.memref_squeeze %dma_start3A_274 : memref<1x128xi32, #tpu.memory_space<vmem>> -> memref<128xi32, #tpu.memory_space<vmem>>
      %dma_start3A_276 = arith.constant 0 : i32
      %dma_start3A_277 = arith.constant 0 : i32
      %dma_start3A_278 = tpu.memref_slice %arg19[%dma_start3A_276, %dma_start3A_277] : memref<10112x32xf32, #tpu.memory_space<vmem_shared>> -> memref<10112x32xf32, #tpu.memory_space<vmem_shared>>
      tpu.enqueue_indirect_dma source(%dma_start3A_272 : memref<128x32xf32, #tpu.memory_space<vmem>>) target(%dma_start3A_278 : memref<10112x32xf32, #tpu.memory_space<vmem_shared>>) offsets(%dma_start3A_275 : memref<128xi32, #tpu.memory_space<vmem>>) semaphore(%arg24 : memref<!tpu.dma_semaphore, #tpu.memory_space<semaphore_mem>>) {add = true}
      %mul3A_279 = arith.constant 2 : i32
      %mul3A_280 = arith.muli %add3A_234, %mul3A_279 : i32
      %add3A_281 = arith.constant 1 : i32
      %add3A_282 = arith.addi %mul3A_280, %add3A_281 : i32
      %dma_start3A_283 = arith.constant 128 : i32
      %dma_start3A_284 = arith.constant 0 : i32
      %dma_start3A_285 = tpu.memref_slice %arg17[%dma_start3A_283, %dma_start3A_284] : memref<256x32xf32, #tpu.memory_space<vmem>> -> memref<128x32xf32, #tpu.memory_space<vmem>>
      %dma_start3A_286 = arith.constant 0 : i32
      %dma_start3A_287 = tpu.memref_slice %arg12[%add3A_282, %dma_start3A_286] : memref<160x128xi32, #tpu.memory_space<vmem>> -> memref<1x128xi32, #tpu.memory_space<vmem>>
      %dma_start3A_288 = tpu.memref_squeeze %dma_start3A_287 : memref<1x128xi32, #tpu.memory_space<vmem>> -> memref<128xi32, #tpu.memory_space<vmem>>
      %dma_start3A_289 = arith.constant 0 : i32
      %dma_start3A_290 = arith.constant 0 : i32
      %dma_start3A_291 = tpu.memref_slice %arg19[%dma_start3A_289, %dma_start3A_290] : memref<10112x32xf32, #tpu.memory_space<vmem_shared>> -> memref<10112x32xf32, #tpu.memory_space<vmem_shared>>
      tpu.enqueue_indirect_dma source(%dma_start3A_285 : memref<128x32xf32, #tpu.memory_space<vmem>>) target(%dma_start3A_291 : memref<10112x32xf32, #tpu.memory_space<vmem_shared>>) offsets(%dma_start3A_288 : memref<128xi32, #tpu.memory_space<vmem>>) semaphore(%arg24 : memref<!tpu.dma_semaphore, #tpu.memory_space<semaphore_mem>>) {add = true}
      %add3A_292 = arith.constant 5 : i32
      %add3A_293 = arith.addi %mul3A_97, %add3A_292 : i32
      %lt3A_294 = arith.constant 80 : i32
      %lt3A_295 = arith.cmpi slt, %add3A_293, %lt3A_294 : i32
      %convert_element_type3A_296 = arith.extui %lt3A_295 : i1 to i32
      %cond3A_297 = arith.constant 0 : i32
      %cond3A_298 = arith.cmpi ne, %convert_element_type3A_296, %cond3A_297 : i32
      scf.if %cond3A_298 {
        %mul3A_358 = arith.constant 2 : i32
        %mul3A_359 = arith.muli %add3A_293, %mul3A_358 : i32
        %add3A_360 = arith.constant 0 : i32
        %add3A_361 = arith.addi %mul3A_359, %add3A_360 : i32
        %dma_start3A_362 = arith.constant 0 : i32
        %dma_start3A_363 = arith.constant 0 : i32
        %dma_start3A_364 = tpu.memref_slice %arg14[%dma_start3A_362, %dma_start3A_363] : memref<256x32xbf16, #tpu.memory_space<vmem>> -> memref<128x32xbf16, #tpu.memory_space<vmem>>
        %dma_start3A_365 = arith.constant 0 : i32
        %dma_start3A_366 = tpu.memref_slice %arg11[%add3A_361, %dma_start3A_365] : memref<160x128xi32, #tpu.memory_space<vmem>> -> memref<1x128xi32, #tpu.memory_space<vmem>>
        %dma_start3A_367 = tpu.memref_squeeze %dma_start3A_366 : memref<1x128xi32, #tpu.memory_space<vmem>> -> memref<128xi32, #tpu.memory_space<vmem>>
        %dma_start3A_368 = arith.constant 0 : i32
        %dma_start3A_369 = arith.constant 0 : i32
        %dma_start3A_370 = tpu.memref_slice %arg6[%dma_start3A_368, %dma_start3A_369] : memref<10000x32xbf16, #tpu.memory_space<hbm>> -> memref<10000x32xbf16, #tpu.memory_space<hbm>>
        tpu.enqueue_indirect_dma source(%dma_start3A_370 : memref<10000x32xbf16, #tpu.memory_space<hbm>>) target(%dma_start3A_364 : memref<128x32xbf16, #tpu.memory_space<vmem>>) offsets(%dma_start3A_367 : memref<128xi32, #tpu.memory_space<vmem>>) semaphore(%arg21 : memref<!tpu.dma_semaphore, #tpu.memory_space<semaphore_mem>>)
        %mul3A_371 = arith.constant 2 : i32
        %mul3A_372 = arith.muli %add3A_293, %mul3A_371 : i32
        %add3A_373 = arith.constant 1 : i32
        %add3A_374 = arith.addi %mul3A_372, %add3A_373 : i32
        %dma_start3A_375 = arith.constant 128 : i32
        %dma_start3A_376 = arith.constant 0 : i32
        %dma_start3A_377 = tpu.memref_slice %arg14[%dma_start3A_375, %dma_start3A_376] : memref<256x32xbf16, #tpu.memory_space<vmem>> -> memref<128x32xbf16, #tpu.memory_space<vmem>>
        %dma_start3A_378 = arith.constant 0 : i32
        %dma_start3A_379 = tpu.memref_slice %arg11[%add3A_374, %dma_start3A_378] : memref<160x128xi32, #tpu.memory_space<vmem>> -> memref<1x128xi32, #tpu.memory_space<vmem>>
        %dma_start3A_380 = tpu.memref_squeeze %dma_start3A_379 : memref<1x128xi32, #tpu.memory_space<vmem>> -> memref<128xi32, #tpu.memory_space<vmem>>
        %dma_start3A_381 = arith.constant 0 : i32
        %dma_start3A_382 = arith.constant 0 : i32
        %dma_start3A_383 = tpu.memref_slice %arg6[%dma_start3A_381, %dma_start3A_382] : memref<10000x32xbf16, #tpu.memory_space<hbm>> -> memref<10000x32xbf16, #tpu.memory_space<hbm>>
        tpu.enqueue_indirect_dma source(%dma_start3A_383 : memref<10000x32xbf16, #tpu.memory_space<hbm>>) target(%dma_start3A_377 : memref<128x32xbf16, #tpu.memory_space<vmem>>) offsets(%dma_start3A_380 : memref<128xi32, #tpu.memory_space<vmem>>) semaphore(%arg21 : memref<!tpu.dma_semaphore, #tpu.memory_space<semaphore_mem>>)
      } else {
      }
      %add3A_299 = arith.constant 3 : i32
      %add3A_300 = arith.addi %mul3A_97, %add3A_299 : i32
      %dma_wait3A_301 = arith.constant 0 : i32
      %dma_wait3A_302 = arith.constant 0 : i32
      %dma_wait3A_303 = arith.constant 0 : i32
      %dma_wait3A_304 = tpu.memref_slice %arg16[%dma_wait3A_302, %dma_wait3A_303] : memref<256x32xbf16, #tpu.memory_space<vmem>> -> memref<128x32xbf16, #tpu.memory_space<vmem>>
      %dma_wait3A_305 = arith.constant 0 : i32
      %dma_wait3A_306 = tpu.memref_slice %arg11[%dma_wait3A_301, %dma_wait3A_305] : memref<160x128xi32, #tpu.memory_space<vmem>> -> memref<1x128xi32, #tpu.memory_space<vmem>>
      %dma_wait3A_307 = tpu.memref_squeeze %dma_wait3A_306 : memref<1x128xi32, #tpu.memory_space<vmem>> -> memref<128xi32, #tpu.memory_space<vmem>>
      %dma_wait3A_308 = arith.constant 0 : i32
      %dma_wait3A_309 = arith.constant 0 : i32
      %dma_wait3A_310 = tpu.memref_slice %arg6[%dma_wait3A_308, %dma_wait3A_309] : memref<10000x32xbf16, #tpu.memory_space<hbm>> -> memref<10000x32xbf16, #tpu.memory_space<hbm>>
      tpu.wait_indirect_dma semaphore(%arg23 : memref<!tpu.dma_semaphore, #tpu.memory_space<semaphore_mem>>) src(%dma_wait3A_310 : memref<10000x32xbf16, #tpu.memory_space<hbm>>) dst(%dma_wait3A_304 : memref<128x32xbf16, #tpu.memory_space<vmem>>)
      %dma_wait3A_311 = arith.constant 0 : i32
      %dma_wait3A_312 = arith.constant 128 : i32
      %dma_wait3A_313 = arith.constant 0 : i32
      %dma_wait3A_314 = tpu.memref_slice %arg16[%dma_wait3A_312, %dma_wait3A_313] : memref<256x32xbf16, #tpu.memory_space<vmem>> -> memref<128x32xbf16, #tpu.memory_space<vmem>>
      %dma_wait3A_315 = arith.constant 0 : i32
      %dma_wait3A_316 = tpu.memref_slice %arg11[%dma_wait3A_311, %dma_wait3A_315] : memref<160x128xi32, #tpu.memory_space<vmem>> -> memref<1x128xi32, #tpu.memory_space<vmem>>
      %dma_wait3A_317 = tpu.memref_squeeze %dma_wait3A_316 : memref<1x128xi32, #tpu.memory_space<vmem>> -> memref<128xi32, #tpu.memory_space<vmem>>
      %dma_wait3A_318 = arith.constant 0 : i32
      %dma_wait3A_319 = arith.constant 0 : i32
      %dma_wait3A_320 = tpu.memref_slice %arg6[%dma_wait3A_318, %dma_wait3A_319] : memref<10000x32xbf16, #tpu.memory_space<hbm>> -> memref<10000x32xbf16, #tpu.memory_space<hbm>>
      tpu.wait_indirect_dma semaphore(%arg23 : memref<!tpu.dma_semaphore, #tpu.memory_space<semaphore_mem>>) src(%dma_wait3A_320 : memref<10000x32xbf16, #tpu.memory_space<hbm>>) dst(%dma_wait3A_314 : memref<128x32xbf16, #tpu.memory_space<vmem>>)
      %ge3A_321 = arith.constant 2 : i32
      %ge3A_322 = arith.cmpi sge, %add3A_300, %ge3A_321 : i32
      %convert_element_type3A_323 = arith.extui %ge3A_322 : i1 to i32
      %cond3A_324 = arith.constant 0 : i32
      %cond3A_325 = arith.cmpi ne, %convert_element_type3A_323, %cond3A_324 : i32
      scf.if %cond3A_325 {
        %dma_wait3A_358 = arith.constant 0 : i32
        %dma_wait3A_359 = arith.constant 0 : i32
        %dma_wait3A_360 = arith.constant 0 : i32
        %dma_wait3A_361 = tpu.memref_slice %arg18[%dma_wait3A_359, %dma_wait3A_360] : memref<256x32xf32, #tpu.memory_space<vmem>> -> memref<128x32xf32, #tpu.memory_space<vmem>>
        %dma_wait3A_362 = arith.constant 0 : i32
        %dma_wait3A_363 = tpu.memref_slice %arg12[%dma_wait3A_358, %dma_wait3A_362] : memref<160x128xi32, #tpu.memory_space<vmem>> -> memref<1x128xi32, #tpu.memory_space<vmem>>
        %dma_wait3A_364 = tpu.memref_squeeze %dma_wait3A_363 : memref<1x128xi32, #tpu.memory_space<vmem>> -> memref<128xi32, #tpu.memory_space<vmem>>
        %dma_wait3A_365 = arith.constant 0 : i32
        %dma_wait3A_366 = arith.constant 0 : i32
        %dma_wait3A_367 = tpu.memref_slice %arg19[%dma_wait3A_365, %dma_wait3A_366] : memref<10112x32xf32, #tpu.memory_space<vmem_shared>> -> memref<10112x32xf32, #tpu.memory_space<vmem_shared>>
        tpu.wait_indirect_dma semaphore(%arg25 : memref<!tpu.dma_semaphore, #tpu.memory_space<semaphore_mem>>) src(%dma_wait3A_361 : memref<128x32xf32, #tpu.memory_space<vmem>>) dst(%dma_wait3A_367 : memref<10112x32xf32, #tpu.memory_space<vmem_shared>>)
        %dma_wait3A_368 = arith.constant 0 : i32
        %dma_wait3A_369 = arith.constant 128 : i32
        %dma_wait3A_370 = arith.constant 0 : i32
        %dma_wait3A_371 = tpu.memref_slice %arg18[%dma_wait3A_369, %dma_wait3A_370] : memref<256x32xf32, #tpu.memory_space<vmem>> -> memref<128x32xf32, #tpu.memory_space<vmem>>
        %dma_wait3A_372 = arith.constant 0 : i32
        %dma_wait3A_373 = tpu.memref_slice %arg12[%dma_wait3A_368, %dma_wait3A_372] : memref<160x128xi32, #tpu.memory_space<vmem>> -> memref<1x128xi32, #tpu.memory_space<vmem>>
        %dma_wait3A_374 = tpu.memref_squeeze %dma_wait3A_373 : memref<1x128xi32, #tpu.memory_space<vmem>> -> memref<128xi32, #tpu.memory_space<vmem>>
        %dma_wait3A_375 = arith.constant 0 : i32
        %dma_wait3A_376 = arith.constant 0 : i32
        %dma_wait3A_377 = tpu.memref_slice %arg19[%dma_wait3A_375, %dma_wait3A_376] : memref<10112x32xf32, #tpu.memory_space<vmem_shared>> -> memref<10112x32xf32, #tpu.memory_space<vmem_shared>>
        tpu.wait_indirect_dma semaphore(%arg25 : memref<!tpu.dma_semaphore, #tpu.memory_space<semaphore_mem>>) src(%dma_wait3A_371 : memref<128x32xf32, #tpu.memory_space<vmem>>) dst(%dma_wait3A_377 : memref<10112x32xf32, #tpu.memory_space<vmem_shared>>)
      } else {
      }
      %scan3A_326 = arith.constant 0 : i32
      %scan3A_327 = arith.constant 0 : i32
      %scan3A_328 = arith.constant 16 : i32
      %scan3A_329 = arith.addi %scan3A_327, %scan3A_328 : i32
      %scan3A_330 = arith.constant 1 : i32
      scf.for %scan3A_358 = %scan3A_327 to %scan3A_329 step %scan3A_330  : i32 {
        %mul3A_359 = arith.constant 2 : i32
        %mul3A_360 = arith.muli %add3A_300, %mul3A_359 : i32
        %jit3A = arith.constant 8 : i32
        %div3A = arith.divsi %scan3A_358, %jit3A : i32
        %sign3A = arith.constant 0 : i32
        %sign3A_361 = arith.cmpi sgt, %scan3A_358, %sign3A : i32
        %sign3A_362 = arith.extui %sign3A_361 : i1 to i32
        %sign3A_363 = arith.constant 0 : i32
        %sign3A_364 = arith.cmpi slt, %scan3A_358, %sign3A_363 : i32
        %sign3A_365 = arith.extui %sign3A_364 : i1 to i32
        %sign3A_366 = arith.subi %sign3A_362, %sign3A_365 : i32
        %sign3A_367 = arith.constant 0 : i32
        %sign3A_368 = arith.cmpi sgt, %jit3A, %sign3A_367 : i32
        %sign3A_369 = arith.extui %sign3A_368 : i1 to i32
        %sign3A_370 = arith.constant 0 : i32
        %sign3A_371 = arith.cmpi slt, %jit3A, %sign3A_370 : i32
        %sign3A_372 = arith.extui %sign3A_371 : i1 to i32
        %sign3A_373 = arith.subi %sign3A_369, %sign3A_372 : i32
        %ne3A = arith.cmpi ne, %sign3A_366, %sign3A_373 : i32
        %rem3A = arith.remsi %scan3A_358, %jit3A : i32
        %ne3A_374 = arith.constant 0 : i32
        %ne3A_375 = arith.cmpi ne, %rem3A, %ne3A_374 : i32
        %and3A = arith.andi %ne3A, %ne3A_375 : i1
        %sub3A = arith.constant 1 : i32
        %sub3A_376 = arith.subi %div3A, %sub3A : i32
        %select_n3A = arith.select %and3A, %sub3A_376, %div3A : i32
        %add3A_377 = arith.addi %mul3A_360, %select_n3A : i32
        %jit3A_378 = arith.constant 8 : i32
        %eq3A = arith.constant 0 : i32
        %eq3A_379 = arith.cmpi eq, %jit3A_378, %eq3A : i32
        %jit3A_380 = arith.constant 1 : i32
        %select_n3A_381 = arith.select %eq3A_379, %jit3A_380, %jit3A_378 : i32
        %rem3A_382 = arith.remsi %scan3A_358, %select_n3A_381 : i32
        %ne3A_383 = arith.constant 0 : i32
        %ne3A_384 = arith.cmpi ne, %rem3A_382, %ne3A_383 : i32
        %lt3A_385 = arith.constant 0 : i32
        %lt3A_386 = arith.cmpi slt, %rem3A_382, %lt3A_385 : i32
        %lt3A_387 = arith.constant 0 : i32
        %lt3A_388 = arith.cmpi slt, %select_n3A_381, %lt3A_387 : i32
        %ne3A_389 = arith.xori %lt3A_386, %lt3A_388 : i1
        %and3A_390 = arith.andi %ne3A_389, %ne3A_384 : i1
        %add3A_391 = arith.addi %rem3A_382, %select_n3A_381 : i32
        %select_n3A_392 = arith.select %and3A_390, %add3A_391, %rem3A_382 : i32
        %mul3A_393 = arith.constant 16 : i32
        %mul3A_394 = arith.muli %select_n3A_392, %mul3A_393 : i32
        %get3A = arith.index_cast %add3A_377 : i32 to index
        %get3A_395 = arith.index_cast %mul3A_394 : i32 to index
        %get3A_396 = tpu.vector_load %arg11[%get3A, %get3A_395] {strides = array<i32>} : memref<160x128xi32, #tpu.memory_space<vmem>>, vector<16xi32>,
        %get3A_397 = arith.index_cast %add3A_377 : i32 to index
        %get3A_398 = arith.index_cast %mul3A_394 : i32 to index
        %get3A_399 = tpu.vector_load %arg12[%get3A_397, %get3A_398] {strides = array<i32>} : memref<160x128xi32, #tpu.memory_space<vmem>>, vector<16xi32>,
        %gather3A = tpu.vector_load_idx %arg9[%get3A_399] : memref<10112xf32, #tpu.memory_space<vmem>>[vector<16xi32>], vector<16xf32>,
        %gather3A_400 = tpu.vector_load_idx %arg10[%get3A_396] : memref<10112xf32, #tpu.memory_space<vmem>>[vector<16xi32>], vector<16xf32>,
        %add3A_401 = arith.addf %gather3A, %gather3A_400 : vector<16xf32>
        %ge3A_402 = arith.constant 0.000000e+00 : f32
        %ge3A_403 = vector.broadcast %ge3A_402 : f32 to vector<16xf32>
        %ge3A_404 = arith.cmpf oge, %add3A_401, %ge3A_403 : vector<16xf32>
        %mul3A_405 = arith.constant 2.000000e-01 : f32
        %mul3A_406 = vector.broadcast %mul3A_405 : f32 to vector<16xf32>
        %mul3A_407 = arith.mulf %mul3A_406, %add3A_401 : vector<16xf32>
        %select_n3A_408 = arith.select %ge3A_404, %add3A_401, %mul3A_407 : vector<16xi1>, vector<16xf32>
        %exp3A = math.exp %select_n3A_408 : vector<16xf32>
        %mul3A_409 = arith.constant 16 : i32
        %mul3A_410 = arith.muli %scan3A_358, %mul3A_409 : i32
        %broadcast_in_dim3A = arith.constant 0 : i32
        %broadcast_in_dim3A_411 = vector.broadcast %broadcast_in_dim3A : i32 to vector<16x1xi32>
        %gather3A_412 = vector.shape_cast %broadcast_in_dim3A_411 : vector<16x1xi32> to vector<16xi32>
        %gather3A_413 = tpu.dynamic_gather %exp3A[%gather3A_412] in [0] : vector<16xf32>, vector<16xi32> -> vector<16xf32>
        %add3A_414 = arith.constant 0 : i32
        %add3A_415 = arith.addi %mul3A_410, %add3A_414 : i32
        %get3A_416 = arith.index_cast %add3A_415 : i32 to index
        %get3A_417 = arith.constant 0 : index
        %get3A_418 = tpu.vector_load %arg16[%get3A_416, %get3A_417] {strides = array<i32>} : memref<256x32xbf16, #tpu.memory_space<vmem>>, vector<32xbf16>,
        %bitcast3A = vector.bitcast %get3A_418 : vector<32xbf16> to vector<16xi32>
        %shift_left3A = arith.constant 16 : i32
        %shift_left3A_419 = vector.broadcast %shift_left3A : i32 to vector<16xi32>
        %shift_left3A_420 = arith.shli %bitcast3A, %shift_left3A_419 : vector<16xi32>
        %bitcast3A_421 = vector.bitcast %shift_left3A_420 : vector<16xi32> to vector<16xf32>
        %and3A_422 = arith.constant -65536 : i32
        %and3A_423 = vector.broadcast %and3A_422 : i32 to vector<16xi32>
        %and3A_424 = arith.andi %bitcast3A, %and3A_423 : vector<16xi32>
        %bitcast3A_425 = vector.bitcast %and3A_424 : vector<16xi32> to vector<16xf32>
        %mul3A_426 = arith.mulf %bitcast3A_421, %gather3A_413 : vector<16xf32>
        %add3A_427 = arith.constant 0 : i32
        %add3A_428 = arith.addi %mul3A_410, %add3A_427 : i32
        %swap3A = arith.index_cast %add3A_428 : i32 to index
        %swap3A_429 = arith.constant 0 : index
        %swap3A_430 = tpu.vector_load %arg18[%swap3A, %swap3A_429] {strides = array<i32>} : memref<256x32xf32, #tpu.memory_space<vmem>>, vector<16xf32>,
        tpu.vector_store %arg18[%swap3A, %swap3A_429], %mul3A_426 {strides = array<i32>} : memref<256x32xf32, #tpu.memory_space<vmem>>, vector<16xf32>,
        %mul3A_431 = arith.mulf %bitcast3A_425, %gather3A_413 : vector<16xf32>
        %add3A_432 = arith.constant 0 : i32
        %add3A_433 = arith.addi %mul3A_410, %add3A_432 : i32
        %swap3A_434 = arith.index_cast %add3A_433 : i32 to index
        %swap3A_435 = arith.constant 16 : index
        %swap3A_436 = tpu.vector_load %arg18[%swap3A_434, %swap3A_435] {strides = array<i32>} : memref<256x32xf32, #tpu.memory_space<vmem>>, vector<16xf32>,
        tpu.vector_store %arg18[%swap3A_434, %swap3A_435], %mul3A_431 {strides = array<i32>} : memref<256x32xf32, #tpu.memory_space<vmem>>, vector<16xf32>,
        %broadcast_in_dim3A_437 = arith.constant 1 : i32
        %broadcast_in_dim3A_438 = vector.broadcast %broadcast_in_dim3A_437 : i32 to vector<16x1xi32>
        %gather3A_439 = vector.shape_cast %broadcast_in_dim3A_438 : vector<16x1xi32> to vector<16xi32>
        %gather3A_440 = tpu.dynamic_gather %exp3A[%gather3A_439] in [0] : vector<16xf32>, vector<16xi32> -> vector<16xf32>
        %add3A_441 = arith.constant 1 : i32
        %add3A_442 = arith.addi %mul3A_410, %add3A_441 : i32
        %get3A_443 = arith.index_cast %add3A_442 : i32 to index
        %get3A_444 = arith.constant 0 : index
        %get3A_445 = tpu.vector_load %arg16[%get3A_443, %get3A_444] {strides = array<i32>} : memref<256x32xbf16, #tpu.memory_space<vmem>>, vector<32xbf16>,
        %bitcast3A_446 = vector.bitcast %get3A_445 : vector<32xbf16> to vector<16xi32>
        %shift_left3A_447 = arith.constant 16 : i32
        %shift_left3A_448 = vector.broadcast %shift_left3A_447 : i32 to vector<16xi32>
        %shift_left3A_449 = arith.shli %bitcast3A_446, %shift_left3A_448 : vector<16xi32>
        %bitcast3A_450 = vector.bitcast %shift_left3A_449 : vector<16xi32> to vector<16xf32>
        %and3A_451 = arith.constant -65536 : i32
        %and3A_452 = vector.broadcast %and3A_451 : i32 to vector<16xi32>
        %and3A_453 = arith.andi %bitcast3A_446, %and3A_452 : vector<16xi32>
        %bitcast3A_454 = vector.bitcast %and3A_453 : vector<16xi32> to vector<16xf32>
        %mul3A_455 = arith.mulf %bitcast3A_450, %gather3A_440 : vector<16xf32>
        %add3A_456 = arith.constant 1 : i32
        %add3A_457 = arith.addi %mul3A_410, %add3A_456 : i32
        %swap3A_458 = arith.index_cast %add3A_457 : i32 to index
        %swap3A_459 = arith.constant 0 : index
        %swap3A_460 = tpu.vector_load %arg18[%swap3A_458, %swap3A_459] {strides = array<i32>} : memref<256x32xf32, #tpu.memory_space<vmem>>, vector<16xf32>,
        tpu.vector_store %arg18[%swap3A_458, %swap3A_459], %mul3A_455 {strides = array<i32>} : memref<256x32xf32, #tpu.memory_space<vmem>>, vector<16xf32>,
        %mul3A_461 = arith.mulf %bitcast3A_454, %gather3A_440 : vector<16xf32>
        %add3A_462 = arith.constant 1 : i32
        %add3A_463 = arith.addi %mul3A_410, %add3A_462 : i32
        %swap3A_464 = arith.index_cast %add3A_463 : i32 to index
        %swap3A_465 = arith.constant 16 : index
        %swap3A_466 = tpu.vector_load %arg18[%swap3A_464, %swap3A_465] {strides = array<i32>} : memref<256x32xf32, #tpu.memory_space<vmem>>, vector<16xf32>,
        tpu.vector_store %arg18[%swap3A_464, %swap3A_465], %mul3A_461 {strides = array<i32>} : memref<256x32xf32, #tpu.memory_space<vmem>>, vector<16xf32>,
        %broadcast_in_dim3A_467 = arith.constant 2 : i32
        %broadcast_in_dim3A_468 = vector.broadcast %broadcast_in_dim3A_467 : i32 to vector<16x1xi32>
        %gather3A_469 = vector.shape_cast %broadcast_in_dim3A_468 : vector<16x1xi32> to vector<16xi32>
        %gather3A_470 = tpu.dynamic_gather %exp3A[%gather3A_469] in [0] : vector<16xf32>, vector<16xi32> -> vector<16xf32>
        %add3A_471 = arith.constant 2 : i32
        %add3A_472 = arith.addi %mul3A_410, %add3A_471 : i32
        %get3A_473 = arith.index_cast %add3A_472 : i32 to index
        %get3A_474 = arith.constant 0 : index
        %get3A_475 = tpu.vector_load %arg16[%get3A_473, %get3A_474] {strides = array<i32>} : memref<256x32xbf16, #tpu.memory_space<vmem>>, vector<32xbf16>,
        %bitcast3A_476 = vector.bitcast %get3A_475 : vector<32xbf16> to vector<16xi32>
        %shift_left3A_477 = arith.constant 16 : i32
        %shift_left3A_478 = vector.broadcast %shift_left3A_477 : i32 to vector<16xi32>
        %shift_left3A_479 = arith.shli %bitcast3A_476, %shift_left3A_478 : vector<16xi32>
        %bitcast3A_480 = vector.bitcast %shift_left3A_479 : vector<16xi32> to vector<16xf32>
        %and3A_481 = arith.constant -65536 : i32
        %and3A_482 = vector.broadcast %and3A_481 : i32 to vector<16xi32>
        %and3A_483 = arith.andi %bitcast3A_476, %and3A_482 : vector<16xi32>
        %bitcast3A_484 = vector.bitcast %and3A_483 : vector<16xi32> to vector<16xf32>
        %mul3A_485 = arith.mulf %bitcast3A_480, %gather3A_470 : vector<16xf32>
        %add3A_486 = arith.constant 2 : i32
        %add3A_487 = arith.addi %mul3A_410, %add3A_486 : i32
        %swap3A_488 = arith.index_cast %add3A_487 : i32 to index
        %swap3A_489 = arith.constant 0 : index
        %swap3A_490 = tpu.vector_load %arg18[%swap3A_488, %swap3A_489] {strides = array<i32>} : memref<256x32xf32, #tpu.memory_space<vmem>>, vector<16xf32>,
        tpu.vector_store %arg18[%swap3A_488, %swap3A_489], %mul3A_485 {strides = array<i32>} : memref<256x32xf32, #tpu.memory_space<vmem>>, vector<16xf32>,
        %mul3A_491 = arith.mulf %bitcast3A_484, %gather3A_470 : vector<16xf32>
        %add3A_492 = arith.constant 2 : i32
        %add3A_493 = arith.addi %mul3A_410, %add3A_492 : i32
        %swap3A_494 = arith.index_cast %add3A_493 : i32 to index
        %swap3A_495 = arith.constant 16 : index
        %swap3A_496 = tpu.vector_load %arg18[%swap3A_494, %swap3A_495] {strides = array<i32>} : memref<256x32xf32, #tpu.memory_space<vmem>>, vector<16xf32>,
        tpu.vector_store %arg18[%swap3A_494, %swap3A_495], %mul3A_491 {strides = array<i32>} : memref<256x32xf32, #tpu.memory_space<vmem>>, vector<16xf32>,
        %broadcast_in_dim3A_497 = arith.constant 3 : i32
        %broadcast_in_dim3A_498 = vector.broadcast %broadcast_in_dim3A_497 : i32 to vector<16x1xi32>
        %gather3A_499 = vector.shape_cast %broadcast_in_dim3A_498 : vector<16x1xi32> to vector<16xi32>
        %gather3A_500 = tpu.dynamic_gather %exp3A[%gather3A_499] in [0] : vector<16xf32>, vector<16xi32> -> vector<16xf32>
        %add3A_501 = arith.constant 3 : i32
        %add3A_502 = arith.addi %mul3A_410, %add3A_501 : i32
        %get3A_503 = arith.index_cast %add3A_502 : i32 to index
        %get3A_504 = arith.constant 0 : index
        %get3A_505 = tpu.vector_load %arg16[%get3A_503, %get3A_504] {strides = array<i32>} : memref<256x32xbf16, #tpu.memory_space<vmem>>, vector<32xbf16>,
        %bitcast3A_506 = vector.bitcast %get3A_505 : vector<32xbf16> to vector<16xi32>
        %shift_left3A_507 = arith.constant 16 : i32
        %shift_left3A_508 = vector.broadcast %shift_left3A_507 : i32 to vector<16xi32>
        %shift_left3A_509 = arith.shli %bitcast3A_506, %shift_left3A_508 : vector<16xi32>
        %bitcast3A_510 = vector.bitcast %shift_left3A_509 : vector<16xi32> to vector<16xf32>
        %and3A_511 = arith.constant -65536 : i32
        %and3A_512 = vector.broadcast %and3A_511 : i32 to vector<16xi32>
        %and3A_513 = arith.andi %bitcast3A_506, %and3A_512 : vector<16xi32>
        %bitcast3A_514 = vector.bitcast %and3A_513 : vector<16xi32> to vector<16xf32>
        %mul3A_515 = arith.mulf %bitcast3A_510, %gather3A_500 : vector<16xf32>
        %add3A_516 = arith.constant 3 : i32
        %add3A_517 = arith.addi %mul3A_410, %add3A_516 : i32
        %swap3A_518 = arith.index_cast %add3A_517 : i32 to index
        %swap3A_519 = arith.constant 0 : index
        %swap3A_520 = tpu.vector_load %arg18[%swap3A_518, %swap3A_519] {strides = array<i32>} : memref<256x32xf32, #tpu.memory_space<vmem>>, vector<16xf32>,
        tpu.vector_store %arg18[%swap3A_518, %swap3A_519], %mul3A_515 {strides = array<i32>} : memref<256x32xf32, #tpu.memory_space<vmem>>, vector<16xf32>,
        %mul3A_521 = arith.mulf %bitcast3A_514, %gather3A_500 : vector<16xf32>
        %add3A_522 = arith.constant 3 : i32
        %add3A_523 = arith.addi %mul3A_410, %add3A_522 : i32
        %swap3A_524 = arith.index_cast %add3A_523 : i32 to index
        %swap3A_525 = arith.constant 16 : index
        %swap3A_526 = tpu.vector_load %arg18[%swap3A_524, %swap3A_525] {strides = array<i32>} : memref<256x32xf32, #tpu.memory_space<vmem>>, vector<16xf32>,
        tpu.vector_store %arg18[%swap3A_524, %swap3A_525], %mul3A_521 {strides = array<i32>} : memref<256x32xf32, #tpu.memory_space<vmem>>, vector<16xf32>,
        %broadcast_in_dim3A_527 = arith.constant 4 : i32
        %broadcast_in_dim3A_528 = vector.broadcast %broadcast_in_dim3A_527 : i32 to vector<16x1xi32>
        %gather3A_529 = vector.shape_cast %broadcast_in_dim3A_528 : vector<16x1xi32> to vector<16xi32>
        %gather3A_530 = tpu.dynamic_gather %exp3A[%gather3A_529] in [0] : vector<16xf32>, vector<16xi32> -> vector<16xf32>
        %add3A_531 = arith.constant 4 : i32
        %add3A_532 = arith.addi %mul3A_410, %add3A_531 : i32
        %get3A_533 = arith.index_cast %add3A_532 : i32 to index
        %get3A_534 = arith.constant 0 : index
        %get3A_535 = tpu.vector_load %arg16[%get3A_533, %get3A_534] {strides = array<i32>} : memref<256x32xbf16, #tpu.memory_space<vmem>>, vector<32xbf16>,
        %bitcast3A_536 = vector.bitcast %get3A_535 : vector<32xbf16> to vector<16xi32>
        %shift_left3A_537 = arith.constant 16 : i32
        %shift_left3A_538 = vector.broadcast %shift_left3A_537 : i32 to vector<16xi32>
        %shift_left3A_539 = arith.shli %bitcast3A_536, %shift_left3A_538 : vector<16xi32>
        %bitcast3A_540 = vector.bitcast %shift_left3A_539 : vector<16xi32> to vector<16xf32>
        %and3A_541 = arith.constant -65536 : i32
        %and3A_542 = vector.broadcast %and3A_541 : i32 to vector<16xi32>
        %and3A_543 = arith.andi %bitcast3A_536, %and3A_542 : vector<16xi32>
        %bitcast3A_544 = vector.bitcast %and3A_543 : vector<16xi32> to vector<16xf32>
        %mul3A_545 = arith.mulf %bitcast3A_540, %gather3A_530 : vector<16xf32>
        %add3A_546 = arith.constant 4 : i32
        %add3A_547 = arith.addi %mul3A_410, %add3A_546 : i32
        %swap3A_548 = arith.index_cast %add3A_547 : i32 to index
        %swap3A_549 = arith.constant 0 : index
        %swap3A_550 = tpu.vector_load %arg18[%swap3A_548, %swap3A_549] {strides = array<i32>} : memref<256x32xf32, #tpu.memory_space<vmem>>, vector<16xf32>,
        tpu.vector_store %arg18[%swap3A_548, %swap3A_549], %mul3A_545 {strides = array<i32>} : memref<256x32xf32, #tpu.memory_space<vmem>>, vector<16xf32>,
        %mul3A_551 = arith.mulf %bitcast3A_544, %gather3A_530 : vector<16xf32>
        %add3A_552 = arith.constant 4 : i32
        %add3A_553 = arith.addi %mul3A_410, %add3A_552 : i32
        %swap3A_554 = arith.index_cast %add3A_553 : i32 to index
        %swap3A_555 = arith.constant 16 : index
        %swap3A_556 = tpu.vector_load %arg18[%swap3A_554, %swap3A_555] {strides = array<i32>} : memref<256x32xf32, #tpu.memory_space<vmem>>, vector<16xf32>,
        tpu.vector_store %arg18[%swap3A_554, %swap3A_555], %mul3A_551 {strides = array<i32>} : memref<256x32xf32, #tpu.memory_space<vmem>>, vector<16xf32>,
        %broadcast_in_dim3A_557 = arith.constant 5 : i32
        %broadcast_in_dim3A_558 = vector.broadcast %broadcast_in_dim3A_557 : i32 to vector<16x1xi32>
        %gather3A_559 = vector.shape_cast %broadcast_in_dim3A_558 : vector<16x1xi32> to vector<16xi32>
        %gather3A_560 = tpu.dynamic_gather %exp3A[%gather3A_559] in [0] : vector<16xf32>, vector<16xi32> -> vector<16xf32>
        %add3A_561 = arith.constant 5 : i32
        %add3A_562 = arith.addi %mul3A_410, %add3A_561 : i32
        %get3A_563 = arith.index_cast %add3A_562 : i32 to index
        %get3A_564 = arith.constant 0 : index
        %get3A_565 = tpu.vector_load %arg16[%get3A_563, %get3A_564] {strides = array<i32>} : memref<256x32xbf16, #tpu.memory_space<vmem>>, vector<32xbf16>,
        %bitcast3A_566 = vector.bitcast %get3A_565 : vector<32xbf16> to vector<16xi32>
        %shift_left3A_567 = arith.constant 16 : i32
        %shift_left3A_568 = vector.broadcast %shift_left3A_567 : i32 to vector<16xi32>
        %shift_left3A_569 = arith.shli %bitcast3A_566, %shift_left3A_568 : vector<16xi32>
        %bitcast3A_570 = vector.bitcast %shift_left3A_569 : vector<16xi32> to vector<16xf32>
        %and3A_571 = arith.constant -65536 : i32
        %and3A_572 = vector.broadcast %and3A_571 : i32 to vector<16xi32>
        %and3A_573 = arith.andi %bitcast3A_566, %and3A_572 : vector<16xi32>
        %bitcast3A_574 = vector.bitcast %and3A_573 : vector<16xi32> to vector<16xf32>
        %mul3A_575 = arith.mulf %bitcast3A_570, %gather3A_560 : vector<16xf32>
        %add3A_576 = arith.constant 5 : i32
        %add3A_577 = arith.addi %mul3A_410, %add3A_576 : i32
        %swap3A_578 = arith.index_cast %add3A_577 : i32 to index
        %swap3A_579 = arith.constant 0 : index
        %swap3A_580 = tpu.vector_load %arg18[%swap3A_578, %swap3A_579] {strides = array<i32>} : memref<256x32xf32, #tpu.memory_space<vmem>>, vector<16xf32>,
        tpu.vector_store %arg18[%swap3A_578, %swap3A_579], %mul3A_575 {strides = array<i32>} : memref<256x32xf32, #tpu.memory_space<vmem>>, vector<16xf32>,
        %mul3A_581 = arith.mulf %bitcast3A_574, %gather3A_560 : vector<16xf32>
        %add3A_582 = arith.constant 5 : i32
        %add3A_583 = arith.addi %mul3A_410, %add3A_582 : i32
        %swap3A_584 = arith.index_cast %add3A_583 : i32 to index
        %swap3A_585 = arith.constant 16 : index
        %swap3A_586 = tpu.vector_load %arg18[%swap3A_584, %swap3A_585] {strides = array<i32>} : memref<256x32xf32, #tpu.memory_space<vmem>>, vector<16xf32>,
        tpu.vector_store %arg18[%swap3A_584, %swap3A_585], %mul3A_581 {strides = array<i32>} : memref<256x32xf32, #tpu.memory_space<vmem>>, vector<16xf32>,
        %broadcast_in_dim3A_587 = arith.constant 6 : i32
        %broadcast_in_dim3A_588 = vector.broadcast %broadcast_in_dim3A_587 : i32 to vector<16x1xi32>
        %gather3A_589 = vector.shape_cast %broadcast_in_dim3A_588 : vector<16x1xi32> to vector<16xi32>
        %gather3A_590 = tpu.dynamic_gather %exp3A[%gather3A_589] in [0] : vector<16xf32>, vector<16xi32> -> vector<16xf32>
        %add3A_591 = arith.constant 6 : i32
        %add3A_592 = arith.addi %mul3A_410, %add3A_591 : i32
        %get3A_593 = arith.index_cast %add3A_592 : i32 to index
        %get3A_594 = arith.constant 0 : index
        %get3A_595 = tpu.vector_load %arg16[%get3A_593, %get3A_594] {strides = array<i32>} : memref<256x32xbf16, #tpu.memory_space<vmem>>, vector<32xbf16>,
        %bitcast3A_596 = vector.bitcast %get3A_595 : vector<32xbf16> to vector<16xi32>
        %shift_left3A_597 = arith.constant 16 : i32
        %shift_left3A_598 = vector.broadcast %shift_left3A_597 : i32 to vector<16xi32>
        %shift_left3A_599 = arith.shli %bitcast3A_596, %shift_left3A_598 : vector<16xi32>
        %bitcast3A_600 = vector.bitcast %shift_left3A_599 : vector<16xi32> to vector<16xf32>
        %and3A_601 = arith.constant -65536 : i32
        %and3A_602 = vector.broadcast %and3A_601 : i32 to vector<16xi32>
        %and3A_603 = arith.andi %bitcast3A_596, %and3A_602 : vector<16xi32>
        %bitcast3A_604 = vector.bitcast %and3A_603 : vector<16xi32> to vector<16xf32>
        %mul3A_605 = arith.mulf %bitcast3A_600, %gather3A_590 : vector<16xf32>
        %add3A_606 = arith.constant 6 : i32
        %add3A_607 = arith.addi %mul3A_410, %add3A_606 : i32
        %swap3A_608 = arith.index_cast %add3A_607 : i32 to index
        %swap3A_609 = arith.constant 0 : index
        %swap3A_610 = tpu.vector_load %arg18[%swap3A_608, %swap3A_609] {strides = array<i32>} : memref<256x32xf32, #tpu.memory_space<vmem>>, vector<16xf32>,
        tpu.vector_store %arg18[%swap3A_608, %swap3A_609], %mul3A_605 {strides = array<i32>} : memref<256x32xf32, #tpu.memory_space<vmem>>, vector<16xf32>,
        %mul3A_611 = arith.mulf %bitcast3A_604, %gather3A_590 : vector<16xf32>
        %add3A_612 = arith.constant 6 : i32
        %add3A_613 = arith.addi %mul3A_410, %add3A_612 : i32
        %swap3A_614 = arith.index_cast %add3A_613 : i32 to index
        %swap3A_615 = arith.constant 16 : index
        %swap3A_616 = tpu.vector_load %arg18[%swap3A_614, %swap3A_615] {strides = array<i32>} : memref<256x32xf32, #tpu.memory_space<vmem>>, vector<16xf32>,
        tpu.vector_store %arg18[%swap3A_614, %swap3A_615], %mul3A_611 {strides = array<i32>} : memref<256x32xf32, #tpu.memory_space<vmem>>, vector<16xf32>,
        %broadcast_in_dim3A_617 = arith.constant 7 : i32
        %broadcast_in_dim3A_618 = vector.broadcast %broadcast_in_dim3A_617 : i32 to vector<16x1xi32>
        %gather3A_619 = vector.shape_cast %broadcast_in_dim3A_618 : vector<16x1xi32> to vector<16xi32>
        %gather3A_620 = tpu.dynamic_gather %exp3A[%gather3A_619] in [0] : vector<16xf32>, vector<16xi32> -> vector<16xf32>
        %add3A_621 = arith.constant 7 : i32
        %add3A_622 = arith.addi %mul3A_410, %add3A_621 : i32
        %get3A_623 = arith.index_cast %add3A_622 : i32 to index
        %get3A_624 = arith.constant 0 : index
        %get3A_625 = tpu.vector_load %arg16[%get3A_623, %get3A_624] {strides = array<i32>} : memref<256x32xbf16, #tpu.memory_space<vmem>>, vector<32xbf16>,
        %bitcast3A_626 = vector.bitcast %get3A_625 : vector<32xbf16> to vector<16xi32>
        %shift_left3A_627 = arith.constant 16 : i32
        %shift_left3A_628 = vector.broadcast %shift_left3A_627 : i32 to vector<16xi32>
        %shift_left3A_629 = arith.shli %bitcast3A_626, %shift_left3A_628 : vector<16xi32>
        %bitcast3A_630 = vector.bitcast %shift_left3A_629 : vector<16xi32> to vector<16xf32>
        %and3A_631 = arith.constant -65536 : i32
        %and3A_632 = vector.broadcast %and3A_631 : i32 to vector<16xi32>
        %and3A_633 = arith.andi %bitcast3A_626, %and3A_632 : vector<16xi32>
        %bitcast3A_634 = vector.bitcast %and3A_633 : vector<16xi32> to vector<16xf32>
        %mul3A_635 = arith.mulf %bitcast3A_630, %gather3A_620 : vector<16xf32>
        %add3A_636 = arith.constant 7 : i32
        %add3A_637 = arith.addi %mul3A_410, %add3A_636 : i32
        %swap3A_638 = arith.index_cast %add3A_637 : i32 to index
        %swap3A_639 = arith.constant 0 : index
        %swap3A_640 = tpu.vector_load %arg18[%swap3A_638, %swap3A_639] {strides = array<i32>} : memref<256x32xf32, #tpu.memory_space<vmem>>, vector<16xf32>,
        tpu.vector_store %arg18[%swap3A_638, %swap3A_639], %mul3A_635 {strides = array<i32>} : memref<256x32xf32, #tpu.memory_space<vmem>>, vector<16xf32>,
        %mul3A_641 = arith.mulf %bitcast3A_634, %gather3A_620 : vector<16xf32>
        %add3A_642 = arith.constant 7 : i32
        %add3A_643 = arith.addi %mul3A_410, %add3A_642 : i32
        %swap3A_644 = arith.index_cast %add3A_643 : i32 to index
        %swap3A_645 = arith.constant 16 : index
        %swap3A_646 = tpu.vector_load %arg18[%swap3A_644, %swap3A_645] {strides = array<i32>} : memref<256x32xf32, #tpu.memory_space<vmem>>, vector<16xf32>,
        tpu.vector_store %arg18[%swap3A_644, %swap3A_645], %mul3A_641 {strides = array<i32>} : memref<256x32xf32, #tpu.memory_space<vmem>>, vector<16xf32>,
        %broadcast_in_dim3A_647 = arith.constant 8 : i32
        %broadcast_in_dim3A_648 = vector.broadcast %broadcast_in_dim3A_647 : i32 to vector<16x1xi32>
        %gather3A_649 = vector.shape_cast %broadcast_in_dim3A_648 : vector<16x1xi32> to vector<16xi32>
        %gather3A_650 = tpu.dynamic_gather %exp3A[%gather3A_649] in [0] : vector<16xf32>, vector<16xi32> -> vector<16xf32>
        %add3A_651 = arith.constant 8 : i32
        %add3A_652 = arith.addi %mul3A_410, %add3A_651 : i32
        %get3A_653 = arith.index_cast %add3A_652 : i32 to index
        %get3A_654 = arith.constant 0 : index
        %get3A_655 = tpu.vector_load %arg16[%get3A_653, %get3A_654] {strides = array<i32>} : memref<256x32xbf16, #tpu.memory_space<vmem>>, vector<32xbf16>,
        %bitcast3A_656 = vector.bitcast %get3A_655 : vector<32xbf16> to vector<16xi32>
        %shift_left3A_657 = arith.constant 16 : i32
        %shift_left3A_658 = vector.broadcast %shift_left3A_657 : i32 to vector<16xi32>
        %shift_left3A_659 = arith.shli %bitcast3A_656, %shift_left3A_658 : vector<16xi32>
        %bitcast3A_660 = vector.bitcast %shift_left3A_659 : vector<16xi32> to vector<16xf32>
        %and3A_661 = arith.constant -65536 : i32
        %and3A_662 = vector.broadcast %and3A_661 : i32 to vector<16xi32>
        %and3A_663 = arith.andi %bitcast3A_656, %and3A_662 : vector<16xi32>
        %bitcast3A_664 = vector.bitcast %and3A_663 : vector<16xi32> to vector<16xf32>
        %mul3A_665 = arith.mulf %bitcast3A_660, %gather3A_650 : vector<16xf32>
        %add3A_666 = arith.constant 8 : i32
        %add3A_667 = arith.addi %mul3A_410, %add3A_666 : i32
        %swap3A_668 = arith.index_cast %add3A_667 : i32 to index
        %swap3A_669 = arith.constant 0 : index
        %swap3A_670 = tpu.vector_load %arg18[%swap3A_668, %swap3A_669] {strides = array<i32>} : memref<256x32xf32, #tpu.memory_space<vmem>>, vector<16xf32>,
        tpu.vector_store %arg18[%swap3A_668, %swap3A_669], %mul3A_665 {strides = array<i32>} : memref<256x32xf32, #tpu.memory_space<vmem>>, vector<16xf32>,
        %mul3A_671 = arith.mulf %bitcast3A_664, %gather3A_650 : vector<16xf32>
        %add3A_672 = arith.constant 8 : i32
        %add3A_673 = arith.addi %mul3A_410, %add3A_672 : i32
        %swap3A_674 = arith.index_cast %add3A_673 : i32 to index
        %swap3A_675 = arith.constant 16 : index
        %swap3A_676 = tpu.vector_load %arg18[%swap3A_674, %swap3A_675] {strides = array<i32>} : memref<256x32xf32, #tpu.memory_space<vmem>>, vector<16xf32>,
        tpu.vector_store %arg18[%swap3A_674, %swap3A_675], %mul3A_671 {strides = array<i32>} : memref<256x32xf32, #tpu.memory_space<vmem>>, vector<16xf32>,
        %broadcast_in_dim3A_677 = arith.constant 9 : i32
        %broadcast_in_dim3A_678 = vector.broadcast %broadcast_in_dim3A_677 : i32 to vector<16x1xi32>
        %gather3A_679 = vector.shape_cast %broadcast_in_dim3A_678 : vector<16x1xi32> to vector<16xi32>
        %gather3A_680 = tpu.dynamic_gather %exp3A[%gather3A_679] in [0] : vector<16xf32>, vector<16xi32> -> vector<16xf32>
        %add3A_681 = arith.constant 9 : i32
        %add3A_682 = arith.addi %mul3A_410, %add3A_681 : i32
        %get3A_683 = arith.index_cast %add3A_682 : i32 to index
        %get3A_684 = arith.constant 0 : index
        %get3A_685 = tpu.vector_load %arg16[%get3A_683, %get3A_684] {strides = array<i32>} : memref<256x32xbf16, #tpu.memory_space<vmem>>, vector<32xbf16>,
        %bitcast3A_686 = vector.bitcast %get3A_685 : vector<32xbf16> to vector<16xi32>
        %shift_left3A_687 = arith.constant 16 : i32
        %shift_left3A_688 = vector.broadcast %shift_left3A_687 : i32 to vector<16xi32>
        %shift_left3A_689 = arith.shli %bitcast3A_686, %shift_left3A_688 : vector<16xi32>
        %bitcast3A_690 = vector.bitcast %shift_left3A_689 : vector<16xi32> to vector<16xf32>
        %and3A_691 = arith.constant -65536 : i32
        %and3A_692 = vector.broadcast %and3A_691 : i32 to vector<16xi32>
        %and3A_693 = arith.andi %bitcast3A_686, %and3A_692 : vector<16xi32>
        %bitcast3A_694 = vector.bitcast %and3A_693 : vector<16xi32> to vector<16xf32>
        %mul3A_695 = arith.mulf %bitcast3A_690, %gather3A_680 : vector<16xf32>
        %add3A_696 = arith.constant 9 : i32
        %add3A_697 = arith.addi %mul3A_410, %add3A_696 : i32
        %swap3A_698 = arith.index_cast %add3A_697 : i32 to index
        %swap3A_699 = arith.constant 0 : index
        %swap3A_700 = tpu.vector_load %arg18[%swap3A_698, %swap3A_699] {strides = array<i32>} : memref<256x32xf32, #tpu.memory_space<vmem>>, vector<16xf32>,
        tpu.vector_store %arg18[%swap3A_698, %swap3A_699], %mul3A_695 {strides = array<i32>} : memref<256x32xf32, #tpu.memory_space<vmem>>, vector<16xf32>,
        %mul3A_701 = arith.mulf %bitcast3A_694, %gather3A_680 : vector<16xf32>
        %add3A_702 = arith.constant 9 : i32
        %add3A_703 = arith.addi %mul3A_410, %add3A_702 : i32
        %swap3A_704 = arith.index_cast %add3A_703 : i32 to index
        %swap3A_705 = arith.constant 16 : index
        %swap3A_706 = tpu.vector_load %arg18[%swap3A_704, %swap3A_705] {strides = array<i32>} : memref<256x32xf32, #tpu.memory_space<vmem>>, vector<16xf32>,
        tpu.vector_store %arg18[%swap3A_704, %swap3A_705], %mul3A_701 {strides = array<i32>} : memref<256x32xf32, #tpu.memory_space<vmem>>, vector<16xf32>,
        %broadcast_in_dim3A_707 = arith.constant 10 : i32
        %broadcast_in_dim3A_708 = vector.broadcast %broadcast_in_dim3A_707 : i32 to vector<16x1xi32>
        %gather3A_709 = vector.shape_cast %broadcast_in_dim3A_708 : vector<16x1xi32> to vector<16xi32>
        %gather3A_710 = tpu.dynamic_gather %exp3A[%gather3A_709] in [0] : vector<16xf32>, vector<16xi32> -> vector<16xf32>
        %add3A_711 = arith.constant 10 : i32
        %add3A_712 = arith.addi %mul3A_410, %add3A_711 : i32
        %get3A_713 = arith.index_cast %add3A_712 : i32 to index
        %get3A_714 = arith.constant 0 : index
        %get3A_715 = tpu.vector_load %arg16[%get3A_713, %get3A_714] {strides = array<i32>} : memref<256x32xbf16, #tpu.memory_space<vmem>>, vector<32xbf16>,
        %bitcast3A_716 = vector.bitcast %get3A_715 : vector<32xbf16> to vector<16xi32>
        %shift_left3A_717 = arith.constant 16 : i32
        %shift_left3A_718 = vector.broadcast %shift_left3A_717 : i32 to vector<16xi32>
        %shift_left3A_719 = arith.shli %bitcast3A_716, %shift_left3A_718 : vector<16xi32>
        %bitcast3A_720 = vector.bitcast %shift_left3A_719 : vector<16xi32> to vector<16xf32>
        %and3A_721 = arith.constant -65536 : i32
        %and3A_722 = vector.broadcast %and3A_721 : i32 to vector<16xi32>
        %and3A_723 = arith.andi %bitcast3A_716, %and3A_722 : vector<16xi32>
        %bitcast3A_724 = vector.bitcast %and3A_723 : vector<16xi32> to vector<16xf32>
        %mul3A_725 = arith.mulf %bitcast3A_720, %gather3A_710 : vector<16xf32>
        %add3A_726 = arith.constant 10 : i32
        %add3A_727 = arith.addi %mul3A_410, %add3A_726 : i32
        %swap3A_728 = arith.index_cast %add3A_727 : i32 to index
        %swap3A_729 = arith.constant 0 : index
        %swap3A_730 = tpu.vector_load %arg18[%swap3A_728, %swap3A_729] {strides = array<i32>} : memref<256x32xf32, #tpu.memory_space<vmem>>, vector<16xf32>,
        tpu.vector_store %arg18[%swap3A_728, %swap3A_729], %mul3A_725 {strides = array<i32>} : memref<256x32xf32, #tpu.memory_space<vmem>>, vector<16xf32>,
        %mul3A_731 = arith.mulf %bitcast3A_724, %gather3A_710 : vector<16xf32>
        %add3A_732 = arith.constant 10 : i32
        %add3A_733 = arith.addi %mul3A_410, %add3A_732 : i32
        %swap3A_734 = arith.index_cast %add3A_733 : i32 to index
        %swap3A_735 = arith.constant 16 : index
        %swap3A_736 = tpu.vector_load %arg18[%swap3A_734, %swap3A_735] {strides = array<i32>} : memref<256x32xf32, #tpu.memory_space<vmem>>, vector<16xf32>,
        tpu.vector_store %arg18[%swap3A_734, %swap3A_735], %mul3A_731 {strides = array<i32>} : memref<256x32xf32, #tpu.memory_space<vmem>>, vector<16xf32>,
        %broadcast_in_dim3A_737 = arith.constant 11 : i32
        %broadcast_in_dim3A_738 = vector.broadcast %broadcast_in_dim3A_737 : i32 to vector<16x1xi32>
        %gather3A_739 = vector.shape_cast %broadcast_in_dim3A_738 : vector<16x1xi32> to vector<16xi32>
        %gather3A_740 = tpu.dynamic_gather %exp3A[%gather3A_739] in [0] : vector<16xf32>, vector<16xi32> -> vector<16xf32>
        %add3A_741 = arith.constant 11 : i32
        %add3A_742 = arith.addi %mul3A_410, %add3A_741 : i32
        %get3A_743 = arith.index_cast %add3A_742 : i32 to index
        %get3A_744 = arith.constant 0 : index
        %get3A_745 = tpu.vector_load %arg16[%get3A_743, %get3A_744] {strides = array<i32>} : memref<256x32xbf16, #tpu.memory_space<vmem>>, vector<32xbf16>,
        %bitcast3A_746 = vector.bitcast %get3A_745 : vector<32xbf16> to vector<16xi32>
        %shift_left3A_747 = arith.constant 16 : i32
        %shift_left3A_748 = vector.broadcast %shift_left3A_747 : i32 to vector<16xi32>
        %shift_left3A_749 = arith.shli %bitcast3A_746, %shift_left3A_748 : vector<16xi32>
        %bitcast3A_750 = vector.bitcast %shift_left3A_749 : vector<16xi32> to vector<16xf32>
        %and3A_751 = arith.constant -65536 : i32
        %and3A_752 = vector.broadcast %and3A_751 : i32 to vector<16xi32>
        %and3A_753 = arith.andi %bitcast3A_746, %and3A_752 : vector<16xi32>
        %bitcast3A_754 = vector.bitcast %and3A_753 : vector<16xi32> to vector<16xf32>
        %mul3A_755 = arith.mulf %bitcast3A_750, %gather3A_740 : vector<16xf32>
        %add3A_756 = arith.constant 11 : i32
        %add3A_757 = arith.addi %mul3A_410, %add3A_756 : i32
        %swap3A_758 = arith.index_cast %add3A_757 : i32 to index
        %swap3A_759 = arith.constant 0 : index
        %swap3A_760 = tpu.vector_load %arg18[%swap3A_758, %swap3A_759] {strides = array<i32>} : memref<256x32xf32, #tpu.memory_space<vmem>>, vector<16xf32>,
        tpu.vector_store %arg18[%swap3A_758, %swap3A_759], %mul3A_755 {strides = array<i32>} : memref<256x32xf32, #tpu.memory_space<vmem>>, vector<16xf32>,
        %mul3A_761 = arith.mulf %bitcast3A_754, %gather3A_740 : vector<16xf32>
        %add3A_762 = arith.constant 11 : i32
        %add3A_763 = arith.addi %mul3A_410, %add3A_762 : i32
        %swap3A_764 = arith.index_cast %add3A_763 : i32 to index
        %swap3A_765 = arith.constant 16 : index
        %swap3A_766 = tpu.vector_load %arg18[%swap3A_764, %swap3A_765] {strides = array<i32>} : memref<256x32xf32, #tpu.memory_space<vmem>>, vector<16xf32>,
        tpu.vector_store %arg18[%swap3A_764, %swap3A_765], %mul3A_761 {strides = array<i32>} : memref<256x32xf32, #tpu.memory_space<vmem>>, vector<16xf32>,
        %broadcast_in_dim3A_767 = arith.constant 12 : i32
        %broadcast_in_dim3A_768 = vector.broadcast %broadcast_in_dim3A_767 : i32 to vector<16x1xi32>
        %gather3A_769 = vector.shape_cast %broadcast_in_dim3A_768 : vector<16x1xi32> to vector<16xi32>
        %gather3A_770 = tpu.dynamic_gather %exp3A[%gather3A_769] in [0] : vector<16xf32>, vector<16xi32> -> vector<16xf32>
        %add3A_771 = arith.constant 12 : i32
        %add3A_772 = arith.addi %mul3A_410, %add3A_771 : i32
        %get3A_773 = arith.index_cast %add3A_772 : i32 to index
        %get3A_774 = arith.constant 0 : index
        %get3A_775 = tpu.vector_load %arg16[%get3A_773, %get3A_774] {strides = array<i32>} : memref<256x32xbf16, #tpu.memory_space<vmem>>, vector<32xbf16>,
        %bitcast3A_776 = vector.bitcast %get3A_775 : vector<32xbf16> to vector<16xi32>
        %shift_left3A_777 = arith.constant 16 : i32
        %shift_left3A_778 = vector.broadcast %shift_left3A_777 : i32 to vector<16xi32>
        %shift_left3A_779 = arith.shli %bitcast3A_776, %shift_left3A_778 : vector<16xi32>
        %bitcast3A_780 = vector.bitcast %shift_left3A_779 : vector<16xi32> to vector<16xf32>
        %and3A_781 = arith.constant -65536 : i32
        %and3A_782 = vector.broadcast %and3A_781 : i32 to vector<16xi32>
        %and3A_783 = arith.andi %bitcast3A_776, %and3A_782 : vector<16xi32>
        %bitcast3A_784 = vector.bitcast %and3A_783 : vector<16xi32> to vector<16xf32>
        %mul3A_785 = arith.mulf %bitcast3A_780, %gather3A_770 : vector<16xf32>
        %add3A_786 = arith.constant 12 : i32
        %add3A_787 = arith.addi %mul3A_410, %add3A_786 : i32
        %swap3A_788 = arith.index_cast %add3A_787 : i32 to index
        %swap3A_789 = arith.constant 0 : index
        %swap3A_790 = tpu.vector_load %arg18[%swap3A_788, %swap3A_789] {strides = array<i32>} : memref<256x32xf32, #tpu.memory_space<vmem>>, vector<16xf32>,
        tpu.vector_store %arg18[%swap3A_788, %swap3A_789], %mul3A_785 {strides = array<i32>} : memref<256x32xf32, #tpu.memory_space<vmem>>, vector<16xf32>,
        %mul3A_791 = arith.mulf %bitcast3A_784, %gather3A_770 : vector<16xf32>
        %add3A_792 = arith.constant 12 : i32
        %add3A_793 = arith.addi %mul3A_410, %add3A_792 : i32
        %swap3A_794 = arith.index_cast %add3A_793 : i32 to index
        %swap3A_795 = arith.constant 16 : index
        %swap3A_796 = tpu.vector_load %arg18[%swap3A_794, %swap3A_795] {strides = array<i32>} : memref<256x32xf32, #tpu.memory_space<vmem>>, vector<16xf32>,
        tpu.vector_store %arg18[%swap3A_794, %swap3A_795], %mul3A_791 {strides = array<i32>} : memref<256x32xf32, #tpu.memory_space<vmem>>, vector<16xf32>,
        %broadcast_in_dim3A_797 = arith.constant 13 : i32
        %broadcast_in_dim3A_798 = vector.broadcast %broadcast_in_dim3A_797 : i32 to vector<16x1xi32>
        %gather3A_799 = vector.shape_cast %broadcast_in_dim3A_798 : vector<16x1xi32> to vector<16xi32>
        %gather3A_800 = tpu.dynamic_gather %exp3A[%gather3A_799] in [0] : vector<16xf32>, vector<16xi32> -> vector<16xf32>
        %add3A_801 = arith.constant 13 : i32
        %add3A_802 = arith.addi %mul3A_410, %add3A_801 : i32
        %get3A_803 = arith.index_cast %add3A_802 : i32 to index
        %get3A_804 = arith.constant 0 : index
        %get3A_805 = tpu.vector_load %arg16[%get3A_803, %get3A_804] {strides = array<i32>} : memref<256x32xbf16, #tpu.memory_space<vmem>>, vector<32xbf16>,
        %bitcast3A_806 = vector.bitcast %get3A_805 : vector<32xbf16> to vector<16xi32>
        %shift_left3A_807 = arith.constant 16 : i32
        %shift_left3A_808 = vector.broadcast %shift_left3A_807 : i32 to vector<16xi32>
        %shift_left3A_809 = arith.shli %bitcast3A_806, %shift_left3A_808 : vector<16xi32>
        %bitcast3A_810 = vector.bitcast %shift_left3A_809 : vector<16xi32> to vector<16xf32>
        %and3A_811 = arith.constant -65536 : i32
        %and3A_812 = vector.broadcast %and3A_811 : i32 to vector<16xi32>
        %and3A_813 = arith.andi %bitcast3A_806, %and3A_812 : vector<16xi32>
        %bitcast3A_814 = vector.bitcast %and3A_813 : vector<16xi32> to vector<16xf32>
        %mul3A_815 = arith.mulf %bitcast3A_810, %gather3A_800 : vector<16xf32>
        %add3A_816 = arith.constant 13 : i32
        %add3A_817 = arith.addi %mul3A_410, %add3A_816 : i32
        %swap3A_818 = arith.index_cast %add3A_817 : i32 to index
        %swap3A_819 = arith.constant 0 : index
        %swap3A_820 = tpu.vector_load %arg18[%swap3A_818, %swap3A_819] {strides = array<i32>} : memref<256x32xf32, #tpu.memory_space<vmem>>, vector<16xf32>,
        tpu.vector_store %arg18[%swap3A_818, %swap3A_819], %mul3A_815 {strides = array<i32>} : memref<256x32xf32, #tpu.memory_space<vmem>>, vector<16xf32>,
        %mul3A_821 = arith.mulf %bitcast3A_814, %gather3A_800 : vector<16xf32>
        %add3A_822 = arith.constant 13 : i32
        %add3A_823 = arith.addi %mul3A_410, %add3A_822 : i32
        %swap3A_824 = arith.index_cast %add3A_823 : i32 to index
        %swap3A_825 = arith.constant 16 : index
        %swap3A_826 = tpu.vector_load %arg18[%swap3A_824, %swap3A_825] {strides = array<i32>} : memref<256x32xf32, #tpu.memory_space<vmem>>, vector<16xf32>,
        tpu.vector_store %arg18[%swap3A_824, %swap3A_825], %mul3A_821 {strides = array<i32>} : memref<256x32xf32, #tpu.memory_space<vmem>>, vector<16xf32>,
        %broadcast_in_dim3A_827 = arith.constant 14 : i32
        %broadcast_in_dim3A_828 = vector.broadcast %broadcast_in_dim3A_827 : i32 to vector<16x1xi32>
        %gather3A_829 = vector.shape_cast %broadcast_in_dim3A_828 : vector<16x1xi32> to vector<16xi32>
        %gather3A_830 = tpu.dynamic_gather %exp3A[%gather3A_829] in [0] : vector<16xf32>, vector<16xi32> -> vector<16xf32>
        %add3A_831 = arith.constant 14 : i32
        %add3A_832 = arith.addi %mul3A_410, %add3A_831 : i32
        %get3A_833 = arith.index_cast %add3A_832 : i32 to index
        %get3A_834 = arith.constant 0 : index
        %get3A_835 = tpu.vector_load %arg16[%get3A_833, %get3A_834] {strides = array<i32>} : memref<256x32xbf16, #tpu.memory_space<vmem>>, vector<32xbf16>,
        %bitcast3A_836 = vector.bitcast %get3A_835 : vector<32xbf16> to vector<16xi32>
        %shift_left3A_837 = arith.constant 16 : i32
        %shift_left3A_838 = vector.broadcast %shift_left3A_837 : i32 to vector<16xi32>
        %shift_left3A_839 = arith.shli %bitcast3A_836, %shift_left3A_838 : vector<16xi32>
        %bitcast3A_840 = vector.bitcast %shift_left3A_839 : vector<16xi32> to vector<16xf32>
        %and3A_841 = arith.constant -65536 : i32
        %and3A_842 = vector.broadcast %and3A_841 : i32 to vector<16xi32>
        %and3A_843 = arith.andi %bitcast3A_836, %and3A_842 : vector<16xi32>
        %bitcast3A_844 = vector.bitcast %and3A_843 : vector<16xi32> to vector<16xf32>
        %mul3A_845 = arith.mulf %bitcast3A_840, %gather3A_830 : vector<16xf32>
        %add3A_846 = arith.constant 14 : i32
        %add3A_847 = arith.addi %mul3A_410, %add3A_846 : i32
        %swap3A_848 = arith.index_cast %add3A_847 : i32 to index
        %swap3A_849 = arith.constant 0 : index
        %swap3A_850 = tpu.vector_load %arg18[%swap3A_848, %swap3A_849] {strides = array<i32>} : memref<256x32xf32, #tpu.memory_space<vmem>>, vector<16xf32>,
        tpu.vector_store %arg18[%swap3A_848, %swap3A_849], %mul3A_845 {strides = array<i32>} : memref<256x32xf32, #tpu.memory_space<vmem>>, vector<16xf32>,
        %mul3A_851 = arith.mulf %bitcast3A_844, %gather3A_830 : vector<16xf32>
        %add3A_852 = arith.constant 14 : i32
        %add3A_853 = arith.addi %mul3A_410, %add3A_852 : i32
        %swap3A_854 = arith.index_cast %add3A_853 : i32 to index
        %swap3A_855 = arith.constant 16 : index
        %swap3A_856 = tpu.vector_load %arg18[%swap3A_854, %swap3A_855] {strides = array<i32>} : memref<256x32xf32, #tpu.memory_space<vmem>>, vector<16xf32>,
        tpu.vector_store %arg18[%swap3A_854, %swap3A_855], %mul3A_851 {strides = array<i32>} : memref<256x32xf32, #tpu.memory_space<vmem>>, vector<16xf32>,
        %broadcast_in_dim3A_857 = arith.constant 15 : i32
        %broadcast_in_dim3A_858 = vector.broadcast %broadcast_in_dim3A_857 : i32 to vector<16x1xi32>
        %gather3A_859 = vector.shape_cast %broadcast_in_dim3A_858 : vector<16x1xi32> to vector<16xi32>
        %gather3A_860 = tpu.dynamic_gather %exp3A[%gather3A_859] in [0] : vector<16xf32>, vector<16xi32> -> vector<16xf32>
        %add3A_861 = arith.constant 15 : i32
        %add3A_862 = arith.addi %mul3A_410, %add3A_861 : i32
        %get3A_863 = arith.index_cast %add3A_862 : i32 to index
        %get3A_864 = arith.constant 0 : index
        %get3A_865 = tpu.vector_load %arg16[%get3A_863, %get3A_864] {strides = array<i32>} : memref<256x32xbf16, #tpu.memory_space<vmem>>, vector<32xbf16>,
        %bitcast3A_866 = vector.bitcast %get3A_865 : vector<32xbf16> to vector<16xi32>
        %shift_left3A_867 = arith.constant 16 : i32
        %shift_left3A_868 = vector.broadcast %shift_left3A_867 : i32 to vector<16xi32>
        %shift_left3A_869 = arith.shli %bitcast3A_866, %shift_left3A_868 : vector<16xi32>
        %bitcast3A_870 = vector.bitcast %shift_left3A_869 : vector<16xi32> to vector<16xf32>
        %and3A_871 = arith.constant -65536 : i32
        %and3A_872 = vector.broadcast %and3A_871 : i32 to vector<16xi32>
        %and3A_873 = arith.andi %bitcast3A_866, %and3A_872 : vector<16xi32>
        %bitcast3A_874 = vector.bitcast %and3A_873 : vector<16xi32> to vector<16xf32>
        %mul3A_875 = arith.mulf %bitcast3A_870, %gather3A_860 : vector<16xf32>
        %add3A_876 = arith.constant 15 : i32
        %add3A_877 = arith.addi %mul3A_410, %add3A_876 : i32
        %swap3A_878 = arith.index_cast %add3A_877 : i32 to index
        %swap3A_879 = arith.constant 0 : index
        %swap3A_880 = tpu.vector_load %arg18[%swap3A_878, %swap3A_879] {strides = array<i32>} : memref<256x32xf32, #tpu.memory_space<vmem>>, vector<16xf32>,
        tpu.vector_store %arg18[%swap3A_878, %swap3A_879], %mul3A_875 {strides = array<i32>} : memref<256x32xf32, #tpu.memory_space<vmem>>, vector<16xf32>,
        %mul3A_881 = arith.mulf %bitcast3A_874, %gather3A_860 : vector<16xf32>
        %add3A_882 = arith.constant 15 : i32
        %add3A_883 = arith.addi %mul3A_410, %add3A_882 : i32
        %swap3A_884 = arith.index_cast %add3A_883 : i32 to index
        %swap3A_885 = arith.constant 16 : index
        %swap3A_886 = tpu.vector_load %arg18[%swap3A_884, %swap3A_885] {strides = array<i32>} : memref<256x32xf32, #tpu.memory_space<vmem>>, vector<16xf32>,
        tpu.vector_store %arg18[%swap3A_884, %swap3A_885], %mul3A_881 {strides = array<i32>} : memref<256x32xf32, #tpu.memory_space<vmem>>, vector<16xf32>,
      }
      %scan3A_331 = arith.constant 16 : i32
      %mul3A_332 = arith.constant 2 : i32
      %mul3A_333 = arith.muli %add3A_300, %mul3A_332 : i32
      %add3A_334 = arith.constant 0 : i32
      %add3A_335 = arith.addi %mul3A_333, %add3A_334 : i32
      %dma_start3A_336 = arith.constant 0 : i32
      %dma_start3A_337 = arith.constant 0 : i32
      %dma_start3A_338 = tpu.memref_slice %arg18[%dma_start3A_336, %dma_start3A_337] : memref<256x32xf32, #tpu.memory_space<vmem>> -> memref<128x32xf32, #tpu.memory_space<vmem>>
      %dma_start3A_339 = arith.constant 0 : i32
      %dma_start3A_340 = tpu.memref_slice %arg12[%add3A_335, %dma_start3A_339] : memref<160x128xi32, #tpu.memory_space<vmem>> -> memref<1x128xi32, #tpu.memory_space<vmem>>
      %dma_start3A_341 = tpu.memref_squeeze %dma_start3A_340 : memref<1x128xi32, #tpu.memory_space<vmem>> -> memref<128xi32, #tpu.memory_space<vmem>>
      %dma_start3A_342 = arith.constant 0 : i32
      %dma_start3A_343 = arith.constant 0 : i32
      %dma_start3A_344 = tpu.memref_slice %arg19[%dma_start3A_342, %dma_start3A_343] : memref<10112x32xf32, #tpu.memory_space<vmem_shared>> -> memref<10112x32xf32, #tpu.memory_space<vmem_shared>>
      tpu.enqueue_indirect_dma source(%dma_start3A_338 : memref<128x32xf32, #tpu.memory_space<vmem>>) target(%dma_start3A_344 : memref<10112x32xf32, #tpu.memory_space<vmem_shared>>) offsets(%dma_start3A_341 : memref<128xi32, #tpu.memory_space<vmem>>) semaphore(%arg25 : memref<!tpu.dma_semaphore, #tpu.memory_space<semaphore_mem>>) {add = true}
      %mul3A_345 = arith.constant 2 : i32
      %mul3A_346 = arith.muli %add3A_300, %mul3A_345 : i32
      %add3A_347 = arith.constant 1 : i32
      %add3A_348 = arith.addi %mul3A_346, %add3A_347 : i32
      %dma_start3A_349 = arith.constant 128 : i32
      %dma_start3A_350 = arith.constant 0 : i32
      %dma_start3A_351 = tpu.memref_slice %arg18[%dma_start3A_349, %dma_start3A_350] : memref<256x32xf32, #tpu.memory_space<vmem>> -> memref<128x32xf32, #tpu.memory_space<vmem>>
      %dma_start3A_352 = arith.constant 0 : i32
      %dma_start3A_353 = tpu.memref_slice %arg12[%add3A_348, %dma_start3A_352] : memref<160x128xi32, #tpu.memory_space<vmem>> -> memref<1x128xi32, #tpu.memory_space<vmem>>
      %dma_start3A_354 = tpu.memref_squeeze %dma_start3A_353 : memref<1x128xi32, #tpu.memory_space<vmem>> -> memref<128xi32, #tpu.memory_space<vmem>>
      %dma_start3A_355 = arith.constant 0 : i32
      %dma_start3A_356 = arith.constant 0 : i32
      %dma_start3A_357 = tpu.memref_slice %arg19[%dma_start3A_355, %dma_start3A_356] : memref<10112x32xf32, #tpu.memory_space<vmem_shared>> -> memref<10112x32xf32, #tpu.memory_space<vmem_shared>>
      tpu.enqueue_indirect_dma source(%dma_start3A_351 : memref<128x32xf32, #tpu.memory_space<vmem>>) target(%dma_start3A_357 : memref<10112x32xf32, #tpu.memory_space<vmem_shared>>) offsets(%dma_start3A_354 : memref<128xi32, #tpu.memory_space<vmem>>) semaphore(%arg25 : memref<!tpu.dma_semaphore, #tpu.memory_space<semaphore_mem>>) {add = true}
    }
    %scan3A_50 = arith.constant 20 : i32
    %dma_wait3A = arith.constant 0 : i32
    %dma_wait3A_51 = arith.constant 0 : i32
    %dma_wait3A_52 = arith.constant 0 : i32
    %dma_wait3A_53 = tpu.memref_slice %arg17[%dma_wait3A_51, %dma_wait3A_52] : memref<256x32xf32, #tpu.memory_space<vmem>> -> memref<128x32xf32, #tpu.memory_space<vmem>>
    %dma_wait3A_54 = arith.constant 0 : i32
    %dma_wait3A_55 = tpu.memref_slice %arg12[%dma_wait3A, %dma_wait3A_54] : memref<160x128xi32, #tpu.memory_space<vmem>> -> memref<1x128xi32, #tpu.memory_space<vmem>>
    %dma_wait3A_56 = tpu.memref_squeeze %dma_wait3A_55 : memref<1x128xi32, #tpu.memory_space<vmem>> -> memref<128xi32, #tpu.memory_space<vmem>>
    %dma_wait3A_57 = arith.constant 0 : i32
    %dma_wait3A_58 = arith.constant 0 : i32
    %dma_wait3A_59 = tpu.memref_slice %arg19[%dma_wait3A_57, %dma_wait3A_58] : memref<10112x32xf32, #tpu.memory_space<vmem_shared>> -> memref<10112x32xf32, #tpu.memory_space<vmem_shared>>
    tpu.wait_indirect_dma semaphore(%arg24 : memref<!tpu.dma_semaphore, #tpu.memory_space<semaphore_mem>>) src(%dma_wait3A_53 : memref<128x32xf32, #tpu.memory_space<vmem>>) dst(%dma_wait3A_59 : memref<10112x32xf32, #tpu.memory_space<vmem_shared>>)
    %dma_wait3A_60 = arith.constant 0 : i32
    %dma_wait3A_61 = arith.constant 128 : i32
    %dma_wait3A_62 = arith.constant 0 : i32
    %dma_wait3A_63 = tpu.memref_slice %arg17[%dma_wait3A_61, %dma_wait3A_62] : memref<256x32xf32, #tpu.memory_space<vmem>> -> memref<128x32xf32, #tpu.memory_space<vmem>>
    %dma_wait3A_64 = arith.constant 0 : i32
    %dma_wait3A_65 = tpu.memref_slice %arg12[%dma_wait3A_60, %dma_wait3A_64] : memref<160x128xi32, #tpu.memory_space<vmem>> -> memref<1x128xi32, #tpu.memory_space<vmem>>
    %dma_wait3A_66 = tpu.memref_squeeze %dma_wait3A_65 : memref<1x128xi32, #tpu.memory_space<vmem>> -> memref<128xi32, #tpu.memory_space<vmem>>
    %dma_wait3A_67 = arith.constant 0 : i32
    %dma_wait3A_68 = arith.constant 0 : i32
    %dma_wait3A_69 = tpu.memref_slice %arg19[%dma_wait3A_67, %dma_wait3A_68] : memref<10112x32xf32, #tpu.memory_space<vmem_shared>> -> memref<10112x32xf32, #tpu.memory_space<vmem_shared>>
    tpu.wait_indirect_dma semaphore(%arg24 : memref<!tpu.dma_semaphore, #tpu.memory_space<semaphore_mem>>) src(%dma_wait3A_63 : memref<128x32xf32, #tpu.memory_space<vmem>>) dst(%dma_wait3A_69 : memref<10112x32xf32, #tpu.memory_space<vmem_shared>>)
    %dma_wait3A_70 = arith.constant 0 : i32
    %dma_wait3A_71 = arith.constant 0 : i32
    %dma_wait3A_72 = arith.constant 0 : i32
    %dma_wait3A_73 = tpu.memref_slice %arg18[%dma_wait3A_71, %dma_wait3A_72] : memref<256x32xf32, #tpu.memory_space<vmem>> -> memref<128x32xf32, #tpu.memory_space<vmem>>
    %dma_wait3A_74 = arith.constant 0 : i32
    %dma_wait3A_75 = tpu.memref_slice %arg12[%dma_wait3A_70, %dma_wait3A_74] : memref<160x128xi32, #tpu.memory_space<vmem>> -> memref<1x128xi32, #tpu.memory_space<vmem>>
    %dma_wait3A_76 = tpu.memref_squeeze %dma_wait3A_75 : memref<1x128xi32, #tpu.memory_space<vmem>> -> memref<128xi32, #tpu.memory_space<vmem>>
    %dma_wait3A_77 = arith.constant 0 : i32
    %dma_wait3A_78 = arith.constant 0 : i32
    %dma_wait3A_79 = tpu.memref_slice %arg19[%dma_wait3A_77, %dma_wait3A_78] : memref<10112x32xf32, #tpu.memory_space<vmem_shared>> -> memref<10112x32xf32, #tpu.memory_space<vmem_shared>>
    tpu.wait_indirect_dma semaphore(%arg25 : memref<!tpu.dma_semaphore, #tpu.memory_space<semaphore_mem>>) src(%dma_wait3A_73 : memref<128x32xf32, #tpu.memory_space<vmem>>) dst(%dma_wait3A_79 : memref<10112x32xf32, #tpu.memory_space<vmem_shared>>)
    %dma_wait3A_80 = arith.constant 0 : i32
    %dma_wait3A_81 = arith.constant 128 : i32
    %dma_wait3A_82 = arith.constant 0 : i32
    %dma_wait3A_83 = tpu.memref_slice %arg18[%dma_wait3A_81, %dma_wait3A_82] : memref<256x32xf32, #tpu.memory_space<vmem>> -> memref<128x32xf32, #tpu.memory_space<vmem>>
    %dma_wait3A_84 = arith.constant 0 : i32
    %dma_wait3A_85 = tpu.memref_slice %arg12[%dma_wait3A_80, %dma_wait3A_84] : memref<160x128xi32, #tpu.memory_space<vmem>> -> memref<1x128xi32, #tpu.memory_space<vmem>>
    %dma_wait3A_86 = tpu.memref_squeeze %dma_wait3A_85 : memref<1x128xi32, #tpu.memory_space<vmem>> -> memref<128xi32, #tpu.memory_space<vmem>>
    %dma_wait3A_87 = arith.constant 0 : i32
    %dma_wait3A_88 = arith.constant 0 : i32
    %dma_wait3A_89 = tpu.memref_slice %arg19[%dma_wait3A_87, %dma_wait3A_88] : memref<10112x32xf32, #tpu.memory_space<vmem_shared>> -> memref<10112x32xf32, #tpu.memory_space<vmem_shared>>
    tpu.wait_indirect_dma semaphore(%arg25 : memref<!tpu.dma_semaphore, #tpu.memory_space<semaphore_mem>>) src(%dma_wait3A_83 : memref<128x32xf32, #tpu.memory_space<vmem>>) dst(%dma_wait3A_89 : memref<10112x32xf32, #tpu.memory_space<vmem_shared>>)
    %barrier3A_90 = arith.constant 0 : index
    tpu.barrier barrier_id(%barrier3A_90)
    %mul3A_91 = arith.constant 632 : i32
    %mul3A_92 = arith.muli %arg1, %mul3A_91 : i32
    %mul3A_93 = arith.constant 632 : i32
    %mul3A_94 = arith.muli %arg1, %mul3A_93 : i32
    "tpu.region"() ({
      %run_scoped3A = tpu.sem_alloc : memref<!tpu.dma_semaphore, #tpu.memory_space<semaphore_mem>>
      %dma_start3A_95 = arith.constant 0 : i32
      %dma_start3A_96 = tpu.memref_slice %arg8[%arg0, %mul3A_94, %dma_start3A_95] : memref<2x10112x32xf32, #tpu.memory_space<hbm>> -> memref<1x632x32xf32, #tpu.memory_space<hbm>>
      %dma_start3A_97 = tpu.memref_squeeze %dma_start3A_96 : memref<1x632x32xf32, #tpu.memory_space<hbm>> -> memref<632x32xf32, #tpu.memory_space<hbm>>
      %dma_start3A_98 = arith.constant 0 : i32
      %dma_start3A_99 = tpu.memref_slice %arg19[%mul3A_92, %dma_start3A_98] : memref<10112x32xf32, #tpu.memory_space<vmem_shared>> -> memref<632x32xf32, #tpu.memory_space<vmem_shared>>
      tpu.enqueue_dma source(%dma_start3A_99 : memref<632x32xf32, #tpu.memory_space<vmem_shared>>) target(%dma_start3A_97 : memref<632x32xf32, #tpu.memory_space<hbm>>) target_semaphore(%run_scoped3A : memref<!tpu.dma_semaphore, #tpu.memory_space<semaphore_mem>>)
      %dma_wait3A_100 = arith.constant 0 : i32
      %dma_wait3A_101 = tpu.memref_slice %arg8[%arg0, %mul3A_94, %dma_wait3A_100] : memref<2x10112x32xf32, #tpu.memory_space<hbm>> -> memref<1x632x32xf32, #tpu.memory_space<hbm>>
      %dma_wait3A_102 = tpu.memref_squeeze %dma_wait3A_101 : memref<1x632x32xf32, #tpu.memory_space<hbm>> -> memref<632x32xf32, #tpu.memory_space<hbm>>
      %dma_wait3A_103 = arith.constant 0 : i32
      %dma_wait3A_104 = tpu.memref_slice %arg19[%mul3A_92, %dma_wait3A_103] : memref<10112x32xf32, #tpu.memory_space<vmem_shared>> -> memref<632x32xf32, #tpu.memory_space<vmem_shared>>
      tpu.wait_dma2 semaphore(%run_scoped3A : memref<!tpu.dma_semaphore, #tpu.memory_space<semaphore_mem>>) src(%dma_wait3A_104 : memref<632x32xf32, #tpu.memory_space<vmem_shared>>) dst(%dma_wait3A_102 : memref<632x32xf32, #tpu.memory_space<hbm>>)
      tpu.yield
    }) : () -> ()
    return
  }
}

module attributes {stable_mosaic.version = 14 : i64} {
  func.func @_enc_body(%arg0: i32, %arg1: memref<2000x128xf32, #tpu.memory_space<vmem>>, %arg2: memref<128x512xf32, #tpu.memory_space<vmem>>, %arg3: memref<1x512xf32, #tpu.memory_space<vmem>>, %arg4: memref<512x32xf32, #tpu.memory_space<vmem>>, %arg5: memref<512x32xf32, #tpu.memory_space<vmem>>, %arg6: memref<1x32xf32, #tpu.memory_space<vmem>>, %arg7: memref<1x32xf32, #tpu.memory_space<vmem>>, %arg8: memref<2000x32xf32, #tpu.memory_space<vmem>>, %arg9: memref<2000x2xf32, #tpu.memory_space<vmem>>, %arg10: memref<2000x32xbf16, #tpu.memory_space<vmem>>) attributes {dimension_semantics = [#tpu.dimension_semantics<arbitrary>], iteration_bounds = array<i64: 5>, scalar_prefetch = 0 : i64, scratch_operands = 0 : i64, tpu.core_type = #tpu.core_type<tc>, window_params = [{transform_indices = @transform_0, window_bounds = array<i64: 2000, 128>}, {pipeline_mode = #tpu.pipeline_mode<synchronous>, transform_indices = @transform_1, window_bounds = array<i64: 128, 512>}, {pipeline_mode = #tpu.pipeline_mode<synchronous>, transform_indices = @transform_2, window_bounds = array<i64: 1, 512>}, {pipeline_mode = #tpu.pipeline_mode<synchronous>, transform_indices = @transform_3, window_bounds = array<i64: 512, 32>}, {pipeline_mode = #tpu.pipeline_mode<synchronous>, transform_indices = @transform_4, window_bounds = array<i64: 512, 32>}, {pipeline_mode = #tpu.pipeline_mode<synchronous>, transform_indices = @transform_5, window_bounds = array<i64: 1, 32>}, {pipeline_mode = #tpu.pipeline_mode<synchronous>, transform_indices = @transform_6, window_bounds = array<i64: 1, 32>}, {transform_indices = @transform_7, window_bounds = array<i64: 2000, 32>}, {transform_indices = @transform_8, window_bounds = array<i64: 2000, 2>}, {transform_indices = @transform_9, window_bounds = array<i64: 2000, 32>}]} {
    %get3A = arith.constant 0 : index
    %get3A_0 = arith.constant 0 : index
    %get3A_1 = vector.load %arg1[%get3A, %get3A_0] : memref<2000x128xf32, #tpu.memory_space<vmem>>, vector<2000x128xf32>
    %get3A_2 = arith.constant 0 : index
    %get3A_3 = arith.constant 0 : index
    %get3A_4 = vector.load %arg2[%get3A_2, %get3A_3] : memref<128x512xf32, #tpu.memory_space<vmem>>, vector<128x512xf32>
    %dot_general3A = arith.constant dense<0.000000e+00> : vector<2000x512xf32>
    %dot_general3A_5 = tpu.matmul %get3A_1, %get3A_4, %dot_general3A {dimension_numbers = #tpu.dot_dimension_numbers<[1], [0], [0], [1], [0, 0, 1, 1], [], []>, transpose_lhs_hint = false} : vector<2000x128xf32>, vector<128x512xf32>, vector<2000x512xf32> -> vector<2000x512xf32>
    %get3A_6 = arith.constant 0 : index
    %get3A_7 = arith.constant 0 : index
    %get3A_8 = vector.load %arg3[%get3A_6, %get3A_7] : memref<1x512xf32, #tpu.memory_space<vmem>>, vector<1x512xf32>
    %add3A = vector.broadcast %get3A_8 : vector<1x512xf32> to vector<2000x512xf32>
    %add3A_9 = arith.addf %dot_general3A_5, %add3A : vector<2000x512xf32>
    %gt3A = arith.constant 0.000000e+00 : f32
    %gt3A_10 = vector.broadcast %gt3A : f32 to vector<2000x512xf32>
    %gt3A_11 = arith.cmpf ogt, %add3A_9, %gt3A_10 : vector<2000x512xf32>
    %min3A = arith.constant 0.000000e+00 : f32
    %min3A_12 = vector.broadcast %min3A : f32 to vector<2000x512xf32>
    %min3A_13 = arith.minimumf %add3A_9, %min3A_12 : vector<2000x512xf32>
    %exp3A = math.exp %min3A_13 : vector<2000x512xf32>
    %sub3A = arith.constant 1.000000e+00 : f32
    %sub3A_14 = vector.broadcast %sub3A : f32 to vector<2000x512xf32>
    %sub3A_15 = arith.subf %exp3A, %sub3A_14 : vector<2000x512xf32>
    %select_n3A = arith.select %gt3A_11, %add3A_9, %sub3A_15 : vector<2000x512xi1>, vector<2000x512xf32>
    %get3A_16 = arith.constant 0 : index
    %get3A_17 = arith.constant 0 : index
    %get3A_18 = vector.load %arg4[%get3A_16, %get3A_17] : memref<512x32xf32, #tpu.memory_space<vmem>>, vector<512x32xf32>
    %dot_general3A_19 = arith.constant dense<0.000000e+00> : vector<2000x32xf32>
    %dot_general3A_20 = tpu.matmul %select_n3A, %get3A_18, %dot_general3A_19 {dimension_numbers = #tpu.dot_dimension_numbers<[1], [0], [0], [1], [0, 0, 1, 1], [], []>, transpose_lhs_hint = false} : vector<2000x512xf32>, vector<512x32xf32>, vector<2000x32xf32> -> vector<2000x32xf32>
    %get3A_21 = arith.constant 0 : index
    %get3A_22 = arith.constant 0 : index
    %get3A_23 = vector.load %arg6[%get3A_21, %get3A_22] : memref<1x32xf32, #tpu.memory_space<vmem>>, vector<1x32xf32>
    %mul3A = vector.broadcast %get3A_23 : vector<1x32xf32> to vector<2000x32xf32>
    %mul3A_24 = arith.mulf %dot_general3A_20, %mul3A : vector<2000x32xf32>
    %reduce_sum3A = arith.constant dense<0.000000e+00> : vector<2000xf32>
    %reduce_sum3A_25 = vector.multi_reduction <add>, %mul3A_24, %reduce_sum3A [1] : vector<2000x32xf32> to vector<2000xf32>
    %broadcast_in_dim3A = vector.shape_cast %reduce_sum3A_25 : vector<2000xf32> to vector<2000x1xf32>
    %get3A_26 = arith.constant 0 : index
    %get3A_27 = arith.constant 0 : index
    %get3A_28 = vector.load %arg7[%get3A_26, %get3A_27] : memref<1x32xf32, #tpu.memory_space<vmem>>, vector<1x32xf32>
    %mul3A_29 = vector.broadcast %get3A_28 : vector<1x32xf32> to vector<2000x32xf32>
    %mul3A_30 = arith.mulf %dot_general3A_20, %mul3A_29 : vector<2000x32xf32>
    %reduce_sum3A_31 = arith.constant dense<0.000000e+00> : vector<2000xf32>
    %reduce_sum3A_32 = vector.multi_reduction <add>, %mul3A_30, %reduce_sum3A_31 [1] : vector<2000x32xf32> to vector<2000xf32>
    %broadcast_in_dim3A_33 = vector.shape_cast %reduce_sum3A_32 : vector<2000xf32> to vector<2000x1xf32>
    %iota3A = tpu.iota {dimensions = array<i32: 1>} : vector<2000x32xi32>
    %eq3A = arith.constant 30 : i32
    %eq3A_34 = vector.broadcast %eq3A : i32 to vector<2000x32xi32>
    %eq3A_35 = arith.cmpi eq, %iota3A, %eq3A_34 : vector<2000x32xi32>
    %jit3A = arith.constant 1.000000e+00 : f32
    %jit3A_36 = arith.constant 0.000000e+00 : f32
    %broadcast_in_dim3A_37 = vector.broadcast %jit3A : f32 to vector<2000x32xf32>
    %broadcast_in_dim3A_38 = vector.broadcast %jit3A_36 : f32 to vector<2000x32xf32>
    %select_n3A_39 = arith.select %eq3A_35, %broadcast_in_dim3A_37, %broadcast_in_dim3A_38 : vector<2000x32xi1>, vector<2000x32xf32>
    %add3A_40 = arith.addf %dot_general3A_20, %select_n3A_39 : vector<2000x32xf32>
    %swap3A = arith.constant 0 : index
    %swap3A_41 = arith.constant 0 : index
    %swap3A_42 = vector.load %arg8[%swap3A, %swap3A_41] : memref<2000x32xf32, #tpu.memory_space<vmem>>, vector<2000x32xf32>
    tpu.vector_store %arg8[%swap3A, %swap3A_41], %add3A_40 {strides = array<i32>} : memref<2000x32xf32, #tpu.memory_space<vmem>>, vector<2000x32xf32>,
    %concatenate3A = tpu.concatenate %broadcast_in_dim3A, %broadcast_in_dim3A_33 in 1 : vector<2000x1xf32>, vector<2000x1xf32> -> vector<2000x2xf32>
    %swap3A_43 = arith.constant 0 : index
    %swap3A_44 = arith.constant 0 : index
    %swap3A_45 = vector.load %arg9[%swap3A_43, %swap3A_44] : memref<2000x2xf32, #tpu.memory_space<vmem>>, vector<2000x2xf32>
    tpu.vector_store %arg9[%swap3A_43, %swap3A_44], %concatenate3A {strides = array<i32>} : memref<2000x2xf32, #tpu.memory_space<vmem>>, vector<2000x2xf32>,
    %get3A_46 = arith.constant 0 : index
    %get3A_47 = arith.constant 0 : index
    %get3A_48 = vector.load %arg5[%get3A_46, %get3A_47] : memref<512x32xf32, #tpu.memory_space<vmem>>, vector<512x32xf32>
    %dot_general3A_49 = arith.constant dense<0.000000e+00> : vector<2000x32xf32>
    %dot_general3A_50 = tpu.matmul %select_n3A, %get3A_48, %dot_general3A_49 {dimension_numbers = #tpu.dot_dimension_numbers<[1], [0], [0], [1], [0, 0, 1, 1], [], []>, transpose_lhs_hint = false} : vector<2000x512xf32>, vector<512x32xf32>, vector<2000x32xf32> -> vector<2000x32xf32>
    %eq3A_51 = arith.constant 29 : i32
    %eq3A_52 = vector.broadcast %eq3A_51 : i32 to vector<2000x32xi32>
    %eq3A_53 = arith.cmpi eq, %iota3A, %eq3A_52 : vector<2000x32xi32>
    %jit3A_54 = arith.constant 1.000000e+00 : f32
    %jit3A_55 = arith.constant 0.000000e+00 : f32
    %broadcast_in_dim3A_56 = vector.broadcast %jit3A_54 : f32 to vector<2000x32xf32>
    %broadcast_in_dim3A_57 = vector.broadcast %jit3A_55 : f32 to vector<2000x32xf32>
    %select_n3A_58 = arith.select %eq3A_53, %broadcast_in_dim3A_56, %broadcast_in_dim3A_57 : vector<2000x32xi1>, vector<2000x32xf32>
    %add3A_59 = arith.addf %dot_general3A_50, %select_n3A_58 : vector<2000x32xf32>
    %convert_element_type3A = arith.truncf %add3A_59 : vector<2000x32xf32> to vector<2000x32xbf16>
    %swap3A_60 = arith.constant 0 : index
    %swap3A_61 = arith.constant 0 : index
    %swap3A_62 = vector.load %arg10[%swap3A_60, %swap3A_61] : memref<2000x32xbf16, #tpu.memory_space<vmem>>, vector<2000x32xbf16>
    tpu.vector_store %arg10[%swap3A_60, %swap3A_61], %convert_element_type3A {strides = array<i32>} : memref<2000x32xbf16, #tpu.memory_space<vmem>>, vector<2000x32xbf16>,
    return
  }
  func.func @transform_0(%arg0: i32) -> (i32, i32) {
    %c0_i32 = arith.constant 0 : i32
    %c0_i32_0 = arith.constant 0 : i32
    return %arg0, %c0_i32 : i32, i32
  }
  func.func @transform_1(%arg0: i32) -> (i32, i32) {
    %c0_i32 = arith.constant 0 : i32
    %c0_i32_0 = arith.constant 0 : i32
    %c0_i32_1 = arith.constant 0 : i32
    return %c0_i32, %c0_i32_0 : i32, i32
  }
  func.func @transform_2(%arg0: i32) -> (i32, i32) {
    %c0_i32 = arith.constant 0 : i32
    %c0_i32_0 = arith.constant 0 : i32
    %c0_i32_1 = arith.constant 0 : i32
    return %c0_i32, %c0_i32_0 : i32, i32
  }
  func.func @transform_3(%arg0: i32) -> (i32, i32) {
    %c0_i32 = arith.constant 0 : i32
    %c0_i32_0 = arith.constant 0 : i32
    %c0_i32_1 = arith.constant 0 : i32
    return %c0_i32, %c0_i32_0 : i32, i32
  }
  func.func @transform_4(%arg0: i32) -> (i32, i32) {
    %c0_i32 = arith.constant 0 : i32
    %c0_i32_0 = arith.constant 0 : i32
    %c0_i32_1 = arith.constant 0 : i32
    return %c0_i32, %c0_i32_0 : i32, i32
  }
  func.func @transform_5(%arg0: i32) -> (i32, i32) {
    %c0_i32 = arith.constant 0 : i32
    %c0_i32_0 = arith.constant 0 : i32
    %c0_i32_1 = arith.constant 0 : i32
    return %c0_i32, %c0_i32_0 : i32, i32
  }
  func.func @transform_6(%arg0: i32) -> (i32, i32) {
    %c0_i32 = arith.constant 0 : i32
    %c0_i32_0 = arith.constant 0 : i32
    %c0_i32_1 = arith.constant 0 : i32
    return %c0_i32, %c0_i32_0 : i32, i32
  }
  func.func @transform_7(%arg0: i32) -> (i32, i32) {
    %c0_i32 = arith.constant 0 : i32
    %c0_i32_0 = arith.constant 0 : i32
    return %arg0, %c0_i32 : i32, i32
  }
  func.func @transform_8(%arg0: i32) -> (i32, i32) {
    %c0_i32 = arith.constant 0 : i32
    %c0_i32_0 = arith.constant 0 : i32
    return %arg0, %c0_i32 : i32, i32
  }
  func.func @transform_9(%arg0: i32) -> (i32, i32) {
    %c0_i32 = arith.constant 0 : i32
    %c0_i32_0 = arith.constant 0 : i32
    return %arg0, %c0_i32 : i32, i32
  }
}

module attributes {stable_mosaic.version = 14 : i64} {
  func.func @_dec_body(%arg0: i32, %arg1: memref<1x2000x32xf32, #tpu.memory_space<vmem>>, %arg2: memref<1x2000x32xf32, #tpu.memory_space<vmem>>, %arg3: memref<2000x32xf32, #tpu.memory_space<vmem>>, %arg4: memref<2000x2xf32, #tpu.memory_space<vmem>>, %arg5: memref<1x32xf32, #tpu.memory_space<vmem>>, %arg6: memref<32x512xf32, #tpu.memory_space<vmem>>, %arg7: memref<1x512xf32, #tpu.memory_space<vmem>>, %arg8: memref<128x512xf32, #tpu.memory_space<vmem>>, %arg9: memref<1x128xf32, #tpu.memory_space<vmem>>, %arg10: memref<2000x128xf32, #tpu.memory_space<vmem>>) attributes {dimension_semantics = [#tpu.dimension_semantics<arbitrary>], iteration_bounds = array<i64: 5>, scalar_prefetch = 0 : i64, scratch_operands = 0 : i64, tpu.core_type = #tpu.core_type<tc>, window_params = [{transform_indices = @transform_0, window_bounds = array<i64: 1, 2000, 32>}, {transform_indices = @transform_1, window_bounds = array<i64: 1, 2000, 32>}, {transform_indices = @transform_2, window_bounds = array<i64: 2000, 32>}, {transform_indices = @transform_3, window_bounds = array<i64: 2000, 2>}, {pipeline_mode = #tpu.pipeline_mode<synchronous>, transform_indices = @transform_4, window_bounds = array<i64: 1, 32>}, {pipeline_mode = #tpu.pipeline_mode<synchronous>, transform_indices = @transform_5, window_bounds = array<i64: 32, 512>}, {pipeline_mode = #tpu.pipeline_mode<synchronous>, transform_indices = @transform_6, window_bounds = array<i64: 1, 512>}, {pipeline_mode = #tpu.pipeline_mode<synchronous>, transform_indices = @transform_7, window_bounds = array<i64: 128, 512>}, {pipeline_mode = #tpu.pipeline_mode<synchronous>, transform_indices = @transform_8, window_bounds = array<i64: 1, 128>}, {transform_indices = @transform_9, window_bounds = array<i64: 2000, 128>}]} {
    %get3A = arith.constant 0 : index
    %get3A_0 = arith.constant 0 : index
    %get3A_1 = vector.load %arg4[%get3A, %get3A_0] : memref<2000x2xf32, #tpu.memory_space<vmem>>, vector<2000x2xf32>
    %slice3A = vector.extract_strided_slice %get3A_1 {offsets = [0, 0], sizes = [2000, 1], strides = [1, 1]} : vector<2000x2xf32> to vector<2000x1xf32>
    %slice3A_2 = vector.extract_strided_slice %get3A_1 {offsets = [0, 1], sizes = [2000, 1], strides = [1, 1]} : vector<2000x2xf32> to vector<2000x1xf32>
    %add3A = arith.addf %slice3A, %slice3A_2 : vector<2000x1xf32>
    %ge3A = arith.constant 0.000000e+00 : f32
    %ge3A_3 = vector.broadcast %ge3A : f32 to vector<2000x1xf32>
    %ge3A_4 = arith.cmpf oge, %add3A, %ge3A_3 : vector<2000x1xf32>
    %mul3A = arith.constant 2.000000e-01 : f32
    %mul3A_5 = vector.broadcast %mul3A : f32 to vector<2000x1xf32>
    %mul3A_6 = arith.mulf %mul3A_5, %add3A : vector<2000x1xf32>
    %select_n3A = arith.select %ge3A_4, %add3A, %mul3A_6 : vector<2000x1xi1>, vector<2000x1xf32>
    %exp3A = math.exp %select_n3A : vector<2000x1xf32>
    %get3A_7 = arith.constant 0 : index
    %get3A_8 = arith.constant 0 : index
    %get3A_9 = arith.constant 0 : index
    %get3A_10 = vector.load %arg1[%get3A_7, %get3A_8, %get3A_9] : memref<1x2000x32xf32, #tpu.memory_space<vmem>>, vector<1x2000x32xf32>
    %get3A_11 = vector.shape_cast %get3A_10 : vector<1x2000x32xf32> to vector<2000x32xf32>
    %get3A_12 = arith.constant 0 : index
    %get3A_13 = arith.constant 0 : index
    %get3A_14 = arith.constant 0 : index
    %get3A_15 = vector.load %arg2[%get3A_12, %get3A_13, %get3A_14] : memref<1x2000x32xf32, #tpu.memory_space<vmem>>, vector<1x2000x32xf32>
    %get3A_16 = vector.shape_cast %get3A_15 : vector<1x2000x32xf32> to vector<2000x32xf32>
    %add3A_17 = arith.addf %get3A_11, %get3A_16 : vector<2000x32xf32>
    %get3A_18 = arith.constant 0 : index
    %get3A_19 = arith.constant 0 : index
    %get3A_20 = vector.load %arg3[%get3A_18, %get3A_19] : memref<2000x32xf32, #tpu.memory_space<vmem>>, vector<2000x32xf32>
    %mul3A_21 = vector.broadcast %exp3A : vector<2000x1xf32> to vector<2000x32xf32>
    %mul3A_22 = arith.mulf %mul3A_21, %get3A_20 : vector<2000x32xf32>
    %add3A_23 = arith.addf %add3A_17, %mul3A_22 : vector<2000x32xf32>
    %iota3A = tpu.iota {dimensions = array<i32: 1>} : vector<2000x32xi32>
    %eq3A = arith.constant 30 : i32
    %eq3A_24 = vector.broadcast %eq3A : i32 to vector<2000x32xi32>
    %eq3A_25 = arith.cmpi eq, %iota3A, %eq3A_24 : vector<2000x32xi32>
    %jit3A = arith.constant 1.000000e+00 : f32
    %jit3A_26 = arith.constant 0.000000e+00 : f32
    %broadcast_in_dim3A = vector.broadcast %jit3A : f32 to vector<2000x32xf32>
    %broadcast_in_dim3A_27 = vector.broadcast %jit3A_26 : f32 to vector<2000x32xf32>
    %select_n3A_28 = arith.select %eq3A_25, %broadcast_in_dim3A, %broadcast_in_dim3A_27 : vector<2000x32xi1>, vector<2000x32xf32>
    %mul3A_29 = arith.mulf %add3A_23, %select_n3A_28 : vector<2000x32xf32>
    %reduce_sum3A = arith.constant dense<0.000000e+00> : vector<2000xf32>
    %reduce_sum3A_30 = vector.multi_reduction <add>, %mul3A_29, %reduce_sum3A [1] : vector<2000x32xf32> to vector<2000xf32>
    %broadcast_in_dim3A_31 = vector.shape_cast %reduce_sum3A_30 : vector<2000xf32> to vector<2000x1xf32>
    %add3A_32 = arith.constant 1.000000e-16 : f32
    %add3A_33 = vector.broadcast %add3A_32 : f32 to vector<2000x1xf32>
    %add3A_34 = arith.addf %broadcast_in_dim3A_31, %add3A_33 : vector<2000x1xf32>
    %div3A = vector.broadcast %add3A_34 : vector<2000x1xf32> to vector<2000x32xf32>
    %div3A_35 = arith.divf %add3A_23, %div3A : vector<2000x32xf32>
    %get3A_36 = arith.constant 0 : index
    %get3A_37 = arith.constant 0 : index
    %get3A_38 = vector.load %arg5[%get3A_36, %get3A_37] : memref<1x32xf32, #tpu.memory_space<vmem>>, vector<1x32xf32>
    %add3A_39 = vector.broadcast %get3A_38 : vector<1x32xf32> to vector<2000x32xf32>
    %add3A_40 = arith.addf %div3A_35, %add3A_39 : vector<2000x32xf32>
    %gt3A = arith.constant 0.000000e+00 : f32
    %gt3A_41 = vector.broadcast %gt3A : f32 to vector<2000x32xf32>
    %gt3A_42 = arith.cmpf ogt, %add3A_40, %gt3A_41 : vector<2000x32xf32>
    %min3A = arith.constant 0.000000e+00 : f32
    %min3A_43 = vector.broadcast %min3A : f32 to vector<2000x32xf32>
    %min3A_44 = arith.minimumf %add3A_40, %min3A_43 : vector<2000x32xf32>
    %exp3A_45 = math.exp %min3A_44 : vector<2000x32xf32>
    %sub3A = arith.constant 1.000000e+00 : f32
    %sub3A_46 = vector.broadcast %sub3A : f32 to vector<2000x32xf32>
    %sub3A_47 = arith.subf %exp3A_45, %sub3A_46 : vector<2000x32xf32>
    %select_n3A_48 = arith.select %gt3A_42, %add3A_40, %sub3A_47 : vector<2000x32xi1>, vector<2000x32xf32>
    %get3A_49 = arith.constant 0 : index
    %get3A_50 = arith.constant 0 : index
    %get3A_51 = vector.load %arg6[%get3A_49, %get3A_50] : memref<32x512xf32, #tpu.memory_space<vmem>>, vector<32x512xf32>
    %dot_general3A = arith.constant dense<0.000000e+00> : vector<2000x512xf32>
    %dot_general3A_52 = tpu.matmul %select_n3A_48, %get3A_51, %dot_general3A {dimension_numbers = #tpu.dot_dimension_numbers<[1], [0], [0], [1], [0, 0, 1, 1], [], []>, transpose_lhs_hint = false} : vector<2000x32xf32>, vector<32x512xf32>, vector<2000x512xf32> -> vector<2000x512xf32>
    %get3A_53 = arith.constant 0 : index
    %get3A_54 = arith.constant 0 : index
    %get3A_55 = vector.load %arg7[%get3A_53, %get3A_54] : memref<1x512xf32, #tpu.memory_space<vmem>>, vector<1x512xf32>
    %add3A_56 = vector.broadcast %get3A_55 : vector<1x512xf32> to vector<2000x512xf32>
    %add3A_57 = arith.addf %dot_general3A_52, %add3A_56 : vector<2000x512xf32>
    %gt3A_58 = arith.constant 0.000000e+00 : f32
    %gt3A_59 = vector.broadcast %gt3A_58 : f32 to vector<2000x512xf32>
    %gt3A_60 = arith.cmpf ogt, %add3A_57, %gt3A_59 : vector<2000x512xf32>
    %min3A_61 = arith.constant 0.000000e+00 : f32
    %min3A_62 = vector.broadcast %min3A_61 : f32 to vector<2000x512xf32>
    %min3A_63 = arith.minimumf %add3A_57, %min3A_62 : vector<2000x512xf32>
    %exp3A_64 = math.exp %min3A_63 : vector<2000x512xf32>
    %sub3A_65 = arith.constant 1.000000e+00 : f32
    %sub3A_66 = vector.broadcast %sub3A_65 : f32 to vector<2000x512xf32>
    %sub3A_67 = arith.subf %exp3A_64, %sub3A_66 : vector<2000x512xf32>
    %select_n3A_68 = arith.select %gt3A_60, %add3A_57, %sub3A_67 : vector<2000x512xi1>, vector<2000x512xf32>
    %get3A_69 = arith.constant 0 : index
    %get3A_70 = arith.constant 0 : index
    %get3A_71 = vector.load %arg8[%get3A_69, %get3A_70] : memref<128x512xf32, #tpu.memory_space<vmem>>, vector<128x512xf32>
    %dot_general3A_72 = arith.constant dense<0.000000e+00> : vector<2000x128xf32>
    %dot_general3A_73 = tpu.matmul %select_n3A_68, %get3A_71, %dot_general3A_72 {dimension_numbers = #tpu.dot_dimension_numbers<[1], [1], [0], [0], [0, 0, 1, 0], [], []>, transpose_lhs_hint = false} : vector<2000x512xf32>, vector<128x512xf32>, vector<2000x128xf32> -> vector<2000x128xf32>
    %get3A_74 = arith.constant 0 : index
    %get3A_75 = arith.constant 0 : index
    %get3A_76 = vector.load %arg9[%get3A_74, %get3A_75] : memref<1x128xf32, #tpu.memory_space<vmem>>, vector<1x128xf32>
    %add3A_77 = vector.broadcast %get3A_76 : vector<1x128xf32> to vector<2000x128xf32>
    %add3A_78 = arith.addf %dot_general3A_73, %add3A_77 : vector<2000x128xf32>
    %swap3A = arith.constant 0 : index
    %swap3A_79 = arith.constant 0 : index
    %swap3A_80 = vector.load %arg10[%swap3A, %swap3A_79] : memref<2000x128xf32, #tpu.memory_space<vmem>>, vector<2000x128xf32>
    tpu.vector_store %arg10[%swap3A, %swap3A_79], %add3A_78 {strides = array<i32>} : memref<2000x128xf32, #tpu.memory_space<vmem>>, vector<2000x128xf32>,
    return
  }
  func.func @transform_0(%arg0: i32) -> (i32, i32, i32) {
    %c0_i32 = arith.constant 0 : i32
    %c0_i32_0 = arith.constant 0 : i32
    %c0_i32_1 = arith.constant 0 : i32
    return %c0_i32, %arg0, %c0_i32_0 : i32, i32, i32
  }
  func.func @transform_1(%arg0: i32) -> (i32, i32, i32) {
    %c1_i32 = arith.constant 1 : i32
    %c0_i32 = arith.constant 0 : i32
    %c0_i32_0 = arith.constant 0 : i32
    return %c1_i32, %arg0, %c0_i32 : i32, i32, i32
  }
  func.func @transform_2(%arg0: i32) -> (i32, i32) {
    %c0_i32 = arith.constant 0 : i32
    %c0_i32_0 = arith.constant 0 : i32
    return %arg0, %c0_i32 : i32, i32
  }
  func.func @transform_3(%arg0: i32) -> (i32, i32) {
    %c0_i32 = arith.constant 0 : i32
    %c0_i32_0 = arith.constant 0 : i32
    return %arg0, %c0_i32 : i32, i32
  }
  func.func @transform_4(%arg0: i32) -> (i32, i32) {
    %c0_i32 = arith.constant 0 : i32
    %c0_i32_0 = arith.constant 0 : i32
    %c0_i32_1 = arith.constant 0 : i32
    return %c0_i32, %c0_i32_0 : i32, i32
  }
  func.func @transform_5(%arg0: i32) -> (i32, i32) {
    %c0_i32 = arith.constant 0 : i32
    %c0_i32_0 = arith.constant 0 : i32
    %c0_i32_1 = arith.constant 0 : i32
    return %c0_i32, %c0_i32_0 : i32, i32
  }
  func.func @transform_6(%arg0: i32) -> (i32, i32) {
    %c0_i32 = arith.constant 0 : i32
    %c0_i32_0 = arith.constant 0 : i32
    %c0_i32_1 = arith.constant 0 : i32
    return %c0_i32, %c0_i32_0 : i32, i32
  }
  func.func @transform_7(%arg0: i32) -> (i32, i32) {
    %c0_i32 = arith.constant 0 : i32
    %c0_i32_0 = arith.constant 0 : i32
    %c0_i32_1 = arith.constant 0 : i32
    return %c0_i32, %c0_i32_0 : i32, i32
  }
  func.func @transform_8(%arg0: i32) -> (i32, i32) {
    %c0_i32 = arith.constant 0 : i32
    %c0_i32_0 = arith.constant 0 : i32
    %c0_i32_1 = arith.constant 0 : i32
    return %c0_i32, %c0_i32_0 : i32, i32
  }
  func.func @transform_9(%arg0: i32) -> (i32, i32) {
    %c0_i32 = arith.constant 0 : i32
    %c0_i32_0 = arith.constant 0 : i32
    return %arg0, %c0_i32 : i32, i32
  }
}

</mosaic_0001>

<sc_bundles>
// kernel: kernel.5.cloned.1.call-start
scs
__scs_entry_jumppad:
0x0: {  	(pc) =	sbr.rel $0x88, $3  }
0x1: {  	(tag) =	ssettag $0x0;
	lr =	simm.s32 $0x1  }
0x2: {  	[smem:$0x3F97] =	sst lr;
	_ =	strace $0xD0000000  }
0x3: {  	_ = 	snop  }
0x4: {  	_ = 	snop  }
0x5: {  	_ = 	snop  }
0x6: {  	_ = 	snop  }
0x7: {  	_ = 	snop  }
__scs_overlays_trampoline_lowered:
0x8: {  	[smem:$0x3FA6] =	sst s0  }
0x9: {  	[smem:$0x3FA7] =	sst s1  }
0xa: {  	[smem:$0x3FA8] =	sst s2  }
0xb: {  	[smem:$0x3FA9] =	sst s3  }
0xc: {  	[smem:$0x3FAA] =	sst s4  }
0xd: {  	[smem:$0x3FAB] =	sst s5  }
0xe: {  	[smem:$0x3FAC] =	sst s6  }
0xf: {  	[smem:$0x3FAD] =	sst s7  }
0x10: {  	[smem:$0x3FAE] =	sst s8  }
0x11: {  	[smem:$0x3FAF] =	sst s9;
	s0 =	simm.s32 @!p0 $0x0  }
0x12: {  	s1 =	sld [smem:$0x3F95];
	s0 =	simm.s32 @p0 $0x1  }
0x13: {  	[smem:$0x3FB0] =	sst s0;
	s0 =	simm.s32 @!p1 $0x0  }
0x14: {  	s2 =	sld [smem:$0x3F94];
	s0 =	simm.s32 @p1 $0x1  }
0x15: {  	[smem:$0x3FB1] =	sst s0;
	s0 =	simm.s32 @!p2 $0x0  }
0x16: {  	s3 =	sld [smem:$0x3FDB];
	s0 =	simm.s32 @p2 $0x1  }
0x17: {  	s4 =	simm.s32 $0x1BF5;
	[smem:$0x3FB3] =	sst s0  }
0x18: {  	s0 =	sld [smem:$0x3F96];
	_ =	swait.ge [sflag:s4], $0x0  }
0x19: {  	s7 =	sld [smem:$0x3F97]  }
0x1a: {  	s8 =	sadd.s32 $0xFFFFE003, lr  }
0x1b: {  	s9 =	sadd.s32 $0xFFFFFEF7, lr;
	s5 =	simm.s32 $0xFFFFFFFF;
	p2 =	slt.u32 s8, $0xFFFFF086  }
0x1c: {  	p1 =	slt.u32 s9, $0xF7A;
	s5 =	simm.s32 @!p2 $0x0  }
0x1d: {  	s5 =	simm.s32 @p1 $0x1;
	p0 =	seq.s32 s7, s2  }
0x1e: {  	s7 =	smul.u32 @!p0 $0xF7A, s2;
	p2 =	seq.s32 @!p0 s5, $0x0  }
0x1f: {  	s9 =	smul.u32 $0xF7A, s1;
	s8 =	simm.s32 @!p0 $0x1BF5;
	p2 =	por !p2, p0  }
0x20: {  	[sflag:s8] =	ssyncset.s32 @!p0 $0xFFFFF086;
	s6 =	sadd.s32 @!p0 s3, s7;
	s7 =	simm.s32 @!p0 $0x108  }
0x21: {  	s3 =	sadd.s32 s3, s9;
	s6 =	sadd.s32 @!p0 $0x88, s6;
	s7 =	simm.s32 @p2 $0x1082  }
0x22: {  	[simem:s7], [sflag:s8] =	dma.local @!p0 [hbm:s6], $0xF7A  }
0x23: {  	s9 =	sor.u32 $0xD0000000, s2;
	s6 =	simm.s32 $0x108;
	_ =	swait.ge @!p0 [sflag:s8], $0x0  }
0x24: {  	s3 =	sadd.s32 $0x88, s3;
	s6 =	simm.s32 @!p1 $0x1082;
	[sflag:s4] =	ssyncset.s32 $0xFFFFF086  }
0x25: {  	[simem:s6], [sflag:s4] =	dma.local [hbm:s3], $0xF7A  }
0x26: {  	[smem:$0x3F97] =	sst s1;
	(tag) =	ssettag s2;
	_ =	strace s9  }
0x27: {  	s1 =	sld [smem:$0x3FA7]  }
0x28: {  	s2 =	sld [smem:$0x3FA8]  }
0x29: {  	s4 =	sld [smem:$0x3FAA]  }
0x2a: {  	p0 =	seq.s32 s5, $0x0;
	s5 =	sld [smem:$0x3FAB]  }
0x2b: {  	s6 =	sld [smem:$0x3FAC]  }
0x2c: {  	s7 =	sld [smem:$0x3FAD]  }
0x2d: {  	s3 =	simm.s32 $0x108;
	s8 =	sld [smem:$0x3FAE]  }
0x2e: {  	s3 =	simm.s32 @!p0 $0x1082;
	s9 =	sld [smem:$0x3FAF]  }
0x2f: {  	lr =	sadd.s32 s0, s3;
	s0 =	sld [smem:$0x3FA6]  }
0x30: {  	s3 =	sld [smem:$0x3FA9]  }
0x31: {  	[smem:$0x3FB2] =	sst s10  }
0x32: {  	s10 =	sld [smem:$0x3FB0];
	_ =	sdelay $0x3  }
0x33: {  	p0 =	seq.s32 s10, $0x1;
	s10 =	sld [smem:$0x3FB2];
	_ =	sdelay $0x3  }
0x34: {  	[smem:$0x3FB2] =	sst s10  }
0x35: {  	s10 =	sld [smem:$0x3FB1];
	_ =	sdelay $0x3  }
0x36: {  	p1 =	seq.s32 s10, $0x1;
	s10 =	sld [smem:$0x3FB2];
	_ =	sdelay $0x3  }
0x37: {  	[smem:$0x3FB2] =	sst s10  }
0x38: {  	s10 =	sld [smem:$0x3FB3]  }
0x39: {  	_ = 	snop;
	(pc) =	sbr.ind lr, $3  }
0x3a: {  	_ = 	snop  }
0x3b: {  	_ = 	snop  }
0x3c: {  	p2 =	seq.s32 s10, $0x1;
	s10 =	sld [smem:$0x3FB2]  }
0x3d: {  	_ =	shalt  }
0x3e: {  	_ =	shalt  }
0x3f: {  	_ =	shalt  }
0x40: {  	_ =	shalt  }
0x41: {  	_ =	shalt  }
0x42: {  	_ =	shalt  }
0x43: {  	_ =	shalt  }
0x44: {  	_ =	shalt  }
0x45: {  	_ =	shalt  }
0x46: {  	_ =	shalt  }
0x47: {  	_ =	shalt  }
0x48: {  	_ =	shalt  }
0x49: {  	_ =	shalt  }
0x4a: {  	_ =	shalt  }
0x4b: {  	_ =	shalt  }
0x4c: {  	_ =	shalt  }
0x4d: {  	_ =	shalt  }
0x4e: {  	_ =	shalt  }
0x4f: {  	_ =	shalt  }
0x50: {  	_ =	shalt  }
0x51: {  	_ =	shalt  }
0x52: {  	_ =	shalt  }
0x53: {  	_ =	shalt  }
0x54: {  	_ =	shalt  }
0x55: {  	_ =	shalt  }
0x56: {  	_ =	shalt  }
0x57: {  	_ =	shalt  }
0x58: {  	_ =	shalt  }
0x59: {  	_ =	shalt  }
0x5a: {  	_ =	shalt  }
0x5b: {  	_ =	shalt  }
0x5c: {  	_ =	shalt  }
0x5d: {  	_ =	shalt  }
0x5e: {  	_ =	shalt  }
0x5f: {  	_ =	shalt  }
0x60: {  	_ =	shalt  }
0x61: {  	_ =	shalt  }
0x62: {  	_ =	shalt  }
0x63: {  	_ =	shalt  }
0x64: {  	_ =	shalt  }
0x65: {  	_ =	shalt  }
0x66: {  	_ =	shalt  }
0x67: {  	_ =	shalt  }
0x68: {  	_ =	shalt  }
0x69: {  	_ =	shalt  }
0x6a: {  	_ =	shalt  }
0x6b: {  	_ =	shalt  }
0x6c: {  	_ =	shalt  }
0x6d: {  	_ =	shalt  }
0x6e: {  	_ =	shalt  }
0x6f: {  	_ =	shalt  }
0x70: {  	_ =	shalt  }
0x71: {  	_ =	shalt  }
0x72: {  	_ =	shalt  }
0x73: {  	_ =	shalt  }
0x74: {  	_ =	shalt  }
0x75: {  	_ =	shalt  }
0x76: {  	_ =	shalt  }
0x77: {  	_ =	shalt  }
0x78: {  	_ =	shalt  }
0x79: {  	_ =	shalt  }
0x7a: {  	_ =	shalt  }
0x7b: {  	_ =	shalt  }
0x7c: {  	_ =	shalt  }
0x7d: {  	_ =	shalt  }
0x7e: {  	_ =	shalt  }
0x7f: {  	_ =	shalt  }
0x80: {  	_ =	shalt  }
0x81: {  	_ =	shalt  }
0x82: {  	_ =	shalt  }
0x83: {  	_ =	shalt  }
0x84: {  	_ =	shalt  }
0x85: {  	_ =	shalt  }
0x86: {  	_ =	shalt  }
0x87: {  	_ =	shalt  }
.Lfunc_end0:
.L_simem_size_0:
called_computation_lowered:
.L_overlay_start_0:
0x88: {  	s2 =	sld [smem:$0x3FD9]  }
0x89: {  	s3 =	sld [smem:$0x3FFE];
	_ =	sdelay $0x1  }
0x8a: {  	s1 =	srdreg.scid  }
0x8b: {  	s0 =	sand.u32 $0x1, s1  }
0x8c: {  	s17 =	sshll.u32 s0, $0xA;
	s2 =	sadd.s32 s3, s2  }
0x8d: {  	s2 =	sadd.s32 s2, s17  }
0x8e: {  	[smem:$0x3FBE] =	sst s2  }
0x8f: {  	_ = 	snop  }
0x90: {  	s2 =	sld [smem:$0x3FD0];
	(tm) =	ssettm $0x1  }
0x91: {  	s18 =	sld [smem:$0x3FFB];
	_ =	sdelay $0x3  }
0x92: {  	_ =	strace s18  }
0x93: {  	s3 =	sld [smem:$0x3FFC];
	_ =	sdelay $0x3  }
0x94: {  	_ =	strace s3  }
0x95: {  	s3 =	sld [smem:$0x3FFD];
	_ =	sdelay $0x3  }
0x96: {  	_ =	strace s3  }
0x97: {  	_ =	strace $0x8FFFFFFF  }
0x98: {  	s19 =	sld [smem:$0x3FDB];
	_ =	sdelay $0x1  }
0x99: {  	s4 =	simm.s32 $_scs_section_size  }
0x9a: {  	s5 =	simm.s32 $_size__tile_overlayer_lowered;
	s6 =	simm.s32 $_tile_overlayer_lowered  }
0x9b: {  	s22 =	simm.s32 $0x1BFF;
	s21 =	sshll.u32 s6, $0x1;
	s3 =	sadd.s32 s4, s19  }
0x9c: {  	s7 =	simm.s32 $0x0;
	s20 =	sshll.u32 s5, $0x1;
	s5 =	sadd.s32 s21, s3  }
0x9d: {  	[timem:s7], [sflag:s22] =	dma.local [hbm:s5], s20  }
0x9e: {  	_ =	swait.ge [sflag:s22], s20  }
0x9f: {  	s4 =	ssub.s32 $0x0, s20;
	[sflag:s22] =	ssyncset.done $0x0  }
0xa0: {  	[sflag:s22] =	ssyncadd.s32 s4;
	_ =	sdelay $0x1  }
0xa1: {  	s23 =	simm.s32 $0x1B8B  }
0xa2: {  	_ =	swait.ge [sflag:s23], $0x1  }
0xa3: {  	[sflag:s23] =	ssyncset.done $0x0  }
0xa4: {  	s25 =	simm.s32 $0x1B8E;
	s24 =	sld [smem:$0x3FFE];
	[sflag:s23] =	ssyncadd.s32 $0xFFFFFFFF  }
0xa5: {  	s26 =	simm.s32 $execute0_lowered;
	[smem:$0x3FD2] =	sst s25  }
0xa6: {  	s5 =	sshll.u32 s26, $0x1;
	_ =	strace $0x80000046;
	[dreg:$0x1] =	wrdreg $0xFFFFFFFF  }
0xa7: {  	s28 =	simm.s32 $_size_execute0_lowered;
	s3 =	sadd.s32 s3, s5;
	[dreg:$0x0] =	wrdreg $0x0  }
0xa8: {  	s5 =	sshll.u32 s28, $0x1;
	[dreg:$0x2] =	wrdreg s3  }
0xa9: {  	[dreg:$0x3] =	wrdreg s5  }
0xaa: {  	[dreg:$0x4] =	wrdreg $0xC0  }
0xab: {  	_ =	task [dreg:s7], $0x5FFFF  }
0xac: {  	[dreg:$0x1] =	wrdreg $0xFFFFFFFF  }
0xad: {  	[dreg:$0x0] =	wrdreg $0x60  }
0xae: {  	[dreg:$0x2] =	wrdreg s2  }
0xaf: {  	[dreg:$0x3] =	wrdreg s24  }
0xb0: {  	[dreg:$0x4] =	wrdreg $0x16F000  }
0xb1: {  	[dreg:$0x5] =	wrdreg $0x9  }
0xb2: {  	_ =	task.clear_ibuf [dreg:s7], $0x6FFFF;
	_ =	strace $0x90000046  }
0xb3: {  	s29 =	simm.s32 $0x9;
	_ =	strace $0x80000048  }
0xb4: {  	_ =	swait.ge [sflag:s29], $0x1  }
0xb5: {  	[sflag:s29] =	ssyncadd.s32 $0xFFFFFFFF  }
0xb6: {  	_ =	strace $0x90000048  }
0xb7: {  	_ =	sfence  }
0xb8: {  	s30 =	sld [smem:$0x0];
	_ =	sdelay $0x2  }
0xb9: {  	s31 =	sshll.u32 s1, $0xD;
	s1 =	sshrl.u32 s1, $0x2  }
0xba: {  	s3 =	sand.u32 $0x4000, s31;
	s1 =	sadd.s32 s1, s30  }
0xbb: {  	s0 =	sor.u32 s3, s0;
	s1 =	sshll.u32 s1, $0x11  }
0xbc: {  	s0 =	sor.u32 s1, s0  }
0xbd: {  	s0 =	sadd.s32 $0x8F2B, s0  }
0xbe: {  	[sflag:s0] =	ssyncadd.remote.s32 $0x1  }
0xbf: {  	_ =	sfence.sel $0xFFFF  }
0xc0: {  	[dreg:$0x0] =	wrdreg $0xFFFFFFFF;
	(pc) =	sbr.abs _section_cstart, $3  }
0xc1: {  	[dreg:$0x1] =	wrdreg $0xFFFFFFFF  }
0xc2: {  	_ =	task.clear_ibuf [dreg:s7], $0x2FFFF;
	_ =	strace $0x9FFFFFFF  }
0xc3: {  	(tm) =	ssettm $0x7FFFFFFF  }
tec
execute0_lowered:
.L_overlay_start_1:
0x0: {  	(tag) =	ssettag $0x1  }
0x1: {  	s0 =	srdreg.scid;
	s1 =	rddreg [dreg:$0x0]  }
0x2: {  	s10 =	stileid.u32;
	s4 =	rddreg [dreg:$0x1];
	s15 =	simm.s32 $0x2780  }
0x3: {  	s16 =	simm.s32 $0x80;
	s31 =	simm.s32 $0x2;
	s17 =	simm.s32 $0x3  }
0x4: {  	s18 =	simm.s32 $0x5;
	s19 =	simm.s32 $0x4;
	s20 =	simm.s32 $0x6  }
0x5: {  	s0 =	sand.u32 $0x1, s0;
	s2 =	sshll.u32 s10, $0x1;
	s7 =	smul.u32 $0x4F00, s10  }
0x6: {  	s9 =	sadd.s32 $0x6C00, s4;
	s24 =	sadd.s32 $0x6600, s4;
	s11 =	sadd.s32 $0x1B200, s4  }
0x7: {  	s3 =	sor.u32 s0, s2;
	s2 =	rddreg [dreg:$0x2];
	s6 =	smul.u32 $0x4F000, s0  }
0x8: {  	s0 =	ssub.s32 $0x2, s0;
	s5 =	smul.u32 $0xA00, s3;
	s3 =	simm.s32 $0x0  }
0x9: {  	s28 =	sshll.u32 s10, $0x6;
	s26 =	sshrl.u32 s0, $0x1;
	[smem:$0x7FF] =	sst s3  }
0xa: {  	s25 =	sadd.s32 s7, s6;
	_ =	strace $0x80000047;
	[dreg:$0x4] =	wrdreg s9  }
0xb: {  	s6 =	sadd.s32 $0x1600, s4;
	s0 =	ssub.s32 s0, s26;
	[dreg:$0x5] =	wrdreg s24  }
0xc: {  	s7 =	sadd.s32 s7, s2;
	[dreg:$0x6] =	wrdreg s11;
	s1 =	sadd.s32 s1, s5  }
0xd: {  	v0 =	vimm.s32 $0x0;
	s8 =	sadd.s32 s5, s4;
	s0 =	smax.u32 s0, $0x1;
	[dreg:$0x8] =	wrdreg s1  }
0xe: {  	v1 =	vimm.s32 $0x1;
	v2 =	vimm.s32 $0x2;
	v3 =	vimm.s32 $0x3;
	s9 =	sshrl.u32 s25, $0x3;
	s29 =	sadd.s32 $0x7200, s8;
	[dreg:$0xb] =	wrdreg s0  }
0xf: {  	v4 =	vimm.s32 $0x4;
	v5 =	vimm.s32 $0x5;
	v6 =	vimm.s32 $0x6;
	s4 =	sadd.s32 s9, s4;
	s9 =	sor.u32 $0x1C07, s28;
	[dreg:$0x9] =	wrdreg s29  }
0x10: {  	v7 =	vimm.s32 $0x7;
	v8 =	vimm.s32 $0x8;
	v9 =	vimm.s32 $0x9;
	s5 =	simm.s32 $0x7;
	s30 =	sadd.s32 $0x1BC00, s4;
	[dreg:$0x7] =	wrdreg s9  }
0x11: {  	v10 =	vimm.s32 $0xA;
	v11 =	vimm.s32 $0xB;
	v12 =	vimm.s32 $0xC;
	s25 =	simm.s32 $0x1;
	s4 =	sshrl.u32 s7, $0x3;
	[dreg:$0xa] =	wrdreg s30  }
0x12: {  	v13 =	vimm.s32 $0xD;
	v14 =	vimm.s32 $0xE;
	v15 =	vimm.s32 $0xF;
	s0 =	simm.s32 $0x15F00;
	s7 =	simm.s32 $0x0;
	[dreg:$0xc] =	wrdreg s4  }
.LBB2_1:
0x13: {  	[dreg:$0xd] =	wrdreg s7  }
0x14: {  	s1 =	rddreg [dreg:$0x6]  }
0x15: {  	[spmem:s4], [sflag:s9] =	dma.local [hbm:s1], $0x9E0  }
0x16: {  	_ =	swait.ge [sflag:s5], $0x9E0  }
0x17: {  	[sflag:s5] =	ssyncset.done $0x0  }
0x18: {  	s12 =	rddreg [dreg:$0x4];
	[sflag:s5] =	ssyncadd.s32 $0xFFFFF620  }
0x19: {  	[tilespmem:s3], [sflag:$0x7] =	stream.linear.gather [hbm4b:s12+s3], $0x2780, $0x38;
	[tilespmem:$0x1BE00] =	vst v63  }
0x1a: {  	_ =	swait.ge [sflag:s5], $0x2780  }
0x1b: {  	[sflag:s5] =	ssyncset.done $0x0  }
0x1c: {  	s13 =	rddreg [dreg:$0x5];
	[sflag:s5] =	ssyncadd.s32 $0xFFFFD880  }
0x1d: {  	[tilespmem:s15], [sflag:$0x7] =	stream.linear.gather [hbm4b:s13+s3], $0x2780, $0x38;
	[tilespmem:$0x1BE00] =	vst v63  }
0x1e: {  	_ =	swait.ge [sflag:s5], $0x2780  }
0x1f: {  	[sflag:s5] =	ssyncset.done $0x0  }
0x20: {  	s22 =	simm.s32 $0x4F00;
	s14 =	rddreg [dreg:$0x8];
	[sflag:s5] =	ssyncadd.s32 $0xFFFFD880  }
0x21: {  	[tilespmem:s22], [sflag:$0x7] =	stream.linear.gather [hbm4b:s14+s3], $0x5000, $0x38;
	[tilespmem:$0x1BE00] =	vst v63  }
0x22: {  	_ =	swait.ge [sflag:s5], $0x5000  }
0x23: {  	[sflag:s5] =	ssyncset.done $0x0  }
0x24: {  	s4 =	simm.s32 $0x9F00;
	s21 =	rddreg [dreg:$0x9];
	[sflag:s5] =	ssyncadd.s32 $0xFFFFB000  }
0x25: {  	[tilespmem:s4], [sflag:$0x7] =	stream.linear.gather [hbm4b:s21+s3], $0x5000, $0x38;
	[tilespmem:$0x1BE00] =	vst v63  }
0x26: {  	_ =	swait.ge [sflag:s5], $0x5000  }
0x27: {  	[sflag:s5] =	ssyncset.done $0x0  }
0x28: {  	s23 =	simm.s32 $0xEF00;
	s24 =	simm.s32 $0x4F80;
	[sflag:s5] =	ssyncadd.s32 $0xFFFFB000  }
0x29: {  	s26 =	simm.s32 $0xF700;
	s28 =	simm.s32 $0xFF00;
	[bflag:$0x0] =	sbarrier.arrive $0xFFFF  }
0x2a: {  	[tilespmem:s23], [sflag:$0x1] =	stream.indirect.gather [hbm4b:s6+s16], $0x10, s22, s16, $0xb8;
	[tilespmem:$0x1BE00] =	vst v63  }
0x2b: {  	s29 =	simm.s32 $0x5080;
	s30 =	simm.s32 $0x10700;
	s7 =	simm.s32 $0xA000  }
0x2c: {  	[tilespmem:s26], [sflag:$0x1] =	stream.indirect.gather [hbm4b:s6+s16], $0x10, s24, s16, $0xb8;
	[tilespmem:$0x1BE00] =	vst v63  }
0x2d: {  	s10 =	simm.s32 $0x5100;
	s11 =	simm.s32 $0xA200;
	s5 =	simm.s32 $0x5000  }
0x2e: {  	[tilespmem:s28], [sflag:$0x2] =	stream.indirect.gather [hbm4b:s6+s16], $0x10, s5, s16, $0xb8;
	[tilespmem:$0x1BE00] =	vst v63  }
0x2f: {  	s8 =	simm.s32 $0x0;
	s9 =	simm.s32 $0xA100;
	s12 =	simm.s32 $0x5200  }
0x30: {  	[tilespmem:s30], [sflag:$0x2] =	stream.indirect.gather [hbm4b:s6+s16], $0x10, s29, s16, $0xb8;
	[tilespmem:$0x1BE00] =	vst v63  }
.LBB2_2:
0x31: {  	s14 =	sshll.u32 s8, $0xC  }
0x32: {  	s13 =	sor.u32 $0x800, s14  }
0x33: {  	s21 =	sshrl.u32 s13, $0x2  }
0x34: {  	s1 =	simm.s32 $0x10F00;
	s23 =	sadd.s32 $0x4F00, s21  }
0x35: {  	[tilespmem:s1], [sflag:$0x3] =	stream.indirect.gather [hbm4b:s6+s16], $0x10, s23, s16, $0xb8;
	[tilespmem:$0x1BE00] =	vst v63  }
0x36: {  	s26 =	simm.s32 $0x11700;
	s21 =	sadd.s32 $0x4F80, s21  }
0x37: {  	[tilespmem:s26], [sflag:$0x3] =	stream.indirect.gather [hbm4b:s6+s16], $0x10, s21, s16, $0xb8;
	[tilespmem:$0x1BE00] =	vst v63  }
0x38: {  	_ =	swait.ge [sflag:s25], $0x800  }
0x39: {  	[sflag:s25] =	ssyncset.done $0x0  }
0x3a: {  	[sflag:s25] =	ssyncadd.s32 $0xFFFFF800  }
0x3b: {  	_ =	swait.ge [sflag:s25], $0x800  }
0x3c: {  	p0 =	seq.s32 s8, $0x0;
	[sflag:s25] =	ssyncset.done $0x0  }
0x3d: {  	s21 =	simm.s32 @!p0 $0x5;
	[sflag:s25] =	ssyncadd.s32 $0xFFFFF800  }
0x3e: {  	_ =	swait.ge @!p0 [sflag:s21], $0x1000  }
0x3f: {  	v16 =	vmov s22;
	[sflag:s21] =	ssyncset.done @!p0 $0x0  }
0x40: {  	v17 =	vmov s4;
	[sflag:s21] =	ssyncadd.s32 @!p0 $0xFFFFF000  }
0x41: {  	_ =	swait.ge @!p0 [sflag:s21], $0x1000  }
0x42: {  	[sflag:s21] =	ssyncset.done @!p0 $0x0  }
0x43: {  	s28 =	simm.s32 $0x0;
	[sflag:s21] =	ssyncadd.s32 @!p0 $0xFFFFF000  }
0x44: {  	v18 =	vld.idx.msk [tilespmem:v16+s28+$0x0 ss:$0x1], $0xffff  }
0x45: {  	v19 =	vld.idx.msk [tilespmem:v17+s28+$0x0 ss:$0x1], $0xffff;
	_ =	sdelay $0x6  }
0x46: {  	v18 =	vld.idx.msk [tilespmem:v18+s15+$0x0], $0xffff  }
0x47: {  	v19 =	vld.idx.msk [tilespmem:v19+s3+$0x0], $0xffff;
	_ =	sdelay $0x4  }
0x48: {  	v18 =	vadd.f32 v18, v19;
	_ =	sdelay $0x1  }
0x49: {  	v19 =	vmul.f32 $2.000000030e-01, v18  }
0x4a: {  	vm0 =	vge.f32 v18, $0.0e+00  }
0x4b: {  	v18 =	vsel vm0, v18, v19  }
0x4c: {  	v18 =	vmul.f32 $1.442695020e+00, v18;
	_ =	sdelay $0x1  }
0x4d: {  	(erf) = vpow2.f32 v18;
	_ =	sdelay $0x4  }
0x4e: {  	s21 =	simm.s32 $0xEF80  }
0x4f: {  	v18 =	vld [tilespmem:s21+$0xFFFFFF80];
	_ =	sdelay $0x2  }
0x50: {  	v20 =	vpop (erf)  }
0x51: {  	v19 =	vperm.xlane v20, v0  }
0x52: {  	v21 =	vshll.u32 v18, $0x10  }
0x53: {  	v18 =	vand.u32 $0xFFFF0000, v18;
	v21 =	vmul.f32 v21, v19  }
0x54: {  	s24 =	simm.s32 $0x13000;
	v18 =	vmul.f32 v18, v19  }
0x55: {  	[tilespmem:s24+$0xFFFFFF00] =	vst v21  }
0x56: {  	[tilespmem:s24+$0xFFFFFF10] =	vst v18  }
0x57: {  	v18 =	vld [tilespmem:s21+$0xFFFFFF90];
	_ =	sdelay $0x3  }
0x58: {  	v19 =	vperm.xlane v20, v1  }
0x59: {  	v21 =	vshll.u32 v18, $0x10  }
0x5a: {  	v18 =	vand.u32 $0xFFFF0000, v18;
	v21 =	vmul.f32 v21, v19  }
0x5b: {  	v18 =	vmul.f32 v18, v19  }
0x5c: {  	[tilespmem:s24+$0xFFFFFF20] =	vst v21  }
0x5d: {  	[tilespmem:s24+$0xFFFFFF30] =	vst v18  }
0x5e: {  	v18 =	vld [tilespmem:s21+$0xFFFFFFA0];
	_ =	sdelay $0x3  }
0x5f: {  	v19 =	vperm.xlane v20, v2  }
0x60: {  	v21 =	vshll.u32 v18, $0x10  }
0x61: {  	v18 =	vand.u32 $0xFFFF0000, v18;
	v21 =	vmul.f32 v21, v19  }
0x62: {  	v18 =	vmul.f32 v18, v19  }
0x63: {  	[tilespmem:s24+$0xFFFFFF40] =	vst v21  }
0x64: {  	[tilespmem:s24+$0xFFFFFF50] =	vst v18  }
0x65: {  	v18 =	vld [tilespmem:s21+$0xFFFFFFB0];
	_ =	sdelay $0x3  }
0x66: {  	v19 =	vperm.xlane v20, v3  }
0x67: {  	v21 =	vshll.u32 v18, $0x10  }
0x68: {  	v18 =	vand.u32 $0xFFFF0000, v18;
	v21 =	vmul.f32 v21, v19  }
0x69: {  	v18 =	vmul.f32 v18, v19  }
0x6a: {  	[tilespmem:s24+$0xFFFFFF60] =	vst v21  }
0x6b: {  	[tilespmem:s24+$0xFFFFFF70] =	vst v18  }
0x6c: {  	v18 =	vld [tilespmem:s21+$0xFFFFFFC0];
	_ =	sdelay $0x3  }
0x6d: {  	v19 =	vperm.xlane v20, v4  }
0x6e: {  	v21 =	vshll.u32 v18, $0x10  }
0x6f: {  	v18 =	vand.u32 $0xFFFF0000, v18;
	v21 =	vmul.f32 v21, v19  }
0x70: {  	v18 =	vmul.f32 v18, v19  }
0x71: {  	[tilespmem:s24+$0xFFFFFF80] =	vst v21  }
0x72: {  	[tilespmem:s24+$0xFFFFFF90] =	vst v18  }
0x73: {  	v18 =	vld [tilespmem:s21+$0xFFFFFFD0];
	_ =	sdelay $0x3  }
0x74: {  	v19 =	vperm.xlane v20, v5  }
0x75: {  	v21 =	vshll.u32 v18, $0x10  }
0x76: {  	v18 =	vand.u32 $0xFFFF0000, v18;
	v21 =	vmul.f32 v21, v19  }
0x77: {  	v18 =	vmul.f32 v18, v19  }
0x78: {  	[tilespmem:s24+$0xFFFFFFA0] =	vst v21  }
0x79: {  	[tilespmem:s24+$0xFFFFFFB0] =	vst v18  }
0x7a: {  	v18 =	vld [tilespmem:s21+$0xFFFFFFE0];
	_ =	sdelay $0x3  }
0x7b: {  	v19 =	vperm.xlane v20, v6  }
0x7c: {  	v21 =	vshll.u32 v18, $0x10  }
0x7d: {  	v18 =	vand.u32 $0xFFFF0000, v18;
	v21 =	vmul.f32 v21, v19  }
0x7e: {  	v18 =	vmul.f32 v18, v19  }
0x7f: {  	[tilespmem:s24+$0xFFFFFFC0] =	vst v21  }
0x80: {  	[tilespmem:s24+$0xFFFFFFD0] =	vst v18  }
0x81: {  	v18 =	vld [tilespmem:s21+$0xFFFFFFF0];
	_ =	sdelay $0x3  }
0x82: {  	v19 =	vperm.xlane v20, v7  }
0x83: {  	v21 =	vshll.u32 v18, $0x10  }
0x84: {  	v18 =	vand.u32 $0xFFFF0000, v18;
	v21 =	vmul.f32 v21, v19  }
0x85: {  	v18 =	vmul.f32 v18, v19  }
0x86: {  	[tilespmem:s24+$0xFFFFFFE0] =	vst v21  }
0x87: {  	[tilespmem:s24+$0xFFFFFFF0] =	vst v18  }
0x88: {  	v18 =	vld [tilespmem:s21+$0x0];
	_ =	sdelay $0x3  }
0x89: {  	v19 =	vperm.xlane v20, v8  }
0x8a: {  	v21 =	vshll.u32 v18, $0x10  }
0x8b: {  	v18 =	vand.u32 $0xFFFF0000, v18;
	v21 =	vmul.f32 v21, v19  }
0x8c: {  	v18 =	vmul.f32 v18, v19  }
0x8d: {  	[tilespmem:s24+$0x0] =	vst v21  }
0x8e: {  	[tilespmem:s24+$0x10] =	vst v18  }
0x8f: {  	v18 =	vld [tilespmem:s21+$0x10];
	_ =	sdelay $0x3  }
0x90: {  	v19 =	vperm.xlane v20, v9  }
0x91: {  	v21 =	vshll.u32 v18, $0x10  }
0x92: {  	v18 =	vand.u32 $0xFFFF0000, v18;
	v21 =	vmul.f32 v21, v19  }
0x93: {  	v18 =	vmul.f32 v18, v19  }
0x94: {  	[tilespmem:s24+$0x20] =	vst v21  }
0x95: {  	[tilespmem:s24+$0x30] =	vst v18  }
0x96: {  	v18 =	vld [tilespmem:s21+$0x20];
	_ =	sdelay $0x3  }
0x97: {  	v19 =	vperm.xlane v20, v10  }
0x98: {  	v21 =	vshll.u32 v18, $0x10  }
0x99: {  	v18 =	vand.u32 $0xFFFF0000, v18;
	v21 =	vmul.f32 v21, v19  }
0x9a: {  	v18 =	vmul.f32 v18, v19  }
0x9b: {  	[tilespmem:s24+$0x40] =	vst v21  }
0x9c: {  	[tilespmem:s24+$0x50] =	vst v18  }
0x9d: {  	v18 =	vld [tilespmem:s21+$0x30];
	_ =	sdelay $0x3  }
0x9e: {  	v19 =	vperm.xlane v20, v11  }
0x9f: {  	v21 =	vshll.u32 v18, $0x10  }
0xa0: {  	v18 =	vand.u32 $0xFFFF0000, v18;
	v21 =	vmul.f32 v21, v19  }
0xa1: {  	v18 =	vmul.f32 v18, v19  }
0xa2: {  	[tilespmem:s24+$0x60] =	vst v21  }
0xa3: {  	[tilespmem:s24+$0x70] =	vst v18  }
0xa4: {  	v18 =	vld [tilespmem:s21+$0x40];
	_ =	sdelay $0x3  }
0xa5: {  	v19 =	vperm.xlane v20, v12  }
0xa6: {  	v21 =	vshll.u32 v18, $0x10  }
0xa7: {  	v18 =	vand.u32 $0xFFFF0000, v18;
	v21 =	vmul.f32 v21, v19  }
0xa8: {  	v18 =	vmul.f32 v18, v19  }
0xa9: {  	[tilespmem:s24+$0x80] =	vst v21  }
0xaa: {  	[tilespmem:s24+$0x90] =	vst v18  }
0xab: {  	v18 =	vld [tilespmem:s21+$0x50];
	_ =	sdelay $0x3  }
0xac: {  	v19 =	vperm.xlane v20, v13  }
0xad: {  	v21 =	vshll.u32 v18, $0x10  }
0xae: {  	v18 =	vand.u32 $0xFFFF0000, v18;
	v21 =	vmul.f32 v21, v19  }
0xaf: {  	v18 =	vmul.f32 v18, v19  }
0xb0: {  	[tilespmem:s24+$0xA0] =	vst v21  }
0xb1: {  	s29 =	simm.s32 $0x13000;
	[tilespmem:s24+$0xB0] =	vst v18  }
0xb2: {  	s30 =	simm.s32 $0xEF80;
	s23 =	sshll.u32 s8, $0x2;
	s26 =	simm.s32 $0x40;
	v19 =	vperm.xlane v20, v14;
	v18 =	vperm.xlane v20, v15;
	v20 =	vld [tilespmem:s21+$0x60]  }
.LBB2_3:
0xb3: {  	_ = 	snop  }
0xb4: {  	p1 =	sne.s32 s26, $0x3C0;
	s21 =	sadd.s32 $0x100, s21;
	s24 =	sadd.s32 $0x200, s24  }
0xb5: {  	s28 =	smov.u32 s26;
	s26 =	sadd.s32 $0x40, s26;
	_ =	sdelay $0x1  }
0xb6: {  	v21 =	vshll.u32 v20, $0x10;
	v20 =	vand.u32 $0xFFFF0000, v20  }
0xb7: {  	v21 =	vmul.f32 v21, v19;
	v19 =	vmul.f32 v20, v19;
	_ =	sdelay $0x1  }
0xb8: {  	[tilespmem:s29+$0xC0] =	vst v21  }
0xb9: {  	[tilespmem:s29+$0xD0] =	vst v19  }
0xba: {  	v19 =	vld [tilespmem:s30+$0x70];
	s30 =	smov.u32 s21;
	_ =	sdelay $0x4  }
0xbb: {  	v20 =	vshll.u32 v19, $0x10;
	v19 =	vand.u32 $0xFFFF0000, v19  }
0xbc: {  	v20 =	vmul.f32 v20, v18;
	v18 =	vmul.f32 v19, v18;
	_ =	sdelay $0x1  }
0xbd: {  	[tilespmem:s29+$0xE0] =	vst v20  }
0xbe: {  	s28 =	sshra.s32 s28, $0x2;
	[tilespmem:s29+$0xF0] =	vst v18;
	s29 =	smov.u32 s24  }
0xbf: {  	v18 =	vld.idx.msk [tilespmem:v16+s28+$0x0 ss:$0x1], $0xffff  }
0xc0: {  	v19 =	vld.idx.msk [tilespmem:v17+s28+$0x0 ss:$0x1], $0xffff;
	_ =	sdelay $0x6  }
0xc1: {  	v18 =	vld.idx.msk [tilespmem:v18+s15+$0x0], $0xffff  }
0xc2: {  	v19 =	vld.idx.msk [tilespmem:v19+s3+$0x0], $0xffff;
	_ =	sdelay $0x5  }
0xc3: {  	v18 =	vadd.f32 v18, v19;
	_ =	sdelay $0x1  }
0xc4: {  	vm0 =	vge.f32 v18, $0.0e+00;
	v19 =	vmul.f32 $2.000000030e-01, v18;
	_ =	sdelay $0x1  }
0xc5: {  	v18 =	vsel vm0, v18, v19  }
0xc6: {  	v18 =	vmul.f32 $1.442695020e+00, v18;
	_ =	sdelay $0x1  }
0xc7: {  	(erf) = vpow2.f32 v18;
	_ =	sdelay $0x4  }
0xc8: {  	v19 =	vld [tilespmem:s21+$0xFFFFFF80];
	_ =	sdelay $0x3  }
0xc9: {  	v18 =	vpop (erf)  }
0xca: {  	v20 =	vperm.xlane v18, v0;
	v21 =	vshll.u32 v19, $0x10;
	v19 =	vand.u32 $0xFFFF0000, v19;
	_ =	sdelay $0x1  }
0xcb: {  	v21 =	vmul.f32 v21, v20;
	v19 =	vmul.f32 v19, v20;
	_ =	sdelay $0x1  }
0xcc: {  	[tilespmem:s24+$0xFFFFFF00] =	vst v21  }
0xcd: {  	[tilespmem:s24+$0xFFFFFF10] =	vst v19  }
0xce: {  	v19 =	vld [tilespmem:s21+$0xFFFFFF90];
	_ =	sdelay $0x1  }
0xcf: {  	v20 =	vperm.xlane v18, v1;
	_ =	sdelay $0x2  }
0xd0: {  	v21 =	vshll.u32 v19, $0x10;
	v19 =	vand.u32 $0xFFFF0000, v19  }
0xd1: {  	v21 =	vmul.f32 v21, v20;
	v19 =	vmul.f32 v19, v20;
	_ =	sdelay $0x1  }
0xd2: {  	[tilespmem:s24+$0xFFFFFF20] =	vst v21  }
0xd3: {  	[tilespmem:s24+$0xFFFFFF30] =	vst v19  }
0xd4: {  	v19 =	vld [tilespmem:s21+$0xFFFFFFA0]  }
0xd5: {  	v20 =	vperm.xlane v18, v2;
	_ =	sdelay $0x3  }
0xd6: {  	v21 =	vshll.u32 v19, $0x10;
	v19 =	vand.u32 $0xFFFF0000, v19  }
0xd7: {  	v21 =	vmul.f32 v21, v20;
	v19 =	vmul.f32 v19, v20;
	_ =	sdelay $0x1  }
0xd8: {  	[tilespmem:s24+$0xFFFFFF40] =	vst v21  }
0xd9: {  	[tilespmem:s24+$0xFFFFFF50] =	vst v19  }
0xda: {  	v19 =	vperm.xlane v18, v3;
	v20 =	vld [tilespmem:s21+$0xFFFFFFB0];
	_ =	sdelay $0x4  }
0xdb: {  	v21 =	vshll.u32 v20, $0x10;
	v20 =	vand.u32 $0xFFFF0000, v20  }
0xdc: {  	v21 =	vmul.f32 v21, v19;
	v19 =	vmul.f32 v20, v19;
	_ =	sdelay $0x1  }
0xdd: {  	[tilespmem:s24+$0xFFFFFF60] =	vst v21  }
0xde: {  	[tilespmem:s24+$0xFFFFFF70] =	vst v19;
	v19 =	vperm.xlane v18, v4  }
0xdf: {  	v20 =	vld [tilespmem:s21+$0xFFFFFFC0];
	_ =	sdelay $0x4  }
0xe0: {  	v21 =	vshll.u32 v20, $0x10;
	v20 =	vand.u32 $0xFFFF0000, v20  }
0xe1: {  	v21 =	vmul.f32 v21, v19;
	v19 =	vmul.f32 v20, v19;
	_ =	sdelay $0x1  }
0xe2: {  	v20 =	vperm.xlane v18, v5;
	[tilespmem:s24+$0xFFFFFF80] =	vst v21  }
0xe3: {  	[tilespmem:s24+$0xFFFFFF90] =	vst v19  }
0xe4: {  	v19 =	vld [tilespmem:s21+$0xFFFFFFD0];
	_ =	sdelay $0x4  }
0xe5: {  	v21 =	vshll.u32 v19, $0x10;
	v19 =	vand.u32 $0xFFFF0000, v19  }
0xe6: {  	v21 =	vmul.f32 v21, v20;
	v19 =	vmul.f32 v19, v20  }
0xe7: {  	v20 =	vperm.xlane v18, v6  }
0xe8: {  	[tilespmem:s24+$0xFFFFFFA0] =	vst v21  }
0xe9: {  	[tilespmem:s24+$0xFFFFFFB0] =	vst v19  }
0xea: {  	v19 =	vld [tilespmem:s21+$0xFFFFFFE0];
	_ =	sdelay $0x4  }
0xeb: {  	v22 =	vperm.xlane v18, v7;
	v21 =	vshll.u32 v19, $0x10;
	v19 =	vand.u32 $0xFFFF0000, v19  }
0xec: {  	v21 =	vmul.f32 v21, v20;
	v19 =	vmul.f32 v19, v20;
	_ =	sdelay $0x1  }
0xed: {  	[tilespmem:s24+$0xFFFFFFC0] =	vst v21  }
0xee: {  	[tilespmem:s24+$0xFFFFFFD0] =	vst v19  }
0xef: {  	v19 =	vld [tilespmem:s21+$0xFFFFFFF0];
	_ =	sdelay $0x4  }
0xf0: {  	v21 =	vperm.xlane v18, v8;
	v20 =	vshll.u32 v19, $0x10;
	v19 =	vand.u32 $0xFFFF0000, v19  }
0xf1: {  	v20 =	vmul.f32 v20, v22;
	v19 =	vmul.f32 v19, v22;
	_ =	sdelay $0x1  }
0xf2: {  	[tilespmem:s24+$0xFFFFFFE0] =	vst v20  }
0xf3: {  	[tilespmem:s24+$0xFFFFFFF0] =	vst v19  }
0xf4: {  	v19 =	vld [tilespmem:s21+$0x0];
	_ =	sdelay $0x3  }
0xf5: {  	v20 =	vperm.xlane v18, v9  }
0xf6: {  	v22 =	vshll.u32 v19, $0x10;
	v19 =	vand.u32 $0xFFFF0000, v19  }
0xf7: {  	v22 =	vmul.f32 v22, v21;
	v19 =	vmul.f32 v19, v21;
	_ =	sdelay $0x1  }
0xf8: {  	[tilespmem:s24+$0x0] =	vst v22  }
0xf9: {  	[tilespmem:s24+$0x10] =	vst v19  }
0xfa: {  	v19 =	vld [tilespmem:s21+$0x10];
	_ =	sdelay $0x2  }
0xfb: {  	v21 =	vperm.xlane v18, v10;
	_ =	sdelay $0x1  }
0xfc: {  	v22 =	vshll.u32 v19, $0x10;
	v19 =	vand.u32 $0xFFFF0000, v19  }
0xfd: {  	v22 =	vmul.f32 v22, v20;
	v19 =	vmul.f32 v19, v20;
	_ =	sdelay $0x1  }
0xfe: {  	[tilespmem:s24+$0x20] =	vst v22  }
0xff: {  	[tilespmem:s24+$0x30] =	vst v19  }
0x100: {  	v19 =	vld [tilespmem:s21+$0x20];
	_ =	sdelay $0x1  }
0x101: {  	v20 =	vperm.xlane v18, v11;
	_ =	sdelay $0x2  }
0x102: {  	v22 =	vshll.u32 v19, $0x10;
	v19 =	vand.u32 $0xFFFF0000, v19  }
0x103: {  	v22 =	vmul.f32 v22, v21;
	v19 =	vmul.f32 v19, v21;
	_ =	sdelay $0x1  }
0x104: {  	[tilespmem:s24+$0x40] =	vst v22  }
0x105: {  	[tilespmem:s24+$0x50] =	vst v19  }
0x106: {  	v19 =	vld [tilespmem:s21+$0x30]  }
0x107: {  	v21 =	vperm.xlane v18, v12;
	_ =	sdelay $0x3  }
0x108: {  	v22 =	vshll.u32 v19, $0x10;
	v19 =	vand.u32 $0xFFFF0000, v19  }
0x109: {  	v22 =	vmul.f32 v22, v20;
	v19 =	vmul.f32 v19, v20;
	_ =	sdelay $0x1  }
0x10a: {  	[tilespmem:s24+$0x60] =	vst v22  }
0x10b: {  	[tilespmem:s24+$0x70] =	vst v19  }
0x10c: {  	v20 =	vperm.xlane v18, v13;
	v19 =	vld [tilespmem:s21+$0x40];
	_ =	sdelay $0x4  }
0x10d: {  	v22 =	vshll.u32 v19, $0x10;
	v19 =	vand.u32 $0xFFFF0000, v19  }
0x10e: {  	v22 =	vmul.f32 v22, v21;
	v19 =	vmul.f32 v19, v21;
	_ =	sdelay $0x1  }
0x10f: {  	[tilespmem:s24+$0x80] =	vst v22  }
0x110: {  	[tilespmem:s24+$0x90] =	vst v19;
	v19 =	vperm.xlane v18, v14  }
0x111: {  	v21 =	vld [tilespmem:s21+$0x50];
	_ =	sdelay $0x4  }
0x112: {  	v22 =	vshll.u32 v21, $0x10;
	v21 =	vand.u32 $0xFFFF0000, v21  }
.Ltmp0:
0x113: {  	v22 =	vmul.f32 v22, v20;
	v20 =	vmul.f32 v21, v20;
	(pc) =	sbr.rel @p1 .LBB2_3-.Ltmp0, $4  }
0x114: {  	_ = 	snop  }
0x115: {  	v18 =	vperm.xlane v18, v15;
	[tilespmem:s24+$0xA0] =	vst v22  }
0x116: {  	[tilespmem:s24+$0xB0] =	vst v20  }
0x117: {  	v20 =	vld [tilespmem:s21+$0x60]  }
0x118: {  	_ =	sdelay $0x3  }
0x119: {  	v16 =	vshll.u32 v20, $0x10  }
0x11a: {  	v17 =	vand.u32 $0xFFFF0000, v20;
	v16 =	vmul.f32 v16, v19  }
0x11b: {  	v17 =	vmul.f32 v17, v19  }
0x11c: {  	[tilespmem:s29+$0xC0] =	vst v16  }
0x11d: {  	[tilespmem:s29+$0xD0] =	vst v17  }
0x11e: {  	v16 =	vld [tilespmem:s30+$0x70];
	_ =	sdelay $0x4  }
0x11f: {  	v17 =	vshll.u32 v16, $0x10  }
0x120: {  	v16 =	vand.u32 $0xFFFF0000, v16;
	v17 =	vmul.f32 v17, v18  }
0x121: {  	v16 =	vmul.f32 v16, v18  }
0x122: {  	s21 =	sshrl.u32 s14, $0x2;
	[tilespmem:s29+$0xE0] =	vst v17  }
0x123: {  	s1 =	simm.s32 $0x12F00;
	s24 =	sadd.s32 $0x9F00, s21;
	[tilespmem:s29+$0xF0] =	vst v16  }
0x124: {  	[spmem:s2] =	stream.indirect.scatter.add.f32 [tilespmem:s1], [sflag:$0x5], $0x20, s24, s16, $0xb8;
	[tilespmem:$0x1BE00] =	vst v63  }
0x125: {  	s26 =	simm.s32 $0x13F00;
	s21 =	sadd.s32 $0x9F80, s21;
	s24 =	sshll.u32 s23, $0xA  }
0x126: {  	[spmem:s2] =	stream.indirect.scatter.add.f32 [tilespmem:s26], [sflag:$0x5], $0x20, s21, s16, $0xb8;
	[tilespmem:$0x1BE00] =	vst v63  }
0x127: {  	s21 =	sor.u32 $0xC00, s24  }
0x128: {  	s24 =	sshrl.u32 s21, $0x2  }
0x129: {  	s1 =	simm.s32 $0x11F00;
	s26 =	sadd.s32 $0x4F00, s24  }
0x12a: {  	[tilespmem:s1], [sflag:$0x4] =	stream.indirect.gather [hbm4b:s6+s16], $0x10, s26, s16, $0xb8;
	[tilespmem:$0x1BE00] =	vst v63  }
0x12b: {  	s24 =	sadd.s32 $0x4F80, s24;
	s26 =	simm.s32 $0x12700  }
0x12c: {  	[tilespmem:s26], [sflag:$0x4] =	stream.indirect.gather [hbm4b:s6+s16], $0x10, s24, s16, $0xb8;
	[tilespmem:$0x1BE00] =	vst v63  }
0x12d: {  	_ =	swait.ge [sflag:s31], $0x800  }
0x12e: {  	[sflag:s31] =	ssyncset.done $0x0  }
0x12f: {  	[sflag:s31] =	ssyncadd.s32 $0xFFFFF800  }
0x130: {  	_ =	swait.ge [sflag:s31], $0x800  }
0x131: {  	[sflag:s31] =	ssyncset.done $0x0  }
0x132: {  	s24 =	simm.s32 @!p0 $0x6;
	[sflag:s31] =	ssyncadd.s32 $0xFFFFF800  }
0x133: {  	_ =	swait.ge @!p0 [sflag:s24], $0x1000  }
0x134: {  	v16 =	vmov s5;
	[sflag:s24] =	ssyncset.done @!p0 $0x0  }
0x135: {  	v17 =	vmov s7;
	[sflag:s24] =	ssyncadd.s32 @!p0 $0xFFFFF000  }
0x136: {  	_ =	swait.ge @!p0 [sflag:s24], $0x1000  }
0x137: {  	[sflag:s24] =	ssyncset.done @!p0 $0x0  }
0x138: {  	s26 =	simm.s32 $0x0;
	[sflag:s24] =	ssyncadd.s32 @!p0 $0xFFFFF000  }
0x139: {  	v18 =	vld.idx.msk [tilespmem:v16+s26+$0x0 ss:$0x1], $0xffff  }
0x13a: {  	v19 =	vld.idx.msk [tilespmem:v17+s26+$0x0 ss:$0x1], $0xffff;
	_ =	sdelay $0x6  }
0x13b: {  	v18 =	vld.idx.msk [tilespmem:v18+s15+$0x0], $0xffff  }
0x13c: {  	v19 =	vld.idx.msk [tilespmem:v19+s3+$0x0], $0xffff;
	_ =	sdelay $0x4  }
0x13d: {  	v18 =	vadd.f32 v18, v19;
	_ =	sdelay $0x1  }
0x13e: {  	v19 =	vmul.f32 $2.000000030e-01, v18  }
0x13f: {  	vm0 =	vge.f32 v18, $0.0e+00  }
0x140: {  	v18 =	vsel vm0, v18, v19  }
0x141: {  	v18 =	vmul.f32 $1.442695020e+00, v18;
	_ =	sdelay $0x1  }
0x142: {  	(erf) = vpow2.f32 v18;
	_ =	sdelay $0x4  }
0x143: {  	s24 =	simm.s32 $0xFF80  }
0x144: {  	v18 =	vld [tilespmem:s24+$0xFFFFFF80];
	_ =	sdelay $0x2  }
0x145: {  	v20 =	vpop (erf)  }
0x146: {  	v19 =	vperm.xlane v20, v0  }
0x147: {  	v21 =	vshll.u32 v18, $0x10  }
0x148: {  	v18 =	vand.u32 $0xFFFF0000, v18;
	v21 =	vmul.f32 v21, v19  }
0x149: {  	s29 =	simm.s32 $0x15000;
	v18 =	vmul.f32 v18, v19  }
0x14a: {  	[tilespmem:s29+$0xFFFFFF00] =	vst v21  }
0x14b: {  	[tilespmem:s29+$0xFFFFFF10] =	vst v18  }
0x14c: {  	v18 =	vld [tilespmem:s24+$0xFFFFFF90];
	_ =	sdelay $0x3  }
0x14d: {  	v19 =	vperm.xlane v20, v1  }
0x14e: {  	v21 =	vshll.u32 v18, $0x10  }
0x14f: {  	v18 =	vand.u32 $0xFFFF0000, v18;
	v21 =	vmul.f32 v21, v19  }
0x150: {  	v18 =	vmul.f32 v18, v19  }
0x151: {  	[tilespmem:s29+$0xFFFFFF20] =	vst v21  }
0x152: {  	[tilespmem:s29+$0xFFFFFF30] =	vst v18  }
0x153: {  	v18 =	vld [tilespmem:s24+$0xFFFFFFA0];
	_ =	sdelay $0x3  }
0x154: {  	v19 =	vperm.xlane v20, v2  }
0x155: {  	v21 =	vshll.u32 v18, $0x10  }
0x156: {  	v18 =	vand.u32 $0xFFFF0000, v18;
	v21 =	vmul.f32 v21, v19  }
0x157: {  	v18 =	vmul.f32 v18, v19  }
0x158: {  	[tilespmem:s29+$0xFFFFFF40] =	vst v21  }
0x159: {  	[tilespmem:s29+$0xFFFFFF50] =	vst v18  }
0x15a: {  	v18 =	vld [tilespmem:s24+$0xFFFFFFB0];
	_ =	sdelay $0x3  }
0x15b: {  	v19 =	vperm.xlane v20, v3  }
0x15c: {  	v21 =	vshll.u32 v18, $0x10  }
0x15d: {  	v18 =	vand.u32 $0xFFFF0000, v18;
	v21 =	vmul.f32 v21, v19  }
0x15e: {  	v18 =	vmul.f32 v18, v19  }
0x15f: {  	[tilespmem:s29+$0xFFFFFF60] =	vst v21  }
0x160: {  	[tilespmem:s29+$0xFFFFFF70] =	vst v18  }
0x161: {  	v18 =	vld [tilespmem:s24+$0xFFFFFFC0];
	_ =	sdelay $0x3  }
0x162: {  	v19 =	vperm.xlane v20, v4  }
0x163: {  	v21 =	vshll.u32 v18, $0x10  }
0x164: {  	v18 =	vand.u32 $0xFFFF0000, v18;
	v21 =	vmul.f32 v21, v19  }
0x165: {  	v18 =	vmul.f32 v18, v19  }
0x166: {  	[tilespmem:s29+$0xFFFFFF80] =	vst v21  }
0x167: {  	[tilespmem:s29+$0xFFFFFF90] =	vst v18  }
0x168: {  	v18 =	vld [tilespmem:s24+$0xFFFFFFD0];
	_ =	sdelay $0x3  }
0x169: {  	v19 =	vperm.xlane v20, v5  }
0x16a: {  	v21 =	vshll.u32 v18, $0x10  }
0x16b: {  	v18 =	vand.u32 $0xFFFF0000, v18;
	v21 =	vmul.f32 v21, v19  }
0x16c: {  	v18 =	vmul.f32 v18, v19  }
0x16d: {  	[tilespmem:s29+$0xFFFFFFA0] =	vst v21  }
0x16e: {  	[tilespmem:s29+$0xFFFFFFB0] =	vst v18  }
0x16f: {  	v18 =	vld [tilespmem:s24+$0xFFFFFFE0];
	_ =	sdelay $0x3  }
0x170: {  	v19 =	vperm.xlane v20, v6  }
0x171: {  	v21 =	vshll.u32 v18, $0x10  }
0x172: {  	v18 =	vand.u32 $0xFFFF0000, v18;
	v21 =	vmul.f32 v21, v19  }
0x173: {  	v18 =	vmul.f32 v18, v19  }
0x174: {  	[tilespmem:s29+$0xFFFFFFC0] =	vst v21  }
0x175: {  	[tilespmem:s29+$0xFFFFFFD0] =	vst v18  }
0x176: {  	v18 =	vld [tilespmem:s24+$0xFFFFFFF0];
	_ =	sdelay $0x3  }
0x177: {  	v19 =	vperm.xlane v20, v7  }
0x178: {  	v21 =	vshll.u32 v18, $0x10  }
0x179: {  	v18 =	vand.u32 $0xFFFF0000, v18;
	v21 =	vmul.f32 v21, v19  }
0x17a: {  	v18 =	vmul.f32 v18, v19  }
0x17b: {  	[tilespmem:s29+$0xFFFFFFE0] =	vst v21  }
0x17c: {  	[tilespmem:s29+$0xFFFFFFF0] =	vst v18  }
0x17d: {  	v18 =	vld [tilespmem:s24+$0x0];
	_ =	sdelay $0x3  }
0x17e: {  	v19 =	vperm.xlane v20, v8  }
0x17f: {  	v21 =	vshll.u32 v18, $0x10  }
0x180: {  	v18 =	vand.u32 $0xFFFF0000, v18;
	v21 =	vmul.f32 v21, v19  }
0x181: {  	v18 =	vmul.f32 v18, v19  }
0x182: {  	[tilespmem:s29+$0x0] =	vst v21  }
0x183: {  	[tilespmem:s29+$0x10] =	vst v18  }
0x184: {  	v18 =	vld [tilespmem:s24+$0x10];
	_ =	sdelay $0x3  }
0x185: {  	v19 =	vperm.xlane v20, v9  }
0x186: {  	v21 =	vshll.u32 v18, $0x10  }
0x187: {  	v18 =	vand.u32 $0xFFFF0000, v18;
	v21 =	vmul.f32 v21, v19  }
0x188: {  	v18 =	vmul.f32 v18, v19  }
0x189: {  	[tilespmem:s29+$0x20] =	vst v21  }
0x18a: {  	[tilespmem:s29+$0x30] =	vst v18  }
0x18b: {  	v18 =	vld [tilespmem:s24+$0x20];
	_ =	sdelay $0x3  }
0x18c: {  	v19 =	vperm.xlane v20, v10  }
0x18d: {  	v21 =	vshll.u32 v18, $0x10  }
0x18e: {  	v18 =	vand.u32 $0xFFFF0000, v18;
	v21 =	vmul.f32 v21, v19  }
0x18f: {  	v18 =	vmul.f32 v18, v19  }
0x190: {  	[tilespmem:s29+$0x40] =	vst v21  }
0x191: {  	[tilespmem:s29+$0x50] =	vst v18  }
0x192: {  	v18 =	vld [tilespmem:s24+$0x30];
	_ =	sdelay $0x3  }
0x193: {  	v19 =	vperm.xlane v20, v11  }
0x194: {  	v21 =	vshll.u32 v18, $0x10  }
0x195: {  	v18 =	vand.u32 $0xFFFF0000, v18;
	v21 =	vmul.f32 v21, v19  }
0x196: {  	v18 =	vmul.f32 v18, v19  }
0x197: {  	[tilespmem:s29+$0x60] =	vst v21  }
0x198: {  	[tilespmem:s29+$0x70] =	vst v18  }
0x199: {  	v18 =	vld [tilespmem:s24+$0x40];
	_ =	sdelay $0x3  }
0x19a: {  	v19 =	vperm.xlane v20, v12  }
0x19b: {  	v21 =	vshll.u32 v18, $0x10  }
0x19c: {  	v18 =	vand.u32 $0xFFFF0000, v18;
	v21 =	vmul.f32 v21, v19  }
0x19d: {  	v18 =	vmul.f32 v18, v19  }
0x19e: {  	[tilespmem:s29+$0x80] =	vst v21  }
0x19f: {  	[tilespmem:s29+$0x90] =	vst v18  }
0x1a0: {  	v18 =	vld [tilespmem:s24+$0x50];
	_ =	sdelay $0x3  }
0x1a1: {  	v19 =	vperm.xlane v20, v13  }
0x1a2: {  	v21 =	vshll.u32 v18, $0x10  }
0x1a3: {  	v18 =	vand.u32 $0xFFFF0000, v18;
	v21 =	vmul.f32 v21, v19  }
0x1a4: {  	v18 =	vmul.f32 v18, v19  }
0x1a5: {  	[tilespmem:s29+$0xA0] =	vst v21  }
0x1a6: {  	s28 =	simm.s32 $0x40;
	[tilespmem:s29+$0xB0] =	vst v18  }
0x1a7: {  	s30 =	simm.s32 $0x15000;
	s23 =	sor.u32 $0x1, s23;
	s26 =	simm.s32 $0xFF80;
	v19 =	vperm.xlane v20, v14;
	v18 =	vperm.xlane v20, v15;
	v20 =	vld [tilespmem:s24+$0x60]  }
.LBB2_5:
0x1a8: {  	_ = 	snop  }
0x1a9: {  	p0 =	sne.s32 s28, $0x3C0;
	s24 =	sadd.s32 $0x100, s24;
	s29 =	sadd.s32 $0x200, s29  }
0x1aa: {  	s1 =	smov.u32 s28;
	s28 =	sadd.s32 $0x40, s28;
	_ =	sdelay $0x1  }
0x1ab: {  	v21 =	vshll.u32 v20, $0x10;
	v20 =	vand.u32 $0xFFFF0000, v20  }
0x1ac: {  	v21 =	vmul.f32 v21, v19;
	v19 =	vmul.f32 v20, v19;
	_ =	sdelay $0x1  }
0x1ad: {  	[tilespmem:s30+$0xC0] =	vst v21  }
0x1ae: {  	[tilespmem:s30+$0xD0] =	vst v19  }
0x1af: {  	v19 =	vld [tilespmem:s26+$0x70];
	s26 =	smov.u32 s24;
	_ =	sdelay $0x4  }
0x1b0: {  	v20 =	vshll.u32 v19, $0x10;
	v19 =	vand.u32 $0xFFFF0000, v19  }
0x1b1: {  	v20 =	vmul.f32 v20, v18;
	v18 =	vmul.f32 v19, v18;
	_ =	sdelay $0x1  }
0x1b2: {  	[tilespmem:s30+$0xE0] =	vst v20  }
0x1b3: {  	s1 =	sshra.s32 s1, $0x2;
	[tilespmem:s30+$0xF0] =	vst v18;
	s30 =	smov.u32 s29  }
0x1b4: {  	v18 =	vld.idx.msk [tilespmem:v16+s1+$0x0 ss:$0x1], $0xffff  }
0x1b5: {  	v19 =	vld.idx.msk [tilespmem:v17+s1+$0x0 ss:$0x1], $0xffff;
	_ =	sdelay $0x6  }
0x1b6: {  	v18 =	vld.idx.msk [tilespmem:v18+s15+$0x0], $0xffff  }
0x1b7: {  	v19 =	vld.idx.msk [tilespmem:v19+s3+$0x0], $0xffff;
	_ =	sdelay $0x5  }
0x1b8: {  	v18 =	vadd.f32 v18, v19;
	_ =	sdelay $0x1  }
0x1b9: {  	vm0 =	vge.f32 v18, $0.0e+00;
	v19 =	vmul.f32 $2.000000030e-01, v18;
	_ =	sdelay $0x1  }
0x1ba: {  	v18 =	vsel vm0, v18, v19  }
0x1bb: {  	v18 =	vmul.f32 $1.442695020e+00, v18;
	_ =	sdelay $0x1  }
0x1bc: {  	(erf) = vpow2.f32 v18;
	_ =	sdelay $0x4  }
0x1bd: {  	v19 =	vld [tilespmem:s24+$0xFFFFFF80];
	_ =	sdelay $0x3  }
0x1be: {  	v18 =	vpop (erf)  }
0x1bf: {  	v20 =	vperm.xlane v18, v0;
	v21 =	vshll.u32 v19, $0x10;
	v19 =	vand.u32 $0xFFFF0000, v19;
	_ =	sdelay $0x1  }
0x1c0: {  	v21 =	vmul.f32 v21, v20;
	v19 =	vmul.f32 v19, v20;
	_ =	sdelay $0x1  }
0x1c1: {  	[tilespmem:s29+$0xFFFFFF00] =	vst v21  }
0x1c2: {  	[tilespmem:s29+$0xFFFFFF10] =	vst v19  }
0x1c3: {  	v19 =	vld [tilespmem:s24+$0xFFFFFF90];
	_ =	sdelay $0x1  }
0x1c4: {  	v20 =	vperm.xlane v18, v1;
	_ =	sdelay $0x2  }
0x1c5: {  	v21 =	vshll.u32 v19, $0x10;
	v19 =	vand.u32 $0xFFFF0000, v19  }
0x1c6: {  	v21 =	vmul.f32 v21, v20;
	v19 =	vmul.f32 v19, v20;
	_ =	sdelay $0x1  }
0x1c7: {  	[tilespmem:s29+$0xFFFFFF20] =	vst v21  }
0x1c8: {  	[tilespmem:s29+$0xFFFFFF30] =	vst v19  }
0x1c9: {  	v19 =	vld [tilespmem:s24+$0xFFFFFFA0]  }
0x1ca: {  	v20 =	vperm.xlane v18, v2;
	_ =	sdelay $0x3  }
0x1cb: {  	v21 =	vshll.u32 v19, $0x10;
	v19 =	vand.u32 $0xFFFF0000, v19  }
0x1cc: {  	v21 =	vmul.f32 v21, v20;
	v19 =	vmul.f32 v19, v20;
	_ =	sdelay $0x1  }
0x1cd: {  	[tilespmem:s29+$0xFFFFFF40] =	vst v21  }
0x1ce: {  	[tilespmem:s29+$0xFFFFFF50] =	vst v19  }
0x1cf: {  	v19 =	vperm.xlane v18, v3;
	v20 =	vld [tilespmem:s24+$0xFFFFFFB0];
	_ =	sdelay $0x4  }
0x1d0: {  	v21 =	vshll.u32 v20, $0x10;
	v20 =	vand.u32 $0xFFFF0000, v20  }
0x1d1: {  	v21 =	vmul.f32 v21, v19;
	v19 =	vmul.f32 v20, v19;
	_ =	sdelay $0x1  }
0x1d2: {  	[tilespmem:s29+$0xFFFFFF60] =	vst v21  }
0x1d3: {  	[tilespmem:s29+$0xFFFFFF70] =	vst v19;
	v19 =	vperm.xlane v18, v4  }
0x1d4: {  	v20 =	vld [tilespmem:s24+$0xFFFFFFC0];
	_ =	sdelay $0x4  }
0x1d5: {  	v21 =	vshll.u32 v20, $0x10;
	v20 =	vand.u32 $0xFFFF0000, v20  }
0x1d6: {  	v21 =	vmul.f32 v21, v19;
	v19 =	vmul.f32 v20, v19;
	_ =	sdelay $0x1  }
0x1d7: {  	v20 =	vperm.xlane v18, v5;
	[tilespmem:s29+$0xFFFFFF80] =	vst v21  }
0x1d8: {  	[tilespmem:s29+$0xFFFFFF90] =	vst v19  }
0x1d9: {  	v19 =	vld [tilespmem:s24+$0xFFFFFFD0];
	_ =	sdelay $0x4  }
0x1da: {  	v21 =	vshll.u32 v19, $0x10;
	v19 =	vand.u32 $0xFFFF0000, v19  }
0x1db: {  	v21 =	vmul.f32 v21, v20;
	v19 =	vmul.f32 v19, v20  }
0x1dc: {  	v20 =	vperm.xlane v18, v6  }
0x1dd: {  	[tilespmem:s29+$0xFFFFFFA0] =	vst v21  }
0x1de: {  	[tilespmem:s29+$0xFFFFFFB0] =	vst v19  }
0x1df: {  	v19 =	vld [tilespmem:s24+$0xFFFFFFE0];
	_ =	sdelay $0x4  }
0x1e0: {  	v22 =	vperm.xlane v18, v7;
	v21 =	vshll.u32 v19, $0x10;
	v19 =	vand.u32 $0xFFFF0000, v19  }
0x1e1: {  	v21 =	vmul.f32 v21, v20;
	v19 =	vmul.f32 v19, v20;
	_ =	sdelay $0x1  }
0x1e2: {  	[tilespmem:s29+$0xFFFFFFC0] =	vst v21  }
0x1e3: {  	[tilespmem:s29+$0xFFFFFFD0] =	vst v19  }
0x1e4: {  	v19 =	vld [tilespmem:s24+$0xFFFFFFF0];
	_ =	sdelay $0x4  }
0x1e5: {  	v21 =	vperm.xlane v18, v8;
	v20 =	vshll.u32 v19, $0x10;
	v19 =	vand.u32 $0xFFFF0000, v19  }
0x1e6: {  	v20 =	vmul.f32 v20, v22;
	v19 =	vmul.f32 v19, v22;
	_ =	sdelay $0x1  }
0x1e7: {  	[tilespmem:s29+$0xFFFFFFE0] =	vst v20  }
0x1e8: {  	[tilespmem:s29+$0xFFFFFFF0] =	vst v19  }
0x1e9: {  	v19 =	vld [tilespmem:s24+$0x0];
	_ =	sdelay $0x3  }
0x1ea: {  	v20 =	vperm.xlane v18, v9  }
0x1eb: {  	v22 =	vshll.u32 v19, $0x10;
	v19 =	vand.u32 $0xFFFF0000, v19  }
0x1ec: {  	v22 =	vmul.f32 v22, v21;
	v19 =	vmul.f32 v19, v21;
	_ =	sdelay $0x1  }
0x1ed: {  	[tilespmem:s29+$0x0] =	vst v22  }
0x1ee: {  	[tilespmem:s29+$0x10] =	vst v19  }
0x1ef: {  	v19 =	vld [tilespmem:s24+$0x10];
	_ =	sdelay $0x2  }
0x1f0: {  	v21 =	vperm.xlane v18, v10;
	_ =	sdelay $0x1  }
0x1f1: {  	v22 =	vshll.u32 v19, $0x10;
	v19 =	vand.u32 $0xFFFF0000, v19  }
0x1f2: {  	v22 =	vmul.f32 v22, v20;
	v19 =	vmul.f32 v19, v20;
	_ =	sdelay $0x1  }
0x1f3: {  	[tilespmem:s29+$0x20] =	vst v22  }
0x1f4: {  	[tilespmem:s29+$0x30] =	vst v19  }
0x1f5: {  	v19 =	vld [tilespmem:s24+$0x20];
	_ =	sdelay $0x1  }
0x1f6: {  	v20 =	vperm.xlane v18, v11;
	_ =	sdelay $0x2  }
0x1f7: {  	v22 =	vshll.u32 v19, $0x10;
	v19 =	vand.u32 $0xFFFF0000, v19  }
0x1f8: {  	v22 =	vmul.f32 v22, v21;
	v19 =	vmul.f32 v19, v21;
	_ =	sdelay $0x1  }
0x1f9: {  	[tilespmem:s29+$0x40] =	vst v22  }
0x1fa: {  	[tilespmem:s29+$0x50] =	vst v19  }
0x1fb: {  	v19 =	vld [tilespmem:s24+$0x30]  }
0x1fc: {  	v21 =	vperm.xlane v18, v12;
	_ =	sdelay $0x3  }
0x1fd: {  	v22 =	vshll.u32 v19, $0x10;
	v19 =	vand.u32 $0xFFFF0000, v19  }
0x1fe: {  	v22 =	vmul.f32 v22, v20;
	v19 =	vmul.f32 v19, v20;
	_ =	sdelay $0x1  }
0x1ff: {  	[tilespmem:s29+$0x60] =	vst v22  }
0x200: {  	[tilespmem:s29+$0x70] =	vst v19  }
0x201: {  	v20 =	vperm.xlane v18, v13;
	v19 =	vld [tilespmem:s24+$0x40];
	_ =	sdelay $0x4  }
0x202: {  	v22 =	vshll.u32 v19, $0x10;
	v19 =	vand.u32 $0xFFFF0000, v19  }
0x203: {  	v22 =	vmul.f32 v22, v21;
	v19 =	vmul.f32 v19, v21;
	_ =	sdelay $0x1  }
0x204: {  	[tilespmem:s29+$0x80] =	vst v22  }
0x205: {  	[tilespmem:s29+$0x90] =	vst v19;
	v19 =	vperm.xlane v18, v14  }
0x206: {  	v21 =	vld [tilespmem:s24+$0x50];
	_ =	sdelay $0x4  }
0x207: {  	v22 =	vshll.u32 v21, $0x10;
	v21 =	vand.u32 $0xFFFF0000, v21  }
.Ltmp1:
0x208: {  	v22 =	vmul.f32 v22, v20;
	v20 =	vmul.f32 v21, v20;
	(pc) =	sbr.rel @p0 .LBB2_5-.Ltmp1, $4  }
0x209: {  	_ = 	snop  }
0x20a: {  	v18 =	vperm.xlane v18, v15;
	[tilespmem:s29+$0xA0] =	vst v22  }
0x20b: {  	[tilespmem:s29+$0xB0] =	vst v20  }
0x20c: {  	v20 =	vld [tilespmem:s24+$0x60]  }
0x20d: {  	_ =	sdelay $0x3  }
0x20e: {  	v16 =	vshll.u32 v20, $0x10  }
0x20f: {  	v17 =	vand.u32 $0xFFFF0000, v20;
	v16 =	vmul.f32 v16, v19  }
0x210: {  	v17 =	vmul.f32 v17, v19  }
0x211: {  	[tilespmem:s30+$0xC0] =	vst v16  }
0x212: {  	[tilespmem:s30+$0xD0] =	vst v17  }
0x213: {  	v16 =	vld [tilespmem:s26+$0x70];
	_ =	sdelay $0x4  }
0x214: {  	v17 =	vshll.u32 v16, $0x10  }
0x215: {  	v16 =	vand.u32 $0xFFFF0000, v16;
	v17 =	vmul.f32 v17, v18  }
0x216: {  	s1 =	sshll.u32 s23, $0x8;
	v16 =	vmul.f32 v16, v18  }
0x217: {  	s1 =	sand.u32 $0x3FFFFF00, s1;
	[tilespmem:s30+$0xE0] =	vst v17  }
0x218: {  	p0 =	seq.s32 s8, $0x13;
	s24 =	sadd.s32 $0x9F00, s1;
	[tilespmem:s30+$0xF0] =	vst v16;
	s30 =	simm.s32 $0x14F00  }
0x219: {  	[spmem:s2] =	stream.indirect.scatter.add.f32 [tilespmem:s30], [sflag:$0x6], $0x20, s24, s16, $0xb8;
	[tilespmem:$0x1BE00] =	vst v63  }
0x21a: {  	s14 =	sshrl.u32 @!p0 s14, $0x2;
	s1 =	sadd.s32 $0x9F80, s1  }
0x21b: {  	[spmem:s2] =	stream.indirect.scatter.add.f32 [tilespmem:s0], [sflag:$0x6], $0x20, s1, s16, $0xb8;
	[tilespmem:$0x1BE00] =	vst v63  }
0x21c: {  	s23 =	simm.s32 @!p0 $0x80;
	s24 =	simm.s32 @!p0 $0xEF00;
	s1 =	sadd.s32 @!p0 $0x5300, s14  }
0x21d: {  	[tilespmem:s24], [sflag:$0x1] =	stream.indirect.gather @!p0 [hbm4b:s6+s23], $0x10, s1, s23, $0xb8;
	[tilespmem:$0x1BE00] =	vst v63  }
0x21e: {  	s1 =	sadd.s32 @!p0 $0x5380, s14;
	s24 =	simm.s32 @!p0 $0xF700  }
0x21f: {  	[tilespmem:s24], [sflag:$0x1] =	stream.indirect.gather @!p0 [hbm4b:s6+s23], $0x10, s1, s23, $0xb8;
	[tilespmem:$0x1BE00] =	vst v63  }
0x220: {  	_ =	swait.ge [sflag:s17], $0x800  }
0x221: {  	[sflag:s17] =	ssyncset.done $0x0  }
0x222: {  	[sflag:s17] =	ssyncadd.s32 $0xFFFFF800  }
0x223: {  	_ =	swait.ge [sflag:s17], $0x800  }
0x224: {  	[sflag:s17] =	ssyncset.done $0x0  }
0x225: {  	[sflag:s17] =	ssyncadd.s32 $0xFFFFF800  }
0x226: {  	_ =	swait.ge [sflag:s18], $0x1000  }
0x227: {  	v16 =	vmov s10;
	[sflag:s18] =	ssyncset.done $0x0  }
0x228: {  	v17 =	vmov s9;
	[sflag:s18] =	ssyncadd.s32 $0xFFFFF000  }
0x229: {  	_ =	swait.ge [sflag:s18], $0x1000  }
0x22a: {  	[sflag:s18] =	ssyncset.done $0x0  }
0x22b: {  	s26 =	simm.s32 $0x0;
	[sflag:s18] =	ssyncadd.s32 $0xFFFFF000  }
0x22c: {  	v18 =	vld.idx.msk [tilespmem:v16+s26+$0x0 ss:$0x1], $0xffff  }
0x22d: {  	v19 =	vld.idx.msk [tilespmem:v17+s26+$0x0 ss:$0x1], $0xffff;
	_ =	sdelay $0x6  }
0x22e: {  	v18 =	vld.idx.msk [tilespmem:v18+s15+$0x0], $0xffff  }
0x22f: {  	v19 =	vld.idx.msk [tilespmem:v19+s3+$0x0], $0xffff;
	_ =	sdelay $0x4  }
0x230: {  	v18 =	vadd.f32 v18, v19;
	_ =	sdelay $0x1  }
0x231: {  	v19 =	vmul.f32 $2.000000030e-01, v18  }
0x232: {  	vm0 =	vge.f32 v18, $0.0e+00  }
0x233: {  	v18 =	vsel vm0, v18, v19  }
0x234: {  	v18 =	vmul.f32 $1.442695020e+00, v18;
	_ =	sdelay $0x1  }
0x235: {  	(erf) = vpow2.f32 v18;
	_ =	sdelay $0x4  }
0x236: {  	s23 =	simm.s32 $0x10F80  }
0x237: {  	v18 =	vld [tilespmem:s23+$0xFFFFFF80];
	_ =	sdelay $0x2  }
0x238: {  	v20 =	vpop (erf)  }
0x239: {  	v19 =	vperm.xlane v20, v0  }
0x23a: {  	v21 =	vshll.u32 v18, $0x10  }
0x23b: {  	v18 =	vand.u32 $0xFFFF0000, v18;
	v21 =	vmul.f32 v21, v19  }
0x23c: {  	s24 =	simm.s32 $0x13000;
	v18 =	vmul.f32 v18, v19  }
0x23d: {  	[tilespmem:s24+$0xFFFFFF00] =	vst v21  }
0x23e: {  	[tilespmem:s24+$0xFFFFFF10] =	vst v18  }
0x23f: {  	v18 =	vld [tilespmem:s23+$0xFFFFFF90];
	_ =	sdelay $0x3  }
0x240: {  	v19 =	vperm.xlane v20, v1  }
0x241: {  	v21 =	vshll.u32 v18, $0x10  }
0x242: {  	v18 =	vand.u32 $0xFFFF0000, v18;
	v21 =	vmul.f32 v21, v19  }
0x243: {  	v18 =	vmul.f32 v18, v19  }
0x244: {  	[tilespmem:s24+$0xFFFFFF20] =	vst v21  }
0x245: {  	[tilespmem:s24+$0xFFFFFF30] =	vst v18  }
0x246: {  	v18 =	vld [tilespmem:s23+$0xFFFFFFA0];
	_ =	sdelay $0x3  }
0x247: {  	v19 =	vperm.xlane v20, v2  }
0x248: {  	v21 =	vshll.u32 v18, $0x10  }
0x249: {  	v18 =	vand.u32 $0xFFFF0000, v18;
	v21 =	vmul.f32 v21, v19  }
0x24a: {  	v18 =	vmul.f32 v18, v19  }
0x24b: {  	[tilespmem:s24+$0xFFFFFF40] =	vst v21  }
0x24c: {  	[tilespmem:s24+$0xFFFFFF50] =	vst v18  }
0x24d: {  	v18 =	vld [tilespmem:s23+$0xFFFFFFB0];
	_ =	sdelay $0x3  }
0x24e: {  	v19 =	vperm.xlane v20, v3  }
0x24f: {  	v21 =	vshll.u32 v18, $0x10  }
0x250: {  	v18 =	vand.u32 $0xFFFF0000, v18;
	v21 =	vmul.f32 v21, v19  }
0x251: {  	v18 =	vmul.f32 v18, v19  }
0x252: {  	[tilespmem:s24+$0xFFFFFF60] =	vst v21  }
0x253: {  	[tilespmem:s24+$0xFFFFFF70] =	vst v18  }
0x254: {  	v18 =	vld [tilespmem:s23+$0xFFFFFFC0];
	_ =	sdelay $0x3  }
0x255: {  	v19 =	vperm.xlane v20, v4  }
0x256: {  	v21 =	vshll.u32 v18, $0x10  }
0x257: {  	v18 =	vand.u32 $0xFFFF0000, v18;
	v21 =	vmul.f32 v21, v19  }
0x258: {  	v18 =	vmul.f32 v18, v19  }
0x259: {  	[tilespmem:s24+$0xFFFFFF80] =	vst v21  }
0x25a: {  	[tilespmem:s24+$0xFFFFFF90] =	vst v18  }
0x25b: {  	v18 =	vld [tilespmem:s23+$0xFFFFFFD0];
	_ =	sdelay $0x3  }
0x25c: {  	v19 =	vperm.xlane v20, v5  }
0x25d: {  	v21 =	vshll.u32 v18, $0x10  }
0x25e: {  	v18 =	vand.u32 $0xFFFF0000, v18;
	v21 =	vmul.f32 v21, v19  }
0x25f: {  	v18 =	vmul.f32 v18, v19  }
0x260: {  	[tilespmem:s24+$0xFFFFFFA0] =	vst v21  }
0x261: {  	[tilespmem:s24+$0xFFFFFFB0] =	vst v18  }
0x262: {  	v18 =	vld [tilespmem:s23+$0xFFFFFFE0];
	_ =	sdelay $0x3  }
0x263: {  	v19 =	vperm.xlane v20, v6  }
0x264: {  	v21 =	vshll.u32 v18, $0x10  }
0x265: {  	v18 =	vand.u32 $0xFFFF0000, v18;
	v21 =	vmul.f32 v21, v19  }
0x266: {  	v18 =	vmul.f32 v18, v19  }
0x267: {  	[tilespmem:s24+$0xFFFFFFC0] =	vst v21  }
0x268: {  	[tilespmem:s24+$0xFFFFFFD0] =	vst v18  }
0x269: {  	v18 =	vld [tilespmem:s23+$0xFFFFFFF0];
	_ =	sdelay $0x3  }
0x26a: {  	v19 =	vperm.xlane v20, v7  }
0x26b: {  	v21 =	vshll.u32 v18, $0x10  }
0x26c: {  	v18 =	vand.u32 $0xFFFF0000, v18;
	v21 =	vmul.f32 v21, v19  }
0x26d: {  	v18 =	vmul.f32 v18, v19  }
0x26e: {  	[tilespmem:s24+$0xFFFFFFE0] =	vst v21  }
0x26f: {  	[tilespmem:s24+$0xFFFFFFF0] =	vst v18  }
0x270: {  	v18 =	vld [tilespmem:s23+$0x0];
	_ =	sdelay $0x3  }
0x271: {  	v19 =	vperm.xlane v20, v8  }
0x272: {  	v21 =	vshll.u32 v18, $0x10  }
0x273: {  	v18 =	vand.u32 $0xFFFF0000, v18;
	v21 =	vmul.f32 v21, v19  }
0x274: {  	v18 =	vmul.f32 v18, v19  }
0x275: {  	[tilespmem:s24+$0x0] =	vst v21  }
0x276: {  	[tilespmem:s24+$0x10] =	vst v18  }
0x277: {  	v18 =	vld [tilespmem:s23+$0x10];
	_ =	sdelay $0x3  }
0x278: {  	v19 =	vperm.xlane v20, v9  }
0x279: {  	v21 =	vshll.u32 v18, $0x10  }
0x27a: {  	v18 =	vand.u32 $0xFFFF0000, v18;
	v21 =	vmul.f32 v21, v19  }
0x27b: {  	v18 =	vmul.f32 v18, v19  }
0x27c: {  	[tilespmem:s24+$0x20] =	vst v21  }
0x27d: {  	[tilespmem:s24+$0x30] =	vst v18  }
0x27e: {  	v18 =	vld [tilespmem:s23+$0x20];
	_ =	sdelay $0x3  }
0x27f: {  	v19 =	vperm.xlane v20, v10  }
0x280: {  	v21 =	vshll.u32 v18, $0x10  }
0x281: {  	v18 =	vand.u32 $0xFFFF0000, v18;
	v21 =	vmul.f32 v21, v19  }
0x282: {  	v18 =	vmul.f32 v18, v19  }
0x283: {  	[tilespmem:s24+$0x40] =	vst v21  }
0x284: {  	[tilespmem:s24+$0x50] =	vst v18  }
0x285: {  	v18 =	vld [tilespmem:s23+$0x30];
	_ =	sdelay $0x3  }
0x286: {  	v19 =	vperm.xlane v20, v11  }
0x287: {  	v21 =	vshll.u32 v18, $0x10  }
0x288: {  	v18 =	vand.u32 $0xFFFF0000, v18;
	v21 =	vmul.f32 v21, v19  }
0x289: {  	v18 =	vmul.f32 v18, v19  }
0x28a: {  	[tilespmem:s24+$0x60] =	vst v21  }
0x28b: {  	[tilespmem:s24+$0x70] =	vst v18  }
0x28c: {  	v18 =	vld [tilespmem:s23+$0x40];
	_ =	sdelay $0x3  }
0x28d: {  	v19 =	vperm.xlane v20, v12  }
0x28e: {  	v21 =	vshll.u32 v18, $0x10  }
0x28f: {  	v18 =	vand.u32 $0xFFFF0000, v18;
	v21 =	vmul.f32 v21, v19  }
0x290: {  	v18 =	vmul.f32 v18, v19  }
0x291: {  	[tilespmem:s24+$0x80] =	vst v21  }
0x292: {  	[tilespmem:s24+$0x90] =	vst v18  }
0x293: {  	v18 =	vld [tilespmem:s23+$0x50];
	_ =	sdelay $0x3  }
0x294: {  	v19 =	vperm.xlane v20, v13  }
0x295: {  	v21 =	vshll.u32 v18, $0x10  }
0x296: {  	v18 =	vand.u32 $0xFFFF0000, v18;
	v21 =	vmul.f32 v21, v19  }
0x297: {  	v18 =	vmul.f32 v18, v19  }
0x298: {  	[tilespmem:s24+$0xA0] =	vst v21  }
0x299: {  	[tilespmem:s24+$0xB0] =	vst v18  }
0x29a: {  	s28 =	simm.s32 $0x40;
	s29 =	simm.s32 $0x13000;
	s26 =	simm.s32 $0x10F80;
	v19 =	vperm.xlane v20, v14;
	v18 =	vperm.xlane v20, v15;
	v20 =	vld [tilespmem:s23+$0x60]  }
.LBB2_7:
0x29b: {  	_ = 	snop  }
0x29c: {  	p1 =	sne.s32 s28, $0x3C0;
	s23 =	sadd.s32 $0x100, s23;
	s24 =	sadd.s32 $0x200, s24  }
0x29d: {  	s1 =	smov.u32 s28;
	s28 =	sadd.s32 $0x40, s28;
	_ =	sdelay $0x1  }
0x29e: {  	v21 =	vshll.u32 v20, $0x10;
	v20 =	vand.u32 $0xFFFF0000, v20  }
0x29f: {  	v21 =	vmul.f32 v21, v19;
	v19 =	vmul.f32 v20, v19;
	_ =	sdelay $0x1  }
0x2a0: {  	[tilespmem:s29+$0xC0] =	vst v21  }
0x2a1: {  	[tilespmem:s29+$0xD0] =	vst v19  }
0x2a2: {  	v19 =	vld [tilespmem:s26+$0x70];
	s26 =	smov.u32 s23;
	_ =	sdelay $0x4  }
0x2a3: {  	v20 =	vshll.u32 v19, $0x10;
	v19 =	vand.u32 $0xFFFF0000, v19  }
0x2a4: {  	v20 =	vmul.f32 v20, v18;
	v18 =	vmul.f32 v19, v18;
	_ =	sdelay $0x1  }
0x2a5: {  	[tilespmem:s29+$0xE0] =	vst v20  }
0x2a6: {  	s1 =	sshra.s32 s1, $0x2;
	[tilespmem:s29+$0xF0] =	vst v18;
	s29 =	smov.u32 s24  }
0x2a7: {  	v18 =	vld.idx.msk [tilespmem:v16+s1+$0x0 ss:$0x1], $0xffff  }
0x2a8: {  	v19 =	vld.idx.msk [tilespmem:v17+s1+$0x0 ss:$0x1], $0xffff;
	_ =	sdelay $0x6  }
0x2a9: {  	v18 =	vld.idx.msk [tilespmem:v18+s15+$0x0], $0xffff  }
0x2aa: {  	v19 =	vld.idx.msk [tilespmem:v19+s3+$0x0], $0xffff;
	_ =	sdelay $0x5  }
0x2ab: {  	v18 =	vadd.f32 v18, v19;
	_ =	sdelay $0x1  }
0x2ac: {  	vm0 =	vge.f32 v18, $0.0e+00;
	v19 =	vmul.f32 $2.000000030e-01, v18;
	_ =	sdelay $0x1  }
0x2ad: {  	v18 =	vsel vm0, v18, v19  }
0x2ae: {  	v18 =	vmul.f32 $1.442695020e+00, v18;
	_ =	sdelay $0x1  }
0x2af: {  	(erf) = vpow2.f32 v18;
	_ =	sdelay $0x4  }
0x2b0: {  	v19 =	vld [tilespmem:s23+$0xFFFFFF80];
	_ =	sdelay $0x3  }
0x2b1: {  	v18 =	vpop (erf)  }
0x2b2: {  	v20 =	vperm.xlane v18, v0;
	v21 =	vshll.u32 v19, $0x10;
	v19 =	vand.u32 $0xFFFF0000, v19;
	_ =	sdelay $0x1  }
0x2b3: {  	v21 =	vmul.f32 v21, v20;
	v19 =	vmul.f32 v19, v20;
	_ =	sdelay $0x1  }
0x2b4: {  	[tilespmem:s24+$0xFFFFFF00] =	vst v21  }
0x2b5: {  	[tilespmem:s24+$0xFFFFFF10] =	vst v19  }
0x2b6: {  	v19 =	vld [tilespmem:s23+$0xFFFFFF90];
	_ =	sdelay $0x1  }
0x2b7: {  	v20 =	vperm.xlane v18, v1;
	_ =	sdelay $0x2  }
0x2b8: {  	v21 =	vshll.u32 v19, $0x10;
	v19 =	vand.u32 $0xFFFF0000, v19  }
0x2b9: {  	v21 =	vmul.f32 v21, v20;
	v19 =	vmul.f32 v19, v20;
	_ =	sdelay $0x1  }
0x2ba: {  	[tilespmem:s24+$0xFFFFFF20] =	vst v21  }
0x2bb: {  	[tilespmem:s24+$0xFFFFFF30] =	vst v19  }
0x2bc: {  	v19 =	vld [tilespmem:s23+$0xFFFFFFA0]  }
0x2bd: {  	v20 =	vperm.xlane v18, v2;
	_ =	sdelay $0x3  }
0x2be: {  	v21 =	vshll.u32 v19, $0x10;
	v19 =	vand.u32 $0xFFFF0000, v19  }
0x2bf: {  	v21 =	vmul.f32 v21, v20;
	v19 =	vmul.f32 v19, v20;
	_ =	sdelay $0x1  }
0x2c0: {  	[tilespmem:s24+$0xFFFFFF40] =	vst v21  }
0x2c1: {  	[tilespmem:s24+$0xFFFFFF50] =	vst v19  }
0x2c2: {  	v19 =	vperm.xlane v18, v3;
	v20 =	vld [tilespmem:s23+$0xFFFFFFB0];
	_ =	sdelay $0x4  }
0x2c3: {  	v21 =	vshll.u32 v20, $0x10;
	v20 =	vand.u32 $0xFFFF0000, v20  }
0x2c4: {  	v21 =	vmul.f32 v21, v19;
	v19 =	vmul.f32 v20, v19;
	_ =	sdelay $0x1  }
0x2c5: {  	[tilespmem:s24+$0xFFFFFF60] =	vst v21  }
0x2c6: {  	[tilespmem:s24+$0xFFFFFF70] =	vst v19;
	v19 =	vperm.xlane v18, v4  }
0x2c7: {  	v20 =	vld [tilespmem:s23+$0xFFFFFFC0];
	_ =	sdelay $0x4  }
0x2c8: {  	v21 =	vshll.u32 v20, $0x10;
	v20 =	vand.u32 $0xFFFF0000, v20  }
0x2c9: {  	v21 =	vmul.f32 v21, v19;
	v19 =	vmul.f32 v20, v19;
	_ =	sdelay $0x1  }
0x2ca: {  	v20 =	vperm.xlane v18, v5;
	[tilespmem:s24+$0xFFFFFF80] =	vst v21  }
0x2cb: {  	[tilespmem:s24+$0xFFFFFF90] =	vst v19  }
0x2cc: {  	v19 =	vld [tilespmem:s23+$0xFFFFFFD0];
	_ =	sdelay $0x4  }
0x2cd: {  	v21 =	vshll.u32 v19, $0x10;
	v19 =	vand.u32 $0xFFFF0000, v19  }
0x2ce: {  	v21 =	vmul.f32 v21, v20;
	v19 =	vmul.f32 v19, v20  }
0x2cf: {  	v20 =	vperm.xlane v18, v6  }
0x2d0: {  	[tilespmem:s24+$0xFFFFFFA0] =	vst v21  }
0x2d1: {  	[tilespmem:s24+$0xFFFFFFB0] =	vst v19  }
0x2d2: {  	v19 =	vld [tilespmem:s23+$0xFFFFFFE0];
	_ =	sdelay $0x4  }
0x2d3: {  	v22 =	vperm.xlane v18, v7;
	v21 =	vshll.u32 v19, $0x10;
	v19 =	vand.u32 $0xFFFF0000, v19  }
0x2d4: {  	v21 =	vmul.f32 v21, v20;
	v19 =	vmul.f32 v19, v20;
	_ =	sdelay $0x1  }
0x2d5: {  	[tilespmem:s24+$0xFFFFFFC0] =	vst v21  }
0x2d6: {  	[tilespmem:s24+$0xFFFFFFD0] =	vst v19  }
0x2d7: {  	v19 =	vld [tilespmem:s23+$0xFFFFFFF0];
	_ =	sdelay $0x4  }
0x2d8: {  	v21 =	vperm.xlane v18, v8;
	v20 =	vshll.u32 v19, $0x10;
	v19 =	vand.u32 $0xFFFF0000, v19  }
0x2d9: {  	v20 =	vmul.f32 v20, v22;
	v19 =	vmul.f32 v19, v22;
	_ =	sdelay $0x1  }
0x2da: {  	[tilespmem:s24+$0xFFFFFFE0] =	vst v20  }
0x2db: {  	[tilespmem:s24+$0xFFFFFFF0] =	vst v19  }
0x2dc: {  	v19 =	vld [tilespmem:s23+$0x0];
	_ =	sdelay $0x3  }
0x2dd: {  	v20 =	vperm.xlane v18, v9  }
0x2de: {  	v22 =	vshll.u32 v19, $0x10;
	v19 =	vand.u32 $0xFFFF0000, v19  }
0x2df: {  	v22 =	vmul.f32 v22, v21;
	v19 =	vmul.f32 v19, v21;
	_ =	sdelay $0x1  }
0x2e0: {  	[tilespmem:s24+$0x0] =	vst v22  }
0x2e1: {  	[tilespmem:s24+$0x10] =	vst v19  }
0x2e2: {  	v19 =	vld [tilespmem:s23+$0x10];
	_ =	sdelay $0x2  }
0x2e3: {  	v21 =	vperm.xlane v18, v10;
	_ =	sdelay $0x1  }
0x2e4: {  	v22 =	vshll.u32 v19, $0x10;
	v19 =	vand.u32 $0xFFFF0000, v19  }
0x2e5: {  	v22 =	vmul.f32 v22, v20;
	v19 =	vmul.f32 v19, v20;
	_ =	sdelay $0x1  }
0x2e6: {  	[tilespmem:s24+$0x20] =	vst v22  }
0x2e7: {  	[tilespmem:s24+$0x30] =	vst v19  }
0x2e8: {  	v19 =	vld [tilespmem:s23+$0x20];
	_ =	sdelay $0x1  }
0x2e9: {  	v20 =	vperm.xlane v18, v11;
	_ =	sdelay $0x2  }
0x2ea: {  	v22 =	vshll.u32 v19, $0x10;
	v19 =	vand.u32 $0xFFFF0000, v19  }
0x2eb: {  	v22 =	vmul.f32 v22, v21;
	v19 =	vmul.f32 v19, v21;
	_ =	sdelay $0x1  }
0x2ec: {  	[tilespmem:s24+$0x40] =	vst v22  }
0x2ed: {  	[tilespmem:s24+$0x50] =	vst v19  }
0x2ee: {  	v19 =	vld [tilespmem:s23+$0x30]  }
0x2ef: {  	v21 =	vperm.xlane v18, v12;
	_ =	sdelay $0x3  }
0x2f0: {  	v22 =	vshll.u32 v19, $0x10;
	v19 =	vand.u32 $0xFFFF0000, v19  }
0x2f1: {  	v22 =	vmul.f32 v22, v20;
	v19 =	vmul.f32 v19, v20;
	_ =	sdelay $0x1  }
0x2f2: {  	[tilespmem:s24+$0x60] =	vst v22  }
0x2f3: {  	[tilespmem:s24+$0x70] =	vst v19  }
0x2f4: {  	v20 =	vperm.xlane v18, v13;
	v19 =	vld [tilespmem:s23+$0x40];
	_ =	sdelay $0x4  }
0x2f5: {  	v22 =	vshll.u32 v19, $0x10;
	v19 =	vand.u32 $0xFFFF0000, v19  }
0x2f6: {  	v22 =	vmul.f32 v22, v21;
	v19 =	vmul.f32 v19, v21;
	_ =	sdelay $0x1  }
0x2f7: {  	[tilespmem:s24+$0x80] =	vst v22  }
0x2f8: {  	[tilespmem:s24+$0x90] =	vst v19;
	v19 =	vperm.xlane v18, v14  }
0x2f9: {  	v21 =	vld [tilespmem:s23+$0x50];
	_ =	sdelay $0x4  }
0x2fa: {  	v22 =	vshll.u32 v21, $0x10;
	v21 =	vand.u32 $0xFFFF0000, v21  }
.Ltmp2:
0x2fb: {  	v22 =	vmul.f32 v22, v20;
	v20 =	vmul.f32 v21, v20;
	(pc) =	sbr.rel @p1 .LBB2_7-.Ltmp2, $4  }
0x2fc: {  	_ = 	snop  }
0x2fd: {  	v18 =	vperm.xlane v18, v15;
	[tilespmem:s24+$0xA0] =	vst v22  }
0x2fe: {  	[tilespmem:s24+$0xB0] =	vst v20  }
0x2ff: {  	v20 =	vld [tilespmem:s23+$0x60]  }
0x300: {  	_ =	sdelay $0x3  }
0x301: {  	v16 =	vshll.u32 v20, $0x10  }
0x302: {  	v17 =	vand.u32 $0xFFFF0000, v20;
	v16 =	vmul.f32 v16, v19  }
0x303: {  	v17 =	vmul.f32 v17, v19  }
0x304: {  	[tilespmem:s29+$0xC0] =	vst v16  }
0x305: {  	[tilespmem:s29+$0xD0] =	vst v17  }
0x306: {  	v16 =	vld [tilespmem:s26+$0x70];
	_ =	sdelay $0x4  }
0x307: {  	v17 =	vshll.u32 v16, $0x10  }
0x308: {  	v16 =	vand.u32 $0xFFFF0000, v16;
	v17 =	vmul.f32 v17, v18  }
0x309: {  	v16 =	vmul.f32 v16, v18  }
0x30a: {  	s1 =	sshra.s32 s13, $0x2;
	[tilespmem:s29+$0xE0] =	vst v17  }
0x30b: {  	s23 =	simm.s32 $0x12F00;
	s13 =	sadd.s32 $0x9F00, s1;
	[tilespmem:s29+$0xF0] =	vst v16  }
0x30c: {  	[spmem:s2] =	stream.indirect.scatter.add.f32 [tilespmem:s23], [sflag:$0x5], $0x20, s13, s16, $0xb8;
	[tilespmem:$0x1BE00] =	vst v63  }
0x30d: {  	s28 =	simm.s32 $0x13F00;
	s1 =	sadd.s32 $0x9F80, s1  }
0x30e: {  	[spmem:s2] =	stream.indirect.scatter.add.f32 [tilespmem:s28], [sflag:$0x5], $0x20, s1, s16, $0xb8;
	[tilespmem:$0x1BE00] =	vst v63  }
0x30f: {  	s13 =	simm.s32 @!p0 $0x80;
	s23 =	simm.s32 @!p0 $0xFF00;
	s1 =	sadd.s32 @!p0 $0x5400, s14  }
0x310: {  	[tilespmem:s23], [sflag:$0x2] =	stream.indirect.gather @!p0 [hbm4b:s6+s13], $0x10, s1, s13, $0xb8;
	[tilespmem:$0x1BE00] =	vst v63  }
0x311: {  	s1 =	sadd.s32 @!p0 $0x5480, s14;
	s14 =	simm.s32 @!p0 $0x10700  }
0x312: {  	[tilespmem:s14], [sflag:$0x2] =	stream.indirect.gather @!p0 [hbm4b:s6+s13], $0x10, s1, s13, $0xb8;
	[tilespmem:$0x1BE00] =	vst v63  }
0x313: {  	_ =	swait.ge [sflag:s19], $0x800  }
0x314: {  	[sflag:s19] =	ssyncset.done $0x0  }
0x315: {  	[sflag:s19] =	ssyncadd.s32 $0xFFFFF800  }
0x316: {  	_ =	swait.ge [sflag:s19], $0x800  }
0x317: {  	[sflag:s19] =	ssyncset.done $0x0  }
0x318: {  	[sflag:s19] =	ssyncadd.s32 $0xFFFFF800  }
0x319: {  	_ =	swait.ge [sflag:s20], $0x1000  }
0x31a: {  	v16 =	vmov s12;
	[sflag:s20] =	ssyncset.done $0x0  }
0x31b: {  	v17 =	vmov s11;
	[sflag:s20] =	ssyncadd.s32 $0xFFFFF000  }
0x31c: {  	_ =	swait.ge [sflag:s20], $0x1000  }
0x31d: {  	[sflag:s20] =	ssyncset.done $0x0  }
0x31e: {  	s29 =	simm.s32 $0x0;
	[sflag:s20] =	ssyncadd.s32 $0xFFFFF000  }
0x31f: {  	v18 =	vld.idx.msk [tilespmem:v16+s29+$0x0 ss:$0x1], $0xffff  }
0x320: {  	v19 =	vld.idx.msk [tilespmem:v17+s29+$0x0 ss:$0x1], $0xffff;
	_ =	sdelay $0x6  }
0x321: {  	v18 =	vld.idx.msk [tilespmem:v18+s15+$0x0], $0xffff  }
0x322: {  	v19 =	vld.idx.msk [tilespmem:v19+s3+$0x0], $0xffff;
	_ =	sdelay $0x4  }
0x323: {  	v18 =	vadd.f32 v18, v19;
	_ =	sdelay $0x1  }
0x324: {  	v19 =	vmul.f32 $2.000000030e-01, v18  }
0x325: {  	vm0 =	vge.f32 v18, $0.0e+00  }
0x326: {  	v18 =	vsel vm0, v18, v19  }
0x327: {  	v18 =	vmul.f32 $1.442695020e+00, v18;
	_ =	sdelay $0x1  }
0x328: {  	(erf) = vpow2.f32 v18;
	_ =	sdelay $0x4  }
0x329: {  	s13 =	simm.s32 $0x11F80  }
0x32a: {  	v18 =	vld [tilespmem:s13+$0xFFFFFF80];
	_ =	sdelay $0x2  }
0x32b: {  	v20 =	vpop (erf)  }
0x32c: {  	v19 =	vperm.xlane v20, v0  }
0x32d: {  	v21 =	vshll.u32 v18, $0x10  }
0x32e: {  	v18 =	vand.u32 $0xFFFF0000, v18;
	v21 =	vmul.f32 v21, v19  }
0x32f: {  	s14 =	simm.s32 $0x15000;
	v18 =	vmul.f32 v18, v19  }
0x330: {  	[tilespmem:s14+$0xFFFFFF00] =	vst v21  }
0x331: {  	[tilespmem:s14+$0xFFFFFF10] =	vst v18  }
0x332: {  	v18 =	vld [tilespmem:s13+$0xFFFFFF90];
	_ =	sdelay $0x3  }
0x333: {  	v19 =	vperm.xlane v20, v1  }
0x334: {  	v21 =	vshll.u32 v18, $0x10  }
0x335: {  	v18 =	vand.u32 $0xFFFF0000, v18;
	v21 =	vmul.f32 v21, v19  }
0x336: {  	v18 =	vmul.f32 v18, v19  }
0x337: {  	[tilespmem:s14+$0xFFFFFF20] =	vst v21  }
0x338: {  	[tilespmem:s14+$0xFFFFFF30] =	vst v18  }
0x339: {  	v18 =	vld [tilespmem:s13+$0xFFFFFFA0];
	_ =	sdelay $0x3  }
0x33a: {  	v19 =	vperm.xlane v20, v2  }
0x33b: {  	v21 =	vshll.u32 v18, $0x10  }
0x33c: {  	v18 =	vand.u32 $0xFFFF0000, v18;
	v21 =	vmul.f32 v21, v19  }
0x33d: {  	v18 =	vmul.f32 v18, v19  }
0x33e: {  	[tilespmem:s14+$0xFFFFFF40] =	vst v21  }
0x33f: {  	[tilespmem:s14+$0xFFFFFF50] =	vst v18  }
0x340: {  	v18 =	vld [tilespmem:s13+$0xFFFFFFB0];
	_ =	sdelay $0x3  }
0x341: {  	v19 =	vperm.xlane v20, v3  }
0x342: {  	v21 =	vshll.u32 v18, $0x10  }
0x343: {  	v18 =	vand.u32 $0xFFFF0000, v18;
	v21 =	vmul.f32 v21, v19  }
0x344: {  	v18 =	vmul.f32 v18, v19  }
0x345: {  	[tilespmem:s14+$0xFFFFFF60] =	vst v21  }
0x346: {  	[tilespmem:s14+$0xFFFFFF70] =	vst v18  }
0x347: {  	v18 =	vld [tilespmem:s13+$0xFFFFFFC0];
	_ =	sdelay $0x3  }
0x348: {  	v19 =	vperm.xlane v20, v4  }
0x349: {  	v21 =	vshll.u32 v18, $0x10  }
0x34a: {  	v18 =	vand.u32 $0xFFFF0000, v18;
	v21 =	vmul.f32 v21, v19  }
0x34b: {  	v18 =	vmul.f32 v18, v19  }
0x34c: {  	[tilespmem:s14+$0xFFFFFF80] =	vst v21  }
0x34d: {  	[tilespmem:s14+$0xFFFFFF90] =	vst v18  }
0x34e: {  	v18 =	vld [tilespmem:s13+$0xFFFFFFD0];
	_ =	sdelay $0x3  }
0x34f: {  	v19 =	vperm.xlane v20, v5  }
0x350: {  	v21 =	vshll.u32 v18, $0x10  }
0x351: {  	v18 =	vand.u32 $0xFFFF0000, v18;
	v21 =	vmul.f32 v21, v19  }
0x352: {  	v18 =	vmul.f32 v18, v19  }
0x353: {  	[tilespmem:s14+$0xFFFFFFA0] =	vst v21  }
0x354: {  	[tilespmem:s14+$0xFFFFFFB0] =	vst v18  }
0x355: {  	v18 =	vld [tilespmem:s13+$0xFFFFFFE0];
	_ =	sdelay $0x3  }
0x356: {  	v19 =	vperm.xlane v20, v6  }
0x357: {  	v21 =	vshll.u32 v18, $0x10  }
0x358: {  	v18 =	vand.u32 $0xFFFF0000, v18;
	v21 =	vmul.f32 v21, v19  }
0x359: {  	v18 =	vmul.f32 v18, v19  }
0x35a: {  	[tilespmem:s14+$0xFFFFFFC0] =	vst v21  }
0x35b: {  	[tilespmem:s14+$0xFFFFFFD0] =	vst v18  }
0x35c: {  	v18 =	vld [tilespmem:s13+$0xFFFFFFF0];
	_ =	sdelay $0x3  }
0x35d: {  	v19 =	vperm.xlane v20, v7  }
0x35e: {  	v21 =	vshll.u32 v18, $0x10  }
0x35f: {  	v18 =	vand.u32 $0xFFFF0000, v18;
	v21 =	vmul.f32 v21, v19  }
0x360: {  	v18 =	vmul.f32 v18, v19  }
0x361: {  	[tilespmem:s14+$0xFFFFFFE0] =	vst v21  }
0x362: {  	[tilespmem:s14+$0xFFFFFFF0] =	vst v18  }
0x363: {  	v18 =	vld [tilespmem:s13+$0x0];
	_ =	sdelay $0x3  }
0x364: {  	v19 =	vperm.xlane v20, v8  }
0x365: {  	v21 =	vshll.u32 v18, $0x10  }
0x366: {  	v18 =	vand.u32 $0xFFFF0000, v18;
	v21 =	vmul.f32 v21, v19  }
0x367: {  	v18 =	vmul.f32 v18, v19  }
0x368: {  	[tilespmem:s14+$0x0] =	vst v21  }
0x369: {  	[tilespmem:s14+$0x10] =	vst v18  }
0x36a: {  	v18 =	vld [tilespmem:s13+$0x10];
	_ =	sdelay $0x3  }
0x36b: {  	v19 =	vperm.xlane v20, v9  }
0x36c: {  	v21 =	vshll.u32 v18, $0x10  }
0x36d: {  	v18 =	vand.u32 $0xFFFF0000, v18;
	v21 =	vmul.f32 v21, v19  }
0x36e: {  	v18 =	vmul.f32 v18, v19  }
0x36f: {  	[tilespmem:s14+$0x20] =	vst v21  }
0x370: {  	[tilespmem:s14+$0x30] =	vst v18  }
0x371: {  	v18 =	vld [tilespmem:s13+$0x20];
	_ =	sdelay $0x3  }
0x372: {  	v19 =	vperm.xlane v20, v10  }
0x373: {  	v21 =	vshll.u32 v18, $0x10  }
0x374: {  	v18 =	vand.u32 $0xFFFF0000, v18;
	v21 =	vmul.f32 v21, v19  }
0x375: {  	v18 =	vmul.f32 v18, v19  }
0x376: {  	[tilespmem:s14+$0x40] =	vst v21  }
0x377: {  	[tilespmem:s14+$0x50] =	vst v18  }
0x378: {  	v18 =	vld [tilespmem:s13+$0x30];
	_ =	sdelay $0x3  }
0x379: {  	v19 =	vperm.xlane v20, v11  }
0x37a: {  	v21 =	vshll.u32 v18, $0x10  }
0x37b: {  	v18 =	vand.u32 $0xFFFF0000, v18;
	v21 =	vmul.f32 v21, v19  }
0x37c: {  	v18 =	vmul.f32 v18, v19  }
0x37d: {  	[tilespmem:s14+$0x60] =	vst v21  }
0x37e: {  	[tilespmem:s14+$0x70] =	vst v18  }
0x37f: {  	v18 =	vld [tilespmem:s13+$0x40];
	_ =	sdelay $0x3  }
0x380: {  	v19 =	vperm.xlane v20, v12  }
0x381: {  	v21 =	vshll.u32 v18, $0x10  }
0x382: {  	v18 =	vand.u32 $0xFFFF0000, v18;
	v21 =	vmul.f32 v21, v19  }
0x383: {  	v18 =	vmul.f32 v18, v19  }
0x384: {  	[tilespmem:s14+$0x80] =	vst v21  }
0x385: {  	[tilespmem:s14+$0x90] =	vst v18  }
0x386: {  	v18 =	vld [tilespmem:s13+$0x50];
	_ =	sdelay $0x3  }
0x387: {  	v19 =	vperm.xlane v20, v13  }
0x388: {  	v21 =	vshll.u32 v18, $0x10  }
0x389: {  	v18 =	vand.u32 $0xFFFF0000, v18;
	v21 =	vmul.f32 v21, v19  }
0x38a: {  	v18 =	vmul.f32 v18, v19  }
0x38b: {  	[tilespmem:s14+$0xA0] =	vst v21  }
0x38c: {  	[tilespmem:s14+$0xB0] =	vst v18  }
0x38d: {  	s24 =	simm.s32 $0x11F80;
	s26 =	simm.s32 $0x40;
	s23 =	simm.s32 $0x15000;
	v19 =	vperm.xlane v20, v14;
	v18 =	vperm.xlane v20, v15;
	v20 =	vld [tilespmem:s13+$0x60]  }
.LBB2_9:
0x38e: {  	_ = 	snop  }
0x38f: {  	p0 =	sne.s32 s26, $0x3C0;
	s13 =	sadd.s32 $0x100, s13;
	s14 =	sadd.s32 $0x200, s14  }
0x390: {  	s1 =	smov.u32 s26;
	s26 =	sadd.s32 $0x40, s26;
	_ =	sdelay $0x1  }
0x391: {  	v21 =	vshll.u32 v20, $0x10;
	v20 =	vand.u32 $0xFFFF0000, v20  }
0x392: {  	v21 =	vmul.f32 v21, v19;
	v19 =	vmul.f32 v20, v19;
	_ =	sdelay $0x1  }
0x393: {  	[tilespmem:s23+$0xC0] =	vst v21  }
0x394: {  	[tilespmem:s23+$0xD0] =	vst v19  }
0x395: {  	v19 =	vld [tilespmem:s24+$0x70];
	s24 =	smov.u32 s13;
	_ =	sdelay $0x4  }
0x396: {  	v20 =	vshll.u32 v19, $0x10;
	v19 =	vand.u32 $0xFFFF0000, v19  }
0x397: {  	v20 =	vmul.f32 v20, v18;
	v18 =	vmul.f32 v19, v18;
	_ =	sdelay $0x1  }
0x398: {  	[tilespmem:s23+$0xE0] =	vst v20  }
0x399: {  	s1 =	sshra.s32 s1, $0x2;
	[tilespmem:s23+$0xF0] =	vst v18;
	s23 =	smov.u32 s14  }
0x39a: {  	v18 =	vld.idx.msk [tilespmem:v16+s1+$0x0 ss:$0x1], $0xffff  }
0x39b: {  	v19 =	vld.idx.msk [tilespmem:v17+s1+$0x0 ss:$0x1], $0xffff;
	_ =	sdelay $0x6  }
0x39c: {  	v18 =	vld.idx.msk [tilespmem:v18+s15+$0x0], $0xffff  }
0x39d: {  	v19 =	vld.idx.msk [tilespmem:v19+s3+$0x0], $0xffff;
	_ =	sdelay $0x5  }
0x39e: {  	v18 =	vadd.f32 v18, v19;
	_ =	sdelay $0x1  }
0x39f: {  	vm0 =	vge.f32 v18, $0.0e+00;
	v19 =	vmul.f32 $2.000000030e-01, v18;
	_ =	sdelay $0x1  }
0x3a0: {  	v18 =	vsel vm0, v18, v19  }
0x3a1: {  	v18 =	vmul.f32 $1.442695020e+00, v18;
	_ =	sdelay $0x1  }
0x3a2: {  	(erf) = vpow2.f32 v18;
	_ =	sdelay $0x4  }
0x3a3: {  	v19 =	vld [tilespmem:s13+$0xFFFFFF80];
	_ =	sdelay $0x3  }
0x3a4: {  	v18 =	vpop (erf)  }
0x3a5: {  	v20 =	vperm.xlane v18, v0;
	v21 =	vshll.u32 v19, $0x10;
	v19 =	vand.u32 $0xFFFF0000, v19;
	_ =	sdelay $0x1  }
0x3a6: {  	v21 =	vmul.f32 v21, v20;
	v19 =	vmul.f32 v19, v20;
	_ =	sdelay $0x1  }
0x3a7: {  	[tilespmem:s14+$0xFFFFFF00] =	vst v21  }
0x3a8: {  	[tilespmem:s14+$0xFFFFFF10] =	vst v19  }
0x3a9: {  	v19 =	vld [tilespmem:s13+$0xFFFFFF90];
	_ =	sdelay $0x1  }
0x3aa: {  	v20 =	vperm.xlane v18, v1;
	_ =	sdelay $0x2  }
0x3ab: {  	v21 =	vshll.u32 v19, $0x10;
	v19 =	vand.u32 $0xFFFF0000, v19  }
0x3ac: {  	v21 =	vmul.f32 v21, v20;
	v19 =	vmul.f32 v19, v20;
	_ =	sdelay $0x1  }
0x3ad: {  	[tilespmem:s14+$0xFFFFFF20] =	vst v21  }
0x3ae: {  	[tilespmem:s14+$0xFFFFFF30] =	vst v19  }
0x3af: {  	v19 =	vld [tilespmem:s13+$0xFFFFFFA0]  }
0x3b0: {  	v20 =	vperm.xlane v18, v2;
	_ =	sdelay $0x3  }
0x3b1: {  	v21 =	vshll.u32 v19, $0x10;
	v19 =	vand.u32 $0xFFFF0000, v19  }
0x3b2: {  	v21 =	vmul.f32 v21, v20;
	v19 =	vmul.f32 v19, v20;
	_ =	sdelay $0x1  }
0x3b3: {  	[tilespmem:s14+$0xFFFFFF40] =	vst v21  }
0x3b4: {  	[tilespmem:s14+$0xFFFFFF50] =	vst v19  }
0x3b5: {  	v19 =	vperm.xlane v18, v3;
	v20 =	vld [tilespmem:s13+$0xFFFFFFB0];
	_ =	sdelay $0x4  }
0x3b6: {  	v21 =	vshll.u32 v20, $0x10;
	v20 =	vand.u32 $0xFFFF0000, v20  }
0x3b7: {  	v21 =	vmul.f32 v21, v19;
	v19 =	vmul.f32 v20, v19;
	_ =	sdelay $0x1  }
0x3b8: {  	[tilespmem:s14+$0xFFFFFF60] =	vst v21  }
0x3b9: {  	[tilespmem:s14+$0xFFFFFF70] =	vst v19;
	v19 =	vperm.xlane v18, v4  }
0x3ba: {  	v20 =	vld [tilespmem:s13+$0xFFFFFFC0];
	_ =	sdelay $0x4  }
0x3bb: {  	v21 =	vshll.u32 v20, $0x10;
	v20 =	vand.u32 $0xFFFF0000, v20  }
0x3bc: {  	v21 =	vmul.f32 v21, v19;
	v19 =	vmul.f32 v20, v19;
	_ =	sdelay $0x1  }
0x3bd: {  	v20 =	vperm.xlane v18, v5;
	[tilespmem:s14+$0xFFFFFF80] =	vst v21  }
0x3be: {  	[tilespmem:s14+$0xFFFFFF90] =	vst v19  }
0x3bf: {  	v19 =	vld [tilespmem:s13+$0xFFFFFFD0];
	_ =	sdelay $0x4  }
0x3c0: {  	v21 =	vshll.u32 v19, $0x10;
	v19 =	vand.u32 $0xFFFF0000, v19  }
0x3c1: {  	v21 =	vmul.f32 v21, v20;
	v19 =	vmul.f32 v19, v20  }
0x3c2: {  	v20 =	vperm.xlane v18, v6  }
0x3c3: {  	[tilespmem:s14+$0xFFFFFFA0] =	vst v21  }
0x3c4: {  	[tilespmem:s14+$0xFFFFFFB0] =	vst v19  }
0x3c5: {  	v19 =	vld [tilespmem:s13+$0xFFFFFFE0];
	_ =	sdelay $0x4  }
0x3c6: {  	v22 =	vperm.xlane v18, v7;
	v21 =	vshll.u32 v19, $0x10;
	v19 =	vand.u32 $0xFFFF0000, v19  }
0x3c7: {  	v21 =	vmul.f32 v21, v20;
	v19 =	vmul.f32 v19, v20;
	_ =	sdelay $0x1  }
0x3c8: {  	[tilespmem:s14+$0xFFFFFFC0] =	vst v21  }
0x3c9: {  	[tilespmem:s14+$0xFFFFFFD0] =	vst v19  }
0x3ca: {  	v19 =	vld [tilespmem:s13+$0xFFFFFFF0];
	_ =	sdelay $0x4  }
0x3cb: {  	v21 =	vperm.xlane v18, v8;
	v20 =	vshll.u32 v19, $0x10;
	v19 =	vand.u32 $0xFFFF0000, v19  }
0x3cc: {  	v20 =	vmul.f32 v20, v22;
	v19 =	vmul.f32 v19, v22;
	_ =	sdelay $0x1  }
0x3cd: {  	[tilespmem:s14+$0xFFFFFFE0] =	vst v20  }
0x3ce: {  	[tilespmem:s14+$0xFFFFFFF0] =	vst v19  }
0x3cf: {  	v19 =	vld [tilespmem:s13+$0x0];
	_ =	sdelay $0x3  }
0x3d0: {  	v20 =	vperm.xlane v18, v9  }
0x3d1: {  	v22 =	vshll.u32 v19, $0x10;
	v19 =	vand.u32 $0xFFFF0000, v19  }
0x3d2: {  	v22 =	vmul.f32 v22, v21;
	v19 =	vmul.f32 v19, v21;
	_ =	sdelay $0x1  }
0x3d3: {  	[tilespmem:s14+$0x0] =	vst v22  }
0x3d4: {  	[tilespmem:s14+$0x10] =	vst v19  }
0x3d5: {  	v19 =	vld [tilespmem:s13+$0x10];
	_ =	sdelay $0x2  }
0x3d6: {  	v21 =	vperm.xlane v18, v10;
	_ =	sdelay $0x1  }
0x3d7: {  	v22 =	vshll.u32 v19, $0x10;
	v19 =	vand.u32 $0xFFFF0000, v19  }
0x3d8: {  	v22 =	vmul.f32 v22, v20;
	v19 =	vmul.f32 v19, v20;
	_ =	sdelay $0x1  }
0x3d9: {  	[tilespmem:s14+$0x20] =	vst v22  }
0x3da: {  	[tilespmem:s14+$0x30] =	vst v19  }
0x3db: {  	v19 =	vld [tilespmem:s13+$0x20];
	_ =	sdelay $0x1  }
0x3dc: {  	v20 =	vperm.xlane v18, v11;
	_ =	sdelay $0x2  }
0x3dd: {  	v22 =	vshll.u32 v19, $0x10;
	v19 =	vand.u32 $0xFFFF0000, v19  }
0x3de: {  	v22 =	vmul.f32 v22, v21;
	v19 =	vmul.f32 v19, v21;
	_ =	sdelay $0x1  }
0x3df: {  	[tilespmem:s14+$0x40] =	vst v22  }
0x3e0: {  	[tilespmem:s14+$0x50] =	vst v19  }
0x3e1: {  	v19 =	vld [tilespmem:s13+$0x30]  }
0x3e2: {  	v21 =	vperm.xlane v18, v12;
	_ =	sdelay $0x3  }
0x3e3: {  	v22 =	vshll.u32 v19, $0x10;
	v19 =	vand.u32 $0xFFFF0000, v19  }
0x3e4: {  	v22 =	vmul.f32 v22, v20;
	v19 =	vmul.f32 v19, v20;
	_ =	sdelay $0x1  }
0x3e5: {  	[tilespmem:s14+$0x60] =	vst v22  }
0x3e6: {  	[tilespmem:s14+$0x70] =	vst v19  }
0x3e7: {  	v20 =	vperm.xlane v18, v13;
	v19 =	vld [tilespmem:s13+$0x40];
	_ =	sdelay $0x4  }
0x3e8: {  	v22 =	vshll.u32 v19, $0x10;
	v19 =	vand.u32 $0xFFFF0000, v19  }
0x3e9: {  	v22 =	vmul.f32 v22, v21;
	v19 =	vmul.f32 v19, v21;
	_ =	sdelay $0x1  }
0x3ea: {  	[tilespmem:s14+$0x80] =	vst v22  }
0x3eb: {  	[tilespmem:s14+$0x90] =	vst v19;
	v19 =	vperm.xlane v18, v14  }
0x3ec: {  	v21 =	vld [tilespmem:s13+$0x50];
	_ =	sdelay $0x4  }
0x3ed: {  	v22 =	vshll.u32 v21, $0x10;
	v21 =	vand.u32 $0xFFFF0000, v21  }
.Ltmp3:
0x3ee: {  	v22 =	vmul.f32 v22, v20;
	v20 =	vmul.f32 v21, v20;
	(pc) =	sbr.rel @p0 .LBB2_9-.Ltmp3, $4  }
0x3ef: {  	_ = 	snop  }
0x3f0: {  	v18 =	vperm.xlane v18, v15;
	[tilespmem:s14+$0xA0] =	vst v22  }
0x3f1: {  	[tilespmem:s14+$0xB0] =	vst v20  }
0x3f2: {  	v20 =	vld [tilespmem:s13+$0x60]  }
0x3f3: {  	_ =	sdelay $0x3  }
0x3f4: {  	v16 =	vshll.u32 v20, $0x10  }
0x3f5: {  	v17 =	vand.u32 $0xFFFF0000, v20;
	v16 =	vmul.f32 v16, v19  }
0x3f6: {  	v17 =	vmul.f32 v17, v19  }
0x3f7: {  	[tilespmem:s23+$0xC0] =	vst v16  }
0x3f8: {  	[tilespmem:s23+$0xD0] =	vst v17  }
0x3f9: {  	v16 =	vld [tilespmem:s24+$0x70];
	_ =	sdelay $0x4  }
0x3fa: {  	v17 =	vshll.u32 v16, $0x10  }
0x3fb: {  	s1 =	sshra.s32 s21, $0x2;
	s8 =	sadd.s32 $0x1, s8;
	v16 =	vand.u32 $0xFFFF0000, v16;
	v17 =	vmul.f32 v17, v18  }
0x3fc: {  	s4 =	sadd.s32 $0x400, s4;
	s22 =	sadd.s32 $0x400, s22;
	p0 =	sne.s32 s8, $0x14;
	v16 =	vmul.f32 v16, v18  }
.Ltmp4:
0x3fd: {  	s7 =	sadd.s32 $0x400, s7;
	s5 =	sadd.s32 $0x400, s5;
	[tilespmem:s23+$0xE0] =	vst v17;
	(pc) =	sbr.rel @p0 .LBB2_2-.Ltmp4, $4  }
0x3fe: {  	s9 =	sadd.s32 $0x400, s9;
	s10 =	sadd.s32 $0x400, s10;
	s13 =	sadd.s32 $0x9F00, s1;
	[tilespmem:s23+$0xF0] =	vst v16  }
0x3ff: {  	[spmem:s2] =	stream.indirect.scatter.add.f32 [tilespmem:s30], [sflag:$0x6], $0x20, s13, s16, $0xb8;
	[tilespmem:$0x1BE00] =	vst v63  }
0x400: {  	s11 =	sadd.s32 $0x400, s11;
	s12 =	sadd.s32 $0x400, s12;
	s1 =	sadd.s32 $0x9F80, s1  }
0x401: {  	[spmem:s2] =	stream.indirect.scatter.add.f32 [tilespmem:s0], [sflag:$0x6], $0x20, s1, s16, $0xb8;
	[tilespmem:$0x1BE00] =	vst v63  }
0x402: {  	_ =	swait.ge [sflag:s18], $0x1000  }
0x403: {  	[sflag:s18] =	ssyncset.done $0x0  }
0x404: {  	[sflag:s18] =	ssyncadd.s32 $0xFFFFF000  }
0x405: {  	_ =	swait.ge [sflag:s18], $0x1000  }
0x406: {  	[sflag:s18] =	ssyncset.done $0x0  }
0x407: {  	[sflag:s18] =	ssyncadd.s32 $0xFFFFF000  }
0x408: {  	_ =	swait.ge [sflag:s20], $0x1000  }
0x409: {  	[sflag:s20] =	ssyncset.done $0x0  }
0x40a: {  	[sflag:s20] =	ssyncadd.s32 $0xFFFFF000  }
0x40b: {  	_ =	swait.ge [sflag:s20], $0x1000  }
0x40c: {  	[sflag:s20] =	ssyncset.done $0x0  }
0x40d: {  	[sflag:s20] =	ssyncadd.s32 $0xFFFFF000  }
0x40e: {  	[bflag:$0x0] =	sbarrier.arrive $0xFFFF  }
0x40f: {  	s9 =	rddreg [dreg:$0x7]  }
0x410: {  	s1 =	rddreg [dreg:$0xa]  }
0x411: {  	s5 =	simm.s32 $0x7;
	s4 =	rddreg [dreg:$0xc]  }
0x412: {  	[hbm:s1], [sflag:s9] =	dma.local [spmem:s4], $0x9E0  }
0x413: {  	_ =	swait.ge [sflag:s5], $0x9E0  }
0x414: {  	s7 =	rddreg [dreg:$0xd]  }
0x415: {  	s30 =	rddreg [dreg:$0xb];
	s7 =	sadd.s32 $0x1, s7  }
0x416: {  	p0 =	sne.s32 s7, s30  }
.Ltmp5:
0x417: {  	_ = 	snop;
	(pc) =	sbr.rel @p0 .LBB2_1-.Ltmp5, $3  }
0x418: {  	_ =	sdelay $0x1  }
0x419: {  	[sflag:s5] =	ssyncset.done $0x0  }
0x41a: {  	[sflag:s5] =	ssyncadd.s32 $0xFFFFF620  }
0x41b: {  	_ =	sfence.sel $0x180000  }
0x41c: {  	[bflag:$0x0] =	sbarrier.arrive $0xFFFF  }
0x41d: {  	_ =	strace $0x90000047  }
0x41e: {  	s0 =	stileid.u32;
	[bflag:$0x2] =	sbarrier.arrive $0xFFFF  }
0x41f: {  	p0 =	sne.s32 s0, $0x0;
	s0 =	rddreg [dreg:$0x3]  }
0x420: {  	s0 =	sadd.s32 @!p0 $0x100000, s0  }
0x421: {  	[sflag:s0] =	ssyncadd.tile.s32 @!p0 $0x1;
	_ =	shalt  }
.Lfunc_end2:
_tile_overlayer_lowered:
.L_overlay_start_2:
0x422: {  	(tag) =	ssettag $0x2  }
0x423: {  	s0 =	rddreg [dreg:$0x0];
	s2 =	stileid.u32  }
0x424: {  	s1 =	rddreg [dreg:$0x1];
	p0 =	sne.s32 s2, $0x0  }
0x425: {  	s3 =	rddreg [dreg:$0x2];
	[bflag:$0x3] =	sbarrier.arrive $0xFFFF;
	s2 =	simm.s32 @!p0 $0x1C07  }
0x426: {  	[timem:s3], [sflag:s2] =	dma.local @!p0 [hbm:s0], s1  }
0x427: {  	s0 =	simm.s32 @!p0 $0x7  }
0x428: {  	_ =	swait.ge @!p0 [sflag:s0], s1  }
0x429: {  	s1 =	ssub.s32 @!p0 $0x0, s1;
	[sflag:s0] =	ssyncset.done @!p0 $0x0  }
0x42a: {  	[sflag:s0] =	ssyncadd.s32 @!p0 s1  }
0x42b: {  	[bflag:$0x3] =	sbarrier.arrive $0xFFFF  }
0x42c: {  	_ =	shalt  }

</sc_bundles>
